<compile_context>
chip_gen: v7x
topology: tpu7x:2x2x1
jax: 0.10.2.dev20260603
libtpu: 0.0.44.dev20260713+nightly
codegen_flags: <defaults>
</compile_context>

<pallas_src>
import functools

import jax
import jax.numpy as jnp
from jax import lax
from jax.experimental import pallas as pl
from jax.experimental.pallas import tpu as pltpu
from jax.experimental.pallas import tpu_sc as plsc

N = 10000
E = 320000
D = 128
G = 64
BN_EPS = 1e-5

NC = 2
NS = 16
DH = D // NC
CL = 128
NCH = 160
EPW = CL * NCH
EPAD = EPW * NS
NPAD = 10112
RPT = NPAD // NS
NLAST = N - (NS - 1) * RPT

KBUF = 4
MG = 2
NQ = 4
NCHQ = NCH // NQ

BR = 5000
NBLK = N // BR
INV_BN = 1.0 / (1.0 + BN_EPS) ** 0.5


def _sc_aggregate(xn, src_r, dst_r, zeros_hbm):
    mesh = plsc.VectorSubcoreMesh(core_axis_name="c", subcore_axis_name="s")

    @functools.partial(
        pl.kernel,
        mesh=mesh,
        compiler_params=pltpu.CompilerParams(use_tc_tiling_on_sc=False),
        out_type=jax.ShapeDtypeStruct((NC, NPAD, DH), jnp.float32),
        scratch_types=[
            pltpu.VMEM((NCHQ, CL), jnp.int32),
            pltpu.VMEM((NCHQ, CL), jnp.int32),
            [pltpu.VMEM((CL, DH), jnp.float32) for _ in range(KBUF)],
            pltpu.VMEM_SHARED((NPAD, DH), jnp.float32),
            pltpu.VMEM_SHARED((NPAD, DH), jnp.float32),
            [pltpu.SemaphoreType.DMA for _ in range(KBUF)],
            [pltpu.SemaphoreType.DMA for _ in range(KBUF)],
        ],
    )
    def agg_kernel(x_hbm, src_hbm, dst_hbm, z_hbm, out_hbm,
                   src_v, dst_v, rows, tab_sh, agg_sh, gsem, ssem):
        cid = lax.axis_index("c")
        sid = lax.axis_index("s")
        rs = pl.ds(sid * RPT, RPT)
        cs = pl.ds(cid * DH, DH)
        @pl.when(sid < NS - 1)
        def _():
            pltpu.sync_copy(x_hbm.at[pl.ds(sid * RPT, RPT), cs],
                            tab_sh.at[rs])

        @pl.when(sid == NS - 1)
        def _():
            pltpu.sync_copy(x_hbm.at[pl.ds((NS - 1) * RPT, NLAST), cs],
                            tab_sh.at[pl.ds((NS - 1) * RPT, NLAST)])

        pltpu.sync_copy(z_hbm.at[rs], agg_sh.at[rs])
        plsc.subcore_barrier()

        for q in range(NQ):
            pltpu.sync_copy(src_hbm.at[sid, pl.ds(q * NCHQ, NCHQ)], src_v)
            pltpu.sync_copy(dst_hbm.at[sid, pl.ds(q * NCHQ, NCHQ)], dst_v)
            for b in range(KBUF):
                pltpu.async_copy(tab_sh.at[src_v.at[b]], rows[b], gsem[b])

            def outer(j0, carry):
                for b in range(KBUF):
                    j = j0 * KBUF + b
                    pltpu.make_async_copy(tab_sh.at[src_v.at[0]],
                                          rows[b], gsem[b]).wait()
                    pltpu.async_copy(rows[b], agg_sh.at[dst_v.at[j]],
                                     ssem[b], add=True)
                    jf = j + MG
                    bf = (b + MG) % KBUF

                    @pl.when(jnp.logical_and(jf >= KBUF, jf < NCHQ))
                    def _():
                        pltpu.make_async_copy(rows[bf],
                                              agg_sh.at[dst_v.at[0]],
                                              ssem[bf]).wait()
                        pltpu.async_copy(tab_sh.at[src_v.at[jf]],
                                         rows[bf], gsem[bf])
                return carry

            lax.fori_loop(0, NCHQ // KBUF, outer, 0)
            for b in range(KBUF):
                pltpu.make_async_copy(rows[b], agg_sh.at[dst_v.at[0]],
                                      ssem[b]).wait()
        plsc.subcore_barrier()
        pltpu.sync_copy(agg_sh.at[rs], out_hbm.at[cid, rs])

    return agg_kernel(xn, src_r, dst_r, zeros_hbm)


def _mlp_res_block(x, agg, Wa, ba, Wb, bb, scale, be):

    def body(x_ref, a_ref, Wa_ref, ba_ref, Wb_ref, bb_ref,
             s_ref, be_ref, o_ref):
        xb = x_ref[...]
        h = xb + jnp.concatenate([a_ref[0], a_ref[1]], axis=1)
        t = jnp.dot(h, Wa_ref[...], preferred_element_type=jnp.float32)
        t = jnp.maximum(t + ba_ref[...], 0.0)
        u = jnp.dot(t, Wb_ref[...], preferred_element_type=jnp.float32)
        u = (u + bb_ref[...]) * s_ref[...] + be_ref[...]
        o_ref[...] = jnp.maximum(xb + u, 0.0)

    row = pl.BlockSpec((BR, D), lambda i: (i, 0))
    half = pl.BlockSpec((NC, BR, DH), lambda i: (0, i, 0))
    full = pl.BlockSpec((D, D), lambda i: (0, 0))
    vec = pl.BlockSpec((1, D), lambda i: (0, 0))
    return pl.pallas_call(
        body,
        grid=(NBLK,),
        in_specs=[row, half, full, vec, full, vec, vec, vec],
        out_specs=row,
        out_shape=jax.ShapeDtypeStruct((N, D), jnp.float32),
    )(x, agg, Wa, ba, Wb, bb, scale, be)


def _mlp_pool_block(h, agg, Wa, ba, Wb, bb, scale, be, batch_r):

    def body(h_ref, a_ref, Wa_ref, ba_ref, Wb_ref, bb_ref,
             s_ref, be_ref, b_ref, o_ref, acc_ref):
        i = pl.program_id(0)
        hb = h_ref[...]
        hin = hb + jnp.concatenate([a_ref[0], a_ref[1]], axis=1)
        t = jnp.dot(hin, Wa_ref[...], preferred_element_type=jnp.float32)
        t = jnp.maximum(t + ba_ref[...], 0.0)
        u = jnp.dot(t, Wb_ref[...], preferred_element_type=jnp.float32)
        u = (u + bb_ref[...]) * s_ref[...] + be_ref[...]
        h2 = jnp.maximum(hb + u, 0.0)
        seg = b_ref[0, 0, :]
        onehot = (lax.broadcasted_iota(jnp.int32, (G, BR), 0)
                  == seg[None, :]).astype(jnp.float32)
        part = jnp.dot(onehot, h2, preferred_element_type=jnp.float32)

        @pl.when(i == 0)
        def _():
            acc_ref[...] = part

        @pl.when(i > 0)
        def _():
            acc_ref[...] += part

        @pl.when(i == NBLK - 1)
        def _():
            p = acc_ref[...]
            m = jnp.max(p, axis=1, keepdims=True)
            lse = jnp.log(jnp.sum(jnp.exp(p - m), axis=1, keepdims=True)) + m
            o_ref[...] = p - lse

    row = pl.BlockSpec((BR, D), lambda i: (i, 0))
    half = pl.BlockSpec((NC, BR, DH), lambda i: (0, i, 0))
    full = pl.BlockSpec((D, D), lambda i: (0, 0))
    vec = pl.BlockSpec((1, D), lambda i: (0, 0))
    bspec = pl.BlockSpec((1, 1, BR), lambda i: (i, 0, 0))
    out = pl.BlockSpec((G, D), lambda i: (0, 0))
    return pl.pallas_call(
        body,
        grid=(NBLK,),
        in_specs=[row, half, full, vec, full, vec, vec, vec, bspec],
        out_specs=out,
        out_shape=jax.ShapeDtypeStruct((G, D), jnp.float32),
        scratch_shapes=[pltpu.VMEM((G, D), jnp.float32)],
    )(h, agg, Wa, ba, Wb, bb, scale, be, batch_r)


def kernel(x, edge_index, batch_index,
           W1a, b1a, W1b, b1b, W2a, b2a, W2b, b2b,
           g1, be1, g2, be2):
    src = edge_index[0]
    dst = edge_index[1]
    pad_e = EPAD - E
    src_r = jnp.concatenate([src, jnp.zeros((pad_e,), jnp.int32)]
                            ).reshape(NS, NCH, CL)
    dst_r = jnp.concatenate([dst, jnp.full((pad_e,), N, jnp.int32)]
                            ).reshape(NS, NCH, CL)
    zeros_hbm = jnp.zeros((NPAD, DH), jnp.float32)
    batch_r = batch_index.reshape(NBLK, 1, BR)

    s1 = (g1 * INV_BN).reshape(1, D)
    s2 = (g2 * INV_BN).reshape(1, D)

    agg1 = _sc_aggregate(x, src_r, dst_r, zeros_hbm)
    h1 = _mlp_res_block(x, agg1,
                        W1a, b1a.reshape(1, D), W1b, b1b.reshape(1, D),
                        s1, be1.reshape(1, D))
    agg2 = _sc_aggregate(h1, src_r, dst_r, zeros_hbm)
    return _mlp_pool_block(h1, agg2,
                           W2a, b2a.reshape(1, D), W2b, b2b.reshape(1, D),
                           s2, be2.reshape(1, D), batch_r)

# --- scband reference (transcript-rebuilt; emitter-appended) ---
"""Pipeline reference for scband-gin-80075370267117 (READ-ONLY COPY).

The authoritative reference and input builder live on the scoring server;
editing this copy changes nothing except your own understanding.
"""

import jax, jax.numpy as jnp
import numpy as np

N = 10000   # nodes
E = 320000  # edges
D = 128     # in = hidden = out channels
G = 64      # graphs in batch
BN_EPS = 1e-5


def setup_inputs(seed: int = 0) -> dict:
    key = jax.random.key(seed)
    ks = jax.random.split(key, 16)
    x = jax.random.normal(ks[0], (N, D), dtype=jnp.float32)
    edge_index = jax.random.randint(ks[1], (2, E), 0, N, dtype=jnp.int32)
    batch_index = jnp.sort(jax.random.randint(ks[2], (N,), 0, G, dtype=jnp.int32))
    s = 0.05
    # MLP1 (GINConv 1): in=D -> hidden=D -> hidden=D
    W1a = jax.random.normal(ks[3], (D, D), dtype=jnp.float32) * s
    b1a = jnp.zeros((D,), dtype=jnp.float32)
    W1b = jax.random.normal(ks[4], (D, D), dtype=jnp.float32) * s
    b1b = jnp.zeros((D,), dtype=jnp.float32)
    # MLP2 (GINConv 2): hidden=D -> hidden=D -> out=D
    W2a = jax.random.normal(ks[5], (D, D), dtype=jnp.float32) * s
    b2a = jnp.zeros((D,), dtype=jnp.float32)
    W2b = jax.random.normal(ks[6], (D, D), dtype=jnp.float32) * s
    b2b = jnp.zeros((D,), dtype=jnp.float32)
    # BatchNorm affine params (eval mode: running_mean=0, running_var=1)
    g1 = jnp.ones((D,), dtype=jnp.float32)
    be1 = jnp.zeros((D,), dtype=jnp.float32)
    g2 = jnp.ones((D,), dtype=jnp.float32)
    be2 = jnp.zeros((D,), dtype=jnp.float32)
    return {
        "x": x, "edge_index": edge_index, "batch_index": batch_index,
        "W1a": W1a, "b1a": b1a, "W1b": W1b, "b1b": b1b,
        "W2a": W2a, "b2a": b2a, "W2b": W2b, "b2b": b2b,
        "g1": g1, "be1": be1, "g2": g2, "be2": be2,
    }


def _mlp(h, Wa, ba, Wb, bb):
    return jax.nn.relu(h @ Wa + ba) @ Wb + bb


def _gin_conv(x, edge_index, Wa, ba, Wb, bb):
    # GINConv with eps=0 (PyG default): nn((1+eps)*x + sum_{j->i} x_j)
    src = edge_index[0]
    dst = edge_index[1]
    msgs = jnp.take(x, src, axis=0)                      # gather (SparseCore)
    agg = jax.ops.segment_sum(msgs, dst, num_segments=N) # scatter-add
    return _mlp(x + agg, Wa, ba, Wb, bb)


def _bn_eval(h, g, b):
    # eval-mode BatchNorm1d with running_mean=0, running_var=1
    return h / jnp.sqrt(1.0 + BN_EPS) * g + b


def reference(x, edge_index, batch_index,
              W1a, b1a, W1b, b1b, W2a, b2a, W2b, b2b,
              g1, be1, g2, be2):
    # Block 1 (res_proj1 = Identity since in == hidden)
    res = x
    h = _gin_conv(x, edge_index, W1a, b1a, W1b, b1b)
    h = _bn_eval(h, g1, be1)
    h = jax.nn.relu(res + h)
    # dropout is identity in eval mode
    # Block 2 (res_proj2 = Identity since hidden == out)
    res = h
    h = _gin_conv(h, edge_index, W2a, b2a, W2b, b2b)
    h = _bn_eval(h, g2, be2)
    h = jax.nn.relu(res + h)
    # global add pool over graphs, then log_softmax
    pooled = jax.ops.segment_sum(h, batch_index, num_segments=G)
    return jax.nn.log_softmax(pooled, axis=1)

if __name__ == "__main__":
    import jax
    _d = setup_inputs()
    print(jax.jit(kernel)(*tuple(_d.values())))

</pallas_src>

<mosaic_0001>
#map = affine_map<(d0, d1) -> (0, 0)>
#map1 = affine_map<(d0, d1) -> (0, 0, 0)>
module attributes {stable_mosaic.version = 14 : i64} {
  func.func @agg_kernel(%arg0: i32, %arg1: i32, %arg2: memref<10000x128xf32, #tpu.memory_space<hbm>>, %arg3: memref<16x160x128xi32, #tpu.memory_space<hbm>>, %arg4: memref<16x160x128xi32, #tpu.memory_space<hbm>>, %arg5: memref<10112x64xf32, #tpu.memory_space<hbm>>, %arg6: memref<2x10112x64xf32, #tpu.memory_space<hbm>>, %arg7: memref<40x128xi32, #tpu.memory_space<vmem>>, %arg8: memref<40x128xi32, #tpu.memory_space<vmem>>, %arg9: memref<128x64xf32, #tpu.memory_space<vmem>>, %arg10: memref<128x64xf32, #tpu.memory_space<vmem>>, %arg11: memref<128x64xf32, #tpu.memory_space<vmem>>, %arg12: memref<128x64xf32, #tpu.memory_space<vmem>>, %arg13: memref<10112x64xf32, #tpu.memory_space<vmem_shared>>, %arg14: memref<10112x64xf32, #tpu.memory_space<vmem_shared>>, %arg15: memref<!tpu.dma_semaphore, #tpu.memory_space<semaphore_mem>>, %arg16: memref<!tpu.dma_semaphore, #tpu.memory_space<semaphore_mem>>, %arg17: memref<!tpu.dma_semaphore, #tpu.memory_space<semaphore_mem>>, %arg18: memref<!tpu.dma_semaphore, #tpu.memory_space<semaphore_mem>>, %arg19: memref<!tpu.dma_semaphore, #tpu.memory_space<semaphore_mem>>, %arg20: memref<!tpu.dma_semaphore, #tpu.memory_space<semaphore_mem>>, %arg21: memref<!tpu.dma_semaphore, #tpu.memory_space<semaphore_mem>>, %arg22: memref<!tpu.dma_semaphore, #tpu.memory_space<semaphore_mem>>) attributes {dimension_semantics = [#tpu.dimension_semantics<core_parallel>, #tpu.dimension_semantics<subcore_parallel>], iteration_bounds = array<i64: 2, 16>, scalar_prefetch = 0 : i64, scratch_operands = 16 : i64, tpu.core_type = #tpu.core_type<sc_vector_subcore>, window_params = [{transform_indices = #map}, {transform_indices = #map1}, {transform_indices = #map1}, {transform_indices = #map}, {transform_indices = #map1}]} {
    %mul3A = arith.constant 632 : i32
    %mul3A_0 = arith.muli %arg1, %mul3A : i32
    %mul3A_1 = arith.constant 64 : i32
    %mul3A_2 = arith.muli %arg0, %mul3A_1 : i32
    %lt3A = arith.constant 15 : i32
    %lt3A_3 = arith.cmpi slt, %arg1, %lt3A : i32
    %convert_element_type3A = arith.extui %lt3A_3 : i1 to i32
    %cond3A = arith.constant 0 : i32
    %cond3A_4 = arith.cmpi ne, %convert_element_type3A, %cond3A : i32
    scf.if %cond3A_4 {
      %mul3A_255 = arith.constant 632 : i32
      %mul3A_256 = arith.muli %arg1, %mul3A_255 : i32
      "tpu.region"() ({
        %run_scoped3A = tpu.sem_alloc : memref<!tpu.dma_semaphore, #tpu.memory_space<semaphore_mem>>
        %dma_start3A_257 = arith.constant 0 : i32
        %dma_start3A_258 = tpu.memref_slice %arg13[%mul3A_0, %dma_start3A_257] : memref<10112x64xf32, #tpu.memory_space<vmem_shared>> -> memref<632x64xf32, #tpu.memory_space<vmem_shared>>
        %dma_start3A_259 = tpu.memref_slice %arg2[%mul3A_256, %mul3A_2] : memref<10000x128xf32, #tpu.memory_space<hbm>> -> memref<632x64xf32, #tpu.memory_space<hbm>>
        tpu.enqueue_dma source(%dma_start3A_259 : memref<632x64xf32, #tpu.memory_space<hbm>>) target(%dma_start3A_258 : memref<632x64xf32, #tpu.memory_space<vmem_shared>>) target_semaphore(%run_scoped3A : memref<!tpu.dma_semaphore, #tpu.memory_space<semaphore_mem>>)
        %dma_wait3A_260 = arith.constant 0 : i32
        %dma_wait3A_261 = tpu.memref_slice %arg13[%mul3A_0, %dma_wait3A_260] : memref<10112x64xf32, #tpu.memory_space<vmem_shared>> -> memref<632x64xf32, #tpu.memory_space<vmem_shared>>
        %dma_wait3A_262 = tpu.memref_slice %arg2[%mul3A_256, %mul3A_2] : memref<10000x128xf32, #tpu.memory_space<hbm>> -> memref<632x64xf32, #tpu.memory_space<hbm>>
        tpu.wait_dma2 semaphore(%run_scoped3A : memref<!tpu.dma_semaphore, #tpu.memory_space<semaphore_mem>>) src(%dma_wait3A_262 : memref<632x64xf32, #tpu.memory_space<hbm>>) dst(%dma_wait3A_261 : memref<632x64xf32, #tpu.memory_space<vmem_shared>>)
        tpu.yield
      }) : () -> ()
    } else {
    }
    %eq3A = arith.constant 15 : i32
    %eq3A_5 = arith.cmpi eq, %arg1, %eq3A : i32
    %convert_element_type3A_6 = arith.extui %eq3A_5 : i1 to i32
    %cond3A_7 = arith.constant 0 : i32
    %cond3A_8 = arith.cmpi ne, %convert_element_type3A_6, %cond3A_7 : i32
    scf.if %cond3A_8 {
      "tpu.region"() ({
        %run_scoped3A = tpu.sem_alloc : memref<!tpu.dma_semaphore, #tpu.memory_space<semaphore_mem>>
        %dma_start3A_255 = arith.constant 9480 : i32
        %dma_start3A_256 = arith.constant 0 : i32
        %dma_start3A_257 = tpu.memref_slice %arg13[%dma_start3A_255, %dma_start3A_256] : memref<10112x64xf32, #tpu.memory_space<vmem_shared>> -> memref<520x64xf32, #tpu.memory_space<vmem_shared>>
        %dma_start3A_258 = arith.constant 9480 : i32
        %dma_start3A_259 = tpu.memref_slice %arg2[%dma_start3A_258, %mul3A_2] : memref<10000x128xf32, #tpu.memory_space<hbm>> -> memref<520x64xf32, #tpu.memory_space<hbm>>
        tpu.enqueue_dma source(%dma_start3A_259 : memref<520x64xf32, #tpu.memory_space<hbm>>) target(%dma_start3A_257 : memref<520x64xf32, #tpu.memory_space<vmem_shared>>) target_semaphore(%run_scoped3A : memref<!tpu.dma_semaphore, #tpu.memory_space<semaphore_mem>>)
        %dma_wait3A_260 = arith.constant 9480 : i32
        %dma_wait3A_261 = arith.constant 0 : i32
        %dma_wait3A_262 = tpu.memref_slice %arg13[%dma_wait3A_260, %dma_wait3A_261] : memref<10112x64xf32, #tpu.memory_space<vmem_shared>> -> memref<520x64xf32, #tpu.memory_space<vmem_shared>>
        %dma_wait3A_263 = arith.constant 9480 : i32
        %dma_wait3A_264 = tpu.memref_slice %arg2[%dma_wait3A_263, %mul3A_2] : memref<10000x128xf32, #tpu.memory_space<hbm>> -> memref<520x64xf32, #tpu.memory_space<hbm>>
        tpu.wait_dma2 semaphore(%run_scoped3A : memref<!tpu.dma_semaphore, #tpu.memory_space<semaphore_mem>>) src(%dma_wait3A_264 : memref<520x64xf32, #tpu.memory_space<hbm>>) dst(%dma_wait3A_262 : memref<520x64xf32, #tpu.memory_space<vmem_shared>>)
        tpu.yield
      }) : () -> ()
    } else {
    }
    "tpu.region"() ({
      %run_scoped3A = tpu.sem_alloc : memref<!tpu.dma_semaphore, #tpu.memory_space<semaphore_mem>>
      %dma_start3A_255 = arith.constant 0 : i32
      %dma_start3A_256 = tpu.memref_slice %arg14[%mul3A_0, %dma_start3A_255] : memref<10112x64xf32, #tpu.memory_space<vmem_shared>> -> memref<632x64xf32, #tpu.memory_space<vmem_shared>>
      %dma_start3A_257 = arith.constant 0 : i32
      %dma_start3A_258 = tpu.memref_slice %arg5[%mul3A_0, %dma_start3A_257] : memref<10112x64xf32, #tpu.memory_space<hbm>> -> memref<632x64xf32, #tpu.memory_space<hbm>>
      tpu.enqueue_dma source(%dma_start3A_258 : memref<632x64xf32, #tpu.memory_space<hbm>>) target(%dma_start3A_256 : memref<632x64xf32, #tpu.memory_space<vmem_shared>>) target_semaphore(%run_scoped3A : memref<!tpu.dma_semaphore, #tpu.memory_space<semaphore_mem>>)
      %dma_wait3A_259 = arith.constant 0 : i32
      %dma_wait3A_260 = tpu.memref_slice %arg14[%mul3A_0, %dma_wait3A_259] : memref<10112x64xf32, #tpu.memory_space<vmem_shared>> -> memref<632x64xf32, #tpu.memory_space<vmem_shared>>
      %dma_wait3A_261 = arith.constant 0 : i32
      %dma_wait3A_262 = tpu.memref_slice %arg5[%mul3A_0, %dma_wait3A_261] : memref<10112x64xf32, #tpu.memory_space<hbm>> -> memref<632x64xf32, #tpu.memory_space<hbm>>
      tpu.wait_dma2 semaphore(%run_scoped3A : memref<!tpu.dma_semaphore, #tpu.memory_space<semaphore_mem>>) src(%dma_wait3A_262 : memref<632x64xf32, #tpu.memory_space<hbm>>) dst(%dma_wait3A_260 : memref<632x64xf32, #tpu.memory_space<vmem_shared>>)
      tpu.yield
    }) : () -> ()
    %barrier3A = arith.constant 0 : index
    tpu.barrier barrier_id(%barrier3A)
    "tpu.region"() ({
      %run_scoped3A = tpu.sem_alloc : memref<!tpu.dma_semaphore, #tpu.memory_space<semaphore_mem>>
      %dma_start3A_255 = arith.constant 0 : i32
      %dma_start3A_256 = arith.constant 0 : i32
      %dma_start3A_257 = tpu.memref_slice %arg3[%arg1, %dma_start3A_255, %dma_start3A_256] : memref<16x160x128xi32, #tpu.memory_space<hbm>> -> memref<1x40x128xi32, #tpu.memory_space<hbm>>
      %dma_start3A_258 = tpu.memref_squeeze %dma_start3A_257 : memref<1x40x128xi32, #tpu.memory_space<hbm>> -> memref<40x128xi32, #tpu.memory_space<hbm>>
      %dma_start3A_259 = arith.constant 0 : i32
      %dma_start3A_260 = arith.constant 0 : i32
      %dma_start3A_261 = tpu.memref_slice %arg3[%arg1, %dma_start3A_259, %dma_start3A_260] : memref<16x160x128xi32, #tpu.memory_space<hbm>> -> memref<1x40x128xi32, #tpu.memory_space<hbm>>
      %dma_start3A_262 = tpu.memref_squeeze %dma_start3A_261 : memref<1x40x128xi32, #tpu.memory_space<hbm>> -> memref<40x128xi32, #tpu.memory_space<hbm>>
      tpu.enqueue_dma source(%dma_start3A_262 : memref<40x128xi32, #tpu.memory_space<hbm>>) target(%arg7 : memref<40x128xi32, #tpu.memory_space<vmem>>) target_semaphore(%run_scoped3A : memref<!tpu.dma_semaphore, #tpu.memory_space<semaphore_mem>>)
      %dma_wait3A_263 = arith.constant 0 : i32
      %dma_wait3A_264 = arith.constant 0 : i32
      %dma_wait3A_265 = tpu.memref_slice %arg3[%arg1, %dma_wait3A_263, %dma_wait3A_264] : memref<16x160x128xi32, #tpu.memory_space<hbm>> -> memref<1x40x128xi32, #tpu.memory_space<hbm>>
      %dma_wait3A_266 = tpu.memref_squeeze %dma_wait3A_265 : memref<1x40x128xi32, #tpu.memory_space<hbm>> -> memref<40x128xi32, #tpu.memory_space<hbm>>
      %dma_wait3A_267 = arith.constant 0 : i32
      %dma_wait3A_268 = arith.constant 0 : i32
      %dma_wait3A_269 = tpu.memref_slice %arg3[%arg1, %dma_wait3A_267, %dma_wait3A_268] : memref<16x160x128xi32, #tpu.memory_space<hbm>> -> memref<1x40x128xi32, #tpu.memory_space<hbm>>
      %dma_wait3A_270 = tpu.memref_squeeze %dma_wait3A_269 : memref<1x40x128xi32, #tpu.memory_space<hbm>> -> memref<40x128xi32, #tpu.memory_space<hbm>>
      tpu.wait_dma2 semaphore(%run_scoped3A : memref<!tpu.dma_semaphore, #tpu.memory_space<semaphore_mem>>) src(%dma_wait3A_270 : memref<40x128xi32, #tpu.memory_space<hbm>>) dst(%arg7 : memref<40x128xi32, #tpu.memory_space<vmem>>)
      tpu.yield
    }) : () -> ()
    "tpu.region"() ({
      %run_scoped3A = tpu.sem_alloc : memref<!tpu.dma_semaphore, #tpu.memory_space<semaphore_mem>>
      %dma_start3A_255 = arith.constant 0 : i32
      %dma_start3A_256 = arith.constant 0 : i32
      %dma_start3A_257 = tpu.memref_slice %arg4[%arg1, %dma_start3A_255, %dma_start3A_256] : memref<16x160x128xi32, #tpu.memory_space<hbm>> -> memref<1x40x128xi32, #tpu.memory_space<hbm>>
      %dma_start3A_258 = tpu.memref_squeeze %dma_start3A_257 : memref<1x40x128xi32, #tpu.memory_space<hbm>> -> memref<40x128xi32, #tpu.memory_space<hbm>>
      %dma_start3A_259 = arith.constant 0 : i32
      %dma_start3A_260 = arith.constant 0 : i32
      %dma_start3A_261 = tpu.memref_slice %arg4[%arg1, %dma_start3A_259, %dma_start3A_260] : memref<16x160x128xi32, #tpu.memory_space<hbm>> -> memref<1x40x128xi32, #tpu.memory_space<hbm>>
      %dma_start3A_262 = tpu.memref_squeeze %dma_start3A_261 : memref<1x40x128xi32, #tpu.memory_space<hbm>> -> memref<40x128xi32, #tpu.memory_space<hbm>>
      tpu.enqueue_dma source(%dma_start3A_262 : memref<40x128xi32, #tpu.memory_space<hbm>>) target(%arg8 : memref<40x128xi32, #tpu.memory_space<vmem>>) target_semaphore(%run_scoped3A : memref<!tpu.dma_semaphore, #tpu.memory_space<semaphore_mem>>)
      %dma_wait3A_263 = arith.constant 0 : i32
      %dma_wait3A_264 = arith.constant 0 : i32
      %dma_wait3A_265 = tpu.memref_slice %arg4[%arg1, %dma_wait3A_263, %dma_wait3A_264] : memref<16x160x128xi32, #tpu.memory_space<hbm>> -> memref<1x40x128xi32, #tpu.memory_space<hbm>>
      %dma_wait3A_266 = tpu.memref_squeeze %dma_wait3A_265 : memref<1x40x128xi32, #tpu.memory_space<hbm>> -> memref<40x128xi32, #tpu.memory_space<hbm>>
      %dma_wait3A_267 = arith.constant 0 : i32
      %dma_wait3A_268 = arith.constant 0 : i32
      %dma_wait3A_269 = tpu.memref_slice %arg4[%arg1, %dma_wait3A_267, %dma_wait3A_268] : memref<16x160x128xi32, #tpu.memory_space<hbm>> -> memref<1x40x128xi32, #tpu.memory_space<hbm>>
      %dma_wait3A_270 = tpu.memref_squeeze %dma_wait3A_269 : memref<1x40x128xi32, #tpu.memory_space<hbm>> -> memref<40x128xi32, #tpu.memory_space<hbm>>
      tpu.wait_dma2 semaphore(%run_scoped3A : memref<!tpu.dma_semaphore, #tpu.memory_space<semaphore_mem>>) src(%dma_wait3A_270 : memref<40x128xi32, #tpu.memory_space<hbm>>) dst(%arg8 : memref<40x128xi32, #tpu.memory_space<vmem>>)
      tpu.yield
    }) : () -> ()
    %dma_start3A = arith.constant 0 : i32
    %dma_start3A_9 = arith.constant 0 : i32
    %dma_start3A_10 = tpu.memref_slice %arg7[%dma_start3A, %dma_start3A_9] : memref<40x128xi32, #tpu.memory_space<vmem>> -> memref<1x128xi32, #tpu.memory_space<vmem>>
    %dma_start3A_11 = tpu.memref_squeeze %dma_start3A_10 : memref<1x128xi32, #tpu.memory_space<vmem>> -> memref<128xi32, #tpu.memory_space<vmem>>
    %dma_start3A_12 = arith.constant 0 : i32
    %dma_start3A_13 = arith.constant 0 : i32
    %dma_start3A_14 = tpu.memref_slice %arg13[%dma_start3A_12, %dma_start3A_13] : memref<10112x64xf32, #tpu.memory_space<vmem_shared>> -> memref<10112x64xf32, #tpu.memory_space<vmem_shared>>
    tpu.enqueue_indirect_dma source(%dma_start3A_14 : memref<10112x64xf32, #tpu.memory_space<vmem_shared>>) target(%arg9 : memref<128x64xf32, #tpu.memory_space<vmem>>) offsets(%dma_start3A_11 : memref<128xi32, #tpu.memory_space<vmem>>) semaphore(%arg15 : memref<!tpu.dma_semaphore, #tpu.memory_space<semaphore_mem>>)
    %dma_start3A_15 = arith.constant 1 : i32
    %dma_start3A_16 = arith.constant 0 : i32
    %dma_start3A_17 = tpu.memref_slice %arg7[%dma_start3A_15, %dma_start3A_16] : memref<40x128xi32, #tpu.memory_space<vmem>> -> memref<1x128xi32, #tpu.memory_space<vmem>>
    %dma_start3A_18 = tpu.memref_squeeze %dma_start3A_17 : memref<1x128xi32, #tpu.memory_space<vmem>> -> memref<128xi32, #tpu.memory_space<vmem>>
    %dma_start3A_19 = arith.constant 0 : i32
    %dma_start3A_20 = arith.constant 0 : i32
    %dma_start3A_21 = tpu.memref_slice %arg13[%dma_start3A_19, %dma_start3A_20] : memref<10112x64xf32, #tpu.memory_space<vmem_shared>> -> memref<10112x64xf32, #tpu.memory_space<vmem_shared>>
    tpu.enqueue_indirect_dma source(%dma_start3A_21 : memref<10112x64xf32, #tpu.memory_space<vmem_shared>>) target(%arg10 : memref<128x64xf32, #tpu.memory_space<vmem>>) offsets(%dma_start3A_18 : memref<128xi32, #tpu.memory_space<vmem>>) semaphore(%arg16 : memref<!tpu.dma_semaphore, #tpu.memory_space<semaphore_mem>>)
    %dma_start3A_22 = arith.constant 2 : i32
    %dma_start3A_23 = arith.constant 0 : i32
    %dma_start3A_24 = tpu.memref_slice %arg7[%dma_start3A_22, %dma_start3A_23] : memref<40x128xi32, #tpu.memory_space<vmem>> -> memref<1x128xi32, #tpu.memory_space<vmem>>
    %dma_start3A_25 = tpu.memref_squeeze %dma_start3A_24 : memref<1x128xi32, #tpu.memory_space<vmem>> -> memref<128xi32, #tpu.memory_space<vmem>>
    %dma_start3A_26 = arith.constant 0 : i32
    %dma_start3A_27 = arith.constant 0 : i32
    %dma_start3A_28 = tpu.memref_slice %arg13[%dma_start3A_26, %dma_start3A_27] : memref<10112x64xf32, #tpu.memory_space<vmem_shared>> -> memref<10112x64xf32, #tpu.memory_space<vmem_shared>>
    tpu.enqueue_indirect_dma source(%dma_start3A_28 : memref<10112x64xf32, #tpu.memory_space<vmem_shared>>) target(%arg11 : memref<128x64xf32, #tpu.memory_space<vmem>>) offsets(%dma_start3A_25 : memref<128xi32, #tpu.memory_space<vmem>>) semaphore(%arg17 : memref<!tpu.dma_semaphore, #tpu.memory_space<semaphore_mem>>)
    %dma_start3A_29 = arith.constant 3 : i32
    %dma_start3A_30 = arith.constant 0 : i32
    %dma_start3A_31 = tpu.memref_slice %arg7[%dma_start3A_29, %dma_start3A_30] : memref<40x128xi32, #tpu.memory_space<vmem>> -> memref<1x128xi32, #tpu.memory_space<vmem>>
    %dma_start3A_32 = tpu.memref_squeeze %dma_start3A_31 : memref<1x128xi32, #tpu.memory_space<vmem>> -> memref<128xi32, #tpu.memory_space<vmem>>
    %dma_start3A_33 = arith.constant 0 : i32
    %dma_start3A_34 = arith.constant 0 : i32
    %dma_start3A_35 = tpu.memref_slice %arg13[%dma_start3A_33, %dma_start3A_34] : memref<10112x64xf32, #tpu.memory_space<vmem_shared>> -> memref<10112x64xf32, #tpu.memory_space<vmem_shared>>
    tpu.enqueue_indirect_dma source(%dma_start3A_35 : memref<10112x64xf32, #tpu.memory_space<vmem_shared>>) target(%arg12 : memref<128x64xf32, #tpu.memory_space<vmem>>) offsets(%dma_start3A_32 : memref<128xi32, #tpu.memory_space<vmem>>) semaphore(%arg18 : memref<!tpu.dma_semaphore, #tpu.memory_space<semaphore_mem>>)
    %scan3A = arith.constant 0 : i32
    %scan3A_36 = arith.constant 0 : i32
    %scan3A_37 = arith.constant 10 : i32
    %scan3A_38 = arith.addi %scan3A_36, %scan3A_37 : i32
    %scan3A_39 = arith.constant 1 : i32
    scf.for %scan3A_255 = %scan3A_36 to %scan3A_38 step %scan3A_39  : i32 {
      %mul3A_256 = arith.constant 4 : i32
      %mul3A_257 = arith.muli %scan3A_255, %mul3A_256 : i32
      %add3A = arith.constant 0 : i32
      %add3A_258 = arith.addi %mul3A_257, %add3A : i32
      %dma_wait3A_259 = arith.constant 0 : i32
      %dma_wait3A_260 = arith.constant 0 : i32
      %dma_wait3A_261 = tpu.memref_slice %arg7[%dma_wait3A_259, %dma_wait3A_260] : memref<40x128xi32, #tpu.memory_space<vmem>> -> memref<1x128xi32, #tpu.memory_space<vmem>>
      %dma_wait3A_262 = tpu.memref_squeeze %dma_wait3A_261 : memref<1x128xi32, #tpu.memory_space<vmem>> -> memref<128xi32, #tpu.memory_space<vmem>>
      %dma_wait3A_263 = arith.constant 0 : i32
      %dma_wait3A_264 = arith.constant 0 : i32
      %dma_wait3A_265 = tpu.memref_slice %arg13[%dma_wait3A_263, %dma_wait3A_264] : memref<10112x64xf32, #tpu.memory_space<vmem_shared>> -> memref<10112x64xf32, #tpu.memory_space<vmem_shared>>
      tpu.wait_indirect_dma semaphore(%arg15 : memref<!tpu.dma_semaphore, #tpu.memory_space<semaphore_mem>>) src(%dma_wait3A_265 : memref<10112x64xf32, #tpu.memory_space<vmem_shared>>) dst(%arg9 : memref<128x64xf32, #tpu.memory_space<vmem>>)
      %dma_start3A_266 = arith.constant 0 : i32
      %dma_start3A_267 = tpu.memref_slice %arg8[%add3A_258, %dma_start3A_266] : memref<40x128xi32, #tpu.memory_space<vmem>> -> memref<1x128xi32, #tpu.memory_space<vmem>>
      %dma_start3A_268 = tpu.memref_squeeze %dma_start3A_267 : memref<1x128xi32, #tpu.memory_space<vmem>> -> memref<128xi32, #tpu.memory_space<vmem>>
      %dma_start3A_269 = arith.constant 0 : i32
      %dma_start3A_270 = arith.constant 0 : i32
      %dma_start3A_271 = tpu.memref_slice %arg14[%dma_start3A_269, %dma_start3A_270] : memref<10112x64xf32, #tpu.memory_space<vmem_shared>> -> memref<10112x64xf32, #tpu.memory_space<vmem_shared>>
      tpu.enqueue_indirect_dma source(%arg9 : memref<128x64xf32, #tpu.memory_space<vmem>>) target(%dma_start3A_271 : memref<10112x64xf32, #tpu.memory_space<vmem_shared>>) offsets(%dma_start3A_268 : memref<128xi32, #tpu.memory_space<vmem>>) semaphore(%arg19 : memref<!tpu.dma_semaphore, #tpu.memory_space<semaphore_mem>>) {add = true}
      %add3A_272 = arith.constant 2 : i32
      %add3A_273 = arith.addi %add3A_258, %add3A_272 : i32
      %ge3A = arith.constant 4 : i32
      %ge3A_274 = arith.cmpi sge, %add3A_273, %ge3A : i32
      %lt3A_275 = arith.constant 40 : i32
      %lt3A_276 = arith.cmpi slt, %add3A_273, %lt3A_275 : i32
      %and3A = arith.andi %ge3A_274, %lt3A_276 : i1
      %convert_element_type3A_277 = arith.extui %and3A : i1 to i32
      %cond3A_278 = arith.constant 0 : i32
      %cond3A_279 = arith.cmpi ne, %convert_element_type3A_277, %cond3A_278 : i32
      scf.if %cond3A_279 {
        %dma_wait3A_361 = arith.constant 0 : i32
        %dma_wait3A_362 = arith.constant 0 : i32
        %dma_wait3A_363 = tpu.memref_slice %arg8[%dma_wait3A_361, %dma_wait3A_362] : memref<40x128xi32, #tpu.memory_space<vmem>> -> memref<1x128xi32, #tpu.memory_space<vmem>>
        %dma_wait3A_364 = tpu.memref_squeeze %dma_wait3A_363 : memref<1x128xi32, #tpu.memory_space<vmem>> -> memref<128xi32, #tpu.memory_space<vmem>>
        %dma_wait3A_365 = arith.constant 0 : i32
        %dma_wait3A_366 = arith.constant 0 : i32
        %dma_wait3A_367 = tpu.memref_slice %arg14[%dma_wait3A_365, %dma_wait3A_366] : memref<10112x64xf32, #tpu.memory_space<vmem_shared>> -> memref<10112x64xf32, #tpu.memory_space<vmem_shared>>
        tpu.wait_indirect_dma semaphore(%arg21 : memref<!tpu.dma_semaphore, #tpu.memory_space<semaphore_mem>>) src(%arg11 : memref<128x64xf32, #tpu.memory_space<vmem>>) dst(%dma_wait3A_367 : memref<10112x64xf32, #tpu.memory_space<vmem_shared>>)
        %dma_start3A_368 = arith.constant 0 : i32
        %dma_start3A_369 = tpu.memref_slice %arg7[%add3A_273, %dma_start3A_368] : memref<40x128xi32, #tpu.memory_space<vmem>> -> memref<1x128xi32, #tpu.memory_space<vmem>>
        %dma_start3A_370 = tpu.memref_squeeze %dma_start3A_369 : memref<1x128xi32, #tpu.memory_space<vmem>> -> memref<128xi32, #tpu.memory_space<vmem>>
        %dma_start3A_371 = arith.constant 0 : i32
        %dma_start3A_372 = arith.constant 0 : i32
        %dma_start3A_373 = tpu.memref_slice %arg13[%dma_start3A_371, %dma_start3A_372] : memref<10112x64xf32, #tpu.memory_space<vmem_shared>> -> memref<10112x64xf32, #tpu.memory_space<vmem_shared>>
        tpu.enqueue_indirect_dma source(%dma_start3A_373 : memref<10112x64xf32, #tpu.memory_space<vmem_shared>>) target(%arg11 : memref<128x64xf32, #tpu.memory_space<vmem>>) offsets(%dma_start3A_370 : memref<128xi32, #tpu.memory_space<vmem>>) semaphore(%arg17 : memref<!tpu.dma_semaphore, #tpu.memory_space<semaphore_mem>>)
      } else {
      }
      %mul3A_280 = arith.constant 4 : i32
      %mul3A_281 = arith.muli %scan3A_255, %mul3A_280 : i32
      %add3A_282 = arith.constant 1 : i32
      %add3A_283 = arith.addi %mul3A_281, %add3A_282 : i32
      %dma_wait3A_284 = arith.constant 0 : i32
      %dma_wait3A_285 = arith.constant 0 : i32
      %dma_wait3A_286 = tpu.memref_slice %arg7[%dma_wait3A_284, %dma_wait3A_285] : memref<40x128xi32, #tpu.memory_space<vmem>> -> memref<1x128xi32, #tpu.memory_space<vmem>>
      %dma_wait3A_287 = tpu.memref_squeeze %dma_wait3A_286 : memref<1x128xi32, #tpu.memory_space<vmem>> -> memref<128xi32, #tpu.memory_space<vmem>>
      %dma_wait3A_288 = arith.constant 0 : i32
      %dma_wait3A_289 = arith.constant 0 : i32
      %dma_wait3A_290 = tpu.memref_slice %arg13[%dma_wait3A_288, %dma_wait3A_289] : memref<10112x64xf32, #tpu.memory_space<vmem_shared>> -> memref<10112x64xf32, #tpu.memory_space<vmem_shared>>
      tpu.wait_indirect_dma semaphore(%arg16 : memref<!tpu.dma_semaphore, #tpu.memory_space<semaphore_mem>>) src(%dma_wait3A_290 : memref<10112x64xf32, #tpu.memory_space<vmem_shared>>) dst(%arg10 : memref<128x64xf32, #tpu.memory_space<vmem>>)
      %dma_start3A_291 = arith.constant 0 : i32
      %dma_start3A_292 = tpu.memref_slice %arg8[%add3A_283, %dma_start3A_291] : memref<40x128xi32, #tpu.memory_space<vmem>> -> memref<1x128xi32, #tpu.memory_space<vmem>>
      %dma_start3A_293 = tpu.memref_squeeze %dma_start3A_292 : memref<1x128xi32, #tpu.memory_space<vmem>> -> memref<128xi32, #tpu.memory_space<vmem>>
      %dma_start3A_294 = arith.constant 0 : i32
      %dma_start3A_295 = arith.constant 0 : i32
      %dma_start3A_296 = tpu.memref_slice %arg14[%dma_start3A_294, %dma_start3A_295] : memref<10112x64xf32, #tpu.memory_space<vmem_shared>> -> memref<10112x64xf32, #tpu.memory_space<vmem_shared>>
      tpu.enqueue_indirect_dma source(%arg10 : memref<128x64xf32, #tpu.memory_space<vmem>>) target(%dma_start3A_296 : memref<10112x64xf32, #tpu.memory_space<vmem_shared>>) offsets(%dma_start3A_293 : memref<128xi32, #tpu.memory_space<vmem>>) semaphore(%arg20 : memref<!tpu.dma_semaphore, #tpu.memory_space<semaphore_mem>>) {add = true}
      %add3A_297 = arith.constant 2 : i32
      %add3A_298 = arith.addi %add3A_283, %add3A_297 : i32
      %ge3A_299 = arith.constant 4 : i32
      %ge3A_300 = arith.cmpi sge, %add3A_298, %ge3A_299 : i32
      %lt3A_301 = arith.constant 40 : i32
      %lt3A_302 = arith.cmpi slt, %add3A_298, %lt3A_301 : i32
      %and3A_303 = arith.andi %ge3A_300, %lt3A_302 : i1
      %convert_element_type3A_304 = arith.extui %and3A_303 : i1 to i32
      %cond3A_305 = arith.constant 0 : i32
      %cond3A_306 = arith.cmpi ne, %convert_element_type3A_304, %cond3A_305 : i32
      scf.if %cond3A_306 {
        %dma_wait3A_361 = arith.constant 0 : i32
        %dma_wait3A_362 = arith.constant 0 : i32
        %dma_wait3A_363 = tpu.memref_slice %arg8[%dma_wait3A_361, %dma_wait3A_362] : memref<40x128xi32, #tpu.memory_space<vmem>> -> memref<1x128xi32, #tpu.memory_space<vmem>>
        %dma_wait3A_364 = tpu.memref_squeeze %dma_wait3A_363 : memref<1x128xi32, #tpu.memory_space<vmem>> -> memref<128xi32, #tpu.memory_space<vmem>>
        %dma_wait3A_365 = arith.constant 0 : i32
        %dma_wait3A_366 = arith.constant 0 : i32
        %dma_wait3A_367 = tpu.memref_slice %arg14[%dma_wait3A_365, %dma_wait3A_366] : memref<10112x64xf32, #tpu.memory_space<vmem_shared>> -> memref<10112x64xf32, #tpu.memory_space<vmem_shared>>
        tpu.wait_indirect_dma semaphore(%arg22 : memref<!tpu.dma_semaphore, #tpu.memory_space<semaphore_mem>>) src(%arg12 : memref<128x64xf32, #tpu.memory_space<vmem>>) dst(%dma_wait3A_367 : memref<10112x64xf32, #tpu.memory_space<vmem_shared>>)
        %dma_start3A_368 = arith.constant 0 : i32
        %dma_start3A_369 = tpu.memref_slice %arg7[%add3A_298, %dma_start3A_368] : memref<40x128xi32, #tpu.memory_space<vmem>> -> memref<1x128xi32, #tpu.memory_space<vmem>>
        %dma_start3A_370 = tpu.memref_squeeze %dma_start3A_369 : memref<1x128xi32, #tpu.memory_space<vmem>> -> memref<128xi32, #tpu.memory_space<vmem>>
        %dma_start3A_371 = arith.constant 0 : i32
        %dma_start3A_372 = arith.constant 0 : i32
        %dma_start3A_373 = tpu.memref_slice %arg13[%dma_start3A_371, %dma_start3A_372] : memref<10112x64xf32, #tpu.memory_space<vmem_shared>> -> memref<10112x64xf32, #tpu.memory_space<vmem_shared>>
        tpu.enqueue_indirect_dma source(%dma_start3A_373 : memref<10112x64xf32, #tpu.memory_space<vmem_shared>>) target(%arg12 : memref<128x64xf32, #tpu.memory_space<vmem>>) offsets(%dma_start3A_370 : memref<128xi32, #tpu.memory_space<vmem>>) semaphore(%arg18 : memref<!tpu.dma_semaphore, #tpu.memory_space<semaphore_mem>>)
      } else {
      }
      %mul3A_307 = arith.constant 4 : i32
      %mul3A_308 = arith.muli %scan3A_255, %mul3A_307 : i32
      %add3A_309 = arith.constant 2 : i32
      %add3A_310 = arith.addi %mul3A_308, %add3A_309 : i32
      %dma_wait3A_311 = arith.constant 0 : i32
      %dma_wait3A_312 = arith.constant 0 : i32
      %dma_wait3A_313 = tpu.memref_slice %arg7[%dma_wait3A_311, %dma_wait3A_312] : memref<40x128xi32, #tpu.memory_space<vmem>> -> memref<1x128xi32, #tpu.memory_space<vmem>>
      %dma_wait3A_314 = tpu.memref_squeeze %dma_wait3A_313 : memref<1x128xi32, #tpu.memory_space<vmem>> -> memref<128xi32, #tpu.memory_space<vmem>>
      %dma_wait3A_315 = arith.constant 0 : i32
      %dma_wait3A_316 = arith.constant 0 : i32
      %dma_wait3A_317 = tpu.memref_slice %arg13[%dma_wait3A_315, %dma_wait3A_316] : memref<10112x64xf32, #tpu.memory_space<vmem_shared>> -> memref<10112x64xf32, #tpu.memory_space<vmem_shared>>
      tpu.wait_indirect_dma semaphore(%arg17 : memref<!tpu.dma_semaphore, #tpu.memory_space<semaphore_mem>>) src(%dma_wait3A_317 : memref<10112x64xf32, #tpu.memory_space<vmem_shared>>) dst(%arg11 : memref<128x64xf32, #tpu.memory_space<vmem>>)
      %dma_start3A_318 = arith.constant 0 : i32
      %dma_start3A_319 = tpu.memref_slice %arg8[%add3A_310, %dma_start3A_318] : memref<40x128xi32, #tpu.memory_space<vmem>> -> memref<1x128xi32, #tpu.memory_space<vmem>>
      %dma_start3A_320 = tpu.memref_squeeze %dma_start3A_319 : memref<1x128xi32, #tpu.memory_space<vmem>> -> memref<128xi32, #tpu.memory_space<vmem>>
      %dma_start3A_321 = arith.constant 0 : i32
      %dma_start3A_322 = arith.constant 0 : i32
      %dma_start3A_323 = tpu.memref_slice %arg14[%dma_start3A_321, %dma_start3A_322] : memref<10112x64xf32, #tpu.memory_space<vmem_shared>> -> memref<10112x64xf32, #tpu.memory_space<vmem_shared>>
      tpu.enqueue_indirect_dma source(%arg11 : memref<128x64xf32, #tpu.memory_space<vmem>>) target(%dma_start3A_323 : memref<10112x64xf32, #tpu.memory_space<vmem_shared>>) offsets(%dma_start3A_320 : memref<128xi32, #tpu.memory_space<vmem>>) semaphore(%arg21 : memref<!tpu.dma_semaphore, #tpu.memory_space<semaphore_mem>>) {add = true}
      %add3A_324 = arith.constant 2 : i32
      %add3A_325 = arith.addi %add3A_310, %add3A_324 : i32
      %ge3A_326 = arith.constant 4 : i32
      %ge3A_327 = arith.cmpi sge, %add3A_325, %ge3A_326 : i32
      %lt3A_328 = arith.constant 40 : i32
      %lt3A_329 = arith.cmpi slt, %add3A_325, %lt3A_328 : i32
      %and3A_330 = arith.andi %ge3A_327, %lt3A_329 : i1
      %convert_element_type3A_331 = arith.extui %and3A_330 : i1 to i32
      %cond3A_332 = arith.constant 0 : i32
      %cond3A_333 = arith.cmpi ne, %convert_element_type3A_331, %cond3A_332 : i32
      scf.if %cond3A_333 {
        %dma_wait3A_361 = arith.constant 0 : i32
        %dma_wait3A_362 = arith.constant 0 : i32
        %dma_wait3A_363 = tpu.memref_slice %arg8[%dma_wait3A_361, %dma_wait3A_362] : memref<40x128xi32, #tpu.memory_space<vmem>> -> memref<1x128xi32, #tpu.memory_space<vmem>>
        %dma_wait3A_364 = tpu.memref_squeeze %dma_wait3A_363 : memref<1x128xi32, #tpu.memory_space<vmem>> -> memref<128xi32, #tpu.memory_space<vmem>>
        %dma_wait3A_365 = arith.constant 0 : i32
        %dma_wait3A_366 = arith.constant 0 : i32
        %dma_wait3A_367 = tpu.memref_slice %arg14[%dma_wait3A_365, %dma_wait3A_366] : memref<10112x64xf32, #tpu.memory_space<vmem_shared>> -> memref<10112x64xf32, #tpu.memory_space<vmem_shared>>
        tpu.wait_indirect_dma semaphore(%arg19 : memref<!tpu.dma_semaphore, #tpu.memory_space<semaphore_mem>>) src(%arg9 : memref<128x64xf32, #tpu.memory_space<vmem>>) dst(%dma_wait3A_367 : memref<10112x64xf32, #tpu.memory_space<vmem_shared>>)
        %dma_start3A_368 = arith.constant 0 : i32
        %dma_start3A_369 = tpu.memref_slice %arg7[%add3A_325, %dma_start3A_368] : memref<40x128xi32, #tpu.memory_space<vmem>> -> memref<1x128xi32, #tpu.memory_space<vmem>>
        %dma_start3A_370 = tpu.memref_squeeze %dma_start3A_369 : memref<1x128xi32, #tpu.memory_space<vmem>> -> memref<128xi32, #tpu.memory_space<vmem>>
        %dma_start3A_371 = arith.constant 0 : i32
        %dma_start3A_372 = arith.constant 0 : i32
        %dma_start3A_373 = tpu.memref_slice %arg13[%dma_start3A_371, %dma_start3A_372] : memref<10112x64xf32, #tpu.memory_space<vmem_shared>> -> memref<10112x64xf32, #tpu.memory_space<vmem_shared>>
        tpu.enqueue_indirect_dma source(%dma_start3A_373 : memref<10112x64xf32, #tpu.memory_space<vmem_shared>>) target(%arg9 : memref<128x64xf32, #tpu.memory_space<vmem>>) offsets(%dma_start3A_370 : memref<128xi32, #tpu.memory_space<vmem>>) semaphore(%arg15 : memref<!tpu.dma_semaphore, #tpu.memory_space<semaphore_mem>>)
      } else {
      }
      %mul3A_334 = arith.constant 4 : i32
      %mul3A_335 = arith.muli %scan3A_255, %mul3A_334 : i32
      %add3A_336 = arith.constant 3 : i32
      %add3A_337 = arith.addi %mul3A_335, %add3A_336 : i32
      %dma_wait3A_338 = arith.constant 0 : i32
      %dma_wait3A_339 = arith.constant 0 : i32
      %dma_wait3A_340 = tpu.memref_slice %arg7[%dma_wait3A_338, %dma_wait3A_339] : memref<40x128xi32, #tpu.memory_space<vmem>> -> memref<1x128xi32, #tpu.memory_space<vmem>>
      %dma_wait3A_341 = tpu.memref_squeeze %dma_wait3A_340 : memref<1x128xi32, #tpu.memory_space<vmem>> -> memref<128xi32, #tpu.memory_space<vmem>>
      %dma_wait3A_342 = arith.constant 0 : i32
      %dma_wait3A_343 = arith.constant 0 : i32
      %dma_wait3A_344 = tpu.memref_slice %arg13[%dma_wait3A_342, %dma_wait3A_343] : memref<10112x64xf32, #tpu.memory_space<vmem_shared>> -> memref<10112x64xf32, #tpu.memory_space<vmem_shared>>
      tpu.wait_indirect_dma semaphore(%arg18 : memref<!tpu.dma_semaphore, #tpu.memory_space<semaphore_mem>>) src(%dma_wait3A_344 : memref<10112x64xf32, #tpu.memory_space<vmem_shared>>) dst(%arg12 : memref<128x64xf32, #tpu.memory_space<vmem>>)
      %dma_start3A_345 = arith.constant 0 : i32
      %dma_start3A_346 = tpu.memref_slice %arg8[%add3A_337, %dma_start3A_345] : memref<40x128xi32, #tpu.memory_space<vmem>> -> memref<1x128xi32, #tpu.memory_space<vmem>>
      %dma_start3A_347 = tpu.memref_squeeze %dma_start3A_346 : memref<1x128xi32, #tpu.memory_space<vmem>> -> memref<128xi32, #tpu.memory_space<vmem>>
      %dma_start3A_348 = arith.constant 0 : i32
      %dma_start3A_349 = arith.constant 0 : i32
      %dma_start3A_350 = tpu.memref_slice %arg14[%dma_start3A_348, %dma_start3A_349] : memref<10112x64xf32, #tpu.memory_space<vmem_shared>> -> memref<10112x64xf32, #tpu.memory_space<vmem_shared>>
      tpu.enqueue_indirect_dma source(%arg12 : memref<128x64xf32, #tpu.memory_space<vmem>>) target(%dma_start3A_350 : memref<10112x64xf32, #tpu.memory_space<vmem_shared>>) offsets(%dma_start3A_347 : memref<128xi32, #tpu.memory_space<vmem>>) semaphore(%arg22 : memref<!tpu.dma_semaphore, #tpu.memory_space<semaphore_mem>>) {add = true}
      %add3A_351 = arith.constant 2 : i32
      %add3A_352 = arith.addi %add3A_337, %add3A_351 : i32
      %ge3A_353 = arith.constant 4 : i32
      %ge3A_354 = arith.cmpi sge, %add3A_352, %ge3A_353 : i32
      %lt3A_355 = arith.constant 40 : i32
      %lt3A_356 = arith.cmpi slt, %add3A_352, %lt3A_355 : i32
      %and3A_357 = arith.andi %ge3A_354, %lt3A_356 : i1
      %convert_element_type3A_358 = arith.extui %and3A_357 : i1 to i32
      %cond3A_359 = arith.constant 0 : i32
      %cond3A_360 = arith.cmpi ne, %convert_element_type3A_358, %cond3A_359 : i32
      scf.if %cond3A_360 {
        %dma_wait3A_361 = arith.constant 0 : i32
        %dma_wait3A_362 = arith.constant 0 : i32
        %dma_wait3A_363 = tpu.memref_slice %arg8[%dma_wait3A_361, %dma_wait3A_362] : memref<40x128xi32, #tpu.memory_space<vmem>> -> memref<1x128xi32, #tpu.memory_space<vmem>>
        %dma_wait3A_364 = tpu.memref_squeeze %dma_wait3A_363 : memref<1x128xi32, #tpu.memory_space<vmem>> -> memref<128xi32, #tpu.memory_space<vmem>>
        %dma_wait3A_365 = arith.constant 0 : i32
        %dma_wait3A_366 = arith.constant 0 : i32
        %dma_wait3A_367 = tpu.memref_slice %arg14[%dma_wait3A_365, %dma_wait3A_366] : memref<10112x64xf32, #tpu.memory_space<vmem_shared>> -> memref<10112x64xf32, #tpu.memory_space<vmem_shared>>
        tpu.wait_indirect_dma semaphore(%arg20 : memref<!tpu.dma_semaphore, #tpu.memory_space<semaphore_mem>>) src(%arg10 : memref<128x64xf32, #tpu.memory_space<vmem>>) dst(%dma_wait3A_367 : memref<10112x64xf32, #tpu.memory_space<vmem_shared>>)
        %dma_start3A_368 = arith.constant 0 : i32
        %dma_start3A_369 = tpu.memref_slice %arg7[%add3A_352, %dma_start3A_368] : memref<40x128xi32, #tpu.memory_space<vmem>> -> memref<1x128xi32, #tpu.memory_space<vmem>>
        %dma_start3A_370 = tpu.memref_squeeze %dma_start3A_369 : memref<1x128xi32, #tpu.memory_space<vmem>> -> memref<128xi32, #tpu.memory_space<vmem>>
        %dma_start3A_371 = arith.constant 0 : i32
        %dma_start3A_372 = arith.constant 0 : i32
        %dma_start3A_373 = tpu.memref_slice %arg13[%dma_start3A_371, %dma_start3A_372] : memref<10112x64xf32, #tpu.memory_space<vmem_shared>> -> memref<10112x64xf32, #tpu.memory_space<vmem_shared>>
        tpu.enqueue_indirect_dma source(%dma_start3A_373 : memref<10112x64xf32, #tpu.memory_space<vmem_shared>>) target(%arg10 : memref<128x64xf32, #tpu.memory_space<vmem>>) offsets(%dma_start3A_370 : memref<128xi32, #tpu.memory_space<vmem>>) semaphore(%arg16 : memref<!tpu.dma_semaphore, #tpu.memory_space<semaphore_mem>>)
      } else {
      }
    }
    %scan3A_40 = arith.constant 10 : i32
    %dma_wait3A = arith.constant 0 : i32
    %dma_wait3A_41 = arith.constant 0 : i32
    %dma_wait3A_42 = tpu.memref_slice %arg8[%dma_wait3A, %dma_wait3A_41] : memref<40x128xi32, #tpu.memory_space<vmem>> -> memref<1x128xi32, #tpu.memory_space<vmem>>
    %dma_wait3A_43 = tpu.memref_squeeze %dma_wait3A_42 : memref<1x128xi32, #tpu.memory_space<vmem>> -> memref<128xi32, #tpu.memory_space<vmem>>
    %dma_wait3A_44 = arith.constant 0 : i32
    %dma_wait3A_45 = arith.constant 0 : i32
    %dma_wait3A_46 = tpu.memref_slice %arg14[%dma_wait3A_44, %dma_wait3A_45] : memref<10112x64xf32, #tpu.memory_space<vmem_shared>> -> memref<10112x64xf32, #tpu.memory_space<vmem_shared>>
    tpu.wait_indirect_dma semaphore(%arg19 : memref<!tpu.dma_semaphore, #tpu.memory_space<semaphore_mem>>) src(%arg9 : memref<128x64xf32, #tpu.memory_space<vmem>>) dst(%dma_wait3A_46 : memref<10112x64xf32, #tpu.memory_space<vmem_shared>>)
    %dma_wait3A_47 = arith.constant 0 : i32
    %dma_wait3A_48 = arith.constant 0 : i32
    %dma_wait3A_49 = tpu.memref_slice %arg8[%dma_wait3A_47, %dma_wait3A_48] : memref<40x128xi32, #tpu.memory_space<vmem>> -> memref<1x128xi32, #tpu.memory_space<vmem>>
    %dma_wait3A_50 = tpu.memref_squeeze %dma_wait3A_49 : memref<1x128xi32, #tpu.memory_space<vmem>> -> memref<128xi32, #tpu.memory_space<vmem>>
    %dma_wait3A_51 = arith.constant 0 : i32
    %dma_wait3A_52 = arith.constant 0 : i32
    %dma_wait3A_53 = tpu.memref_slice %arg14[%dma_wait3A_51, %dma_wait3A_52] : memref<10112x64xf32, #tpu.memory_space<vmem_shared>> -> memref<10112x64xf32, #tpu.memory_space<vmem_shared>>
    tpu.wait_indirect_dma semaphore(%arg20 : memref<!tpu.dma_semaphore, #tpu.memory_space<semaphore_mem>>) src(%arg10 : memref<128x64xf32, #tpu.memory_space<vmem>>) dst(%dma_wait3A_53 : memref<10112x64xf32, #tpu.memory_space<vmem_shared>>)
    %dma_wait3A_54 = arith.constant 0 : i32
    %dma_wait3A_55 = arith.constant 0 : i32
    %dma_wait3A_56 = tpu.memref_slice %arg8[%dma_wait3A_54, %dma_wait3A_55] : memref<40x128xi32, #tpu.memory_space<vmem>> -> memref<1x128xi32, #tpu.memory_space<vmem>>
    %dma_wait3A_57 = tpu.memref_squeeze %dma_wait3A_56 : memref<1x128xi32, #tpu.memory_space<vmem>> -> memref<128xi32, #tpu.memory_space<vmem>>
    %dma_wait3A_58 = arith.constant 0 : i32
    %dma_wait3A_59 = arith.constant 0 : i32
    %dma_wait3A_60 = tpu.memref_slice %arg14[%dma_wait3A_58, %dma_wait3A_59] : memref<10112x64xf32, #tpu.memory_space<vmem_shared>> -> memref<10112x64xf32, #tpu.memory_space<vmem_shared>>
    tpu.wait_indirect_dma semaphore(%arg21 : memref<!tpu.dma_semaphore, #tpu.memory_space<semaphore_mem>>) src(%arg11 : memref<128x64xf32, #tpu.memory_space<vmem>>) dst(%dma_wait3A_60 : memref<10112x64xf32, #tpu.memory_space<vmem_shared>>)
    %dma_wait3A_61 = arith.constant 0 : i32
    %dma_wait3A_62 = arith.constant 0 : i32
    %dma_wait3A_63 = tpu.memref_slice %arg8[%dma_wait3A_61, %dma_wait3A_62] : memref<40x128xi32, #tpu.memory_space<vmem>> -> memref<1x128xi32, #tpu.memory_space<vmem>>
    %dma_wait3A_64 = tpu.memref_squeeze %dma_wait3A_63 : memref<1x128xi32, #tpu.memory_space<vmem>> -> memref<128xi32, #tpu.memory_space<vmem>>
    %dma_wait3A_65 = arith.constant 0 : i32
    %dma_wait3A_66 = arith.constant 0 : i32
    %dma_wait3A_67 = tpu.memref_slice %arg14[%dma_wait3A_65, %dma_wait3A_66] : memref<10112x64xf32, #tpu.memory_space<vmem_shared>> -> memref<10112x64xf32, #tpu.memory_space<vmem_shared>>
    tpu.wait_indirect_dma semaphore(%arg22 : memref<!tpu.dma_semaphore, #tpu.memory_space<semaphore_mem>>) src(%arg12 : memref<128x64xf32, #tpu.memory_space<vmem>>) dst(%dma_wait3A_67 : memref<10112x64xf32, #tpu.memory_space<vmem_shared>>)
    "tpu.region"() ({
      %run_scoped3A = tpu.sem_alloc : memref<!tpu.dma_semaphore, #tpu.memory_space<semaphore_mem>>
      %dma_start3A_255 = arith.constant 40 : i32
      %dma_start3A_256 = arith.constant 0 : i32
      %dma_start3A_257 = tpu.memref_slice %arg3[%arg1, %dma_start3A_255, %dma_start3A_256] : memref<16x160x128xi32, #tpu.memory_space<hbm>> -> memref<1x40x128xi32, #tpu.memory_space<hbm>>
      %dma_start3A_258 = tpu.memref_squeeze %dma_start3A_257 : memref<1x40x128xi32, #tpu.memory_space<hbm>> -> memref<40x128xi32, #tpu.memory_space<hbm>>
      %dma_start3A_259 = arith.constant 40 : i32
      %dma_start3A_260 = arith.constant 0 : i32
      %dma_start3A_261 = tpu.memref_slice %arg3[%arg1, %dma_start3A_259, %dma_start3A_260] : memref<16x160x128xi32, #tpu.memory_space<hbm>> -> memref<1x40x128xi32, #tpu.memory_space<hbm>>
      %dma_start3A_262 = tpu.memref_squeeze %dma_start3A_261 : memref<1x40x128xi32, #tpu.memory_space<hbm>> -> memref<40x128xi32, #tpu.memory_space<hbm>>
      tpu.enqueue_dma source(%dma_start3A_262 : memref<40x128xi32, #tpu.memory_space<hbm>>) target(%arg7 : memref<40x128xi32, #tpu.memory_space<vmem>>) target_semaphore(%run_scoped3A : memref<!tpu.dma_semaphore, #tpu.memory_space<semaphore_mem>>)
      %dma_wait3A_263 = arith.constant 40 : i32
      %dma_wait3A_264 = arith.constant 0 : i32
      %dma_wait3A_265 = tpu.memref_slice %arg3[%arg1, %dma_wait3A_263, %dma_wait3A_264] : memref<16x160x128xi32, #tpu.memory_space<hbm>> -> memref<1x40x128xi32, #tpu.memory_space<hbm>>
      %dma_wait3A_266 = tpu.memref_squeeze %dma_wait3A_265 : memref<1x40x128xi32, #tpu.memory_space<hbm>> -> memref<40x128xi32, #tpu.memory_space<hbm>>
      %dma_wait3A_267 = arith.constant 40 : i32
      %dma_wait3A_268 = arith.constant 0 : i32
      %dma_wait3A_269 = tpu.memref_slice %arg3[%arg1, %dma_wait3A_267, %dma_wait3A_268] : memref<16x160x128xi32, #tpu.memory_space<hbm>> -> memref<1x40x128xi32, #tpu.memory_space<hbm>>
      %dma_wait3A_270 = tpu.memref_squeeze %dma_wait3A_269 : memref<1x40x128xi32, #tpu.memory_space<hbm>> -> memref<40x128xi32, #tpu.memory_space<hbm>>
      tpu.wait_dma2 semaphore(%run_scoped3A : memref<!tpu.dma_semaphore, #tpu.memory_space<semaphore_mem>>) src(%dma_wait3A_270 : memref<40x128xi32, #tpu.memory_space<hbm>>) dst(%arg7 : memref<40x128xi32, #tpu.memory_space<vmem>>)
      tpu.yield
    }) : () -> ()
    "tpu.region"() ({
      %run_scoped3A = tpu.sem_alloc : memref<!tpu.dma_semaphore, #tpu.memory_space<semaphore_mem>>
      %dma_start3A_255 = arith.constant 40 : i32
      %dma_start3A_256 = arith.constant 0 : i32
      %dma_start3A_257 = tpu.memref_slice %arg4[%arg1, %dma_start3A_255, %dma_start3A_256] : memref<16x160x128xi32, #tpu.memory_space<hbm>> -> memref<1x40x128xi32, #tpu.memory_space<hbm>>
      %dma_start3A_258 = tpu.memref_squeeze %dma_start3A_257 : memref<1x40x128xi32, #tpu.memory_space<hbm>> -> memref<40x128xi32, #tpu.memory_space<hbm>>
      %dma_start3A_259 = arith.constant 40 : i32
      %dma_start3A_260 = arith.constant 0 : i32
      %dma_start3A_261 = tpu.memref_slice %arg4[%arg1, %dma_start3A_259, %dma_start3A_260] : memref<16x160x128xi32, #tpu.memory_space<hbm>> -> memref<1x40x128xi32, #tpu.memory_space<hbm>>
      %dma_start3A_262 = tpu.memref_squeeze %dma_start3A_261 : memref<1x40x128xi32, #tpu.memory_space<hbm>> -> memref<40x128xi32, #tpu.memory_space<hbm>>
      tpu.enqueue_dma source(%dma_start3A_262 : memref<40x128xi32, #tpu.memory_space<hbm>>) target(%arg8 : memref<40x128xi32, #tpu.memory_space<vmem>>) target_semaphore(%run_scoped3A : memref<!tpu.dma_semaphore, #tpu.memory_space<semaphore_mem>>)
      %dma_wait3A_263 = arith.constant 40 : i32
      %dma_wait3A_264 = arith.constant 0 : i32
      %dma_wait3A_265 = tpu.memref_slice %arg4[%arg1, %dma_wait3A_263, %dma_wait3A_264] : memref<16x160x128xi32, #tpu.memory_space<hbm>> -> memref<1x40x128xi32, #tpu.memory_space<hbm>>
      %dma_wait3A_266 = tpu.memref_squeeze %dma_wait3A_265 : memref<1x40x128xi32, #tpu.memory_space<hbm>> -> memref<40x128xi32, #tpu.memory_space<hbm>>
      %dma_wait3A_267 = arith.constant 40 : i32
      %dma_wait3A_268 = arith.constant 0 : i32
      %dma_wait3A_269 = tpu.memref_slice %arg4[%arg1, %dma_wait3A_267, %dma_wait3A_268] : memref<16x160x128xi32, #tpu.memory_space<hbm>> -> memref<1x40x128xi32, #tpu.memory_space<hbm>>
      %dma_wait3A_270 = tpu.memref_squeeze %dma_wait3A_269 : memref<1x40x128xi32, #tpu.memory_space<hbm>> -> memref<40x128xi32, #tpu.memory_space<hbm>>
      tpu.wait_dma2 semaphore(%run_scoped3A : memref<!tpu.dma_semaphore, #tpu.memory_space<semaphore_mem>>) src(%dma_wait3A_270 : memref<40x128xi32, #tpu.memory_space<hbm>>) dst(%arg8 : memref<40x128xi32, #tpu.memory_space<vmem>>)
      tpu.yield
    }) : () -> ()
    %dma_start3A_68 = arith.constant 0 : i32
    %dma_start3A_69 = arith.constant 0 : i32
    %dma_start3A_70 = tpu.memref_slice %arg7[%dma_start3A_68, %dma_start3A_69] : memref<40x128xi32, #tpu.memory_space<vmem>> -> memref<1x128xi32, #tpu.memory_space<vmem>>
    %dma_start3A_71 = tpu.memref_squeeze %dma_start3A_70 : memref<1x128xi32, #tpu.memory_space<vmem>> -> memref<128xi32, #tpu.memory_space<vmem>>
    %dma_start3A_72 = arith.constant 0 : i32
    %dma_start3A_73 = arith.constant 0 : i32
    %dma_start3A_74 = tpu.memref_slice %arg13[%dma_start3A_72, %dma_start3A_73] : memref<10112x64xf32, #tpu.memory_space<vmem_shared>> -> memref<10112x64xf32, #tpu.memory_space<vmem_shared>>
    tpu.enqueue_indirect_dma source(%dma_start3A_74 : memref<10112x64xf32, #tpu.memory_space<vmem_shared>>) target(%arg9 : memref<128x64xf32, #tpu.memory_space<vmem>>) offsets(%dma_start3A_71 : memref<128xi32, #tpu.memory_space<vmem>>) semaphore(%arg15 : memref<!tpu.dma_semaphore, #tpu.memory_space<semaphore_mem>>)
    %dma_start3A_75 = arith.constant 1 : i32
    %dma_start3A_76 = arith.constant 0 : i32
    %dma_start3A_77 = tpu.memref_slice %arg7[%dma_start3A_75, %dma_start3A_76] : memref<40x128xi32, #tpu.memory_space<vmem>> -> memref<1x128xi32, #tpu.memory_space<vmem>>
    %dma_start3A_78 = tpu.memref_squeeze %dma_start3A_77 : memref<1x128xi32, #tpu.memory_space<vmem>> -> memref<128xi32, #tpu.memory_space<vmem>>
    %dma_start3A_79 = arith.constant 0 : i32
    %dma_start3A_80 = arith.constant 0 : i32
    %dma_start3A_81 = tpu.memref_slice %arg13[%dma_start3A_79, %dma_start3A_80] : memref<10112x64xf32, #tpu.memory_space<vmem_shared>> -> memref<10112x64xf32, #tpu.memory_space<vmem_shared>>
    tpu.enqueue_indirect_dma source(%dma_start3A_81 : memref<10112x64xf32, #tpu.memory_space<vmem_shared>>) target(%arg10 : memref<128x64xf32, #tpu.memory_space<vmem>>) offsets(%dma_start3A_78 : memref<128xi32, #tpu.memory_space<vmem>>) semaphore(%arg16 : memref<!tpu.dma_semaphore, #tpu.memory_space<semaphore_mem>>)
    %dma_start3A_82 = arith.constant 2 : i32
    %dma_start3A_83 = arith.constant 0 : i32
    %dma_start3A_84 = tpu.memref_slice %arg7[%dma_start3A_82, %dma_start3A_83] : memref<40x128xi32, #tpu.memory_space<vmem>> -> memref<1x128xi32, #tpu.memory_space<vmem>>
    %dma_start3A_85 = tpu.memref_squeeze %dma_start3A_84 : memref<1x128xi32, #tpu.memory_space<vmem>> -> memref<128xi32, #tpu.memory_space<vmem>>
    %dma_start3A_86 = arith.constant 0 : i32
    %dma_start3A_87 = arith.constant 0 : i32
    %dma_start3A_88 = tpu.memref_slice %arg13[%dma_start3A_86, %dma_start3A_87] : memref<10112x64xf32, #tpu.memory_space<vmem_shared>> -> memref<10112x64xf32, #tpu.memory_space<vmem_shared>>
    tpu.enqueue_indirect_dma source(%dma_start3A_88 : memref<10112x64xf32, #tpu.memory_space<vmem_shared>>) target(%arg11 : memref<128x64xf32, #tpu.memory_space<vmem>>) offsets(%dma_start3A_85 : memref<128xi32, #tpu.memory_space<vmem>>) semaphore(%arg17 : memref<!tpu.dma_semaphore, #tpu.memory_space<semaphore_mem>>)
    %dma_start3A_89 = arith.constant 3 : i32
    %dma_start3A_90 = arith.constant 0 : i32
    %dma_start3A_91 = tpu.memref_slice %arg7[%dma_start3A_89, %dma_start3A_90] : memref<40x128xi32, #tpu.memory_space<vmem>> -> memref<1x128xi32, #tpu.memory_space<vmem>>
    %dma_start3A_92 = tpu.memref_squeeze %dma_start3A_91 : memref<1x128xi32, #tpu.memory_space<vmem>> -> memref<128xi32, #tpu.memory_space<vmem>>
    %dma_start3A_93 = arith.constant 0 : i32
    %dma_start3A_94 = arith.constant 0 : i32
    %dma_start3A_95 = tpu.memref_slice %arg13[%dma_start3A_93, %dma_start3A_94] : memref<10112x64xf32, #tpu.memory_space<vmem_shared>> -> memref<10112x64xf32, #tpu.memory_space<vmem_shared>>
    tpu.enqueue_indirect_dma source(%dma_start3A_95 : memref<10112x64xf32, #tpu.memory_space<vmem_shared>>) target(%arg12 : memref<128x64xf32, #tpu.memory_space<vmem>>) offsets(%dma_start3A_92 : memref<128xi32, #tpu.memory_space<vmem>>) semaphore(%arg18 : memref<!tpu.dma_semaphore, #tpu.memory_space<semaphore_mem>>)
    %scan3A_96 = arith.constant 0 : i32
    %scan3A_97 = arith.constant 0 : i32
    %scan3A_98 = arith.constant 10 : i32
    %scan3A_99 = arith.addi %scan3A_97, %scan3A_98 : i32
    %scan3A_100 = arith.constant 1 : i32
    scf.for %scan3A_255 = %scan3A_97 to %scan3A_99 step %scan3A_100  : i32 {
      %mul3A_256 = arith.constant 4 : i32
      %mul3A_257 = arith.muli %scan3A_255, %mul3A_256 : i32
      %add3A = arith.constant 0 : i32
      %add3A_258 = arith.addi %mul3A_257, %add3A : i32
      %dma_wait3A_259 = arith.constant 0 : i32
      %dma_wait3A_260 = arith.constant 0 : i32
      %dma_wait3A_261 = tpu.memref_slice %arg7[%dma_wait3A_259, %dma_wait3A_260] : memref<40x128xi32, #tpu.memory_space<vmem>> -> memref<1x128xi32, #tpu.memory_space<vmem>>
      %dma_wait3A_262 = tpu.memref_squeeze %dma_wait3A_261 : memref<1x128xi32, #tpu.memory_space<vmem>> -> memref<128xi32, #tpu.memory_space<vmem>>
      %dma_wait3A_263 = arith.constant 0 : i32
      %dma_wait3A_264 = arith.constant 0 : i32
      %dma_wait3A_265 = tpu.memref_slice %arg13[%dma_wait3A_263, %dma_wait3A_264] : memref<10112x64xf32, #tpu.memory_space<vmem_shared>> -> memref<10112x64xf32, #tpu.memory_space<vmem_shared>>
      tpu.wait_indirect_dma semaphore(%arg15 : memref<!tpu.dma_semaphore, #tpu.memory_space<semaphore_mem>>) src(%dma_wait3A_265 : memref<10112x64xf32, #tpu.memory_space<vmem_shared>>) dst(%arg9 : memref<128x64xf32, #tpu.memory_space<vmem>>)
      %dma_start3A_266 = arith.constant 0 : i32
      %dma_start3A_267 = tpu.memref_slice %arg8[%add3A_258, %dma_start3A_266] : memref<40x128xi32, #tpu.memory_space<vmem>> -> memref<1x128xi32, #tpu.memory_space<vmem>>
      %dma_start3A_268 = tpu.memref_squeeze %dma_start3A_267 : memref<1x128xi32, #tpu.memory_space<vmem>> -> memref<128xi32, #tpu.memory_space<vmem>>
      %dma_start3A_269 = arith.constant 0 : i32
      %dma_start3A_270 = arith.constant 0 : i32
      %dma_start3A_271 = tpu.memref_slice %arg14[%dma_start3A_269, %dma_start3A_270] : memref<10112x64xf32, #tpu.memory_space<vmem_shared>> -> memref<10112x64xf32, #tpu.memory_space<vmem_shared>>
      tpu.enqueue_indirect_dma source(%arg9 : memref<128x64xf32, #tpu.memory_space<vmem>>) target(%dma_start3A_271 : memref<10112x64xf32, #tpu.memory_space<vmem_shared>>) offsets(%dma_start3A_268 : memref<128xi32, #tpu.memory_space<vmem>>) semaphore(%arg19 : memref<!tpu.dma_semaphore, #tpu.memory_space<semaphore_mem>>) {add = true}
      %add3A_272 = arith.constant 2 : i32
      %add3A_273 = arith.addi %add3A_258, %add3A_272 : i32
      %ge3A = arith.constant 4 : i32
      %ge3A_274 = arith.cmpi sge, %add3A_273, %ge3A : i32
      %lt3A_275 = arith.constant 40 : i32
      %lt3A_276 = arith.cmpi slt, %add3A_273, %lt3A_275 : i32
      %and3A = arith.andi %ge3A_274, %lt3A_276 : i1
      %convert_element_type3A_277 = arith.extui %and3A : i1 to i32
      %cond3A_278 = arith.constant 0 : i32
      %cond3A_279 = arith.cmpi ne, %convert_element_type3A_277, %cond3A_278 : i32
      scf.if %cond3A_279 {
        %dma_wait3A_361 = arith.constant 0 : i32
        %dma_wait3A_362 = arith.constant 0 : i32
        %dma_wait3A_363 = tpu.memref_slice %arg8[%dma_wait3A_361, %dma_wait3A_362] : memref<40x128xi32, #tpu.memory_space<vmem>> -> memref<1x128xi32, #tpu.memory_space<vmem>>
        %dma_wait3A_364 = tpu.memref_squeeze %dma_wait3A_363 : memref<1x128xi32, #tpu.memory_space<vmem>> -> memref<128xi32, #tpu.memory_space<vmem>>
        %dma_wait3A_365 = arith.constant 0 : i32
        %dma_wait3A_366 = arith.constant 0 : i32
        %dma_wait3A_367 = tpu.memref_slice %arg14[%dma_wait3A_365, %dma_wait3A_366] : memref<10112x64xf32, #tpu.memory_space<vmem_shared>> -> memref<10112x64xf32, #tpu.memory_space<vmem_shared>>
        tpu.wait_indirect_dma semaphore(%arg21 : memref<!tpu.dma_semaphore, #tpu.memory_space<semaphore_mem>>) src(%arg11 : memref<128x64xf32, #tpu.memory_space<vmem>>) dst(%dma_wait3A_367 : memref<10112x64xf32, #tpu.memory_space<vmem_shared>>)
        %dma_start3A_368 = arith.constant 0 : i32
        %dma_start3A_369 = tpu.memref_slice %arg7[%add3A_273, %dma_start3A_368] : memref<40x128xi32, #tpu.memory_space<vmem>> -> memref<1x128xi32, #tpu.memory_space<vmem>>
        %dma_start3A_370 = tpu.memref_squeeze %dma_start3A_369 : memref<1x128xi32, #tpu.memory_space<vmem>> -> memref<128xi32, #tpu.memory_space<vmem>>
        %dma_start3A_371 = arith.constant 0 : i32
        %dma_start3A_372 = arith.constant 0 : i32
        %dma_start3A_373 = tpu.memref_slice %arg13[%dma_start3A_371, %dma_start3A_372] : memref<10112x64xf32, #tpu.memory_space<vmem_shared>> -> memref<10112x64xf32, #tpu.memory_space<vmem_shared>>
        tpu.enqueue_indirect_dma source(%dma_start3A_373 : memref<10112x64xf32, #tpu.memory_space<vmem_shared>>) target(%arg11 : memref<128x64xf32, #tpu.memory_space<vmem>>) offsets(%dma_start3A_370 : memref<128xi32, #tpu.memory_space<vmem>>) semaphore(%arg17 : memref<!tpu.dma_semaphore, #tpu.memory_space<semaphore_mem>>)
      } else {
      }
      %mul3A_280 = arith.constant 4 : i32
      %mul3A_281 = arith.muli %scan3A_255, %mul3A_280 : i32
      %add3A_282 = arith.constant 1 : i32
      %add3A_283 = arith.addi %mul3A_281, %add3A_282 : i32
      %dma_wait3A_284 = arith.constant 0 : i32
      %dma_wait3A_285 = arith.constant 0 : i32
      %dma_wait3A_286 = tpu.memref_slice %arg7[%dma_wait3A_284, %dma_wait3A_285] : memref<40x128xi32, #tpu.memory_space<vmem>> -> memref<1x128xi32, #tpu.memory_space<vmem>>
      %dma_wait3A_287 = tpu.memref_squeeze %dma_wait3A_286 : memref<1x128xi32, #tpu.memory_space<vmem>> -> memref<128xi32, #tpu.memory_space<vmem>>
      %dma_wait3A_288 = arith.constant 0 : i32
      %dma_wait3A_289 = arith.constant 0 : i32
      %dma_wait3A_290 = tpu.memref_slice %arg13[%dma_wait3A_288, %dma_wait3A_289] : memref<10112x64xf32, #tpu.memory_space<vmem_shared>> -> memref<10112x64xf32, #tpu.memory_space<vmem_shared>>
      tpu.wait_indirect_dma semaphore(%arg16 : memref<!tpu.dma_semaphore, #tpu.memory_space<semaphore_mem>>) src(%dma_wait3A_290 : memref<10112x64xf32, #tpu.memory_space<vmem_shared>>) dst(%arg10 : memref<128x64xf32, #tpu.memory_space<vmem>>)
      %dma_start3A_291 = arith.constant 0 : i32
      %dma_start3A_292 = tpu.memref_slice %arg8[%add3A_283, %dma_start3A_291] : memref<40x128xi32, #tpu.memory_space<vmem>> -> memref<1x128xi32, #tpu.memory_space<vmem>>
      %dma_start3A_293 = tpu.memref_squeeze %dma_start3A_292 : memref<1x128xi32, #tpu.memory_space<vmem>> -> memref<128xi32, #tpu.memory_space<vmem>>
      %dma_start3A_294 = arith.constant 0 : i32
      %dma_start3A_295 = arith.constant 0 : i32
      %dma_start3A_296 = tpu.memref_slice %arg14[%dma_start3A_294, %dma_start3A_295] : memref<10112x64xf32, #tpu.memory_space<vmem_shared>> -> memref<10112x64xf32, #tpu.memory_space<vmem_shared>>
      tpu.enqueue_indirect_dma source(%arg10 : memref<128x64xf32, #tpu.memory_space<vmem>>) target(%dma_start3A_296 : memref<10112x64xf32, #tpu.memory_space<vmem_shared>>) offsets(%dma_start3A_293 : memref<128xi32, #tpu.memory_space<vmem>>) semaphore(%arg20 : memref<!tpu.dma_semaphore, #tpu.memory_space<semaphore_mem>>) {add = true}
      %add3A_297 = arith.constant 2 : i32
      %add3A_298 = arith.addi %add3A_283, %add3A_297 : i32
      %ge3A_299 = arith.constant 4 : i32
      %ge3A_300 = arith.cmpi sge, %add3A_298, %ge3A_299 : i32
      %lt3A_301 = arith.constant 40 : i32
      %lt3A_302 = arith.cmpi slt, %add3A_298, %lt3A_301 : i32
      %and3A_303 = arith.andi %ge3A_300, %lt3A_302 : i1
      %convert_element_type3A_304 = arith.extui %and3A_303 : i1 to i32
      %cond3A_305 = arith.constant 0 : i32
      %cond3A_306 = arith.cmpi ne, %convert_element_type3A_304, %cond3A_305 : i32
      scf.if %cond3A_306 {
        %dma_wait3A_361 = arith.constant 0 : i32
        %dma_wait3A_362 = arith.constant 0 : i32
        %dma_wait3A_363 = tpu.memref_slice %arg8[%dma_wait3A_361, %dma_wait3A_362] : memref<40x128xi32, #tpu.memory_space<vmem>> -> memref<1x128xi32, #tpu.memory_space<vmem>>
        %dma_wait3A_364 = tpu.memref_squeeze %dma_wait3A_363 : memref<1x128xi32, #tpu.memory_space<vmem>> -> memref<128xi32, #tpu.memory_space<vmem>>
        %dma_wait3A_365 = arith.constant 0 : i32
        %dma_wait3A_366 = arith.constant 0 : i32
        %dma_wait3A_367 = tpu.memref_slice %arg14[%dma_wait3A_365, %dma_wait3A_366] : memref<10112x64xf32, #tpu.memory_space<vmem_shared>> -> memref<10112x64xf32, #tpu.memory_space<vmem_shared>>
        tpu.wait_indirect_dma semaphore(%arg22 : memref<!tpu.dma_semaphore, #tpu.memory_space<semaphore_mem>>) src(%arg12 : memref<128x64xf32, #tpu.memory_space<vmem>>) dst(%dma_wait3A_367 : memref<10112x64xf32, #tpu.memory_space<vmem_shared>>)
        %dma_start3A_368 = arith.constant 0 : i32
        %dma_start3A_369 = tpu.memref_slice %arg7[%add3A_298, %dma_start3A_368] : memref<40x128xi32, #tpu.memory_space<vmem>> -> memref<1x128xi32, #tpu.memory_space<vmem>>
        %dma_start3A_370 = tpu.memref_squeeze %dma_start3A_369 : memref<1x128xi32, #tpu.memory_space<vmem>> -> memref<128xi32, #tpu.memory_space<vmem>>
        %dma_start3A_371 = arith.constant 0 : i32
        %dma_start3A_372 = arith.constant 0 : i32
        %dma_start3A_373 = tpu.memref_slice %arg13[%dma_start3A_371, %dma_start3A_372] : memref<10112x64xf32, #tpu.memory_space<vmem_shared>> -> memref<10112x64xf32, #tpu.memory_space<vmem_shared>>
        tpu.enqueue_indirect_dma source(%dma_start3A_373 : memref<10112x64xf32, #tpu.memory_space<vmem_shared>>) target(%arg12 : memref<128x64xf32, #tpu.memory_space<vmem>>) offsets(%dma_start3A_370 : memref<128xi32, #tpu.memory_space<vmem>>) semaphore(%arg18 : memref<!tpu.dma_semaphore, #tpu.memory_space<semaphore_mem>>)
      } else {
      }
      %mul3A_307 = arith.constant 4 : i32
      %mul3A_308 = arith.muli %scan3A_255, %mul3A_307 : i32
      %add3A_309 = arith.constant 2 : i32
      %add3A_310 = arith.addi %mul3A_308, %add3A_309 : i32
      %dma_wait3A_311 = arith.constant 0 : i32
      %dma_wait3A_312 = arith.constant 0 : i32
      %dma_wait3A_313 = tpu.memref_slice %arg7[%dma_wait3A_311, %dma_wait3A_312] : memref<40x128xi32, #tpu.memory_space<vmem>> -> memref<1x128xi32, #tpu.memory_space<vmem>>
      %dma_wait3A_314 = tpu.memref_squeeze %dma_wait3A_313 : memref<1x128xi32, #tpu.memory_space<vmem>> -> memref<128xi32, #tpu.memory_space<vmem>>
      %dma_wait3A_315 = arith.constant 0 : i32
      %dma_wait3A_316 = arith.constant 0 : i32
      %dma_wait3A_317 = tpu.memref_slice %arg13[%dma_wait3A_315, %dma_wait3A_316] : memref<10112x64xf32, #tpu.memory_space<vmem_shared>> -> memref<10112x64xf32, #tpu.memory_space<vmem_shared>>
      tpu.wait_indirect_dma semaphore(%arg17 : memref<!tpu.dma_semaphore, #tpu.memory_space<semaphore_mem>>) src(%dma_wait3A_317 : memref<10112x64xf32, #tpu.memory_space<vmem_shared>>) dst(%arg11 : memref<128x64xf32, #tpu.memory_space<vmem>>)
      %dma_start3A_318 = arith.constant 0 : i32
      %dma_start3A_319 = tpu.memref_slice %arg8[%add3A_310, %dma_start3A_318] : memref<40x128xi32, #tpu.memory_space<vmem>> -> memref<1x128xi32, #tpu.memory_space<vmem>>
      %dma_start3A_320 = tpu.memref_squeeze %dma_start3A_319 : memref<1x128xi32, #tpu.memory_space<vmem>> -> memref<128xi32, #tpu.memory_space<vmem>>
      %dma_start3A_321 = arith.constant 0 : i32
      %dma_start3A_322 = arith.constant 0 : i32
      %dma_start3A_323 = tpu.memref_slice %arg14[%dma_start3A_321, %dma_start3A_322] : memref<10112x64xf32, #tpu.memory_space<vmem_shared>> -> memref<10112x64xf32, #tpu.memory_space<vmem_shared>>
      tpu.enqueue_indirect_dma source(%arg11 : memref<128x64xf32, #tpu.memory_space<vmem>>) target(%dma_start3A_323 : memref<10112x64xf32, #tpu.memory_space<vmem_shared>>) offsets(%dma_start3A_320 : memref<128xi32, #tpu.memory_space<vmem>>) semaphore(%arg21 : memref<!tpu.dma_semaphore, #tpu.memory_space<semaphore_mem>>) {add = true}
      %add3A_324 = arith.constant 2 : i32
      %add3A_325 = arith.addi %add3A_310, %add3A_324 : i32
      %ge3A_326 = arith.constant 4 : i32
      %ge3A_327 = arith.cmpi sge, %add3A_325, %ge3A_326 : i32
      %lt3A_328 = arith.constant 40 : i32
      %lt3A_329 = arith.cmpi slt, %add3A_325, %lt3A_328 : i32
      %and3A_330 = arith.andi %ge3A_327, %lt3A_329 : i1
      %convert_element_type3A_331 = arith.extui %and3A_330 : i1 to i32
      %cond3A_332 = arith.constant 0 : i32
      %cond3A_333 = arith.cmpi ne, %convert_element_type3A_331, %cond3A_332 : i32
      scf.if %cond3A_333 {
        %dma_wait3A_361 = arith.constant 0 : i32
        %dma_wait3A_362 = arith.constant 0 : i32
        %dma_wait3A_363 = tpu.memref_slice %arg8[%dma_wait3A_361, %dma_wait3A_362] : memref<40x128xi32, #tpu.memory_space<vmem>> -> memref<1x128xi32, #tpu.memory_space<vmem>>
        %dma_wait3A_364 = tpu.memref_squeeze %dma_wait3A_363 : memref<1x128xi32, #tpu.memory_space<vmem>> -> memref<128xi32, #tpu.memory_space<vmem>>
        %dma_wait3A_365 = arith.constant 0 : i32
        %dma_wait3A_366 = arith.constant 0 : i32
        %dma_wait3A_367 = tpu.memref_slice %arg14[%dma_wait3A_365, %dma_wait3A_366] : memref<10112x64xf32, #tpu.memory_space<vmem_shared>> -> memref<10112x64xf32, #tpu.memory_space<vmem_shared>>
        tpu.wait_indirect_dma semaphore(%arg19 : memref<!tpu.dma_semaphore, #tpu.memory_space<semaphore_mem>>) src(%arg9 : memref<128x64xf32, #tpu.memory_space<vmem>>) dst(%dma_wait3A_367 : memref<10112x64xf32, #tpu.memory_space<vmem_shared>>)
        %dma_start3A_368 = arith.constant 0 : i32
        %dma_start3A_369 = tpu.memref_slice %arg7[%add3A_325, %dma_start3A_368] : memref<40x128xi32, #tpu.memory_space<vmem>> -> memref<1x128xi32, #tpu.memory_space<vmem>>
        %dma_start3A_370 = tpu.memref_squeeze %dma_start3A_369 : memref<1x128xi32, #tpu.memory_space<vmem>> -> memref<128xi32, #tpu.memory_space<vmem>>
        %dma_start3A_371 = arith.constant 0 : i32
        %dma_start3A_372 = arith.constant 0 : i32
        %dma_start3A_373 = tpu.memref_slice %arg13[%dma_start3A_371, %dma_start3A_372] : memref<10112x64xf32, #tpu.memory_space<vmem_shared>> -> memref<10112x64xf32, #tpu.memory_space<vmem_shared>>
        tpu.enqueue_indirect_dma source(%dma_start3A_373 : memref<10112x64xf32, #tpu.memory_space<vmem_shared>>) target(%arg9 : memref<128x64xf32, #tpu.memory_space<vmem>>) offsets(%dma_start3A_370 : memref<128xi32, #tpu.memory_space<vmem>>) semaphore(%arg15 : memref<!tpu.dma_semaphore, #tpu.memory_space<semaphore_mem>>)
      } else {
      }
      %mul3A_334 = arith.constant 4 : i32
      %mul3A_335 = arith.muli %scan3A_255, %mul3A_334 : i32
      %add3A_336 = arith.constant 3 : i32
      %add3A_337 = arith.addi %mul3A_335, %add3A_336 : i32
      %dma_wait3A_338 = arith.constant 0 : i32
      %dma_wait3A_339 = arith.constant 0 : i32
      %dma_wait3A_340 = tpu.memref_slice %arg7[%dma_wait3A_338, %dma_wait3A_339] : memref<40x128xi32, #tpu.memory_space<vmem>> -> memref<1x128xi32, #tpu.memory_space<vmem>>
      %dma_wait3A_341 = tpu.memref_squeeze %dma_wait3A_340 : memref<1x128xi32, #tpu.memory_space<vmem>> -> memref<128xi32, #tpu.memory_space<vmem>>
      %dma_wait3A_342 = arith.constant 0 : i32
      %dma_wait3A_343 = arith.constant 0 : i32
      %dma_wait3A_344 = tpu.memref_slice %arg13[%dma_wait3A_342, %dma_wait3A_343] : memref<10112x64xf32, #tpu.memory_space<vmem_shared>> -> memref<10112x64xf32, #tpu.memory_space<vmem_shared>>
      tpu.wait_indirect_dma semaphore(%arg18 : memref<!tpu.dma_semaphore, #tpu.memory_space<semaphore_mem>>) src(%dma_wait3A_344 : memref<10112x64xf32, #tpu.memory_space<vmem_shared>>) dst(%arg12 : memref<128x64xf32, #tpu.memory_space<vmem>>)
      %dma_start3A_345 = arith.constant 0 : i32
      %dma_start3A_346 = tpu.memref_slice %arg8[%add3A_337, %dma_start3A_345] : memref<40x128xi32, #tpu.memory_space<vmem>> -> memref<1x128xi32, #tpu.memory_space<vmem>>
      %dma_start3A_347 = tpu.memref_squeeze %dma_start3A_346 : memref<1x128xi32, #tpu.memory_space<vmem>> -> memref<128xi32, #tpu.memory_space<vmem>>
      %dma_start3A_348 = arith.constant 0 : i32
      %dma_start3A_349 = arith.constant 0 : i32
      %dma_start3A_350 = tpu.memref_slice %arg14[%dma_start3A_348, %dma_start3A_349] : memref<10112x64xf32, #tpu.memory_space<vmem_shared>> -> memref<10112x64xf32, #tpu.memory_space<vmem_shared>>
      tpu.enqueue_indirect_dma source(%arg12 : memref<128x64xf32, #tpu.memory_space<vmem>>) target(%dma_start3A_350 : memref<10112x64xf32, #tpu.memory_space<vmem_shared>>) offsets(%dma_start3A_347 : memref<128xi32, #tpu.memory_space<vmem>>) semaphore(%arg22 : memref<!tpu.dma_semaphore, #tpu.memory_space<semaphore_mem>>) {add = true}
      %add3A_351 = arith.constant 2 : i32
      %add3A_352 = arith.addi %add3A_337, %add3A_351 : i32
      %ge3A_353 = arith.constant 4 : i32
      %ge3A_354 = arith.cmpi sge, %add3A_352, %ge3A_353 : i32
      %lt3A_355 = arith.constant 40 : i32
      %lt3A_356 = arith.cmpi slt, %add3A_352, %lt3A_355 : i32
      %and3A_357 = arith.andi %ge3A_354, %lt3A_356 : i1
      %convert_element_type3A_358 = arith.extui %and3A_357 : i1 to i32
      %cond3A_359 = arith.constant 0 : i32
      %cond3A_360 = arith.cmpi ne, %convert_element_type3A_358, %cond3A_359 : i32
      scf.if %cond3A_360 {
        %dma_wait3A_361 = arith.constant 0 : i32
        %dma_wait3A_362 = arith.constant 0 : i32
        %dma_wait3A_363 = tpu.memref_slice %arg8[%dma_wait3A_361, %dma_wait3A_362] : memref<40x128xi32, #tpu.memory_space<vmem>> -> memref<1x128xi32, #tpu.memory_space<vmem>>
        %dma_wait3A_364 = tpu.memref_squeeze %dma_wait3A_363 : memref<1x128xi32, #tpu.memory_space<vmem>> -> memref<128xi32, #tpu.memory_space<vmem>>
        %dma_wait3A_365 = arith.constant 0 : i32
        %dma_wait3A_366 = arith.constant 0 : i32
        %dma_wait3A_367 = tpu.memref_slice %arg14[%dma_wait3A_365, %dma_wait3A_366] : memref<10112x64xf32, #tpu.memory_space<vmem_shared>> -> memref<10112x64xf32, #tpu.memory_space<vmem_shared>>
        tpu.wait_indirect_dma semaphore(%arg20 : memref<!tpu.dma_semaphore, #tpu.memory_space<semaphore_mem>>) src(%arg10 : memref<128x64xf32, #tpu.memory_space<vmem>>) dst(%dma_wait3A_367 : memref<10112x64xf32, #tpu.memory_space<vmem_shared>>)
        %dma_start3A_368 = arith.constant 0 : i32
        %dma_start3A_369 = tpu.memref_slice %arg7[%add3A_352, %dma_start3A_368] : memref<40x128xi32, #tpu.memory_space<vmem>> -> memref<1x128xi32, #tpu.memory_space<vmem>>
        %dma_start3A_370 = tpu.memref_squeeze %dma_start3A_369 : memref<1x128xi32, #tpu.memory_space<vmem>> -> memref<128xi32, #tpu.memory_space<vmem>>
        %dma_start3A_371 = arith.constant 0 : i32
        %dma_start3A_372 = arith.constant 0 : i32
        %dma_start3A_373 = tpu.memref_slice %arg13[%dma_start3A_371, %dma_start3A_372] : memref<10112x64xf32, #tpu.memory_space<vmem_shared>> -> memref<10112x64xf32, #tpu.memory_space<vmem_shared>>
        tpu.enqueue_indirect_dma source(%dma_start3A_373 : memref<10112x64xf32, #tpu.memory_space<vmem_shared>>) target(%arg10 : memref<128x64xf32, #tpu.memory_space<vmem>>) offsets(%dma_start3A_370 : memref<128xi32, #tpu.memory_space<vmem>>) semaphore(%arg16 : memref<!tpu.dma_semaphore, #tpu.memory_space<semaphore_mem>>)
      } else {
      }
    }
    %scan3A_101 = arith.constant 10 : i32
    %dma_wait3A_102 = arith.constant 0 : i32
    %dma_wait3A_103 = arith.constant 0 : i32
    %dma_wait3A_104 = tpu.memref_slice %arg8[%dma_wait3A_102, %dma_wait3A_103] : memref<40x128xi32, #tpu.memory_space<vmem>> -> memref<1x128xi32, #tpu.memory_space<vmem>>
    %dma_wait3A_105 = tpu.memref_squeeze %dma_wait3A_104 : memref<1x128xi32, #tpu.memory_space<vmem>> -> memref<128xi32, #tpu.memory_space<vmem>>
    %dma_wait3A_106 = arith.constant 0 : i32
    %dma_wait3A_107 = arith.constant 0 : i32
    %dma_wait3A_108 = tpu.memref_slice %arg14[%dma_wait3A_106, %dma_wait3A_107] : memref<10112x64xf32, #tpu.memory_space<vmem_shared>> -> memref<10112x64xf32, #tpu.memory_space<vmem_shared>>
    tpu.wait_indirect_dma semaphore(%arg19 : memref<!tpu.dma_semaphore, #tpu.memory_space<semaphore_mem>>) src(%arg9 : memref<128x64xf32, #tpu.memory_space<vmem>>) dst(%dma_wait3A_108 : memref<10112x64xf32, #tpu.memory_space<vmem_shared>>)
    %dma_wait3A_109 = arith.constant 0 : i32
    %dma_wait3A_110 = arith.constant 0 : i32
    %dma_wait3A_111 = tpu.memref_slice %arg8[%dma_wait3A_109, %dma_wait3A_110] : memref<40x128xi32, #tpu.memory_space<vmem>> -> memref<1x128xi32, #tpu.memory_space<vmem>>
    %dma_wait3A_112 = tpu.memref_squeeze %dma_wait3A_111 : memref<1x128xi32, #tpu.memory_space<vmem>> -> memref<128xi32, #tpu.memory_space<vmem>>
    %dma_wait3A_113 = arith.constant 0 : i32
    %dma_wait3A_114 = arith.constant 0 : i32
    %dma_wait3A_115 = tpu.memref_slice %arg14[%dma_wait3A_113, %dma_wait3A_114] : memref<10112x64xf32, #tpu.memory_space<vmem_shared>> -> memref<10112x64xf32, #tpu.memory_space<vmem_shared>>
    tpu.wait_indirect_dma semaphore(%arg20 : memref<!tpu.dma_semaphore, #tpu.memory_space<semaphore_mem>>) src(%arg10 : memref<128x64xf32, #tpu.memory_space<vmem>>) dst(%dma_wait3A_115 : memref<10112x64xf32, #tpu.memory_space<vmem_shared>>)
    %dma_wait3A_116 = arith.constant 0 : i32
    %dma_wait3A_117 = arith.constant 0 : i32
    %dma_wait3A_118 = tpu.memref_slice %arg8[%dma_wait3A_116, %dma_wait3A_117] : memref<40x128xi32, #tpu.memory_space<vmem>> -> memref<1x128xi32, #tpu.memory_space<vmem>>
    %dma_wait3A_119 = tpu.memref_squeeze %dma_wait3A_118 : memref<1x128xi32, #tpu.memory_space<vmem>> -> memref<128xi32, #tpu.memory_space<vmem>>
    %dma_wait3A_120 = arith.constant 0 : i32
    %dma_wait3A_121 = arith.constant 0 : i32
    %dma_wait3A_122 = tpu.memref_slice %arg14[%dma_wait3A_120, %dma_wait3A_121] : memref<10112x64xf32, #tpu.memory_space<vmem_shared>> -> memref<10112x64xf32, #tpu.memory_space<vmem_shared>>
    tpu.wait_indirect_dma semaphore(%arg21 : memref<!tpu.dma_semaphore, #tpu.memory_space<semaphore_mem>>) src(%arg11 : memref<128x64xf32, #tpu.memory_space<vmem>>) dst(%dma_wait3A_122 : memref<10112x64xf32, #tpu.memory_space<vmem_shared>>)
    %dma_wait3A_123 = arith.constant 0 : i32
    %dma_wait3A_124 = arith.constant 0 : i32
    %dma_wait3A_125 = tpu.memref_slice %arg8[%dma_wait3A_123, %dma_wait3A_124] : memref<40x128xi32, #tpu.memory_space<vmem>> -> memref<1x128xi32, #tpu.memory_space<vmem>>
    %dma_wait3A_126 = tpu.memref_squeeze %dma_wait3A_125 : memref<1x128xi32, #tpu.memory_space<vmem>> -> memref<128xi32, #tpu.memory_space<vmem>>
    %dma_wait3A_127 = arith.constant 0 : i32
    %dma_wait3A_128 = arith.constant 0 : i32
    %dma_wait3A_129 = tpu.memref_slice %arg14[%dma_wait3A_127, %dma_wait3A_128] : memref<10112x64xf32, #tpu.memory_space<vmem_shared>> -> memref<10112x64xf32, #tpu.memory_space<vmem_shared>>
    tpu.wait_indirect_dma semaphore(%arg22 : memref<!tpu.dma_semaphore, #tpu.memory_space<semaphore_mem>>) src(%arg12 : memref<128x64xf32, #tpu.memory_space<vmem>>) dst(%dma_wait3A_129 : memref<10112x64xf32, #tpu.memory_space<vmem_shared>>)
    "tpu.region"() ({
      %run_scoped3A = tpu.sem_alloc : memref<!tpu.dma_semaphore, #tpu.memory_space<semaphore_mem>>
      %dma_start3A_255 = arith.constant 80 : i32
      %dma_start3A_256 = arith.constant 0 : i32
      %dma_start3A_257 = tpu.memref_slice %arg3[%arg1, %dma_start3A_255, %dma_start3A_256] : memref<16x160x128xi32, #tpu.memory_space<hbm>> -> memref<1x40x128xi32, #tpu.memory_space<hbm>>
      %dma_start3A_258 = tpu.memref_squeeze %dma_start3A_257 : memref<1x40x128xi32, #tpu.memory_space<hbm>> -> memref<40x128xi32, #tpu.memory_space<hbm>>
      %dma_start3A_259 = arith.constant 80 : i32
      %dma_start3A_260 = arith.constant 0 : i32
      %dma_start3A_261 = tpu.memref_slice %arg3[%arg1, %dma_start3A_259, %dma_start3A_260] : memref<16x160x128xi32, #tpu.memory_space<hbm>> -> memref<1x40x128xi32, #tpu.memory_space<hbm>>
      %dma_start3A_262 = tpu.memref_squeeze %dma_start3A_261 : memref<1x40x128xi32, #tpu.memory_space<hbm>> -> memref<40x128xi32, #tpu.memory_space<hbm>>
      tpu.enqueue_dma source(%dma_start3A_262 : memref<40x128xi32, #tpu.memory_space<hbm>>) target(%arg7 : memref<40x128xi32, #tpu.memory_space<vmem>>) target_semaphore(%run_scoped3A : memref<!tpu.dma_semaphore, #tpu.memory_space<semaphore_mem>>)
      %dma_wait3A_263 = arith.constant 80 : i32
      %dma_wait3A_264 = arith.constant 0 : i32
      %dma_wait3A_265 = tpu.memref_slice %arg3[%arg1, %dma_wait3A_263, %dma_wait3A_264] : memref<16x160x128xi32, #tpu.memory_space<hbm>> -> memref<1x40x128xi32, #tpu.memory_space<hbm>>
      %dma_wait3A_266 = tpu.memref_squeeze %dma_wait3A_265 : memref<1x40x128xi32, #tpu.memory_space<hbm>> -> memref<40x128xi32, #tpu.memory_space<hbm>>
      %dma_wait3A_267 = arith.constant 80 : i32
      %dma_wait3A_268 = arith.constant 0 : i32
      %dma_wait3A_269 = tpu.memref_slice %arg3[%arg1, %dma_wait3A_267, %dma_wait3A_268] : memref<16x160x128xi32, #tpu.memory_space<hbm>> -> memref<1x40x128xi32, #tpu.memory_space<hbm>>
      %dma_wait3A_270 = tpu.memref_squeeze %dma_wait3A_269 : memref<1x40x128xi32, #tpu.memory_space<hbm>> -> memref<40x128xi32, #tpu.memory_space<hbm>>
      tpu.wait_dma2 semaphore(%run_scoped3A : memref<!tpu.dma_semaphore, #tpu.memory_space<semaphore_mem>>) src(%dma_wait3A_270 : memref<40x128xi32, #tpu.memory_space<hbm>>) dst(%arg7 : memref<40x128xi32, #tpu.memory_space<vmem>>)
      tpu.yield
    }) : () -> ()
    "tpu.region"() ({
      %run_scoped3A = tpu.sem_alloc : memref<!tpu.dma_semaphore, #tpu.memory_space<semaphore_mem>>
      %dma_start3A_255 = arith.constant 80 : i32
      %dma_start3A_256 = arith.constant 0 : i32
      %dma_start3A_257 = tpu.memref_slice %arg4[%arg1, %dma_start3A_255, %dma_start3A_256] : memref<16x160x128xi32, #tpu.memory_space<hbm>> -> memref<1x40x128xi32, #tpu.memory_space<hbm>>
      %dma_start3A_258 = tpu.memref_squeeze %dma_start3A_257 : memref<1x40x128xi32, #tpu.memory_space<hbm>> -> memref<40x128xi32, #tpu.memory_space<hbm>>
      %dma_start3A_259 = arith.constant 80 : i32
      %dma_start3A_260 = arith.constant 0 : i32
      %dma_start3A_261 = tpu.memref_slice %arg4[%arg1, %dma_start3A_259, %dma_start3A_260] : memref<16x160x128xi32, #tpu.memory_space<hbm>> -> memref<1x40x128xi32, #tpu.memory_space<hbm>>
      %dma_start3A_262 = tpu.memref_squeeze %dma_start3A_261 : memref<1x40x128xi32, #tpu.memory_space<hbm>> -> memref<40x128xi32, #tpu.memory_space<hbm>>
      tpu.enqueue_dma source(%dma_start3A_262 : memref<40x128xi32, #tpu.memory_space<hbm>>) target(%arg8 : memref<40x128xi32, #tpu.memory_space<vmem>>) target_semaphore(%run_scoped3A : memref<!tpu.dma_semaphore, #tpu.memory_space<semaphore_mem>>)
      %dma_wait3A_263 = arith.constant 80 : i32
      %dma_wait3A_264 = arith.constant 0 : i32
      %dma_wait3A_265 = tpu.memref_slice %arg4[%arg1, %dma_wait3A_263, %dma_wait3A_264] : memref<16x160x128xi32, #tpu.memory_space<hbm>> -> memref<1x40x128xi32, #tpu.memory_space<hbm>>
      %dma_wait3A_266 = tpu.memref_squeeze %dma_wait3A_265 : memref<1x40x128xi32, #tpu.memory_space<hbm>> -> memref<40x128xi32, #tpu.memory_space<hbm>>
      %dma_wait3A_267 = arith.constant 80 : i32
      %dma_wait3A_268 = arith.constant 0 : i32
      %dma_wait3A_269 = tpu.memref_slice %arg4[%arg1, %dma_wait3A_267, %dma_wait3A_268] : memref<16x160x128xi32, #tpu.memory_space<hbm>> -> memref<1x40x128xi32, #tpu.memory_space<hbm>>
      %dma_wait3A_270 = tpu.memref_squeeze %dma_wait3A_269 : memref<1x40x128xi32, #tpu.memory_space<hbm>> -> memref<40x128xi32, #tpu.memory_space<hbm>>
      tpu.wait_dma2 semaphore(%run_scoped3A : memref<!tpu.dma_semaphore, #tpu.memory_space<semaphore_mem>>) src(%dma_wait3A_270 : memref<40x128xi32, #tpu.memory_space<hbm>>) dst(%arg8 : memref<40x128xi32, #tpu.memory_space<vmem>>)
      tpu.yield
    }) : () -> ()
    %dma_start3A_130 = arith.constant 0 : i32
    %dma_start3A_131 = arith.constant 0 : i32
    %dma_start3A_132 = tpu.memref_slice %arg7[%dma_start3A_130, %dma_start3A_131] : memref<40x128xi32, #tpu.memory_space<vmem>> -> memref<1x128xi32, #tpu.memory_space<vmem>>
    %dma_start3A_133 = tpu.memref_squeeze %dma_start3A_132 : memref<1x128xi32, #tpu.memory_space<vmem>> -> memref<128xi32, #tpu.memory_space<vmem>>
    %dma_start3A_134 = arith.constant 0 : i32
    %dma_start3A_135 = arith.constant 0 : i32
    %dma_start3A_136 = tpu.memref_slice %arg13[%dma_start3A_134, %dma_start3A_135] : memref<10112x64xf32, #tpu.memory_space<vmem_shared>> -> memref<10112x64xf32, #tpu.memory_space<vmem_shared>>
    tpu.enqueue_indirect_dma source(%dma_start3A_136 : memref<10112x64xf32, #tpu.memory_space<vmem_shared>>) target(%arg9 : memref<128x64xf32, #tpu.memory_space<vmem>>) offsets(%dma_start3A_133 : memref<128xi32, #tpu.memory_space<vmem>>) semaphore(%arg15 : memref<!tpu.dma_semaphore, #tpu.memory_space<semaphore_mem>>)
    %dma_start3A_137 = arith.constant 1 : i32
    %dma_start3A_138 = arith.constant 0 : i32
    %dma_start3A_139 = tpu.memref_slice %arg7[%dma_start3A_137, %dma_start3A_138] : memref<40x128xi32, #tpu.memory_space<vmem>> -> memref<1x128xi32, #tpu.memory_space<vmem>>
    %dma_start3A_140 = tpu.memref_squeeze %dma_start3A_139 : memref<1x128xi32, #tpu.memory_space<vmem>> -> memref<128xi32, #tpu.memory_space<vmem>>
    %dma_start3A_141 = arith.constant 0 : i32
    %dma_start3A_142 = arith.constant 0 : i32
    %dma_start3A_143 = tpu.memref_slice %arg13[%dma_start3A_141, %dma_start3A_142] : memref<10112x64xf32, #tpu.memory_space<vmem_shared>> -> memref<10112x64xf32, #tpu.memory_space<vmem_shared>>
    tpu.enqueue_indirect_dma source(%dma_start3A_143 : memref<10112x64xf32, #tpu.memory_space<vmem_shared>>) target(%arg10 : memref<128x64xf32, #tpu.memory_space<vmem>>) offsets(%dma_start3A_140 : memref<128xi32, #tpu.memory_space<vmem>>) semaphore(%arg16 : memref<!tpu.dma_semaphore, #tpu.memory_space<semaphore_mem>>)
    %dma_start3A_144 = arith.constant 2 : i32
    %dma_start3A_145 = arith.constant 0 : i32
    %dma_start3A_146 = tpu.memref_slice %arg7[%dma_start3A_144, %dma_start3A_145] : memref<40x128xi32, #tpu.memory_space<vmem>> -> memref<1x128xi32, #tpu.memory_space<vmem>>
    %dma_start3A_147 = tpu.memref_squeeze %dma_start3A_146 : memref<1x128xi32, #tpu.memory_space<vmem>> -> memref<128xi32, #tpu.memory_space<vmem>>
    %dma_start3A_148 = arith.constant 0 : i32
    %dma_start3A_149 = arith.constant 0 : i32
    %dma_start3A_150 = tpu.memref_slice %arg13[%dma_start3A_148, %dma_start3A_149] : memref<10112x64xf32, #tpu.memory_space<vmem_shared>> -> memref<10112x64xf32, #tpu.memory_space<vmem_shared>>
    tpu.enqueue_indirect_dma source(%dma_start3A_150 : memref<10112x64xf32, #tpu.memory_space<vmem_shared>>) target(%arg11 : memref<128x64xf32, #tpu.memory_space<vmem>>) offsets(%dma_start3A_147 : memref<128xi32, #tpu.memory_space<vmem>>) semaphore(%arg17 : memref<!tpu.dma_semaphore, #tpu.memory_space<semaphore_mem>>)
    %dma_start3A_151 = arith.constant 3 : i32
    %dma_start3A_152 = arith.constant 0 : i32
    %dma_start3A_153 = tpu.memref_slice %arg7[%dma_start3A_151, %dma_start3A_152] : memref<40x128xi32, #tpu.memory_space<vmem>> -> memref<1x128xi32, #tpu.memory_space<vmem>>
    %dma_start3A_154 = tpu.memref_squeeze %dma_start3A_153 : memref<1x128xi32, #tpu.memory_space<vmem>> -> memref<128xi32, #tpu.memory_space<vmem>>
    %dma_start3A_155 = arith.constant 0 : i32
    %dma_start3A_156 = arith.constant 0 : i32
    %dma_start3A_157 = tpu.memref_slice %arg13[%dma_start3A_155, %dma_start3A_156] : memref<10112x64xf32, #tpu.memory_space<vmem_shared>> -> memref<10112x64xf32, #tpu.memory_space<vmem_shared>>
    tpu.enqueue_indirect_dma source(%dma_start3A_157 : memref<10112x64xf32, #tpu.memory_space<vmem_shared>>) target(%arg12 : memref<128x64xf32, #tpu.memory_space<vmem>>) offsets(%dma_start3A_154 : memref<128xi32, #tpu.memory_space<vmem>>) semaphore(%arg18 : memref<!tpu.dma_semaphore, #tpu.memory_space<semaphore_mem>>)
    %scan3A_158 = arith.constant 0 : i32
    %scan3A_159 = arith.constant 0 : i32
    %scan3A_160 = arith.constant 10 : i32
    %scan3A_161 = arith.addi %scan3A_159, %scan3A_160 : i32
    %scan3A_162 = arith.constant 1 : i32
    scf.for %scan3A_255 = %scan3A_159 to %scan3A_161 step %scan3A_162  : i32 {
      %mul3A_256 = arith.constant 4 : i32
      %mul3A_257 = arith.muli %scan3A_255, %mul3A_256 : i32
      %add3A = arith.constant 0 : i32
      %add3A_258 = arith.addi %mul3A_257, %add3A : i32
      %dma_wait3A_259 = arith.constant 0 : i32
      %dma_wait3A_260 = arith.constant 0 : i32
      %dma_wait3A_261 = tpu.memref_slice %arg7[%dma_wait3A_259, %dma_wait3A_260] : memref<40x128xi32, #tpu.memory_space<vmem>> -> memref<1x128xi32, #tpu.memory_space<vmem>>
      %dma_wait3A_262 = tpu.memref_squeeze %dma_wait3A_261 : memref<1x128xi32, #tpu.memory_space<vmem>> -> memref<128xi32, #tpu.memory_space<vmem>>
      %dma_wait3A_263 = arith.constant 0 : i32
      %dma_wait3A_264 = arith.constant 0 : i32
      %dma_wait3A_265 = tpu.memref_slice %arg13[%dma_wait3A_263, %dma_wait3A_264] : memref<10112x64xf32, #tpu.memory_space<vmem_shared>> -> memref<10112x64xf32, #tpu.memory_space<vmem_shared>>
      tpu.wait_indirect_dma semaphore(%arg15 : memref<!tpu.dma_semaphore, #tpu.memory_space<semaphore_mem>>) src(%dma_wait3A_265 : memref<10112x64xf32, #tpu.memory_space<vmem_shared>>) dst(%arg9 : memref<128x64xf32, #tpu.memory_space<vmem>>)
      %dma_start3A_266 = arith.constant 0 : i32
      %dma_start3A_267 = tpu.memref_slice %arg8[%add3A_258, %dma_start3A_266] : memref<40x128xi32, #tpu.memory_space<vmem>> -> memref<1x128xi32, #tpu.memory_space<vmem>>
      %dma_start3A_268 = tpu.memref_squeeze %dma_start3A_267 : memref<1x128xi32, #tpu.memory_space<vmem>> -> memref<128xi32, #tpu.memory_space<vmem>>
      %dma_start3A_269 = arith.constant 0 : i32
      %dma_start3A_270 = arith.constant 0 : i32
      %dma_start3A_271 = tpu.memref_slice %arg14[%dma_start3A_269, %dma_start3A_270] : memref<10112x64xf32, #tpu.memory_space<vmem_shared>> -> memref<10112x64xf32, #tpu.memory_space<vmem_shared>>
      tpu.enqueue_indirect_dma source(%arg9 : memref<128x64xf32, #tpu.memory_space<vmem>>) target(%dma_start3A_271 : memref<10112x64xf32, #tpu.memory_space<vmem_shared>>) offsets(%dma_start3A_268 : memref<128xi32, #tpu.memory_space<vmem>>) semaphore(%arg19 : memref<!tpu.dma_semaphore, #tpu.memory_space<semaphore_mem>>) {add = true}
      %add3A_272 = arith.constant 2 : i32
      %add3A_273 = arith.addi %add3A_258, %add3A_272 : i32
      %ge3A = arith.constant 4 : i32
      %ge3A_274 = arith.cmpi sge, %add3A_273, %ge3A : i32
      %lt3A_275 = arith.constant 40 : i32
      %lt3A_276 = arith.cmpi slt, %add3A_273, %lt3A_275 : i32
      %and3A = arith.andi %ge3A_274, %lt3A_276 : i1
      %convert_element_type3A_277 = arith.extui %and3A : i1 to i32
      %cond3A_278 = arith.constant 0 : i32
      %cond3A_279 = arith.cmpi ne, %convert_element_type3A_277, %cond3A_278 : i32
      scf.if %cond3A_279 {
        %dma_wait3A_361 = arith.constant 0 : i32
        %dma_wait3A_362 = arith.constant 0 : i32
        %dma_wait3A_363 = tpu.memref_slice %arg8[%dma_wait3A_361, %dma_wait3A_362] : memref<40x128xi32, #tpu.memory_space<vmem>> -> memref<1x128xi32, #tpu.memory_space<vmem>>
        %dma_wait3A_364 = tpu.memref_squeeze %dma_wait3A_363 : memref<1x128xi32, #tpu.memory_space<vmem>> -> memref<128xi32, #tpu.memory_space<vmem>>
        %dma_wait3A_365 = arith.constant 0 : i32
        %dma_wait3A_366 = arith.constant 0 : i32
        %dma_wait3A_367 = tpu.memref_slice %arg14[%dma_wait3A_365, %dma_wait3A_366] : memref<10112x64xf32, #tpu.memory_space<vmem_shared>> -> memref<10112x64xf32, #tpu.memory_space<vmem_shared>>
        tpu.wait_indirect_dma semaphore(%arg21 : memref<!tpu.dma_semaphore, #tpu.memory_space<semaphore_mem>>) src(%arg11 : memref<128x64xf32, #tpu.memory_space<vmem>>) dst(%dma_wait3A_367 : memref<10112x64xf32, #tpu.memory_space<vmem_shared>>)
        %dma_start3A_368 = arith.constant 0 : i32
        %dma_start3A_369 = tpu.memref_slice %arg7[%add3A_273, %dma_start3A_368] : memref<40x128xi32, #tpu.memory_space<vmem>> -> memref<1x128xi32, #tpu.memory_space<vmem>>
        %dma_start3A_370 = tpu.memref_squeeze %dma_start3A_369 : memref<1x128xi32, #tpu.memory_space<vmem>> -> memref<128xi32, #tpu.memory_space<vmem>>
        %dma_start3A_371 = arith.constant 0 : i32
        %dma_start3A_372 = arith.constant 0 : i32
        %dma_start3A_373 = tpu.memref_slice %arg13[%dma_start3A_371, %dma_start3A_372] : memref<10112x64xf32, #tpu.memory_space<vmem_shared>> -> memref<10112x64xf32, #tpu.memory_space<vmem_shared>>
        tpu.enqueue_indirect_dma source(%dma_start3A_373 : memref<10112x64xf32, #tpu.memory_space<vmem_shared>>) target(%arg11 : memref<128x64xf32, #tpu.memory_space<vmem>>) offsets(%dma_start3A_370 : memref<128xi32, #tpu.memory_space<vmem>>) semaphore(%arg17 : memref<!tpu.dma_semaphore, #tpu.memory_space<semaphore_mem>>)
      } else {
      }
      %mul3A_280 = arith.constant 4 : i32
      %mul3A_281 = arith.muli %scan3A_255, %mul3A_280 : i32
      %add3A_282 = arith.constant 1 : i32
      %add3A_283 = arith.addi %mul3A_281, %add3A_282 : i32
      %dma_wait3A_284 = arith.constant 0 : i32
      %dma_wait3A_285 = arith.constant 0 : i32
      %dma_wait3A_286 = tpu.memref_slice %arg7[%dma_wait3A_284, %dma_wait3A_285] : memref<40x128xi32, #tpu.memory_space<vmem>> -> memref<1x128xi32, #tpu.memory_space<vmem>>
      %dma_wait3A_287 = tpu.memref_squeeze %dma_wait3A_286 : memref<1x128xi32, #tpu.memory_space<vmem>> -> memref<128xi32, #tpu.memory_space<vmem>>
      %dma_wait3A_288 = arith.constant 0 : i32
      %dma_wait3A_289 = arith.constant 0 : i32
      %dma_wait3A_290 = tpu.memref_slice %arg13[%dma_wait3A_288, %dma_wait3A_289] : memref<10112x64xf32, #tpu.memory_space<vmem_shared>> -> memref<10112x64xf32, #tpu.memory_space<vmem_shared>>
      tpu.wait_indirect_dma semaphore(%arg16 : memref<!tpu.dma_semaphore, #tpu.memory_space<semaphore_mem>>) src(%dma_wait3A_290 : memref<10112x64xf32, #tpu.memory_space<vmem_shared>>) dst(%arg10 : memref<128x64xf32, #tpu.memory_space<vmem>>)
      %dma_start3A_291 = arith.constant 0 : i32
      %dma_start3A_292 = tpu.memref_slice %arg8[%add3A_283, %dma_start3A_291] : memref<40x128xi32, #tpu.memory_space<vmem>> -> memref<1x128xi32, #tpu.memory_space<vmem>>
      %dma_start3A_293 = tpu.memref_squeeze %dma_start3A_292 : memref<1x128xi32, #tpu.memory_space<vmem>> -> memref<128xi32, #tpu.memory_space<vmem>>
      %dma_start3A_294 = arith.constant 0 : i32
      %dma_start3A_295 = arith.constant 0 : i32
      %dma_start3A_296 = tpu.memref_slice %arg14[%dma_start3A_294, %dma_start3A_295] : memref<10112x64xf32, #tpu.memory_space<vmem_shared>> -> memref<10112x64xf32, #tpu.memory_space<vmem_shared>>
      tpu.enqueue_indirect_dma source(%arg10 : memref<128x64xf32, #tpu.memory_space<vmem>>) target(%dma_start3A_296 : memref<10112x64xf32, #tpu.memory_space<vmem_shared>>) offsets(%dma_start3A_293 : memref<128xi32, #tpu.memory_space<vmem>>) semaphore(%arg20 : memref<!tpu.dma_semaphore, #tpu.memory_space<semaphore_mem>>) {add = true}
      %add3A_297 = arith.constant 2 : i32
      %add3A_298 = arith.addi %add3A_283, %add3A_297 : i32
      %ge3A_299 = arith.constant 4 : i32
      %ge3A_300 = arith.cmpi sge, %add3A_298, %ge3A_299 : i32
      %lt3A_301 = arith.constant 40 : i32
      %lt3A_302 = arith.cmpi slt, %add3A_298, %lt3A_301 : i32
      %and3A_303 = arith.andi %ge3A_300, %lt3A_302 : i1
      %convert_element_type3A_304 = arith.extui %and3A_303 : i1 to i32
      %cond3A_305 = arith.constant 0 : i32
      %cond3A_306 = arith.cmpi ne, %convert_element_type3A_304, %cond3A_305 : i32
      scf.if %cond3A_306 {
        %dma_wait3A_361 = arith.constant 0 : i32
        %dma_wait3A_362 = arith.constant 0 : i32
        %dma_wait3A_363 = tpu.memref_slice %arg8[%dma_wait3A_361, %dma_wait3A_362] : memref<40x128xi32, #tpu.memory_space<vmem>> -> memref<1x128xi32, #tpu.memory_space<vmem>>
        %dma_wait3A_364 = tpu.memref_squeeze %dma_wait3A_363 : memref<1x128xi32, #tpu.memory_space<vmem>> -> memref<128xi32, #tpu.memory_space<vmem>>
        %dma_wait3A_365 = arith.constant 0 : i32
        %dma_wait3A_366 = arith.constant 0 : i32
        %dma_wait3A_367 = tpu.memref_slice %arg14[%dma_wait3A_365, %dma_wait3A_366] : memref<10112x64xf32, #tpu.memory_space<vmem_shared>> -> memref<10112x64xf32, #tpu.memory_space<vmem_shared>>
        tpu.wait_indirect_dma semaphore(%arg22 : memref<!tpu.dma_semaphore, #tpu.memory_space<semaphore_mem>>) src(%arg12 : memref<128x64xf32, #tpu.memory_space<vmem>>) dst(%dma_wait3A_367 : memref<10112x64xf32, #tpu.memory_space<vmem_shared>>)
        %dma_start3A_368 = arith.constant 0 : i32
        %dma_start3A_369 = tpu.memref_slice %arg7[%add3A_298, %dma_start3A_368] : memref<40x128xi32, #tpu.memory_space<vmem>> -> memref<1x128xi32, #tpu.memory_space<vmem>>
        %dma_start3A_370 = tpu.memref_squeeze %dma_start3A_369 : memref<1x128xi32, #tpu.memory_space<vmem>> -> memref<128xi32, #tpu.memory_space<vmem>>
        %dma_start3A_371 = arith.constant 0 : i32
        %dma_start3A_372 = arith.constant 0 : i32
        %dma_start3A_373 = tpu.memref_slice %arg13[%dma_start3A_371, %dma_start3A_372] : memref<10112x64xf32, #tpu.memory_space<vmem_shared>> -> memref<10112x64xf32, #tpu.memory_space<vmem_shared>>
        tpu.enqueue_indirect_dma source(%dma_start3A_373 : memref<10112x64xf32, #tpu.memory_space<vmem_shared>>) target(%arg12 : memref<128x64xf32, #tpu.memory_space<vmem>>) offsets(%dma_start3A_370 : memref<128xi32, #tpu.memory_space<vmem>>) semaphore(%arg18 : memref<!tpu.dma_semaphore, #tpu.memory_space<semaphore_mem>>)
      } else {
      }
      %mul3A_307 = arith.constant 4 : i32
      %mul3A_308 = arith.muli %scan3A_255, %mul3A_307 : i32
      %add3A_309 = arith.constant 2 : i32
      %add3A_310 = arith.addi %mul3A_308, %add3A_309 : i32
      %dma_wait3A_311 = arith.constant 0 : i32
      %dma_wait3A_312 = arith.constant 0 : i32
      %dma_wait3A_313 = tpu.memref_slice %arg7[%dma_wait3A_311, %dma_wait3A_312] : memref<40x128xi32, #tpu.memory_space<vmem>> -> memref<1x128xi32, #tpu.memory_space<vmem>>
      %dma_wait3A_314 = tpu.memref_squeeze %dma_wait3A_313 : memref<1x128xi32, #tpu.memory_space<vmem>> -> memref<128xi32, #tpu.memory_space<vmem>>
      %dma_wait3A_315 = arith.constant 0 : i32
      %dma_wait3A_316 = arith.constant 0 : i32
      %dma_wait3A_317 = tpu.memref_slice %arg13[%dma_wait3A_315, %dma_wait3A_316] : memref<10112x64xf32, #tpu.memory_space<vmem_shared>> -> memref<10112x64xf32, #tpu.memory_space<vmem_shared>>
      tpu.wait_indirect_dma semaphore(%arg17 : memref<!tpu.dma_semaphore, #tpu.memory_space<semaphore_mem>>) src(%dma_wait3A_317 : memref<10112x64xf32, #tpu.memory_space<vmem_shared>>) dst(%arg11 : memref<128x64xf32, #tpu.memory_space<vmem>>)
      %dma_start3A_318 = arith.constant 0 : i32
      %dma_start3A_319 = tpu.memref_slice %arg8[%add3A_310, %dma_start3A_318] : memref<40x128xi32, #tpu.memory_space<vmem>> -> memref<1x128xi32, #tpu.memory_space<vmem>>
      %dma_start3A_320 = tpu.memref_squeeze %dma_start3A_319 : memref<1x128xi32, #tpu.memory_space<vmem>> -> memref<128xi32, #tpu.memory_space<vmem>>
      %dma_start3A_321 = arith.constant 0 : i32
      %dma_start3A_322 = arith.constant 0 : i32
      %dma_start3A_323 = tpu.memref_slice %arg14[%dma_start3A_321, %dma_start3A_322] : memref<10112x64xf32, #tpu.memory_space<vmem_shared>> -> memref<10112x64xf32, #tpu.memory_space<vmem_shared>>
      tpu.enqueue_indirect_dma source(%arg11 : memref<128x64xf32, #tpu.memory_space<vmem>>) target(%dma_start3A_323 : memref<10112x64xf32, #tpu.memory_space<vmem_shared>>) offsets(%dma_start3A_320 : memref<128xi32, #tpu.memory_space<vmem>>) semaphore(%arg21 : memref<!tpu.dma_semaphore, #tpu.memory_space<semaphore_mem>>) {add = true}
      %add3A_324 = arith.constant 2 : i32
      %add3A_325 = arith.addi %add3A_310, %add3A_324 : i32
      %ge3A_326 = arith.constant 4 : i32
      %ge3A_327 = arith.cmpi sge, %add3A_325, %ge3A_326 : i32
      %lt3A_328 = arith.constant 40 : i32
      %lt3A_329 = arith.cmpi slt, %add3A_325, %lt3A_328 : i32
      %and3A_330 = arith.andi %ge3A_327, %lt3A_329 : i1
      %convert_element_type3A_331 = arith.extui %and3A_330 : i1 to i32
      %cond3A_332 = arith.constant 0 : i32
      %cond3A_333 = arith.cmpi ne, %convert_element_type3A_331, %cond3A_332 : i32
      scf.if %cond3A_333 {
        %dma_wait3A_361 = arith.constant 0 : i32
        %dma_wait3A_362 = arith.constant 0 : i32
        %dma_wait3A_363 = tpu.memref_slice %arg8[%dma_wait3A_361, %dma_wait3A_362] : memref<40x128xi32, #tpu.memory_space<vmem>> -> memref<1x128xi32, #tpu.memory_space<vmem>>
        %dma_wait3A_364 = tpu.memref_squeeze %dma_wait3A_363 : memref<1x128xi32, #tpu.memory_space<vmem>> -> memref<128xi32, #tpu.memory_space<vmem>>
        %dma_wait3A_365 = arith.constant 0 : i32
        %dma_wait3A_366 = arith.constant 0 : i32
        %dma_wait3A_367 = tpu.memref_slice %arg14[%dma_wait3A_365, %dma_wait3A_366] : memref<10112x64xf32, #tpu.memory_space<vmem_shared>> -> memref<10112x64xf32, #tpu.memory_space<vmem_shared>>
        tpu.wait_indirect_dma semaphore(%arg19 : memref<!tpu.dma_semaphore, #tpu.memory_space<semaphore_mem>>) src(%arg9 : memref<128x64xf32, #tpu.memory_space<vmem>>) dst(%dma_wait3A_367 : memref<10112x64xf32, #tpu.memory_space<vmem_shared>>)
        %dma_start3A_368 = arith.constant 0 : i32
        %dma_start3A_369 = tpu.memref_slice %arg7[%add3A_325, %dma_start3A_368] : memref<40x128xi32, #tpu.memory_space<vmem>> -> memref<1x128xi32, #tpu.memory_space<vmem>>
        %dma_start3A_370 = tpu.memref_squeeze %dma_start3A_369 : memref<1x128xi32, #tpu.memory_space<vmem>> -> memref<128xi32, #tpu.memory_space<vmem>>
        %dma_start3A_371 = arith.constant 0 : i32
        %dma_start3A_372 = arith.constant 0 : i32
        %dma_start3A_373 = tpu.memref_slice %arg13[%dma_start3A_371, %dma_start3A_372] : memref<10112x64xf32, #tpu.memory_space<vmem_shared>> -> memref<10112x64xf32, #tpu.memory_space<vmem_shared>>
        tpu.enqueue_indirect_dma source(%dma_start3A_373 : memref<10112x64xf32, #tpu.memory_space<vmem_shared>>) target(%arg9 : memref<128x64xf32, #tpu.memory_space<vmem>>) offsets(%dma_start3A_370 : memref<128xi32, #tpu.memory_space<vmem>>) semaphore(%arg15 : memref<!tpu.dma_semaphore, #tpu.memory_space<semaphore_mem>>)
      } else {
      }
      %mul3A_334 = arith.constant 4 : i32
      %mul3A_335 = arith.muli %scan3A_255, %mul3A_334 : i32
      %add3A_336 = arith.constant 3 : i32
      %add3A_337 = arith.addi %mul3A_335, %add3A_336 : i32
      %dma_wait3A_338 = arith.constant 0 : i32
      %dma_wait3A_339 = arith.constant 0 : i32
      %dma_wait3A_340 = tpu.memref_slice %arg7[%dma_wait3A_338, %dma_wait3A_339] : memref<40x128xi32, #tpu.memory_space<vmem>> -> memref<1x128xi32, #tpu.memory_space<vmem>>
      %dma_wait3A_341 = tpu.memref_squeeze %dma_wait3A_340 : memref<1x128xi32, #tpu.memory_space<vmem>> -> memref<128xi32, #tpu.memory_space<vmem>>
      %dma_wait3A_342 = arith.constant 0 : i32
      %dma_wait3A_343 = arith.constant 0 : i32
      %dma_wait3A_344 = tpu.memref_slice %arg13[%dma_wait3A_342, %dma_wait3A_343] : memref<10112x64xf32, #tpu.memory_space<vmem_shared>> -> memref<10112x64xf32, #tpu.memory_space<vmem_shared>>
      tpu.wait_indirect_dma semaphore(%arg18 : memref<!tpu.dma_semaphore, #tpu.memory_space<semaphore_mem>>) src(%dma_wait3A_344 : memref<10112x64xf32, #tpu.memory_space<vmem_shared>>) dst(%arg12 : memref<128x64xf32, #tpu.memory_space<vmem>>)
      %dma_start3A_345 = arith.constant 0 : i32
      %dma_start3A_346 = tpu.memref_slice %arg8[%add3A_337, %dma_start3A_345] : memref<40x128xi32, #tpu.memory_space<vmem>> -> memref<1x128xi32, #tpu.memory_space<vmem>>
      %dma_start3A_347 = tpu.memref_squeeze %dma_start3A_346 : memref<1x128xi32, #tpu.memory_space<vmem>> -> memref<128xi32, #tpu.memory_space<vmem>>
      %dma_start3A_348 = arith.constant 0 : i32
      %dma_start3A_349 = arith.constant 0 : i32
      %dma_start3A_350 = tpu.memref_slice %arg14[%dma_start3A_348, %dma_start3A_349] : memref<10112x64xf32, #tpu.memory_space<vmem_shared>> -> memref<10112x64xf32, #tpu.memory_space<vmem_shared>>
      tpu.enqueue_indirect_dma source(%arg12 : memref<128x64xf32, #tpu.memory_space<vmem>>) target(%dma_start3A_350 : memref<10112x64xf32, #tpu.memory_space<vmem_shared>>) offsets(%dma_start3A_347 : memref<128xi32, #tpu.memory_space<vmem>>) semaphore(%arg22 : memref<!tpu.dma_semaphore, #tpu.memory_space<semaphore_mem>>) {add = true}
      %add3A_351 = arith.constant 2 : i32
      %add3A_352 = arith.addi %add3A_337, %add3A_351 : i32
      %ge3A_353 = arith.constant 4 : i32
      %ge3A_354 = arith.cmpi sge, %add3A_352, %ge3A_353 : i32
      %lt3A_355 = arith.constant 40 : i32
      %lt3A_356 = arith.cmpi slt, %add3A_352, %lt3A_355 : i32
      %and3A_357 = arith.andi %ge3A_354, %lt3A_356 : i1
      %convert_element_type3A_358 = arith.extui %and3A_357 : i1 to i32
      %cond3A_359 = arith.constant 0 : i32
      %cond3A_360 = arith.cmpi ne, %convert_element_type3A_358, %cond3A_359 : i32
      scf.if %cond3A_360 {
        %dma_wait3A_361 = arith.constant 0 : i32
        %dma_wait3A_362 = arith.constant 0 : i32
        %dma_wait3A_363 = tpu.memref_slice %arg8[%dma_wait3A_361, %dma_wait3A_362] : memref<40x128xi32, #tpu.memory_space<vmem>> -> memref<1x128xi32, #tpu.memory_space<vmem>>
        %dma_wait3A_364 = tpu.memref_squeeze %dma_wait3A_363 : memref<1x128xi32, #tpu.memory_space<vmem>> -> memref<128xi32, #tpu.memory_space<vmem>>
        %dma_wait3A_365 = arith.constant 0 : i32
        %dma_wait3A_366 = arith.constant 0 : i32
        %dma_wait3A_367 = tpu.memref_slice %arg14[%dma_wait3A_365, %dma_wait3A_366] : memref<10112x64xf32, #tpu.memory_space<vmem_shared>> -> memref<10112x64xf32, #tpu.memory_space<vmem_shared>>
        tpu.wait_indirect_dma semaphore(%arg20 : memref<!tpu.dma_semaphore, #tpu.memory_space<semaphore_mem>>) src(%arg10 : memref<128x64xf32, #tpu.memory_space<vmem>>) dst(%dma_wait3A_367 : memref<10112x64xf32, #tpu.memory_space<vmem_shared>>)
        %dma_start3A_368 = arith.constant 0 : i32
        %dma_start3A_369 = tpu.memref_slice %arg7[%add3A_352, %dma_start3A_368] : memref<40x128xi32, #tpu.memory_space<vmem>> -> memref<1x128xi32, #tpu.memory_space<vmem>>
        %dma_start3A_370 = tpu.memref_squeeze %dma_start3A_369 : memref<1x128xi32, #tpu.memory_space<vmem>> -> memref<128xi32, #tpu.memory_space<vmem>>
        %dma_start3A_371 = arith.constant 0 : i32
        %dma_start3A_372 = arith.constant 0 : i32
        %dma_start3A_373 = tpu.memref_slice %arg13[%dma_start3A_371, %dma_start3A_372] : memref<10112x64xf32, #tpu.memory_space<vmem_shared>> -> memref<10112x64xf32, #tpu.memory_space<vmem_shared>>
        tpu.enqueue_indirect_dma source(%dma_start3A_373 : memref<10112x64xf32, #tpu.memory_space<vmem_shared>>) target(%arg10 : memref<128x64xf32, #tpu.memory_space<vmem>>) offsets(%dma_start3A_370 : memref<128xi32, #tpu.memory_space<vmem>>) semaphore(%arg16 : memref<!tpu.dma_semaphore, #tpu.memory_space<semaphore_mem>>)
      } else {
      }
    }
    %scan3A_163 = arith.constant 10 : i32
    %dma_wait3A_164 = arith.constant 0 : i32
    %dma_wait3A_165 = arith.constant 0 : i32
    %dma_wait3A_166 = tpu.memref_slice %arg8[%dma_wait3A_164, %dma_wait3A_165] : memref<40x128xi32, #tpu.memory_space<vmem>> -> memref<1x128xi32, #tpu.memory_space<vmem>>
    %dma_wait3A_167 = tpu.memref_squeeze %dma_wait3A_166 : memref<1x128xi32, #tpu.memory_space<vmem>> -> memref<128xi32, #tpu.memory_space<vmem>>
    %dma_wait3A_168 = arith.constant 0 : i32
    %dma_wait3A_169 = arith.constant 0 : i32
    %dma_wait3A_170 = tpu.memref_slice %arg14[%dma_wait3A_168, %dma_wait3A_169] : memref<10112x64xf32, #tpu.memory_space<vmem_shared>> -> memref<10112x64xf32, #tpu.memory_space<vmem_shared>>
    tpu.wait_indirect_dma semaphore(%arg19 : memref<!tpu.dma_semaphore, #tpu.memory_space<semaphore_mem>>) src(%arg9 : memref<128x64xf32, #tpu.memory_space<vmem>>) dst(%dma_wait3A_170 : memref<10112x64xf32, #tpu.memory_space<vmem_shared>>)
    %dma_wait3A_171 = arith.constant 0 : i32
    %dma_wait3A_172 = arith.constant 0 : i32
    %dma_wait3A_173 = tpu.memref_slice %arg8[%dma_wait3A_171, %dma_wait3A_172] : memref<40x128xi32, #tpu.memory_space<vmem>> -> memref<1x128xi32, #tpu.memory_space<vmem>>
    %dma_wait3A_174 = tpu.memref_squeeze %dma_wait3A_173 : memref<1x128xi32, #tpu.memory_space<vmem>> -> memref<128xi32, #tpu.memory_space<vmem>>
    %dma_wait3A_175 = arith.constant 0 : i32
    %dma_wait3A_176 = arith.constant 0 : i32
    %dma_wait3A_177 = tpu.memref_slice %arg14[%dma_wait3A_175, %dma_wait3A_176] : memref<10112x64xf32, #tpu.memory_space<vmem_shared>> -> memref<10112x64xf32, #tpu.memory_space<vmem_shared>>
    tpu.wait_indirect_dma semaphore(%arg20 : memref<!tpu.dma_semaphore, #tpu.memory_space<semaphore_mem>>) src(%arg10 : memref<128x64xf32, #tpu.memory_space<vmem>>) dst(%dma_wait3A_177 : memref<10112x64xf32, #tpu.memory_space<vmem_shared>>)
    %dma_wait3A_178 = arith.constant 0 : i32
    %dma_wait3A_179 = arith.constant 0 : i32
    %dma_wait3A_180 = tpu.memref_slice %arg8[%dma_wait3A_178, %dma_wait3A_179] : memref<40x128xi32, #tpu.memory_space<vmem>> -> memref<1x128xi32, #tpu.memory_space<vmem>>
    %dma_wait3A_181 = tpu.memref_squeeze %dma_wait3A_180 : memref<1x128xi32, #tpu.memory_space<vmem>> -> memref<128xi32, #tpu.memory_space<vmem>>
    %dma_wait3A_182 = arith.constant 0 : i32
    %dma_wait3A_183 = arith.constant 0 : i32
    %dma_wait3A_184 = tpu.memref_slice %arg14[%dma_wait3A_182, %dma_wait3A_183] : memref<10112x64xf32, #tpu.memory_space<vmem_shared>> -> memref<10112x64xf32, #tpu.memory_space<vmem_shared>>
    tpu.wait_indirect_dma semaphore(%arg21 : memref<!tpu.dma_semaphore, #tpu.memory_space<semaphore_mem>>) src(%arg11 : memref<128x64xf32, #tpu.memory_space<vmem>>) dst(%dma_wait3A_184 : memref<10112x64xf32, #tpu.memory_space<vmem_shared>>)
    %dma_wait3A_185 = arith.constant 0 : i32
    %dma_wait3A_186 = arith.constant 0 : i32
    %dma_wait3A_187 = tpu.memref_slice %arg8[%dma_wait3A_185, %dma_wait3A_186] : memref<40x128xi32, #tpu.memory_space<vmem>> -> memref<1x128xi32, #tpu.memory_space<vmem>>
    %dma_wait3A_188 = tpu.memref_squeeze %dma_wait3A_187 : memref<1x128xi32, #tpu.memory_space<vmem>> -> memref<128xi32, #tpu.memory_space<vmem>>
    %dma_wait3A_189 = arith.constant 0 : i32
    %dma_wait3A_190 = arith.constant 0 : i32
    %dma_wait3A_191 = tpu.memref_slice %arg14[%dma_wait3A_189, %dma_wait3A_190] : memref<10112x64xf32, #tpu.memory_space<vmem_shared>> -> memref<10112x64xf32, #tpu.memory_space<vmem_shared>>
    tpu.wait_indirect_dma semaphore(%arg22 : memref<!tpu.dma_semaphore, #tpu.memory_space<semaphore_mem>>) src(%arg12 : memref<128x64xf32, #tpu.memory_space<vmem>>) dst(%dma_wait3A_191 : memref<10112x64xf32, #tpu.memory_space<vmem_shared>>)
    "tpu.region"() ({
      %run_scoped3A = tpu.sem_alloc : memref<!tpu.dma_semaphore, #tpu.memory_space<semaphore_mem>>
      %dma_start3A_255 = arith.constant 120 : i32
      %dma_start3A_256 = arith.constant 0 : i32
      %dma_start3A_257 = tpu.memref_slice %arg3[%arg1, %dma_start3A_255, %dma_start3A_256] : memref<16x160x128xi32, #tpu.memory_space<hbm>> -> memref<1x40x128xi32, #tpu.memory_space<hbm>>
      %dma_start3A_258 = tpu.memref_squeeze %dma_start3A_257 : memref<1x40x128xi32, #tpu.memory_space<hbm>> -> memref<40x128xi32, #tpu.memory_space<hbm>>
      %dma_start3A_259 = arith.constant 120 : i32
      %dma_start3A_260 = arith.constant 0 : i32
      %dma_start3A_261 = tpu.memref_slice %arg3[%arg1, %dma_start3A_259, %dma_start3A_260] : memref<16x160x128xi32, #tpu.memory_space<hbm>> -> memref<1x40x128xi32, #tpu.memory_space<hbm>>
      %dma_start3A_262 = tpu.memref_squeeze %dma_start3A_261 : memref<1x40x128xi32, #tpu.memory_space<hbm>> -> memref<40x128xi32, #tpu.memory_space<hbm>>
      tpu.enqueue_dma source(%dma_start3A_262 : memref<40x128xi32, #tpu.memory_space<hbm>>) target(%arg7 : memref<40x128xi32, #tpu.memory_space<vmem>>) target_semaphore(%run_scoped3A : memref<!tpu.dma_semaphore, #tpu.memory_space<semaphore_mem>>)
      %dma_wait3A_263 = arith.constant 120 : i32
      %dma_wait3A_264 = arith.constant 0 : i32
      %dma_wait3A_265 = tpu.memref_slice %arg3[%arg1, %dma_wait3A_263, %dma_wait3A_264] : memref<16x160x128xi32, #tpu.memory_space<hbm>> -> memref<1x40x128xi32, #tpu.memory_space<hbm>>
      %dma_wait3A_266 = tpu.memref_squeeze %dma_wait3A_265 : memref<1x40x128xi32, #tpu.memory_space<hbm>> -> memref<40x128xi32, #tpu.memory_space<hbm>>
      %dma_wait3A_267 = arith.constant 120 : i32
      %dma_wait3A_268 = arith.constant 0 : i32
      %dma_wait3A_269 = tpu.memref_slice %arg3[%arg1, %dma_wait3A_267, %dma_wait3A_268] : memref<16x160x128xi32, #tpu.memory_space<hbm>> -> memref<1x40x128xi32, #tpu.memory_space<hbm>>
      %dma_wait3A_270 = tpu.memref_squeeze %dma_wait3A_269 : memref<1x40x128xi32, #tpu.memory_space<hbm>> -> memref<40x128xi32, #tpu.memory_space<hbm>>
      tpu.wait_dma2 semaphore(%run_scoped3A : memref<!tpu.dma_semaphore, #tpu.memory_space<semaphore_mem>>) src(%dma_wait3A_270 : memref<40x128xi32, #tpu.memory_space<hbm>>) dst(%arg7 : memref<40x128xi32, #tpu.memory_space<vmem>>)
      tpu.yield
    }) : () -> ()
    "tpu.region"() ({
      %run_scoped3A = tpu.sem_alloc : memref<!tpu.dma_semaphore, #tpu.memory_space<semaphore_mem>>
      %dma_start3A_255 = arith.constant 120 : i32
      %dma_start3A_256 = arith.constant 0 : i32
      %dma_start3A_257 = tpu.memref_slice %arg4[%arg1, %dma_start3A_255, %dma_start3A_256] : memref<16x160x128xi32, #tpu.memory_space<hbm>> -> memref<1x40x128xi32, #tpu.memory_space<hbm>>
      %dma_start3A_258 = tpu.memref_squeeze %dma_start3A_257 : memref<1x40x128xi32, #tpu.memory_space<hbm>> -> memref<40x128xi32, #tpu.memory_space<hbm>>
      %dma_start3A_259 = arith.constant 120 : i32
      %dma_start3A_260 = arith.constant 0 : i32
      %dma_start3A_261 = tpu.memref_slice %arg4[%arg1, %dma_start3A_259, %dma_start3A_260] : memref<16x160x128xi32, #tpu.memory_space<hbm>> -> memref<1x40x128xi32, #tpu.memory_space<hbm>>
      %dma_start3A_262 = tpu.memref_squeeze %dma_start3A_261 : memref<1x40x128xi32, #tpu.memory_space<hbm>> -> memref<40x128xi32, #tpu.memory_space<hbm>>
      tpu.enqueue_dma source(%dma_start3A_262 : memref<40x128xi32, #tpu.memory_space<hbm>>) target(%arg8 : memref<40x128xi32, #tpu.memory_space<vmem>>) target_semaphore(%run_scoped3A : memref<!tpu.dma_semaphore, #tpu.memory_space<semaphore_mem>>)
      %dma_wait3A_263 = arith.constant 120 : i32
      %dma_wait3A_264 = arith.constant 0 : i32
      %dma_wait3A_265 = tpu.memref_slice %arg4[%arg1, %dma_wait3A_263, %dma_wait3A_264] : memref<16x160x128xi32, #tpu.memory_space<hbm>> -> memref<1x40x128xi32, #tpu.memory_space<hbm>>
      %dma_wait3A_266 = tpu.memref_squeeze %dma_wait3A_265 : memref<1x40x128xi32, #tpu.memory_space<hbm>> -> memref<40x128xi32, #tpu.memory_space<hbm>>
      %dma_wait3A_267 = arith.constant 120 : i32
      %dma_wait3A_268 = arith.constant 0 : i32
      %dma_wait3A_269 = tpu.memref_slice %arg4[%arg1, %dma_wait3A_267, %dma_wait3A_268] : memref<16x160x128xi32, #tpu.memory_space<hbm>> -> memref<1x40x128xi32, #tpu.memory_space<hbm>>
      %dma_wait3A_270 = tpu.memref_squeeze %dma_wait3A_269 : memref<1x40x128xi32, #tpu.memory_space<hbm>> -> memref<40x128xi32, #tpu.memory_space<hbm>>
      tpu.wait_dma2 semaphore(%run_scoped3A : memref<!tpu.dma_semaphore, #tpu.memory_space<semaphore_mem>>) src(%dma_wait3A_270 : memref<40x128xi32, #tpu.memory_space<hbm>>) dst(%arg8 : memref<40x128xi32, #tpu.memory_space<vmem>>)
      tpu.yield
    }) : () -> ()
    %dma_start3A_192 = arith.constant 0 : i32
    %dma_start3A_193 = arith.constant 0 : i32
    %dma_start3A_194 = tpu.memref_slice %arg7[%dma_start3A_192, %dma_start3A_193] : memref<40x128xi32, #tpu.memory_space<vmem>> -> memref<1x128xi32, #tpu.memory_space<vmem>>
    %dma_start3A_195 = tpu.memref_squeeze %dma_start3A_194 : memref<1x128xi32, #tpu.memory_space<vmem>> -> memref<128xi32, #tpu.memory_space<vmem>>
    %dma_start3A_196 = arith.constant 0 : i32
    %dma_start3A_197 = arith.constant 0 : i32
    %dma_start3A_198 = tpu.memref_slice %arg13[%dma_start3A_196, %dma_start3A_197] : memref<10112x64xf32, #tpu.memory_space<vmem_shared>> -> memref<10112x64xf32, #tpu.memory_space<vmem_shared>>
    tpu.enqueue_indirect_dma source(%dma_start3A_198 : memref<10112x64xf32, #tpu.memory_space<vmem_shared>>) target(%arg9 : memref<128x64xf32, #tpu.memory_space<vmem>>) offsets(%dma_start3A_195 : memref<128xi32, #tpu.memory_space<vmem>>) semaphore(%arg15 : memref<!tpu.dma_semaphore, #tpu.memory_space<semaphore_mem>>)
    %dma_start3A_199 = arith.constant 1 : i32
    %dma_start3A_200 = arith.constant 0 : i32
    %dma_start3A_201 = tpu.memref_slice %arg7[%dma_start3A_199, %dma_start3A_200] : memref<40x128xi32, #tpu.memory_space<vmem>> -> memref<1x128xi32, #tpu.memory_space<vmem>>
    %dma_start3A_202 = tpu.memref_squeeze %dma_start3A_201 : memref<1x128xi32, #tpu.memory_space<vmem>> -> memref<128xi32, #tpu.memory_space<vmem>>
    %dma_start3A_203 = arith.constant 0 : i32
    %dma_start3A_204 = arith.constant 0 : i32
    %dma_start3A_205 = tpu.memref_slice %arg13[%dma_start3A_203, %dma_start3A_204] : memref<10112x64xf32, #tpu.memory_space<vmem_shared>> -> memref<10112x64xf32, #tpu.memory_space<vmem_shared>>
    tpu.enqueue_indirect_dma source(%dma_start3A_205 : memref<10112x64xf32, #tpu.memory_space<vmem_shared>>) target(%arg10 : memref<128x64xf32, #tpu.memory_space<vmem>>) offsets(%dma_start3A_202 : memref<128xi32, #tpu.memory_space<vmem>>) semaphore(%arg16 : memref<!tpu.dma_semaphore, #tpu.memory_space<semaphore_mem>>)
    %dma_start3A_206 = arith.constant 2 : i32
    %dma_start3A_207 = arith.constant 0 : i32
    %dma_start3A_208 = tpu.memref_slice %arg7[%dma_start3A_206, %dma_start3A_207] : memref<40x128xi32, #tpu.memory_space<vmem>> -> memref<1x128xi32, #tpu.memory_space<vmem>>
    %dma_start3A_209 = tpu.memref_squeeze %dma_start3A_208 : memref<1x128xi32, #tpu.memory_space<vmem>> -> memref<128xi32, #tpu.memory_space<vmem>>
    %dma_start3A_210 = arith.constant 0 : i32
    %dma_start3A_211 = arith.constant 0 : i32
    %dma_start3A_212 = tpu.memref_slice %arg13[%dma_start3A_210, %dma_start3A_211] : memref<10112x64xf32, #tpu.memory_space<vmem_shared>> -> memref<10112x64xf32, #tpu.memory_space<vmem_shared>>
    tpu.enqueue_indirect_dma source(%dma_start3A_212 : memref<10112x64xf32, #tpu.memory_space<vmem_shared>>) target(%arg11 : memref<128x64xf32, #tpu.memory_space<vmem>>) offsets(%dma_start3A_209 : memref<128xi32, #tpu.memory_space<vmem>>) semaphore(%arg17 : memref<!tpu.dma_semaphore, #tpu.memory_space<semaphore_mem>>)
    %dma_start3A_213 = arith.constant 3 : i32
    %dma_start3A_214 = arith.constant 0 : i32
    %dma_start3A_215 = tpu.memref_slice %arg7[%dma_start3A_213, %dma_start3A_214] : memref<40x128xi32, #tpu.memory_space<vmem>> -> memref<1x128xi32, #tpu.memory_space<vmem>>
    %dma_start3A_216 = tpu.memref_squeeze %dma_start3A_215 : memref<1x128xi32, #tpu.memory_space<vmem>> -> memref<128xi32, #tpu.memory_space<vmem>>
    %dma_start3A_217 = arith.constant 0 : i32
    %dma_start3A_218 = arith.constant 0 : i32
    %dma_start3A_219 = tpu.memref_slice %arg13[%dma_start3A_217, %dma_start3A_218] : memref<10112x64xf32, #tpu.memory_space<vmem_shared>> -> memref<10112x64xf32, #tpu.memory_space<vmem_shared>>
    tpu.enqueue_indirect_dma source(%dma_start3A_219 : memref<10112x64xf32, #tpu.memory_space<vmem_shared>>) target(%arg12 : memref<128x64xf32, #tpu.memory_space<vmem>>) offsets(%dma_start3A_216 : memref<128xi32, #tpu.memory_space<vmem>>) semaphore(%arg18 : memref<!tpu.dma_semaphore, #tpu.memory_space<semaphore_mem>>)
    %scan3A_220 = arith.constant 0 : i32
    %scan3A_221 = arith.constant 0 : i32
    %scan3A_222 = arith.constant 10 : i32
    %scan3A_223 = arith.addi %scan3A_221, %scan3A_222 : i32
    %scan3A_224 = arith.constant 1 : i32
    scf.for %scan3A_255 = %scan3A_221 to %scan3A_223 step %scan3A_224  : i32 {
      %mul3A_256 = arith.constant 4 : i32
      %mul3A_257 = arith.muli %scan3A_255, %mul3A_256 : i32
      %add3A = arith.constant 0 : i32
      %add3A_258 = arith.addi %mul3A_257, %add3A : i32
      %dma_wait3A_259 = arith.constant 0 : i32
      %dma_wait3A_260 = arith.constant 0 : i32
      %dma_wait3A_261 = tpu.memref_slice %arg7[%dma_wait3A_259, %dma_wait3A_260] : memref<40x128xi32, #tpu.memory_space<vmem>> -> memref<1x128xi32, #tpu.memory_space<vmem>>
      %dma_wait3A_262 = tpu.memref_squeeze %dma_wait3A_261 : memref<1x128xi32, #tpu.memory_space<vmem>> -> memref<128xi32, #tpu.memory_space<vmem>>
      %dma_wait3A_263 = arith.constant 0 : i32
      %dma_wait3A_264 = arith.constant 0 : i32
      %dma_wait3A_265 = tpu.memref_slice %arg13[%dma_wait3A_263, %dma_wait3A_264] : memref<10112x64xf32, #tpu.memory_space<vmem_shared>> -> memref<10112x64xf32, #tpu.memory_space<vmem_shared>>
      tpu.wait_indirect_dma semaphore(%arg15 : memref<!tpu.dma_semaphore, #tpu.memory_space<semaphore_mem>>) src(%dma_wait3A_265 : memref<10112x64xf32, #tpu.memory_space<vmem_shared>>) dst(%arg9 : memref<128x64xf32, #tpu.memory_space<vmem>>)
      %dma_start3A_266 = arith.constant 0 : i32
      %dma_start3A_267 = tpu.memref_slice %arg8[%add3A_258, %dma_start3A_266] : memref<40x128xi32, #tpu.memory_space<vmem>> -> memref<1x128xi32, #tpu.memory_space<vmem>>
      %dma_start3A_268 = tpu.memref_squeeze %dma_start3A_267 : memref<1x128xi32, #tpu.memory_space<vmem>> -> memref<128xi32, #tpu.memory_space<vmem>>
      %dma_start3A_269 = arith.constant 0 : i32
      %dma_start3A_270 = arith.constant 0 : i32
      %dma_start3A_271 = tpu.memref_slice %arg14[%dma_start3A_269, %dma_start3A_270] : memref<10112x64xf32, #tpu.memory_space<vmem_shared>> -> memref<10112x64xf32, #tpu.memory_space<vmem_shared>>
      tpu.enqueue_indirect_dma source(%arg9 : memref<128x64xf32, #tpu.memory_space<vmem>>) target(%dma_start3A_271 : memref<10112x64xf32, #tpu.memory_space<vmem_shared>>) offsets(%dma_start3A_268 : memref<128xi32, #tpu.memory_space<vmem>>) semaphore(%arg19 : memref<!tpu.dma_semaphore, #tpu.memory_space<semaphore_mem>>) {add = true}
      %add3A_272 = arith.constant 2 : i32
      %add3A_273 = arith.addi %add3A_258, %add3A_272 : i32
      %ge3A = arith.constant 4 : i32
      %ge3A_274 = arith.cmpi sge, %add3A_273, %ge3A : i32
      %lt3A_275 = arith.constant 40 : i32
      %lt3A_276 = arith.cmpi slt, %add3A_273, %lt3A_275 : i32
      %and3A = arith.andi %ge3A_274, %lt3A_276 : i1
      %convert_element_type3A_277 = arith.extui %and3A : i1 to i32
      %cond3A_278 = arith.constant 0 : i32
      %cond3A_279 = arith.cmpi ne, %convert_element_type3A_277, %cond3A_278 : i32
      scf.if %cond3A_279 {
        %dma_wait3A_361 = arith.constant 0 : i32
        %dma_wait3A_362 = arith.constant 0 : i32
        %dma_wait3A_363 = tpu.memref_slice %arg8[%dma_wait3A_361, %dma_wait3A_362] : memref<40x128xi32, #tpu.memory_space<vmem>> -> memref<1x128xi32, #tpu.memory_space<vmem>>
        %dma_wait3A_364 = tpu.memref_squeeze %dma_wait3A_363 : memref<1x128xi32, #tpu.memory_space<vmem>> -> memref<128xi32, #tpu.memory_space<vmem>>
        %dma_wait3A_365 = arith.constant 0 : i32
        %dma_wait3A_366 = arith.constant 0 : i32
        %dma_wait3A_367 = tpu.memref_slice %arg14[%dma_wait3A_365, %dma_wait3A_366] : memref<10112x64xf32, #tpu.memory_space<vmem_shared>> -> memref<10112x64xf32, #tpu.memory_space<vmem_shared>>
        tpu.wait_indirect_dma semaphore(%arg21 : memref<!tpu.dma_semaphore, #tpu.memory_space<semaphore_mem>>) src(%arg11 : memref<128x64xf32, #tpu.memory_space<vmem>>) dst(%dma_wait3A_367 : memref<10112x64xf32, #tpu.memory_space<vmem_shared>>)
        %dma_start3A_368 = arith.constant 0 : i32
        %dma_start3A_369 = tpu.memref_slice %arg7[%add3A_273, %dma_start3A_368] : memref<40x128xi32, #tpu.memory_space<vmem>> -> memref<1x128xi32, #tpu.memory_space<vmem>>
        %dma_start3A_370 = tpu.memref_squeeze %dma_start3A_369 : memref<1x128xi32, #tpu.memory_space<vmem>> -> memref<128xi32, #tpu.memory_space<vmem>>
        %dma_start3A_371 = arith.constant 0 : i32
        %dma_start3A_372 = arith.constant 0 : i32
        %dma_start3A_373 = tpu.memref_slice %arg13[%dma_start3A_371, %dma_start3A_372] : memref<10112x64xf32, #tpu.memory_space<vmem_shared>> -> memref<10112x64xf32, #tpu.memory_space<vmem_shared>>
        tpu.enqueue_indirect_dma source(%dma_start3A_373 : memref<10112x64xf32, #tpu.memory_space<vmem_shared>>) target(%arg11 : memref<128x64xf32, #tpu.memory_space<vmem>>) offsets(%dma_start3A_370 : memref<128xi32, #tpu.memory_space<vmem>>) semaphore(%arg17 : memref<!tpu.dma_semaphore, #tpu.memory_space<semaphore_mem>>)
      } else {
      }
      %mul3A_280 = arith.constant 4 : i32
      %mul3A_281 = arith.muli %scan3A_255, %mul3A_280 : i32
      %add3A_282 = arith.constant 1 : i32
      %add3A_283 = arith.addi %mul3A_281, %add3A_282 : i32
      %dma_wait3A_284 = arith.constant 0 : i32
      %dma_wait3A_285 = arith.constant 0 : i32
      %dma_wait3A_286 = tpu.memref_slice %arg7[%dma_wait3A_284, %dma_wait3A_285] : memref<40x128xi32, #tpu.memory_space<vmem>> -> memref<1x128xi32, #tpu.memory_space<vmem>>
      %dma_wait3A_287 = tpu.memref_squeeze %dma_wait3A_286 : memref<1x128xi32, #tpu.memory_space<vmem>> -> memref<128xi32, #tpu.memory_space<vmem>>
      %dma_wait3A_288 = arith.constant 0 : i32
      %dma_wait3A_289 = arith.constant 0 : i32
      %dma_wait3A_290 = tpu.memref_slice %arg13[%dma_wait3A_288, %dma_wait3A_289] : memref<10112x64xf32, #tpu.memory_space<vmem_shared>> -> memref<10112x64xf32, #tpu.memory_space<vmem_shared>>
      tpu.wait_indirect_dma semaphore(%arg16 : memref<!tpu.dma_semaphore, #tpu.memory_space<semaphore_mem>>) src(%dma_wait3A_290 : memref<10112x64xf32, #tpu.memory_space<vmem_shared>>) dst(%arg10 : memref<128x64xf32, #tpu.memory_space<vmem>>)
      %dma_start3A_291 = arith.constant 0 : i32
      %dma_start3A_292 = tpu.memref_slice %arg8[%add3A_283, %dma_start3A_291] : memref<40x128xi32, #tpu.memory_space<vmem>> -> memref<1x128xi32, #tpu.memory_space<vmem>>
      %dma_start3A_293 = tpu.memref_squeeze %dma_start3A_292 : memref<1x128xi32, #tpu.memory_space<vmem>> -> memref<128xi32, #tpu.memory_space<vmem>>
      %dma_start3A_294 = arith.constant 0 : i32
      %dma_start3A_295 = arith.constant 0 : i32
      %dma_start3A_296 = tpu.memref_slice %arg14[%dma_start3A_294, %dma_start3A_295] : memref<10112x64xf32, #tpu.memory_space<vmem_shared>> -> memref<10112x64xf32, #tpu.memory_space<vmem_shared>>
      tpu.enqueue_indirect_dma source(%arg10 : memref<128x64xf32, #tpu.memory_space<vmem>>) target(%dma_start3A_296 : memref<10112x64xf32, #tpu.memory_space<vmem_shared>>) offsets(%dma_start3A_293 : memref<128xi32, #tpu.memory_space<vmem>>) semaphore(%arg20 : memref<!tpu.dma_semaphore, #tpu.memory_space<semaphore_mem>>) {add = true}
      %add3A_297 = arith.constant 2 : i32
      %add3A_298 = arith.addi %add3A_283, %add3A_297 : i32
      %ge3A_299 = arith.constant 4 : i32
      %ge3A_300 = arith.cmpi sge, %add3A_298, %ge3A_299 : i32
      %lt3A_301 = arith.constant 40 : i32
      %lt3A_302 = arith.cmpi slt, %add3A_298, %lt3A_301 : i32
      %and3A_303 = arith.andi %ge3A_300, %lt3A_302 : i1
      %convert_element_type3A_304 = arith.extui %and3A_303 : i1 to i32
      %cond3A_305 = arith.constant 0 : i32
      %cond3A_306 = arith.cmpi ne, %convert_element_type3A_304, %cond3A_305 : i32
      scf.if %cond3A_306 {
        %dma_wait3A_361 = arith.constant 0 : i32
        %dma_wait3A_362 = arith.constant 0 : i32
        %dma_wait3A_363 = tpu.memref_slice %arg8[%dma_wait3A_361, %dma_wait3A_362] : memref<40x128xi32, #tpu.memory_space<vmem>> -> memref<1x128xi32, #tpu.memory_space<vmem>>
        %dma_wait3A_364 = tpu.memref_squeeze %dma_wait3A_363 : memref<1x128xi32, #tpu.memory_space<vmem>> -> memref<128xi32, #tpu.memory_space<vmem>>
        %dma_wait3A_365 = arith.constant 0 : i32
        %dma_wait3A_366 = arith.constant 0 : i32
        %dma_wait3A_367 = tpu.memref_slice %arg14[%dma_wait3A_365, %dma_wait3A_366] : memref<10112x64xf32, #tpu.memory_space<vmem_shared>> -> memref<10112x64xf32, #tpu.memory_space<vmem_shared>>
        tpu.wait_indirect_dma semaphore(%arg22 : memref<!tpu.dma_semaphore, #tpu.memory_space<semaphore_mem>>) src(%arg12 : memref<128x64xf32, #tpu.memory_space<vmem>>) dst(%dma_wait3A_367 : memref<10112x64xf32, #tpu.memory_space<vmem_shared>>)
        %dma_start3A_368 = arith.constant 0 : i32
        %dma_start3A_369 = tpu.memref_slice %arg7[%add3A_298, %dma_start3A_368] : memref<40x128xi32, #tpu.memory_space<vmem>> -> memref<1x128xi32, #tpu.memory_space<vmem>>
        %dma_start3A_370 = tpu.memref_squeeze %dma_start3A_369 : memref<1x128xi32, #tpu.memory_space<vmem>> -> memref<128xi32, #tpu.memory_space<vmem>>
        %dma_start3A_371 = arith.constant 0 : i32
        %dma_start3A_372 = arith.constant 0 : i32
        %dma_start3A_373 = tpu.memref_slice %arg13[%dma_start3A_371, %dma_start3A_372] : memref<10112x64xf32, #tpu.memory_space<vmem_shared>> -> memref<10112x64xf32, #tpu.memory_space<vmem_shared>>
        tpu.enqueue_indirect_dma source(%dma_start3A_373 : memref<10112x64xf32, #tpu.memory_space<vmem_shared>>) target(%arg12 : memref<128x64xf32, #tpu.memory_space<vmem>>) offsets(%dma_start3A_370 : memref<128xi32, #tpu.memory_space<vmem>>) semaphore(%arg18 : memref<!tpu.dma_semaphore, #tpu.memory_space<semaphore_mem>>)
      } else {
      }
      %mul3A_307 = arith.constant 4 : i32
      %mul3A_308 = arith.muli %scan3A_255, %mul3A_307 : i32
      %add3A_309 = arith.constant 2 : i32
      %add3A_310 = arith.addi %mul3A_308, %add3A_309 : i32
      %dma_wait3A_311 = arith.constant 0 : i32
      %dma_wait3A_312 = arith.constant 0 : i32
      %dma_wait3A_313 = tpu.memref_slice %arg7[%dma_wait3A_311, %dma_wait3A_312] : memref<40x128xi32, #tpu.memory_space<vmem>> -> memref<1x128xi32, #tpu.memory_space<vmem>>
      %dma_wait3A_314 = tpu.memref_squeeze %dma_wait3A_313 : memref<1x128xi32, #tpu.memory_space<vmem>> -> memref<128xi32, #tpu.memory_space<vmem>>
      %dma_wait3A_315 = arith.constant 0 : i32
      %dma_wait3A_316 = arith.constant 0 : i32
      %dma_wait3A_317 = tpu.memref_slice %arg13[%dma_wait3A_315, %dma_wait3A_316] : memref<10112x64xf32, #tpu.memory_space<vmem_shared>> -> memref<10112x64xf32, #tpu.memory_space<vmem_shared>>
      tpu.wait_indirect_dma semaphore(%arg17 : memref<!tpu.dma_semaphore, #tpu.memory_space<semaphore_mem>>) src(%dma_wait3A_317 : memref<10112x64xf32, #tpu.memory_space<vmem_shared>>) dst(%arg11 : memref<128x64xf32, #tpu.memory_space<vmem>>)
      %dma_start3A_318 = arith.constant 0 : i32
      %dma_start3A_319 = tpu.memref_slice %arg8[%add3A_310, %dma_start3A_318] : memref<40x128xi32, #tpu.memory_space<vmem>> -> memref<1x128xi32, #tpu.memory_space<vmem>>
      %dma_start3A_320 = tpu.memref_squeeze %dma_start3A_319 : memref<1x128xi32, #tpu.memory_space<vmem>> -> memref<128xi32, #tpu.memory_space<vmem>>
      %dma_start3A_321 = arith.constant 0 : i32
      %dma_start3A_322 = arith.constant 0 : i32
      %dma_start3A_323 = tpu.memref_slice %arg14[%dma_start3A_321, %dma_start3A_322] : memref<10112x64xf32, #tpu.memory_space<vmem_shared>> -> memref<10112x64xf32, #tpu.memory_space<vmem_shared>>
      tpu.enqueue_indirect_dma source(%arg11 : memref<128x64xf32, #tpu.memory_space<vmem>>) target(%dma_start3A_323 : memref<10112x64xf32, #tpu.memory_space<vmem_shared>>) offsets(%dma_start3A_320 : memref<128xi32, #tpu.memory_space<vmem>>) semaphore(%arg21 : memref<!tpu.dma_semaphore, #tpu.memory_space<semaphore_mem>>) {add = true}
      %add3A_324 = arith.constant 2 : i32
      %add3A_325 = arith.addi %add3A_310, %add3A_324 : i32
      %ge3A_326 = arith.constant 4 : i32
      %ge3A_327 = arith.cmpi sge, %add3A_325, %ge3A_326 : i32
      %lt3A_328 = arith.constant 40 : i32
      %lt3A_329 = arith.cmpi slt, %add3A_325, %lt3A_328 : i32
      %and3A_330 = arith.andi %ge3A_327, %lt3A_329 : i1
      %convert_element_type3A_331 = arith.extui %and3A_330 : i1 to i32
      %cond3A_332 = arith.constant 0 : i32
      %cond3A_333 = arith.cmpi ne, %convert_element_type3A_331, %cond3A_332 : i32
      scf.if %cond3A_333 {
        %dma_wait3A_361 = arith.constant 0 : i32
        %dma_wait3A_362 = arith.constant 0 : i32
        %dma_wait3A_363 = tpu.memref_slice %arg8[%dma_wait3A_361, %dma_wait3A_362] : memref<40x128xi32, #tpu.memory_space<vmem>> -> memref<1x128xi32, #tpu.memory_space<vmem>>
        %dma_wait3A_364 = tpu.memref_squeeze %dma_wait3A_363 : memref<1x128xi32, #tpu.memory_space<vmem>> -> memref<128xi32, #tpu.memory_space<vmem>>
        %dma_wait3A_365 = arith.constant 0 : i32
        %dma_wait3A_366 = arith.constant 0 : i32
        %dma_wait3A_367 = tpu.memref_slice %arg14[%dma_wait3A_365, %dma_wait3A_366] : memref<10112x64xf32, #tpu.memory_space<vmem_shared>> -> memref<10112x64xf32, #tpu.memory_space<vmem_shared>>
        tpu.wait_indirect_dma semaphore(%arg19 : memref<!tpu.dma_semaphore, #tpu.memory_space<semaphore_mem>>) src(%arg9 : memref<128x64xf32, #tpu.memory_space<vmem>>) dst(%dma_wait3A_367 : memref<10112x64xf32, #tpu.memory_space<vmem_shared>>)
        %dma_start3A_368 = arith.constant 0 : i32
        %dma_start3A_369 = tpu.memref_slice %arg7[%add3A_325, %dma_start3A_368] : memref<40x128xi32, #tpu.memory_space<vmem>> -> memref<1x128xi32, #tpu.memory_space<vmem>>
        %dma_start3A_370 = tpu.memref_squeeze %dma_start3A_369 : memref<1x128xi32, #tpu.memory_space<vmem>> -> memref<128xi32, #tpu.memory_space<vmem>>
        %dma_start3A_371 = arith.constant 0 : i32
        %dma_start3A_372 = arith.constant 0 : i32
        %dma_start3A_373 = tpu.memref_slice %arg13[%dma_start3A_371, %dma_start3A_372] : memref<10112x64xf32, #tpu.memory_space<vmem_shared>> -> memref<10112x64xf32, #tpu.memory_space<vmem_shared>>
        tpu.enqueue_indirect_dma source(%dma_start3A_373 : memref<10112x64xf32, #tpu.memory_space<vmem_shared>>) target(%arg9 : memref<128x64xf32, #tpu.memory_space<vmem>>) offsets(%dma_start3A_370 : memref<128xi32, #tpu.memory_space<vmem>>) semaphore(%arg15 : memref<!tpu.dma_semaphore, #tpu.memory_space<semaphore_mem>>)
      } else {
      }
      %mul3A_334 = arith.constant 4 : i32
      %mul3A_335 = arith.muli %scan3A_255, %mul3A_334 : i32
      %add3A_336 = arith.constant 3 : i32
      %add3A_337 = arith.addi %mul3A_335, %add3A_336 : i32
      %dma_wait3A_338 = arith.constant 0 : i32
      %dma_wait3A_339 = arith.constant 0 : i32
      %dma_wait3A_340 = tpu.memref_slice %arg7[%dma_wait3A_338, %dma_wait3A_339] : memref<40x128xi32, #tpu.memory_space<vmem>> -> memref<1x128xi32, #tpu.memory_space<vmem>>
      %dma_wait3A_341 = tpu.memref_squeeze %dma_wait3A_340 : memref<1x128xi32, #tpu.memory_space<vmem>> -> memref<128xi32, #tpu.memory_space<vmem>>
      %dma_wait3A_342 = arith.constant 0 : i32
      %dma_wait3A_343 = arith.constant 0 : i32
      %dma_wait3A_344 = tpu.memref_slice %arg13[%dma_wait3A_342, %dma_wait3A_343] : memref<10112x64xf32, #tpu.memory_space<vmem_shared>> -> memref<10112x64xf32, #tpu.memory_space<vmem_shared>>
      tpu.wait_indirect_dma semaphore(%arg18 : memref<!tpu.dma_semaphore, #tpu.memory_space<semaphore_mem>>) src(%dma_wait3A_344 : memref<10112x64xf32, #tpu.memory_space<vmem_shared>>) dst(%arg12 : memref<128x64xf32, #tpu.memory_space<vmem>>)
      %dma_start3A_345 = arith.constant 0 : i32
      %dma_start3A_346 = tpu.memref_slice %arg8[%add3A_337, %dma_start3A_345] : memref<40x128xi32, #tpu.memory_space<vmem>> -> memref<1x128xi32, #tpu.memory_space<vmem>>
      %dma_start3A_347 = tpu.memref_squeeze %dma_start3A_346 : memref<1x128xi32, #tpu.memory_space<vmem>> -> memref<128xi32, #tpu.memory_space<vmem>>
      %dma_start3A_348 = arith.constant 0 : i32
      %dma_start3A_349 = arith.constant 0 : i32
      %dma_start3A_350 = tpu.memref_slice %arg14[%dma_start3A_348, %dma_start3A_349] : memref<10112x64xf32, #tpu.memory_space<vmem_shared>> -> memref<10112x64xf32, #tpu.memory_space<vmem_shared>>
      tpu.enqueue_indirect_dma source(%arg12 : memref<128x64xf32, #tpu.memory_space<vmem>>) target(%dma_start3A_350 : memref<10112x64xf32, #tpu.memory_space<vmem_shared>>) offsets(%dma_start3A_347 : memref<128xi32, #tpu.memory_space<vmem>>) semaphore(%arg22 : memref<!tpu.dma_semaphore, #tpu.memory_space<semaphore_mem>>) {add = true}
      %add3A_351 = arith.constant 2 : i32
      %add3A_352 = arith.addi %add3A_337, %add3A_351 : i32
      %ge3A_353 = arith.constant 4 : i32
      %ge3A_354 = arith.cmpi sge, %add3A_352, %ge3A_353 : i32
      %lt3A_355 = arith.constant 40 : i32
      %lt3A_356 = arith.cmpi slt, %add3A_352, %lt3A_355 : i32
      %and3A_357 = arith.andi %ge3A_354, %lt3A_356 : i1
      %convert_element_type3A_358 = arith.extui %and3A_357 : i1 to i32
      %cond3A_359 = arith.constant 0 : i32
      %cond3A_360 = arith.cmpi ne, %convert_element_type3A_358, %cond3A_359 : i32
      scf.if %cond3A_360 {
        %dma_wait3A_361 = arith.constant 0 : i32
        %dma_wait3A_362 = arith.constant 0 : i32
        %dma_wait3A_363 = tpu.memref_slice %arg8[%dma_wait3A_361, %dma_wait3A_362] : memref<40x128xi32, #tpu.memory_space<vmem>> -> memref<1x128xi32, #tpu.memory_space<vmem>>
        %dma_wait3A_364 = tpu.memref_squeeze %dma_wait3A_363 : memref<1x128xi32, #tpu.memory_space<vmem>> -> memref<128xi32, #tpu.memory_space<vmem>>
        %dma_wait3A_365 = arith.constant 0 : i32
        %dma_wait3A_366 = arith.constant 0 : i32
        %dma_wait3A_367 = tpu.memref_slice %arg14[%dma_wait3A_365, %dma_wait3A_366] : memref<10112x64xf32, #tpu.memory_space<vmem_shared>> -> memref<10112x64xf32, #tpu.memory_space<vmem_shared>>
        tpu.wait_indirect_dma semaphore(%arg20 : memref<!tpu.dma_semaphore, #tpu.memory_space<semaphore_mem>>) src(%arg10 : memref<128x64xf32, #tpu.memory_space<vmem>>) dst(%dma_wait3A_367 : memref<10112x64xf32, #tpu.memory_space<vmem_shared>>)
        %dma_start3A_368 = arith.constant 0 : i32
        %dma_start3A_369 = tpu.memref_slice %arg7[%add3A_352, %dma_start3A_368] : memref<40x128xi32, #tpu.memory_space<vmem>> -> memref<1x128xi32, #tpu.memory_space<vmem>>
        %dma_start3A_370 = tpu.memref_squeeze %dma_start3A_369 : memref<1x128xi32, #tpu.memory_space<vmem>> -> memref<128xi32, #tpu.memory_space<vmem>>
        %dma_start3A_371 = arith.constant 0 : i32
        %dma_start3A_372 = arith.constant 0 : i32
        %dma_start3A_373 = tpu.memref_slice %arg13[%dma_start3A_371, %dma_start3A_372] : memref<10112x64xf32, #tpu.memory_space<vmem_shared>> -> memref<10112x64xf32, #tpu.memory_space<vmem_shared>>
        tpu.enqueue_indirect_dma source(%dma_start3A_373 : memref<10112x64xf32, #tpu.memory_space<vmem_shared>>) target(%arg10 : memref<128x64xf32, #tpu.memory_space<vmem>>) offsets(%dma_start3A_370 : memref<128xi32, #tpu.memory_space<vmem>>) semaphore(%arg16 : memref<!tpu.dma_semaphore, #tpu.memory_space<semaphore_mem>>)
      } else {
      }
    }
    %scan3A_225 = arith.constant 10 : i32
    %dma_wait3A_226 = arith.constant 0 : i32
    %dma_wait3A_227 = arith.constant 0 : i32
    %dma_wait3A_228 = tpu.memref_slice %arg8[%dma_wait3A_226, %dma_wait3A_227] : memref<40x128xi32, #tpu.memory_space<vmem>> -> memref<1x128xi32, #tpu.memory_space<vmem>>
    %dma_wait3A_229 = tpu.memref_squeeze %dma_wait3A_228 : memref<1x128xi32, #tpu.memory_space<vmem>> -> memref<128xi32, #tpu.memory_space<vmem>>
    %dma_wait3A_230 = arith.constant 0 : i32
    %dma_wait3A_231 = arith.constant 0 : i32
    %dma_wait3A_232 = tpu.memref_slice %arg14[%dma_wait3A_230, %dma_wait3A_231] : memref<10112x64xf32, #tpu.memory_space<vmem_shared>> -> memref<10112x64xf32, #tpu.memory_space<vmem_shared>>
    tpu.wait_indirect_dma semaphore(%arg19 : memref<!tpu.dma_semaphore, #tpu.memory_space<semaphore_mem>>) src(%arg9 : memref<128x64xf32, #tpu.memory_space<vmem>>) dst(%dma_wait3A_232 : memref<10112x64xf32, #tpu.memory_space<vmem_shared>>)
    %dma_wait3A_233 = arith.constant 0 : i32
    %dma_wait3A_234 = arith.constant 0 : i32
    %dma_wait3A_235 = tpu.memref_slice %arg8[%dma_wait3A_233, %dma_wait3A_234] : memref<40x128xi32, #tpu.memory_space<vmem>> -> memref<1x128xi32, #tpu.memory_space<vmem>>
    %dma_wait3A_236 = tpu.memref_squeeze %dma_wait3A_235 : memref<1x128xi32, #tpu.memory_space<vmem>> -> memref<128xi32, #tpu.memory_space<vmem>>
    %dma_wait3A_237 = arith.constant 0 : i32
    %dma_wait3A_238 = arith.constant 0 : i32
    %dma_wait3A_239 = tpu.memref_slice %arg14[%dma_wait3A_237, %dma_wait3A_238] : memref<10112x64xf32, #tpu.memory_space<vmem_shared>> -> memref<10112x64xf32, #tpu.memory_space<vmem_shared>>
    tpu.wait_indirect_dma semaphore(%arg20 : memref<!tpu.dma_semaphore, #tpu.memory_space<semaphore_mem>>) src(%arg10 : memref<128x64xf32, #tpu.memory_space<vmem>>) dst(%dma_wait3A_239 : memref<10112x64xf32, #tpu.memory_space<vmem_shared>>)
    %dma_wait3A_240 = arith.constant 0 : i32
    %dma_wait3A_241 = arith.constant 0 : i32
    %dma_wait3A_242 = tpu.memref_slice %arg8[%dma_wait3A_240, %dma_wait3A_241] : memref<40x128xi32, #tpu.memory_space<vmem>> -> memref<1x128xi32, #tpu.memory_space<vmem>>
    %dma_wait3A_243 = tpu.memref_squeeze %dma_wait3A_242 : memref<1x128xi32, #tpu.memory_space<vmem>> -> memref<128xi32, #tpu.memory_space<vmem>>
    %dma_wait3A_244 = arith.constant 0 : i32
    %dma_wait3A_245 = arith.constant 0 : i32
    %dma_wait3A_246 = tpu.memref_slice %arg14[%dma_wait3A_244, %dma_wait3A_245] : memref<10112x64xf32, #tpu.memory_space<vmem_shared>> -> memref<10112x64xf32, #tpu.memory_space<vmem_shared>>
    tpu.wait_indirect_dma semaphore(%arg21 : memref<!tpu.dma_semaphore, #tpu.memory_space<semaphore_mem>>) src(%arg11 : memref<128x64xf32, #tpu.memory_space<vmem>>) dst(%dma_wait3A_246 : memref<10112x64xf32, #tpu.memory_space<vmem_shared>>)
    %dma_wait3A_247 = arith.constant 0 : i32
    %dma_wait3A_248 = arith.constant 0 : i32
    %dma_wait3A_249 = tpu.memref_slice %arg8[%dma_wait3A_247, %dma_wait3A_248] : memref<40x128xi32, #tpu.memory_space<vmem>> -> memref<1x128xi32, #tpu.memory_space<vmem>>
    %dma_wait3A_250 = tpu.memref_squeeze %dma_wait3A_249 : memref<1x128xi32, #tpu.memory_space<vmem>> -> memref<128xi32, #tpu.memory_space<vmem>>
    %dma_wait3A_251 = arith.constant 0 : i32
    %dma_wait3A_252 = arith.constant 0 : i32
    %dma_wait3A_253 = tpu.memref_slice %arg14[%dma_wait3A_251, %dma_wait3A_252] : memref<10112x64xf32, #tpu.memory_space<vmem_shared>> -> memref<10112x64xf32, #tpu.memory_space<vmem_shared>>
    tpu.wait_indirect_dma semaphore(%arg22 : memref<!tpu.dma_semaphore, #tpu.memory_space<semaphore_mem>>) src(%arg12 : memref<128x64xf32, #tpu.memory_space<vmem>>) dst(%dma_wait3A_253 : memref<10112x64xf32, #tpu.memory_space<vmem_shared>>)
    %barrier3A_254 = arith.constant 0 : index
    tpu.barrier barrier_id(%barrier3A_254)
    "tpu.region"() ({
      %run_scoped3A = tpu.sem_alloc : memref<!tpu.dma_semaphore, #tpu.memory_space<semaphore_mem>>
      %dma_start3A_255 = arith.constant 0 : i32
      %dma_start3A_256 = tpu.memref_slice %arg6[%arg0, %mul3A_0, %dma_start3A_255] : memref<2x10112x64xf32, #tpu.memory_space<hbm>> -> memref<1x632x64xf32, #tpu.memory_space<hbm>>
      %dma_start3A_257 = tpu.memref_squeeze %dma_start3A_256 : memref<1x632x64xf32, #tpu.memory_space<hbm>> -> memref<632x64xf32, #tpu.memory_space<hbm>>
      %dma_start3A_258 = arith.constant 0 : i32
      %dma_start3A_259 = tpu.memref_slice %arg14[%mul3A_0, %dma_start3A_258] : memref<10112x64xf32, #tpu.memory_space<vmem_shared>> -> memref<632x64xf32, #tpu.memory_space<vmem_shared>>
      tpu.enqueue_dma source(%dma_start3A_259 : memref<632x64xf32, #tpu.memory_space<vmem_shared>>) target(%dma_start3A_257 : memref<632x64xf32, #tpu.memory_space<hbm>>) target_semaphore(%run_scoped3A : memref<!tpu.dma_semaphore, #tpu.memory_space<semaphore_mem>>)
      %dma_wait3A_260 = arith.constant 0 : i32
      %dma_wait3A_261 = tpu.memref_slice %arg6[%arg0, %mul3A_0, %dma_wait3A_260] : memref<2x10112x64xf32, #tpu.memory_space<hbm>> -> memref<1x632x64xf32, #tpu.memory_space<hbm>>
      %dma_wait3A_262 = tpu.memref_squeeze %dma_wait3A_261 : memref<1x632x64xf32, #tpu.memory_space<hbm>> -> memref<632x64xf32, #tpu.memory_space<hbm>>
      %dma_wait3A_263 = arith.constant 0 : i32
      %dma_wait3A_264 = tpu.memref_slice %arg14[%mul3A_0, %dma_wait3A_263] : memref<10112x64xf32, #tpu.memory_space<vmem_shared>> -> memref<632x64xf32, #tpu.memory_space<vmem_shared>>
      tpu.wait_dma2 semaphore(%run_scoped3A : memref<!tpu.dma_semaphore, #tpu.memory_space<semaphore_mem>>) src(%dma_wait3A_264 : memref<632x64xf32, #tpu.memory_space<vmem_shared>>) dst(%dma_wait3A_262 : memref<632x64xf32, #tpu.memory_space<hbm>>)
      tpu.yield
    }) : () -> ()
    return
  }
}

#map = affine_map<(d0, d1) -> (0, 0)>
#map1 = affine_map<(d0, d1) -> (0, 0, 0)>
module attributes {stable_mosaic.version = 14 : i64} {
  func.func @agg_kernel(%arg0: i32, %arg1: i32, %arg2: memref<10000x128xf32, #tpu.memory_space<hbm>>, %arg3: memref<16x160x128xi32, #tpu.memory_space<hbm>>, %arg4: memref<16x160x128xi32, #tpu.memory_space<hbm>>, %arg5: memref<10112x64xf32, #tpu.memory_space<hbm>>, %arg6: memref<2x10112x64xf32, #tpu.memory_space<hbm>>, %arg7: memref<40x128xi32, #tpu.memory_space<vmem>>, %arg8: memref<40x128xi32, #tpu.memory_space<vmem>>, %arg9: memref<128x64xf32, #tpu.memory_space<vmem>>, %arg10: memref<128x64xf32, #tpu.memory_space<vmem>>, %arg11: memref<128x64xf32, #tpu.memory_space<vmem>>, %arg12: memref<128x64xf32, #tpu.memory_space<vmem>>, %arg13: memref<10112x64xf32, #tpu.memory_space<vmem_shared>>, %arg14: memref<10112x64xf32, #tpu.memory_space<vmem_shared>>, %arg15: memref<!tpu.dma_semaphore, #tpu.memory_space<semaphore_mem>>, %arg16: memref<!tpu.dma_semaphore, #tpu.memory_space<semaphore_mem>>, %arg17: memref<!tpu.dma_semaphore, #tpu.memory_space<semaphore_mem>>, %arg18: memref<!tpu.dma_semaphore, #tpu.memory_space<semaphore_mem>>, %arg19: memref<!tpu.dma_semaphore, #tpu.memory_space<semaphore_mem>>, %arg20: memref<!tpu.dma_semaphore, #tpu.memory_space<semaphore_mem>>, %arg21: memref<!tpu.dma_semaphore, #tpu.memory_space<semaphore_mem>>, %arg22: memref<!tpu.dma_semaphore, #tpu.memory_space<semaphore_mem>>) attributes {dimension_semantics = [#tpu.dimension_semantics<core_parallel>, #tpu.dimension_semantics<subcore_parallel>], iteration_bounds = array<i64: 2, 16>, scalar_prefetch = 0 : i64, scratch_operands = 16 : i64, tpu.core_type = #tpu.core_type<sc_vector_subcore>, window_params = [{transform_indices = #map}, {transform_indices = #map1}, {transform_indices = #map1}, {transform_indices = #map}, {transform_indices = #map1}]} {
    %mul3A = arith.constant 632 : i32
    %mul3A_0 = arith.muli %arg1, %mul3A : i32
    %mul3A_1 = arith.constant 64 : i32
    %mul3A_2 = arith.muli %arg0, %mul3A_1 : i32
    %lt3A = arith.constant 15 : i32
    %lt3A_3 = arith.cmpi slt, %arg1, %lt3A : i32
    %convert_element_type3A = arith.extui %lt3A_3 : i1 to i32
    %cond3A = arith.constant 0 : i32
    %cond3A_4 = arith.cmpi ne, %convert_element_type3A, %cond3A : i32
    scf.if %cond3A_4 {
      %mul3A_255 = arith.constant 632 : i32
      %mul3A_256 = arith.muli %arg1, %mul3A_255 : i32
      "tpu.region"() ({
        %run_scoped3A = tpu.sem_alloc : memref<!tpu.dma_semaphore, #tpu.memory_space<semaphore_mem>>
        %dma_start3A_257 = arith.constant 0 : i32
        %dma_start3A_258 = tpu.memref_slice %arg13[%mul3A_0, %dma_start3A_257] : memref<10112x64xf32, #tpu.memory_space<vmem_shared>> -> memref<632x64xf32, #tpu.memory_space<vmem_shared>>
        %dma_start3A_259 = tpu.memref_slice %arg2[%mul3A_256, %mul3A_2] : memref<10000x128xf32, #tpu.memory_space<hbm>> -> memref<632x64xf32, #tpu.memory_space<hbm>>
        tpu.enqueue_dma source(%dma_start3A_259 : memref<632x64xf32, #tpu.memory_space<hbm>>) target(%dma_start3A_258 : memref<632x64xf32, #tpu.memory_space<vmem_shared>>) target_semaphore(%run_scoped3A : memref<!tpu.dma_semaphore, #tpu.memory_space<semaphore_mem>>)
        %dma_wait3A_260 = arith.constant 0 : i32
        %dma_wait3A_261 = tpu.memref_slice %arg13[%mul3A_0, %dma_wait3A_260] : memref<10112x64xf32, #tpu.memory_space<vmem_shared>> -> memref<632x64xf32, #tpu.memory_space<vmem_shared>>
        %dma_wait3A_262 = tpu.memref_slice %arg2[%mul3A_256, %mul3A_2] : memref<10000x128xf32, #tpu.memory_space<hbm>> -> memref<632x64xf32, #tpu.memory_space<hbm>>
        tpu.wait_dma2 semaphore(%run_scoped3A : memref<!tpu.dma_semaphore, #tpu.memory_space<semaphore_mem>>) src(%dma_wait3A_262 : memref<632x64xf32, #tpu.memory_space<hbm>>) dst(%dma_wait3A_261 : memref<632x64xf32, #tpu.memory_space<vmem_shared>>)
        tpu.yield
      }) : () -> ()
    } else {
    }
    %eq3A = arith.constant 15 : i32
    %eq3A_5 = arith.cmpi eq, %arg1, %eq3A : i32
    %convert_element_type3A_6 = arith.extui %eq3A_5 : i1 to i32
    %cond3A_7 = arith.constant 0 : i32
    %cond3A_8 = arith.cmpi ne, %convert_element_type3A_6, %cond3A_7 : i32
    scf.if %cond3A_8 {
      "tpu.region"() ({
        %run_scoped3A = tpu.sem_alloc : memref<!tpu.dma_semaphore, #tpu.memory_space<semaphore_mem>>
        %dma_start3A_255 = arith.constant 9480 : i32
        %dma_start3A_256 = arith.constant 0 : i32
        %dma_start3A_257 = tpu.memref_slice %arg13[%dma_start3A_255, %dma_start3A_256] : memref<10112x64xf32, #tpu.memory_space<vmem_shared>> -> memref<520x64xf32, #tpu.memory_space<vmem_shared>>
        %dma_start3A_258 = arith.constant 9480 : i32
        %dma_start3A_259 = tpu.memref_slice %arg2[%dma_start3A_258, %mul3A_2] : memref<10000x128xf32, #tpu.memory_space<hbm>> -> memref<520x64xf32, #tpu.memory_space<hbm>>
        tpu.enqueue_dma source(%dma_start3A_259 : memref<520x64xf32, #tpu.memory_space<hbm>>) target(%dma_start3A_257 : memref<520x64xf32, #tpu.memory_space<vmem_shared>>) target_semaphore(%run_scoped3A : memref<!tpu.dma_semaphore, #tpu.memory_space<semaphore_mem>>)
        %dma_wait3A_260 = arith.constant 9480 : i32
        %dma_wait3A_261 = arith.constant 0 : i32
        %dma_wait3A_262 = tpu.memref_slice %arg13[%dma_wait3A_260, %dma_wait3A_261] : memref<10112x64xf32, #tpu.memory_space<vmem_shared>> -> memref<520x64xf32, #tpu.memory_space<vmem_shared>>
        %dma_wait3A_263 = arith.constant 9480 : i32
        %dma_wait3A_264 = tpu.memref_slice %arg2[%dma_wait3A_263, %mul3A_2] : memref<10000x128xf32, #tpu.memory_space<hbm>> -> memref<520x64xf32, #tpu.memory_space<hbm>>
        tpu.wait_dma2 semaphore(%run_scoped3A : memref<!tpu.dma_semaphore, #tpu.memory_space<semaphore_mem>>) src(%dma_wait3A_264 : memref<520x64xf32, #tpu.memory_space<hbm>>) dst(%dma_wait3A_262 : memref<520x64xf32, #tpu.memory_space<vmem_shared>>)
        tpu.yield
      }) : () -> ()
    } else {
    }
    "tpu.region"() ({
      %run_scoped3A = tpu.sem_alloc : memref<!tpu.dma_semaphore, #tpu.memory_space<semaphore_mem>>
      %dma_start3A_255 = arith.constant 0 : i32
      %dma_start3A_256 = tpu.memref_slice %arg14[%mul3A_0, %dma_start3A_255] : memref<10112x64xf32, #tpu.memory_space<vmem_shared>> -> memref<632x64xf32, #tpu.memory_space<vmem_shared>>
      %dma_start3A_257 = arith.constant 0 : i32
      %dma_start3A_258 = tpu.memref_slice %arg5[%mul3A_0, %dma_start3A_257] : memref<10112x64xf32, #tpu.memory_space<hbm>> -> memref<632x64xf32, #tpu.memory_space<hbm>>
      tpu.enqueue_dma source(%dma_start3A_258 : memref<632x64xf32, #tpu.memory_space<hbm>>) target(%dma_start3A_256 : memref<632x64xf32, #tpu.memory_space<vmem_shared>>) target_semaphore(%run_scoped3A : memref<!tpu.dma_semaphore, #tpu.memory_space<semaphore_mem>>)
      %dma_wait3A_259 = arith.constant 0 : i32
      %dma_wait3A_260 = tpu.memref_slice %arg14[%mul3A_0, %dma_wait3A_259] : memref<10112x64xf32, #tpu.memory_space<vmem_shared>> -> memref<632x64xf32, #tpu.memory_space<vmem_shared>>
      %dma_wait3A_261 = arith.constant 0 : i32
      %dma_wait3A_262 = tpu.memref_slice %arg5[%mul3A_0, %dma_wait3A_261] : memref<10112x64xf32, #tpu.memory_space<hbm>> -> memref<632x64xf32, #tpu.memory_space<hbm>>
      tpu.wait_dma2 semaphore(%run_scoped3A : memref<!tpu.dma_semaphore, #tpu.memory_space<semaphore_mem>>) src(%dma_wait3A_262 : memref<632x64xf32, #tpu.memory_space<hbm>>) dst(%dma_wait3A_260 : memref<632x64xf32, #tpu.memory_space<vmem_shared>>)
      tpu.yield
    }) : () -> ()
    %barrier3A = arith.constant 0 : index
    tpu.barrier barrier_id(%barrier3A)
    "tpu.region"() ({
      %run_scoped3A = tpu.sem_alloc : memref<!tpu.dma_semaphore, #tpu.memory_space<semaphore_mem>>
      %dma_start3A_255 = arith.constant 0 : i32
      %dma_start3A_256 = arith.constant 0 : i32
      %dma_start3A_257 = tpu.memref_slice %arg3[%arg1, %dma_start3A_255, %dma_start3A_256] : memref<16x160x128xi32, #tpu.memory_space<hbm>> -> memref<1x40x128xi32, #tpu.memory_space<hbm>>
      %dma_start3A_258 = tpu.memref_squeeze %dma_start3A_257 : memref<1x40x128xi32, #tpu.memory_space<hbm>> -> memref<40x128xi32, #tpu.memory_space<hbm>>
      %dma_start3A_259 = arith.constant 0 : i32
      %dma_start3A_260 = arith.constant 0 : i32
      %dma_start3A_261 = tpu.memref_slice %arg3[%arg1, %dma_start3A_259, %dma_start3A_260] : memref<16x160x128xi32, #tpu.memory_space<hbm>> -> memref<1x40x128xi32, #tpu.memory_space<hbm>>
      %dma_start3A_262 = tpu.memref_squeeze %dma_start3A_261 : memref<1x40x128xi32, #tpu.memory_space<hbm>> -> memref<40x128xi32, #tpu.memory_space<hbm>>
      tpu.enqueue_dma source(%dma_start3A_262 : memref<40x128xi32, #tpu.memory_space<hbm>>) target(%arg7 : memref<40x128xi32, #tpu.memory_space<vmem>>) target_semaphore(%run_scoped3A : memref<!tpu.dma_semaphore, #tpu.memory_space<semaphore_mem>>)
      %dma_wait3A_263 = arith.constant 0 : i32
      %dma_wait3A_264 = arith.constant 0 : i32
      %dma_wait3A_265 = tpu.memref_slice %arg3[%arg1, %dma_wait3A_263, %dma_wait3A_264] : memref<16x160x128xi32, #tpu.memory_space<hbm>> -> memref<1x40x128xi32, #tpu.memory_space<hbm>>
      %dma_wait3A_266 = tpu.memref_squeeze %dma_wait3A_265 : memref<1x40x128xi32, #tpu.memory_space<hbm>> -> memref<40x128xi32, #tpu.memory_space<hbm>>
      %dma_wait3A_267 = arith.constant 0 : i32
      %dma_wait3A_268 = arith.constant 0 : i32
      %dma_wait3A_269 = tpu.memref_slice %arg3[%arg1, %dma_wait3A_267, %dma_wait3A_268] : memref<16x160x128xi32, #tpu.memory_space<hbm>> -> memref<1x40x128xi32, #tpu.memory_space<hbm>>
      %dma_wait3A_270 = tpu.memref_squeeze %dma_wait3A_269 : memref<1x40x128xi32, #tpu.memory_space<hbm>> -> memref<40x128xi32, #tpu.memory_space<hbm>>
      tpu.wait_dma2 semaphore(%run_scoped3A : memref<!tpu.dma_semaphore, #tpu.memory_space<semaphore_mem>>) src(%dma_wait3A_270 : memref<40x128xi32, #tpu.memory_space<hbm>>) dst(%arg7 : memref<40x128xi32, #tpu.memory_space<vmem>>)
      tpu.yield
    }) : () -> ()
    "tpu.region"() ({
      %run_scoped3A = tpu.sem_alloc : memref<!tpu.dma_semaphore, #tpu.memory_space<semaphore_mem>>
      %dma_start3A_255 = arith.constant 0 : i32
      %dma_start3A_256 = arith.constant 0 : i32
      %dma_start3A_257 = tpu.memref_slice %arg4[%arg1, %dma_start3A_255, %dma_start3A_256] : memref<16x160x128xi32, #tpu.memory_space<hbm>> -> memref<1x40x128xi32, #tpu.memory_space<hbm>>
      %dma_start3A_258 = tpu.memref_squeeze %dma_start3A_257 : memref<1x40x128xi32, #tpu.memory_space<hbm>> -> memref<40x128xi32, #tpu.memory_space<hbm>>
      %dma_start3A_259 = arith.constant 0 : i32
      %dma_start3A_260 = arith.constant 0 : i32
      %dma_start3A_261 = tpu.memref_slice %arg4[%arg1, %dma_start3A_259, %dma_start3A_260] : memref<16x160x128xi32, #tpu.memory_space<hbm>> -> memref<1x40x128xi32, #tpu.memory_space<hbm>>
      %dma_start3A_262 = tpu.memref_squeeze %dma_start3A_261 : memref<1x40x128xi32, #tpu.memory_space<hbm>> -> memref<40x128xi32, #tpu.memory_space<hbm>>
      tpu.enqueue_dma source(%dma_start3A_262 : memref<40x128xi32, #tpu.memory_space<hbm>>) target(%arg8 : memref<40x128xi32, #tpu.memory_space<vmem>>) target_semaphore(%run_scoped3A : memref<!tpu.dma_semaphore, #tpu.memory_space<semaphore_mem>>)
      %dma_wait3A_263 = arith.constant 0 : i32
      %dma_wait3A_264 = arith.constant 0 : i32
      %dma_wait3A_265 = tpu.memref_slice %arg4[%arg1, %dma_wait3A_263, %dma_wait3A_264] : memref<16x160x128xi32, #tpu.memory_space<hbm>> -> memref<1x40x128xi32, #tpu.memory_space<hbm>>
      %dma_wait3A_266 = tpu.memref_squeeze %dma_wait3A_265 : memref<1x40x128xi32, #tpu.memory_space<hbm>> -> memref<40x128xi32, #tpu.memory_space<hbm>>
      %dma_wait3A_267 = arith.constant 0 : i32
      %dma_wait3A_268 = arith.constant 0 : i32
      %dma_wait3A_269 = tpu.memref_slice %arg4[%arg1, %dma_wait3A_267, %dma_wait3A_268] : memref<16x160x128xi32, #tpu.memory_space<hbm>> -> memref<1x40x128xi32, #tpu.memory_space<hbm>>
      %dma_wait3A_270 = tpu.memref_squeeze %dma_wait3A_269 : memref<1x40x128xi32, #tpu.memory_space<hbm>> -> memref<40x128xi32, #tpu.memory_space<hbm>>
      tpu.wait_dma2 semaphore(%run_scoped3A : memref<!tpu.dma_semaphore, #tpu.memory_space<semaphore_mem>>) src(%dma_wait3A_270 : memref<40x128xi32, #tpu.memory_space<hbm>>) dst(%arg8 : memref<40x128xi32, #tpu.memory_space<vmem>>)
      tpu.yield
    }) : () -> ()
    %dma_start3A = arith.constant 0 : i32
    %dma_start3A_9 = arith.constant 0 : i32
    %dma_start3A_10 = tpu.memref_slice %arg7[%dma_start3A, %dma_start3A_9] : memref<40x128xi32, #tpu.memory_space<vmem>> -> memref<1x128xi32, #tpu.memory_space<vmem>>
    %dma_start3A_11 = tpu.memref_squeeze %dma_start3A_10 : memref<1x128xi32, #tpu.memory_space<vmem>> -> memref<128xi32, #tpu.memory_space<vmem>>
    %dma_start3A_12 = arith.constant 0 : i32
    %dma_start3A_13 = arith.constant 0 : i32
    %dma_start3A_14 = tpu.memref_slice %arg13[%dma_start3A_12, %dma_start3A_13] : memref<10112x64xf32, #tpu.memory_space<vmem_shared>> -> memref<10112x64xf32, #tpu.memory_space<vmem_shared>>
    tpu.enqueue_indirect_dma source(%dma_start3A_14 : memref<10112x64xf32, #tpu.memory_space<vmem_shared>>) target(%arg9 : memref<128x64xf32, #tpu.memory_space<vmem>>) offsets(%dma_start3A_11 : memref<128xi32, #tpu.memory_space<vmem>>) semaphore(%arg15 : memref<!tpu.dma_semaphore, #tpu.memory_space<semaphore_mem>>)
    %dma_start3A_15 = arith.constant 1 : i32
    %dma_start3A_16 = arith.constant 0 : i32
    %dma_start3A_17 = tpu.memref_slice %arg7[%dma_start3A_15, %dma_start3A_16] : memref<40x128xi32, #tpu.memory_space<vmem>> -> memref<1x128xi32, #tpu.memory_space<vmem>>
    %dma_start3A_18 = tpu.memref_squeeze %dma_start3A_17 : memref<1x128xi32, #tpu.memory_space<vmem>> -> memref<128xi32, #tpu.memory_space<vmem>>
    %dma_start3A_19 = arith.constant 0 : i32
    %dma_start3A_20 = arith.constant 0 : i32
    %dma_start3A_21 = tpu.memref_slice %arg13[%dma_start3A_19, %dma_start3A_20] : memref<10112x64xf32, #tpu.memory_space<vmem_shared>> -> memref<10112x64xf32, #tpu.memory_space<vmem_shared>>
    tpu.enqueue_indirect_dma source(%dma_start3A_21 : memref<10112x64xf32, #tpu.memory_space<vmem_shared>>) target(%arg10 : memref<128x64xf32, #tpu.memory_space<vmem>>) offsets(%dma_start3A_18 : memref<128xi32, #tpu.memory_space<vmem>>) semaphore(%arg16 : memref<!tpu.dma_semaphore, #tpu.memory_space<semaphore_mem>>)
    %dma_start3A_22 = arith.constant 2 : i32
    %dma_start3A_23 = arith.constant 0 : i32
    %dma_start3A_24 = tpu.memref_slice %arg7[%dma_start3A_22, %dma_start3A_23] : memref<40x128xi32, #tpu.memory_space<vmem>> -> memref<1x128xi32, #tpu.memory_space<vmem>>
    %dma_start3A_25 = tpu.memref_squeeze %dma_start3A_24 : memref<1x128xi32, #tpu.memory_space<vmem>> -> memref<128xi32, #tpu.memory_space<vmem>>
    %dma_start3A_26 = arith.constant 0 : i32
    %dma_start3A_27 = arith.constant 0 : i32
    %dma_start3A_28 = tpu.memref_slice %arg13[%dma_start3A_26, %dma_start3A_27] : memref<10112x64xf32, #tpu.memory_space<vmem_shared>> -> memref<10112x64xf32, #tpu.memory_space<vmem_shared>>
    tpu.enqueue_indirect_dma source(%dma_start3A_28 : memref<10112x64xf32, #tpu.memory_space<vmem_shared>>) target(%arg11 : memref<128x64xf32, #tpu.memory_space<vmem>>) offsets(%dma_start3A_25 : memref<128xi32, #tpu.memory_space<vmem>>) semaphore(%arg17 : memref<!tpu.dma_semaphore, #tpu.memory_space<semaphore_mem>>)
    %dma_start3A_29 = arith.constant 3 : i32
    %dma_start3A_30 = arith.constant 0 : i32
    %dma_start3A_31 = tpu.memref_slice %arg7[%dma_start3A_29, %dma_start3A_30] : memref<40x128xi32, #tpu.memory_space<vmem>> -> memref<1x128xi32, #tpu.memory_space<vmem>>
    %dma_start3A_32 = tpu.memref_squeeze %dma_start3A_31 : memref<1x128xi32, #tpu.memory_space<vmem>> -> memref<128xi32, #tpu.memory_space<vmem>>
    %dma_start3A_33 = arith.constant 0 : i32
    %dma_start3A_34 = arith.constant 0 : i32
    %dma_start3A_35 = tpu.memref_slice %arg13[%dma_start3A_33, %dma_start3A_34] : memref<10112x64xf32, #tpu.memory_space<vmem_shared>> -> memref<10112x64xf32, #tpu.memory_space<vmem_shared>>
    tpu.enqueue_indirect_dma source(%dma_start3A_35 : memref<10112x64xf32, #tpu.memory_space<vmem_shared>>) target(%arg12 : memref<128x64xf32, #tpu.memory_space<vmem>>) offsets(%dma_start3A_32 : memref<128xi32, #tpu.memory_space<vmem>>) semaphore(%arg18 : memref<!tpu.dma_semaphore, #tpu.memory_space<semaphore_mem>>)
    %scan3A = arith.constant 0 : i32
    %scan3A_36 = arith.constant 0 : i32
    %scan3A_37 = arith.constant 10 : i32
    %scan3A_38 = arith.addi %scan3A_36, %scan3A_37 : i32
    %scan3A_39 = arith.constant 1 : i32
    scf.for %scan3A_255 = %scan3A_36 to %scan3A_38 step %scan3A_39  : i32 {
      %mul3A_256 = arith.constant 4 : i32
      %mul3A_257 = arith.muli %scan3A_255, %mul3A_256 : i32
      %add3A = arith.constant 0 : i32
      %add3A_258 = arith.addi %mul3A_257, %add3A : i32
      %dma_wait3A_259 = arith.constant 0 : i32
      %dma_wait3A_260 = arith.constant 0 : i32
      %dma_wait3A_261 = tpu.memref_slice %arg7[%dma_wait3A_259, %dma_wait3A_260] : memref<40x128xi32, #tpu.memory_space<vmem>> -> memref<1x128xi32, #tpu.memory_space<vmem>>
      %dma_wait3A_262 = tpu.memref_squeeze %dma_wait3A_261 : memref<1x128xi32, #tpu.memory_space<vmem>> -> memref<128xi32, #tpu.memory_space<vmem>>
      %dma_wait3A_263 = arith.constant 0 : i32
      %dma_wait3A_264 = arith.constant 0 : i32
      %dma_wait3A_265 = tpu.memref_slice %arg13[%dma_wait3A_263, %dma_wait3A_264] : memref<10112x64xf32, #tpu.memory_space<vmem_shared>> -> memref<10112x64xf32, #tpu.memory_space<vmem_shared>>
      tpu.wait_indirect_dma semaphore(%arg15 : memref<!tpu.dma_semaphore, #tpu.memory_space<semaphore_mem>>) src(%dma_wait3A_265 : memref<10112x64xf32, #tpu.memory_space<vmem_shared>>) dst(%arg9 : memref<128x64xf32, #tpu.memory_space<vmem>>)
      %dma_start3A_266 = arith.constant 0 : i32
      %dma_start3A_267 = tpu.memref_slice %arg8[%add3A_258, %dma_start3A_266] : memref<40x128xi32, #tpu.memory_space<vmem>> -> memref<1x128xi32, #tpu.memory_space<vmem>>
      %dma_start3A_268 = tpu.memref_squeeze %dma_start3A_267 : memref<1x128xi32, #tpu.memory_space<vmem>> -> memref<128xi32, #tpu.memory_space<vmem>>
      %dma_start3A_269 = arith.constant 0 : i32
      %dma_start3A_270 = arith.constant 0 : i32
      %dma_start3A_271 = tpu.memref_slice %arg14[%dma_start3A_269, %dma_start3A_270] : memref<10112x64xf32, #tpu.memory_space<vmem_shared>> -> memref<10112x64xf32, #tpu.memory_space<vmem_shared>>
      tpu.enqueue_indirect_dma source(%arg9 : memref<128x64xf32, #tpu.memory_space<vmem>>) target(%dma_start3A_271 : memref<10112x64xf32, #tpu.memory_space<vmem_shared>>) offsets(%dma_start3A_268 : memref<128xi32, #tpu.memory_space<vmem>>) semaphore(%arg19 : memref<!tpu.dma_semaphore, #tpu.memory_space<semaphore_mem>>) {add = true}
      %add3A_272 = arith.constant 2 : i32
      %add3A_273 = arith.addi %add3A_258, %add3A_272 : i32
      %ge3A = arith.constant 4 : i32
      %ge3A_274 = arith.cmpi sge, %add3A_273, %ge3A : i32
      %lt3A_275 = arith.constant 40 : i32
      %lt3A_276 = arith.cmpi slt, %add3A_273, %lt3A_275 : i32
      %and3A = arith.andi %ge3A_274, %lt3A_276 : i1
      %convert_element_type3A_277 = arith.extui %and3A : i1 to i32
      %cond3A_278 = arith.constant 0 : i32
      %cond3A_279 = arith.cmpi ne, %convert_element_type3A_277, %cond3A_278 : i32
      scf.if %cond3A_279 {
        %dma_wait3A_361 = arith.constant 0 : i32
        %dma_wait3A_362 = arith.constant 0 : i32
        %dma_wait3A_363 = tpu.memref_slice %arg8[%dma_wait3A_361, %dma_wait3A_362] : memref<40x128xi32, #tpu.memory_space<vmem>> -> memref<1x128xi32, #tpu.memory_space<vmem>>
        %dma_wait3A_364 = tpu.memref_squeeze %dma_wait3A_363 : memref<1x128xi32, #tpu.memory_space<vmem>> -> memref<128xi32, #tpu.memory_space<vmem>>
        %dma_wait3A_365 = arith.constant 0 : i32
        %dma_wait3A_366 = arith.constant 0 : i32
        %dma_wait3A_367 = tpu.memref_slice %arg14[%dma_wait3A_365, %dma_wait3A_366] : memref<10112x64xf32, #tpu.memory_space<vmem_shared>> -> memref<10112x64xf32, #tpu.memory_space<vmem_shared>>
        tpu.wait_indirect_dma semaphore(%arg21 : memref<!tpu.dma_semaphore, #tpu.memory_space<semaphore_mem>>) src(%arg11 : memref<128x64xf32, #tpu.memory_space<vmem>>) dst(%dma_wait3A_367 : memref<10112x64xf32, #tpu.memory_space<vmem_shared>>)
        %dma_start3A_368 = arith.constant 0 : i32
        %dma_start3A_369 = tpu.memref_slice %arg7[%add3A_273, %dma_start3A_368] : memref<40x128xi32, #tpu.memory_space<vmem>> -> memref<1x128xi32, #tpu.memory_space<vmem>>
        %dma_start3A_370 = tpu.memref_squeeze %dma_start3A_369 : memref<1x128xi32, #tpu.memory_space<vmem>> -> memref<128xi32, #tpu.memory_space<vmem>>
        %dma_start3A_371 = arith.constant 0 : i32
        %dma_start3A_372 = arith.constant 0 : i32
        %dma_start3A_373 = tpu.memref_slice %arg13[%dma_start3A_371, %dma_start3A_372] : memref<10112x64xf32, #tpu.memory_space<vmem_shared>> -> memref<10112x64xf32, #tpu.memory_space<vmem_shared>>
        tpu.enqueue_indirect_dma source(%dma_start3A_373 : memref<10112x64xf32, #tpu.memory_space<vmem_shared>>) target(%arg11 : memref<128x64xf32, #tpu.memory_space<vmem>>) offsets(%dma_start3A_370 : memref<128xi32, #tpu.memory_space<vmem>>) semaphore(%arg17 : memref<!tpu.dma_semaphore, #tpu.memory_space<semaphore_mem>>)
      } else {
      }
      %mul3A_280 = arith.constant 4 : i32
      %mul3A_281 = arith.muli %scan3A_255, %mul3A_280 : i32
      %add3A_282 = arith.constant 1 : i32
      %add3A_283 = arith.addi %mul3A_281, %add3A_282 : i32
      %dma_wait3A_284 = arith.constant 0 : i32
      %dma_wait3A_285 = arith.constant 0 : i32
      %dma_wait3A_286 = tpu.memref_slice %arg7[%dma_wait3A_284, %dma_wait3A_285] : memref<40x128xi32, #tpu.memory_space<vmem>> -> memref<1x128xi32, #tpu.memory_space<vmem>>
      %dma_wait3A_287 = tpu.memref_squeeze %dma_wait3A_286 : memref<1x128xi32, #tpu.memory_space<vmem>> -> memref<128xi32, #tpu.memory_space<vmem>>
      %dma_wait3A_288 = arith.constant 0 : i32
      %dma_wait3A_289 = arith.constant 0 : i32
      %dma_wait3A_290 = tpu.memref_slice %arg13[%dma_wait3A_288, %dma_wait3A_289] : memref<10112x64xf32, #tpu.memory_space<vmem_shared>> -> memref<10112x64xf32, #tpu.memory_space<vmem_shared>>
      tpu.wait_indirect_dma semaphore(%arg16 : memref<!tpu.dma_semaphore, #tpu.memory_space<semaphore_mem>>) src(%dma_wait3A_290 : memref<10112x64xf32, #tpu.memory_space<vmem_shared>>) dst(%arg10 : memref<128x64xf32, #tpu.memory_space<vmem>>)
      %dma_start3A_291 = arith.constant 0 : i32
      %dma_start3A_292 = tpu.memref_slice %arg8[%add3A_283, %dma_start3A_291] : memref<40x128xi32, #tpu.memory_space<vmem>> -> memref<1x128xi32, #tpu.memory_space<vmem>>
      %dma_start3A_293 = tpu.memref_squeeze %dma_start3A_292 : memref<1x128xi32, #tpu.memory_space<vmem>> -> memref<128xi32, #tpu.memory_space<vmem>>
      %dma_start3A_294 = arith.constant 0 : i32
      %dma_start3A_295 = arith.constant 0 : i32
      %dma_start3A_296 = tpu.memref_slice %arg14[%dma_start3A_294, %dma_start3A_295] : memref<10112x64xf32, #tpu.memory_space<vmem_shared>> -> memref<10112x64xf32, #tpu.memory_space<vmem_shared>>
      tpu.enqueue_indirect_dma source(%arg10 : memref<128x64xf32, #tpu.memory_space<vmem>>) target(%dma_start3A_296 : memref<10112x64xf32, #tpu.memory_space<vmem_shared>>) offsets(%dma_start3A_293 : memref<128xi32, #tpu.memory_space<vmem>>) semaphore(%arg20 : memref<!tpu.dma_semaphore, #tpu.memory_space<semaphore_mem>>) {add = true}
      %add3A_297 = arith.constant 2 : i32
      %add3A_298 = arith.addi %add3A_283, %add3A_297 : i32
      %ge3A_299 = arith.constant 4 : i32
      %ge3A_300 = arith.cmpi sge, %add3A_298, %ge3A_299 : i32
      %lt3A_301 = arith.constant 40 : i32
      %lt3A_302 = arith.cmpi slt, %add3A_298, %lt3A_301 : i32
      %and3A_303 = arith.andi %ge3A_300, %lt3A_302 : i1
      %convert_element_type3A_304 = arith.extui %and3A_303 : i1 to i32
      %cond3A_305 = arith.constant 0 : i32
      %cond3A_306 = arith.cmpi ne, %convert_element_type3A_304, %cond3A_305 : i32
      scf.if %cond3A_306 {
        %dma_wait3A_361 = arith.constant 0 : i32
        %dma_wait3A_362 = arith.constant 0 : i32
        %dma_wait3A_363 = tpu.memref_slice %arg8[%dma_wait3A_361, %dma_wait3A_362] : memref<40x128xi32, #tpu.memory_space<vmem>> -> memref<1x128xi32, #tpu.memory_space<vmem>>
        %dma_wait3A_364 = tpu.memref_squeeze %dma_wait3A_363 : memref<1x128xi32, #tpu.memory_space<vmem>> -> memref<128xi32, #tpu.memory_space<vmem>>
        %dma_wait3A_365 = arith.constant 0 : i32
        %dma_wait3A_366 = arith.constant 0 : i32
        %dma_wait3A_367 = tpu.memref_slice %arg14[%dma_wait3A_365, %dma_wait3A_366] : memref<10112x64xf32, #tpu.memory_space<vmem_shared>> -> memref<10112x64xf32, #tpu.memory_space<vmem_shared>>
        tpu.wait_indirect_dma semaphore(%arg22 : memref<!tpu.dma_semaphore, #tpu.memory_space<semaphore_mem>>) src(%arg12 : memref<128x64xf32, #tpu.memory_space<vmem>>) dst(%dma_wait3A_367 : memref<10112x64xf32, #tpu.memory_space<vmem_shared>>)
        %dma_start3A_368 = arith.constant 0 : i32
        %dma_start3A_369 = tpu.memref_slice %arg7[%add3A_298, %dma_start3A_368] : memref<40x128xi32, #tpu.memory_space<vmem>> -> memref<1x128xi32, #tpu.memory_space<vmem>>
        %dma_start3A_370 = tpu.memref_squeeze %dma_start3A_369 : memref<1x128xi32, #tpu.memory_space<vmem>> -> memref<128xi32, #tpu.memory_space<vmem>>
        %dma_start3A_371 = arith.constant 0 : i32
        %dma_start3A_372 = arith.constant 0 : i32
        %dma_start3A_373 = tpu.memref_slice %arg13[%dma_start3A_371, %dma_start3A_372] : memref<10112x64xf32, #tpu.memory_space<vmem_shared>> -> memref<10112x64xf32, #tpu.memory_space<vmem_shared>>
        tpu.enqueue_indirect_dma source(%dma_start3A_373 : memref<10112x64xf32, #tpu.memory_space<vmem_shared>>) target(%arg12 : memref<128x64xf32, #tpu.memory_space<vmem>>) offsets(%dma_start3A_370 : memref<128xi32, #tpu.memory_space<vmem>>) semaphore(%arg18 : memref<!tpu.dma_semaphore, #tpu.memory_space<semaphore_mem>>)
      } else {
      }
      %mul3A_307 = arith.constant 4 : i32
      %mul3A_308 = arith.muli %scan3A_255, %mul3A_307 : i32
      %add3A_309 = arith.constant 2 : i32
      %add3A_310 = arith.addi %mul3A_308, %add3A_309 : i32
      %dma_wait3A_311 = arith.constant 0 : i32
      %dma_wait3A_312 = arith.constant 0 : i32
      %dma_wait3A_313 = tpu.memref_slice %arg7[%dma_wait3A_311, %dma_wait3A_312] : memref<40x128xi32, #tpu.memory_space<vmem>> -> memref<1x128xi32, #tpu.memory_space<vmem>>
      %dma_wait3A_314 = tpu.memref_squeeze %dma_wait3A_313 : memref<1x128xi32, #tpu.memory_space<vmem>> -> memref<128xi32, #tpu.memory_space<vmem>>
      %dma_wait3A_315 = arith.constant 0 : i32
      %dma_wait3A_316 = arith.constant 0 : i32
      %dma_wait3A_317 = tpu.memref_slice %arg13[%dma_wait3A_315, %dma_wait3A_316] : memref<10112x64xf32, #tpu.memory_space<vmem_shared>> -> memref<10112x64xf32, #tpu.memory_space<vmem_shared>>
      tpu.wait_indirect_dma semaphore(%arg17 : memref<!tpu.dma_semaphore, #tpu.memory_space<semaphore_mem>>) src(%dma_wait3A_317 : memref<10112x64xf32, #tpu.memory_space<vmem_shared>>) dst(%arg11 : memref<128x64xf32, #tpu.memory_space<vmem>>)
      %dma_start3A_318 = arith.constant 0 : i32
      %dma_start3A_319 = tpu.memref_slice %arg8[%add3A_310, %dma_start3A_318] : memref<40x128xi32, #tpu.memory_space<vmem>> -> memref<1x128xi32, #tpu.memory_space<vmem>>
      %dma_start3A_320 = tpu.memref_squeeze %dma_start3A_319 : memref<1x128xi32, #tpu.memory_space<vmem>> -> memref<128xi32, #tpu.memory_space<vmem>>
      %dma_start3A_321 = arith.constant 0 : i32
      %dma_start3A_322 = arith.constant 0 : i32
      %dma_start3A_323 = tpu.memref_slice %arg14[%dma_start3A_321, %dma_start3A_322] : memref<10112x64xf32, #tpu.memory_space<vmem_shared>> -> memref<10112x64xf32, #tpu.memory_space<vmem_shared>>
      tpu.enqueue_indirect_dma source(%arg11 : memref<128x64xf32, #tpu.memory_space<vmem>>) target(%dma_start3A_323 : memref<10112x64xf32, #tpu.memory_space<vmem_shared>>) offsets(%dma_start3A_320 : memref<128xi32, #tpu.memory_space<vmem>>) semaphore(%arg21 : memref<!tpu.dma_semaphore, #tpu.memory_space<semaphore_mem>>) {add = true}
      %add3A_324 = arith.constant 2 : i32
      %add3A_325 = arith.addi %add3A_310, %add3A_324 : i32
      %ge3A_326 = arith.constant 4 : i32
      %ge3A_327 = arith.cmpi sge, %add3A_325, %ge3A_326 : i32
      %lt3A_328 = arith.constant 40 : i32
      %lt3A_329 = arith.cmpi slt, %add3A_325, %lt3A_328 : i32
      %and3A_330 = arith.andi %ge3A_327, %lt3A_329 : i1
      %convert_element_type3A_331 = arith.extui %and3A_330 : i1 to i32
      %cond3A_332 = arith.constant 0 : i32
      %cond3A_333 = arith.cmpi ne, %convert_element_type3A_331, %cond3A_332 : i32
      scf.if %cond3A_333 {
        %dma_wait3A_361 = arith.constant 0 : i32
        %dma_wait3A_362 = arith.constant 0 : i32
        %dma_wait3A_363 = tpu.memref_slice %arg8[%dma_wait3A_361, %dma_wait3A_362] : memref<40x128xi32, #tpu.memory_space<vmem>> -> memref<1x128xi32, #tpu.memory_space<vmem>>
        %dma_wait3A_364 = tpu.memref_squeeze %dma_wait3A_363 : memref<1x128xi32, #tpu.memory_space<vmem>> -> memref<128xi32, #tpu.memory_space<vmem>>
        %dma_wait3A_365 = arith.constant 0 : i32
        %dma_wait3A_366 = arith.constant 0 : i32
        %dma_wait3A_367 = tpu.memref_slice %arg14[%dma_wait3A_365, %dma_wait3A_366] : memref<10112x64xf32, #tpu.memory_space<vmem_shared>> -> memref<10112x64xf32, #tpu.memory_space<vmem_shared>>
        tpu.wait_indirect_dma semaphore(%arg19 : memref<!tpu.dma_semaphore, #tpu.memory_space<semaphore_mem>>) src(%arg9 : memref<128x64xf32, #tpu.memory_space<vmem>>) dst(%dma_wait3A_367 : memref<10112x64xf32, #tpu.memory_space<vmem_shared>>)
        %dma_start3A_368 = arith.constant 0 : i32
        %dma_start3A_369 = tpu.memref_slice %arg7[%add3A_325, %dma_start3A_368] : memref<40x128xi32, #tpu.memory_space<vmem>> -> memref<1x128xi32, #tpu.memory_space<vmem>>
        %dma_start3A_370 = tpu.memref_squeeze %dma_start3A_369 : memref<1x128xi32, #tpu.memory_space<vmem>> -> memref<128xi32, #tpu.memory_space<vmem>>
        %dma_start3A_371 = arith.constant 0 : i32
        %dma_start3A_372 = arith.constant 0 : i32
        %dma_start3A_373 = tpu.memref_slice %arg13[%dma_start3A_371, %dma_start3A_372] : memref<10112x64xf32, #tpu.memory_space<vmem_shared>> -> memref<10112x64xf32, #tpu.memory_space<vmem_shared>>
        tpu.enqueue_indirect_dma source(%dma_start3A_373 : memref<10112x64xf32, #tpu.memory_space<vmem_shared>>) target(%arg9 : memref<128x64xf32, #tpu.memory_space<vmem>>) offsets(%dma_start3A_370 : memref<128xi32, #tpu.memory_space<vmem>>) semaphore(%arg15 : memref<!tpu.dma_semaphore, #tpu.memory_space<semaphore_mem>>)
      } else {
      }
      %mul3A_334 = arith.constant 4 : i32
      %mul3A_335 = arith.muli %scan3A_255, %mul3A_334 : i32
      %add3A_336 = arith.constant 3 : i32
      %add3A_337 = arith.addi %mul3A_335, %add3A_336 : i32
      %dma_wait3A_338 = arith.constant 0 : i32
      %dma_wait3A_339 = arith.constant 0 : i32
      %dma_wait3A_340 = tpu.memref_slice %arg7[%dma_wait3A_338, %dma_wait3A_339] : memref<40x128xi32, #tpu.memory_space<vmem>> -> memref<1x128xi32, #tpu.memory_space<vmem>>
      %dma_wait3A_341 = tpu.memref_squeeze %dma_wait3A_340 : memref<1x128xi32, #tpu.memory_space<vmem>> -> memref<128xi32, #tpu.memory_space<vmem>>
      %dma_wait3A_342 = arith.constant 0 : i32
      %dma_wait3A_343 = arith.constant 0 : i32
      %dma_wait3A_344 = tpu.memref_slice %arg13[%dma_wait3A_342, %dma_wait3A_343] : memref<10112x64xf32, #tpu.memory_space<vmem_shared>> -> memref<10112x64xf32, #tpu.memory_space<vmem_shared>>
      tpu.wait_indirect_dma semaphore(%arg18 : memref<!tpu.dma_semaphore, #tpu.memory_space<semaphore_mem>>) src(%dma_wait3A_344 : memref<10112x64xf32, #tpu.memory_space<vmem_shared>>) dst(%arg12 : memref<128x64xf32, #tpu.memory_space<vmem>>)
      %dma_start3A_345 = arith.constant 0 : i32
      %dma_start3A_346 = tpu.memref_slice %arg8[%add3A_337, %dma_start3A_345] : memref<40x128xi32, #tpu.memory_space<vmem>> -> memref<1x128xi32, #tpu.memory_space<vmem>>
      %dma_start3A_347 = tpu.memref_squeeze %dma_start3A_346 : memref<1x128xi32, #tpu.memory_space<vmem>> -> memref<128xi32, #tpu.memory_space<vmem>>
      %dma_start3A_348 = arith.constant 0 : i32
      %dma_start3A_349 = arith.constant 0 : i32
      %dma_start3A_350 = tpu.memref_slice %arg14[%dma_start3A_348, %dma_start3A_349] : memref<10112x64xf32, #tpu.memory_space<vmem_shared>> -> memref<10112x64xf32, #tpu.memory_space<vmem_shared>>
      tpu.enqueue_indirect_dma source(%arg12 : memref<128x64xf32, #tpu.memory_space<vmem>>) target(%dma_start3A_350 : memref<10112x64xf32, #tpu.memory_space<vmem_shared>>) offsets(%dma_start3A_347 : memref<128xi32, #tpu.memory_space<vmem>>) semaphore(%arg22 : memref<!tpu.dma_semaphore, #tpu.memory_space<semaphore_mem>>) {add = true}
      %add3A_351 = arith.constant 2 : i32
      %add3A_352 = arith.addi %add3A_337, %add3A_351 : i32
      %ge3A_353 = arith.constant 4 : i32
      %ge3A_354 = arith.cmpi sge, %add3A_352, %ge3A_353 : i32
      %lt3A_355 = arith.constant 40 : i32
      %lt3A_356 = arith.cmpi slt, %add3A_352, %lt3A_355 : i32
      %and3A_357 = arith.andi %ge3A_354, %lt3A_356 : i1
      %convert_element_type3A_358 = arith.extui %and3A_357 : i1 to i32
      %cond3A_359 = arith.constant 0 : i32
      %cond3A_360 = arith.cmpi ne, %convert_element_type3A_358, %cond3A_359 : i32
      scf.if %cond3A_360 {
        %dma_wait3A_361 = arith.constant 0 : i32
        %dma_wait3A_362 = arith.constant 0 : i32
        %dma_wait3A_363 = tpu.memref_slice %arg8[%dma_wait3A_361, %dma_wait3A_362] : memref<40x128xi32, #tpu.memory_space<vmem>> -> memref<1x128xi32, #tpu.memory_space<vmem>>
        %dma_wait3A_364 = tpu.memref_squeeze %dma_wait3A_363 : memref<1x128xi32, #tpu.memory_space<vmem>> -> memref<128xi32, #tpu.memory_space<vmem>>
        %dma_wait3A_365 = arith.constant 0 : i32
        %dma_wait3A_366 = arith.constant 0 : i32
        %dma_wait3A_367 = tpu.memref_slice %arg14[%dma_wait3A_365, %dma_wait3A_366] : memref<10112x64xf32, #tpu.memory_space<vmem_shared>> -> memref<10112x64xf32, #tpu.memory_space<vmem_shared>>
        tpu.wait_indirect_dma semaphore(%arg20 : memref<!tpu.dma_semaphore, #tpu.memory_space<semaphore_mem>>) src(%arg10 : memref<128x64xf32, #tpu.memory_space<vmem>>) dst(%dma_wait3A_367 : memref<10112x64xf32, #tpu.memory_space<vmem_shared>>)
        %dma_start3A_368 = arith.constant 0 : i32
        %dma_start3A_369 = tpu.memref_slice %arg7[%add3A_352, %dma_start3A_368] : memref<40x128xi32, #tpu.memory_space<vmem>> -> memref<1x128xi32, #tpu.memory_space<vmem>>
        %dma_start3A_370 = tpu.memref_squeeze %dma_start3A_369 : memref<1x128xi32, #tpu.memory_space<vmem>> -> memref<128xi32, #tpu.memory_space<vmem>>
        %dma_start3A_371 = arith.constant 0 : i32
        %dma_start3A_372 = arith.constant 0 : i32
        %dma_start3A_373 = tpu.memref_slice %arg13[%dma_start3A_371, %dma_start3A_372] : memref<10112x64xf32, #tpu.memory_space<vmem_shared>> -> memref<10112x64xf32, #tpu.memory_space<vmem_shared>>
        tpu.enqueue_indirect_dma source(%dma_start3A_373 : memref<10112x64xf32, #tpu.memory_space<vmem_shared>>) target(%arg10 : memref<128x64xf32, #tpu.memory_space<vmem>>) offsets(%dma_start3A_370 : memref<128xi32, #tpu.memory_space<vmem>>) semaphore(%arg16 : memref<!tpu.dma_semaphore, #tpu.memory_space<semaphore_mem>>)
      } else {
      }
    }
    %scan3A_40 = arith.constant 10 : i32
    %dma_wait3A = arith.constant 0 : i32
    %dma_wait3A_41 = arith.constant 0 : i32
    %dma_wait3A_42 = tpu.memref_slice %arg8[%dma_wait3A, %dma_wait3A_41] : memref<40x128xi32, #tpu.memory_space<vmem>> -> memref<1x128xi32, #tpu.memory_space<vmem>>
    %dma_wait3A_43 = tpu.memref_squeeze %dma_wait3A_42 : memref<1x128xi32, #tpu.memory_space<vmem>> -> memref<128xi32, #tpu.memory_space<vmem>>
    %dma_wait3A_44 = arith.constant 0 : i32
    %dma_wait3A_45 = arith.constant 0 : i32
    %dma_wait3A_46 = tpu.memref_slice %arg14[%dma_wait3A_44, %dma_wait3A_45] : memref<10112x64xf32, #tpu.memory_space<vmem_shared>> -> memref<10112x64xf32, #tpu.memory_space<vmem_shared>>
    tpu.wait_indirect_dma semaphore(%arg19 : memref<!tpu.dma_semaphore, #tpu.memory_space<semaphore_mem>>) src(%arg9 : memref<128x64xf32, #tpu.memory_space<vmem>>) dst(%dma_wait3A_46 : memref<10112x64xf32, #tpu.memory_space<vmem_shared>>)
    %dma_wait3A_47 = arith.constant 0 : i32
    %dma_wait3A_48 = arith.constant 0 : i32
    %dma_wait3A_49 = tpu.memref_slice %arg8[%dma_wait3A_47, %dma_wait3A_48] : memref<40x128xi32, #tpu.memory_space<vmem>> -> memref<1x128xi32, #tpu.memory_space<vmem>>
    %dma_wait3A_50 = tpu.memref_squeeze %dma_wait3A_49 : memref<1x128xi32, #tpu.memory_space<vmem>> -> memref<128xi32, #tpu.memory_space<vmem>>
    %dma_wait3A_51 = arith.constant 0 : i32
    %dma_wait3A_52 = arith.constant 0 : i32
    %dma_wait3A_53 = tpu.memref_slice %arg14[%dma_wait3A_51, %dma_wait3A_52] : memref<10112x64xf32, #tpu.memory_space<vmem_shared>> -> memref<10112x64xf32, #tpu.memory_space<vmem_shared>>
    tpu.wait_indirect_dma semaphore(%arg20 : memref<!tpu.dma_semaphore, #tpu.memory_space<semaphore_mem>>) src(%arg10 : memref<128x64xf32, #tpu.memory_space<vmem>>) dst(%dma_wait3A_53 : memref<10112x64xf32, #tpu.memory_space<vmem_shared>>)
    %dma_wait3A_54 = arith.constant 0 : i32
    %dma_wait3A_55 = arith.constant 0 : i32
    %dma_wait3A_56 = tpu.memref_slice %arg8[%dma_wait3A_54, %dma_wait3A_55] : memref<40x128xi32, #tpu.memory_space<vmem>> -> memref<1x128xi32, #tpu.memory_space<vmem>>
    %dma_wait3A_57 = tpu.memref_squeeze %dma_wait3A_56 : memref<1x128xi32, #tpu.memory_space<vmem>> -> memref<128xi32, #tpu.memory_space<vmem>>
    %dma_wait3A_58 = arith.constant 0 : i32
    %dma_wait3A_59 = arith.constant 0 : i32
    %dma_wait3A_60 = tpu.memref_slice %arg14[%dma_wait3A_58, %dma_wait3A_59] : memref<10112x64xf32, #tpu.memory_space<vmem_shared>> -> memref<10112x64xf32, #tpu.memory_space<vmem_shared>>
    tpu.wait_indirect_dma semaphore(%arg21 : memref<!tpu.dma_semaphore, #tpu.memory_space<semaphore_mem>>) src(%arg11 : memref<128x64xf32, #tpu.memory_space<vmem>>) dst(%dma_wait3A_60 : memref<10112x64xf32, #tpu.memory_space<vmem_shared>>)
    %dma_wait3A_61 = arith.constant 0 : i32
    %dma_wait3A_62 = arith.constant 0 : i32
    %dma_wait3A_63 = tpu.memref_slice %arg8[%dma_wait3A_61, %dma_wait3A_62] : memref<40x128xi32, #tpu.memory_space<vmem>> -> memref<1x128xi32, #tpu.memory_space<vmem>>
    %dma_wait3A_64 = tpu.memref_squeeze %dma_wait3A_63 : memref<1x128xi32, #tpu.memory_space<vmem>> -> memref<128xi32, #tpu.memory_space<vmem>>
    %dma_wait3A_65 = arith.constant 0 : i32
    %dma_wait3A_66 = arith.constant 0 : i32
    %dma_wait3A_67 = tpu.memref_slice %arg14[%dma_wait3A_65, %dma_wait3A_66] : memref<10112x64xf32, #tpu.memory_space<vmem_shared>> -> memref<10112x64xf32, #tpu.memory_space<vmem_shared>>
    tpu.wait_indirect_dma semaphore(%arg22 : memref<!tpu.dma_semaphore, #tpu.memory_space<semaphore_mem>>) src(%arg12 : memref<128x64xf32, #tpu.memory_space<vmem>>) dst(%dma_wait3A_67 : memref<10112x64xf32, #tpu.memory_space<vmem_shared>>)
    "tpu.region"() ({
      %run_scoped3A = tpu.sem_alloc : memref<!tpu.dma_semaphore, #tpu.memory_space<semaphore_mem>>
      %dma_start3A_255 = arith.constant 40 : i32
      %dma_start3A_256 = arith.constant 0 : i32
      %dma_start3A_257 = tpu.memref_slice %arg3[%arg1, %dma_start3A_255, %dma_start3A_256] : memref<16x160x128xi32, #tpu.memory_space<hbm>> -> memref<1x40x128xi32, #tpu.memory_space<hbm>>
      %dma_start3A_258 = tpu.memref_squeeze %dma_start3A_257 : memref<1x40x128xi32, #tpu.memory_space<hbm>> -> memref<40x128xi32, #tpu.memory_space<hbm>>
      %dma_start3A_259 = arith.constant 40 : i32
      %dma_start3A_260 = arith.constant 0 : i32
      %dma_start3A_261 = tpu.memref_slice %arg3[%arg1, %dma_start3A_259, %dma_start3A_260] : memref<16x160x128xi32, #tpu.memory_space<hbm>> -> memref<1x40x128xi32, #tpu.memory_space<hbm>>
      %dma_start3A_262 = tpu.memref_squeeze %dma_start3A_261 : memref<1x40x128xi32, #tpu.memory_space<hbm>> -> memref<40x128xi32, #tpu.memory_space<hbm>>
      tpu.enqueue_dma source(%dma_start3A_262 : memref<40x128xi32, #tpu.memory_space<hbm>>) target(%arg7 : memref<40x128xi32, #tpu.memory_space<vmem>>) target_semaphore(%run_scoped3A : memref<!tpu.dma_semaphore, #tpu.memory_space<semaphore_mem>>)
      %dma_wait3A_263 = arith.constant 40 : i32
      %dma_wait3A_264 = arith.constant 0 : i32
      %dma_wait3A_265 = tpu.memref_slice %arg3[%arg1, %dma_wait3A_263, %dma_wait3A_264] : memref<16x160x128xi32, #tpu.memory_space<hbm>> -> memref<1x40x128xi32, #tpu.memory_space<hbm>>
      %dma_wait3A_266 = tpu.memref_squeeze %dma_wait3A_265 : memref<1x40x128xi32, #tpu.memory_space<hbm>> -> memref<40x128xi32, #tpu.memory_space<hbm>>
      %dma_wait3A_267 = arith.constant 40 : i32
      %dma_wait3A_268 = arith.constant 0 : i32
      %dma_wait3A_269 = tpu.memref_slice %arg3[%arg1, %dma_wait3A_267, %dma_wait3A_268] : memref<16x160x128xi32, #tpu.memory_space<hbm>> -> memref<1x40x128xi32, #tpu.memory_space<hbm>>
      %dma_wait3A_270 = tpu.memref_squeeze %dma_wait3A_269 : memref<1x40x128xi32, #tpu.memory_space<hbm>> -> memref<40x128xi32, #tpu.memory_space<hbm>>
      tpu.wait_dma2 semaphore(%run_scoped3A : memref<!tpu.dma_semaphore, #tpu.memory_space<semaphore_mem>>) src(%dma_wait3A_270 : memref<40x128xi32, #tpu.memory_space<hbm>>) dst(%arg7 : memref<40x128xi32, #tpu.memory_space<vmem>>)
      tpu.yield
    }) : () -> ()
    "tpu.region"() ({
      %run_scoped3A = tpu.sem_alloc : memref<!tpu.dma_semaphore, #tpu.memory_space<semaphore_mem>>
      %dma_start3A_255 = arith.constant 40 : i32
      %dma_start3A_256 = arith.constant 0 : i32
      %dma_start3A_257 = tpu.memref_slice %arg4[%arg1, %dma_start3A_255, %dma_start3A_256] : memref<16x160x128xi32, #tpu.memory_space<hbm>> -> memref<1x40x128xi32, #tpu.memory_space<hbm>>
      %dma_start3A_258 = tpu.memref_squeeze %dma_start3A_257 : memref<1x40x128xi32, #tpu.memory_space<hbm>> -> memref<40x128xi32, #tpu.memory_space<hbm>>
      %dma_start3A_259 = arith.constant 40 : i32
      %dma_start3A_260 = arith.constant 0 : i32
      %dma_start3A_261 = tpu.memref_slice %arg4[%arg1, %dma_start3A_259, %dma_start3A_260] : memref<16x160x128xi32, #tpu.memory_space<hbm>> -> memref<1x40x128xi32, #tpu.memory_space<hbm>>
      %dma_start3A_262 = tpu.memref_squeeze %dma_start3A_261 : memref<1x40x128xi32, #tpu.memory_space<hbm>> -> memref<40x128xi32, #tpu.memory_space<hbm>>
      tpu.enqueue_dma source(%dma_start3A_262 : memref<40x128xi32, #tpu.memory_space<hbm>>) target(%arg8 : memref<40x128xi32, #tpu.memory_space<vmem>>) target_semaphore(%run_scoped3A : memref<!tpu.dma_semaphore, #tpu.memory_space<semaphore_mem>>)
      %dma_wait3A_263 = arith.constant 40 : i32
      %dma_wait3A_264 = arith.constant 0 : i32
      %dma_wait3A_265 = tpu.memref_slice %arg4[%arg1, %dma_wait3A_263, %dma_wait3A_264] : memref<16x160x128xi32, #tpu.memory_space<hbm>> -> memref<1x40x128xi32, #tpu.memory_space<hbm>>
      %dma_wait3A_266 = tpu.memref_squeeze %dma_wait3A_265 : memref<1x40x128xi32, #tpu.memory_space<hbm>> -> memref<40x128xi32, #tpu.memory_space<hbm>>
      %dma_wait3A_267 = arith.constant 40 : i32
      %dma_wait3A_268 = arith.constant 0 : i32
      %dma_wait3A_269 = tpu.memref_slice %arg4[%arg1, %dma_wait3A_267, %dma_wait3A_268] : memref<16x160x128xi32, #tpu.memory_space<hbm>> -> memref<1x40x128xi32, #tpu.memory_space<hbm>>
      %dma_wait3A_270 = tpu.memref_squeeze %dma_wait3A_269 : memref<1x40x128xi32, #tpu.memory_space<hbm>> -> memref<40x128xi32, #tpu.memory_space<hbm>>
      tpu.wait_dma2 semaphore(%run_scoped3A : memref<!tpu.dma_semaphore, #tpu.memory_space<semaphore_mem>>) src(%dma_wait3A_270 : memref<40x128xi32, #tpu.memory_space<hbm>>) dst(%arg8 : memref<40x128xi32, #tpu.memory_space<vmem>>)
      tpu.yield
    }) : () -> ()
    %dma_start3A_68 = arith.constant 0 : i32
    %dma_start3A_69 = arith.constant 0 : i32
    %dma_start3A_70 = tpu.memref_slice %arg7[%dma_start3A_68, %dma_start3A_69] : memref<40x128xi32, #tpu.memory_space<vmem>> -> memref<1x128xi32, #tpu.memory_space<vmem>>
    %dma_start3A_71 = tpu.memref_squeeze %dma_start3A_70 : memref<1x128xi32, #tpu.memory_space<vmem>> -> memref<128xi32, #tpu.memory_space<vmem>>
    %dma_start3A_72 = arith.constant 0 : i32
    %dma_start3A_73 = arith.constant 0 : i32
    %dma_start3A_74 = tpu.memref_slice %arg13[%dma_start3A_72, %dma_start3A_73] : memref<10112x64xf32, #tpu.memory_space<vmem_shared>> -> memref<10112x64xf32, #tpu.memory_space<vmem_shared>>
    tpu.enqueue_indirect_dma source(%dma_start3A_74 : memref<10112x64xf32, #tpu.memory_space<vmem_shared>>) target(%arg9 : memref<128x64xf32, #tpu.memory_space<vmem>>) offsets(%dma_start3A_71 : memref<128xi32, #tpu.memory_space<vmem>>) semaphore(%arg15 : memref<!tpu.dma_semaphore, #tpu.memory_space<semaphore_mem>>)
    %dma_start3A_75 = arith.constant 1 : i32
    %dma_start3A_76 = arith.constant 0 : i32
    %dma_start3A_77 = tpu.memref_slice %arg7[%dma_start3A_75, %dma_start3A_76] : memref<40x128xi32, #tpu.memory_space<vmem>> -> memref<1x128xi32, #tpu.memory_space<vmem>>
    %dma_start3A_78 = tpu.memref_squeeze %dma_start3A_77 : memref<1x128xi32, #tpu.memory_space<vmem>> -> memref<128xi32, #tpu.memory_space<vmem>>
    %dma_start3A_79 = arith.constant 0 : i32
    %dma_start3A_80 = arith.constant 0 : i32
    %dma_start3A_81 = tpu.memref_slice %arg13[%dma_start3A_79, %dma_start3A_80] : memref<10112x64xf32, #tpu.memory_space<vmem_shared>> -> memref<10112x64xf32, #tpu.memory_space<vmem_shared>>
    tpu.enqueue_indirect_dma source(%dma_start3A_81 : memref<10112x64xf32, #tpu.memory_space<vmem_shared>>) target(%arg10 : memref<128x64xf32, #tpu.memory_space<vmem>>) offsets(%dma_start3A_78 : memref<128xi32, #tpu.memory_space<vmem>>) semaphore(%arg16 : memref<!tpu.dma_semaphore, #tpu.memory_space<semaphore_mem>>)
    %dma_start3A_82 = arith.constant 2 : i32
    %dma_start3A_83 = arith.constant 0 : i32
    %dma_start3A_84 = tpu.memref_slice %arg7[%dma_start3A_82, %dma_start3A_83] : memref<40x128xi32, #tpu.memory_space<vmem>> -> memref<1x128xi32, #tpu.memory_space<vmem>>
    %dma_start3A_85 = tpu.memref_squeeze %dma_start3A_84 : memref<1x128xi32, #tpu.memory_space<vmem>> -> memref<128xi32, #tpu.memory_space<vmem>>
    %dma_start3A_86 = arith.constant 0 : i32
    %dma_start3A_87 = arith.constant 0 : i32
    %dma_start3A_88 = tpu.memref_slice %arg13[%dma_start3A_86, %dma_start3A_87] : memref<10112x64xf32, #tpu.memory_space<vmem_shared>> -> memref<10112x64xf32, #tpu.memory_space<vmem_shared>>
    tpu.enqueue_indirect_dma source(%dma_start3A_88 : memref<10112x64xf32, #tpu.memory_space<vmem_shared>>) target(%arg11 : memref<128x64xf32, #tpu.memory_space<vmem>>) offsets(%dma_start3A_85 : memref<128xi32, #tpu.memory_space<vmem>>) semaphore(%arg17 : memref<!tpu.dma_semaphore, #tpu.memory_space<semaphore_mem>>)
    %dma_start3A_89 = arith.constant 3 : i32
    %dma_start3A_90 = arith.constant 0 : i32
    %dma_start3A_91 = tpu.memref_slice %arg7[%dma_start3A_89, %dma_start3A_90] : memref<40x128xi32, #tpu.memory_space<vmem>> -> memref<1x128xi32, #tpu.memory_space<vmem>>
    %dma_start3A_92 = tpu.memref_squeeze %dma_start3A_91 : memref<1x128xi32, #tpu.memory_space<vmem>> -> memref<128xi32, #tpu.memory_space<vmem>>
    %dma_start3A_93 = arith.constant 0 : i32
    %dma_start3A_94 = arith.constant 0 : i32
    %dma_start3A_95 = tpu.memref_slice %arg13[%dma_start3A_93, %dma_start3A_94] : memref<10112x64xf32, #tpu.memory_space<vmem_shared>> -> memref<10112x64xf32, #tpu.memory_space<vmem_shared>>
    tpu.enqueue_indirect_dma source(%dma_start3A_95 : memref<10112x64xf32, #tpu.memory_space<vmem_shared>>) target(%arg12 : memref<128x64xf32, #tpu.memory_space<vmem>>) offsets(%dma_start3A_92 : memref<128xi32, #tpu.memory_space<vmem>>) semaphore(%arg18 : memref<!tpu.dma_semaphore, #tpu.memory_space<semaphore_mem>>)
    %scan3A_96 = arith.constant 0 : i32
    %scan3A_97 = arith.constant 0 : i32
    %scan3A_98 = arith.constant 10 : i32
    %scan3A_99 = arith.addi %scan3A_97, %scan3A_98 : i32
    %scan3A_100 = arith.constant 1 : i32
    scf.for %scan3A_255 = %scan3A_97 to %scan3A_99 step %scan3A_100  : i32 {
      %mul3A_256 = arith.constant 4 : i32
      %mul3A_257 = arith.muli %scan3A_255, %mul3A_256 : i32
      %add3A = arith.constant 0 : i32
      %add3A_258 = arith.addi %mul3A_257, %add3A : i32
      %dma_wait3A_259 = arith.constant 0 : i32
      %dma_wait3A_260 = arith.constant 0 : i32
      %dma_wait3A_261 = tpu.memref_slice %arg7[%dma_wait3A_259, %dma_wait3A_260] : memref<40x128xi32, #tpu.memory_space<vmem>> -> memref<1x128xi32, #tpu.memory_space<vmem>>
      %dma_wait3A_262 = tpu.memref_squeeze %dma_wait3A_261 : memref<1x128xi32, #tpu.memory_space<vmem>> -> memref<128xi32, #tpu.memory_space<vmem>>
      %dma_wait3A_263 = arith.constant 0 : i32
      %dma_wait3A_264 = arith.constant 0 : i32
      %dma_wait3A_265 = tpu.memref_slice %arg13[%dma_wait3A_263, %dma_wait3A_264] : memref<10112x64xf32, #tpu.memory_space<vmem_shared>> -> memref<10112x64xf32, #tpu.memory_space<vmem_shared>>
      tpu.wait_indirect_dma semaphore(%arg15 : memref<!tpu.dma_semaphore, #tpu.memory_space<semaphore_mem>>) src(%dma_wait3A_265 : memref<10112x64xf32, #tpu.memory_space<vmem_shared>>) dst(%arg9 : memref<128x64xf32, #tpu.memory_space<vmem>>)
      %dma_start3A_266 = arith.constant 0 : i32
      %dma_start3A_267 = tpu.memref_slice %arg8[%add3A_258, %dma_start3A_266] : memref<40x128xi32, #tpu.memory_space<vmem>> -> memref<1x128xi32, #tpu.memory_space<vmem>>
      %dma_start3A_268 = tpu.memref_squeeze %dma_start3A_267 : memref<1x128xi32, #tpu.memory_space<vmem>> -> memref<128xi32, #tpu.memory_space<vmem>>
      %dma_start3A_269 = arith.constant 0 : i32
      %dma_start3A_270 = arith.constant 0 : i32
      %dma_start3A_271 = tpu.memref_slice %arg14[%dma_start3A_269, %dma_start3A_270] : memref<10112x64xf32, #tpu.memory_space<vmem_shared>> -> memref<10112x64xf32, #tpu.memory_space<vmem_shared>>
      tpu.enqueue_indirect_dma source(%arg9 : memref<128x64xf32, #tpu.memory_space<vmem>>) target(%dma_start3A_271 : memref<10112x64xf32, #tpu.memory_space<vmem_shared>>) offsets(%dma_start3A_268 : memref<128xi32, #tpu.memory_space<vmem>>) semaphore(%arg19 : memref<!tpu.dma_semaphore, #tpu.memory_space<semaphore_mem>>) {add = true}
      %add3A_272 = arith.constant 2 : i32
      %add3A_273 = arith.addi %add3A_258, %add3A_272 : i32
      %ge3A = arith.constant 4 : i32
      %ge3A_274 = arith.cmpi sge, %add3A_273, %ge3A : i32
      %lt3A_275 = arith.constant 40 : i32
      %lt3A_276 = arith.cmpi slt, %add3A_273, %lt3A_275 : i32
      %and3A = arith.andi %ge3A_274, %lt3A_276 : i1
      %convert_element_type3A_277 = arith.extui %and3A : i1 to i32
      %cond3A_278 = arith.constant 0 : i32
      %cond3A_279 = arith.cmpi ne, %convert_element_type3A_277, %cond3A_278 : i32
      scf.if %cond3A_279 {
        %dma_wait3A_361 = arith.constant 0 : i32
        %dma_wait3A_362 = arith.constant 0 : i32
        %dma_wait3A_363 = tpu.memref_slice %arg8[%dma_wait3A_361, %dma_wait3A_362] : memref<40x128xi32, #tpu.memory_space<vmem>> -> memref<1x128xi32, #tpu.memory_space<vmem>>
        %dma_wait3A_364 = tpu.memref_squeeze %dma_wait3A_363 : memref<1x128xi32, #tpu.memory_space<vmem>> -> memref<128xi32, #tpu.memory_space<vmem>>
        %dma_wait3A_365 = arith.constant 0 : i32
        %dma_wait3A_366 = arith.constant 0 : i32
        %dma_wait3A_367 = tpu.memref_slice %arg14[%dma_wait3A_365, %dma_wait3A_366] : memref<10112x64xf32, #tpu.memory_space<vmem_shared>> -> memref<10112x64xf32, #tpu.memory_space<vmem_shared>>
        tpu.wait_indirect_dma semaphore(%arg21 : memref<!tpu.dma_semaphore, #tpu.memory_space<semaphore_mem>>) src(%arg11 : memref<128x64xf32, #tpu.memory_space<vmem>>) dst(%dma_wait3A_367 : memref<10112x64xf32, #tpu.memory_space<vmem_shared>>)
        %dma_start3A_368 = arith.constant 0 : i32
        %dma_start3A_369 = tpu.memref_slice %arg7[%add3A_273, %dma_start3A_368] : memref<40x128xi32, #tpu.memory_space<vmem>> -> memref<1x128xi32, #tpu.memory_space<vmem>>
        %dma_start3A_370 = tpu.memref_squeeze %dma_start3A_369 : memref<1x128xi32, #tpu.memory_space<vmem>> -> memref<128xi32, #tpu.memory_space<vmem>>
        %dma_start3A_371 = arith.constant 0 : i32
        %dma_start3A_372 = arith.constant 0 : i32
        %dma_start3A_373 = tpu.memref_slice %arg13[%dma_start3A_371, %dma_start3A_372] : memref<10112x64xf32, #tpu.memory_space<vmem_shared>> -> memref<10112x64xf32, #tpu.memory_space<vmem_shared>>
        tpu.enqueue_indirect_dma source(%dma_start3A_373 : memref<10112x64xf32, #tpu.memory_space<vmem_shared>>) target(%arg11 : memref<128x64xf32, #tpu.memory_space<vmem>>) offsets(%dma_start3A_370 : memref<128xi32, #tpu.memory_space<vmem>>) semaphore(%arg17 : memref<!tpu.dma_semaphore, #tpu.memory_space<semaphore_mem>>)
      } else {
      }
      %mul3A_280 = arith.constant 4 : i32
      %mul3A_281 = arith.muli %scan3A_255, %mul3A_280 : i32
      %add3A_282 = arith.constant 1 : i32
      %add3A_283 = arith.addi %mul3A_281, %add3A_282 : i32
      %dma_wait3A_284 = arith.constant 0 : i32
      %dma_wait3A_285 = arith.constant 0 : i32
      %dma_wait3A_286 = tpu.memref_slice %arg7[%dma_wait3A_284, %dma_wait3A_285] : memref<40x128xi32, #tpu.memory_space<vmem>> -> memref<1x128xi32, #tpu.memory_space<vmem>>
      %dma_wait3A_287 = tpu.memref_squeeze %dma_wait3A_286 : memref<1x128xi32, #tpu.memory_space<vmem>> -> memref<128xi32, #tpu.memory_space<vmem>>
      %dma_wait3A_288 = arith.constant 0 : i32
      %dma_wait3A_289 = arith.constant 0 : i32
      %dma_wait3A_290 = tpu.memref_slice %arg13[%dma_wait3A_288, %dma_wait3A_289] : memref<10112x64xf32, #tpu.memory_space<vmem_shared>> -> memref<10112x64xf32, #tpu.memory_space<vmem_shared>>
      tpu.wait_indirect_dma semaphore(%arg16 : memref<!tpu.dma_semaphore, #tpu.memory_space<semaphore_mem>>) src(%dma_wait3A_290 : memref<10112x64xf32, #tpu.memory_space<vmem_shared>>) dst(%arg10 : memref<128x64xf32, #tpu.memory_space<vmem>>)
      %dma_start3A_291 = arith.constant 0 : i32
      %dma_start3A_292 = tpu.memref_slice %arg8[%add3A_283, %dma_start3A_291] : memref<40x128xi32, #tpu.memory_space<vmem>> -> memref<1x128xi32, #tpu.memory_space<vmem>>
      %dma_start3A_293 = tpu.memref_squeeze %dma_start3A_292 : memref<1x128xi32, #tpu.memory_space<vmem>> -> memref<128xi32, #tpu.memory_space<vmem>>
      %dma_start3A_294 = arith.constant 0 : i32
      %dma_start3A_295 = arith.constant 0 : i32
      %dma_start3A_296 = tpu.memref_slice %arg14[%dma_start3A_294, %dma_start3A_295] : memref<10112x64xf32, #tpu.memory_space<vmem_shared>> -> memref<10112x64xf32, #tpu.memory_space<vmem_shared>>
      tpu.enqueue_indirect_dma source(%arg10 : memref<128x64xf32, #tpu.memory_space<vmem>>) target(%dma_start3A_296 : memref<10112x64xf32, #tpu.memory_space<vmem_shared>>) offsets(%dma_start3A_293 : memref<128xi32, #tpu.memory_space<vmem>>) semaphore(%arg20 : memref<!tpu.dma_semaphore, #tpu.memory_space<semaphore_mem>>) {add = true}
      %add3A_297 = arith.constant 2 : i32
      %add3A_298 = arith.addi %add3A_283, %add3A_297 : i32
      %ge3A_299 = arith.constant 4 : i32
      %ge3A_300 = arith.cmpi sge, %add3A_298, %ge3A_299 : i32
      %lt3A_301 = arith.constant 40 : i32
      %lt3A_302 = arith.cmpi slt, %add3A_298, %lt3A_301 : i32
      %and3A_303 = arith.andi %ge3A_300, %lt3A_302 : i1
      %convert_element_type3A_304 = arith.extui %and3A_303 : i1 to i32
      %cond3A_305 = arith.constant 0 : i32
      %cond3A_306 = arith.cmpi ne, %convert_element_type3A_304, %cond3A_305 : i32
      scf.if %cond3A_306 {
        %dma_wait3A_361 = arith.constant 0 : i32
        %dma_wait3A_362 = arith.constant 0 : i32
        %dma_wait3A_363 = tpu.memref_slice %arg8[%dma_wait3A_361, %dma_wait3A_362] : memref<40x128xi32, #tpu.memory_space<vmem>> -> memref<1x128xi32, #tpu.memory_space<vmem>>
        %dma_wait3A_364 = tpu.memref_squeeze %dma_wait3A_363 : memref<1x128xi32, #tpu.memory_space<vmem>> -> memref<128xi32, #tpu.memory_space<vmem>>
        %dma_wait3A_365 = arith.constant 0 : i32
        %dma_wait3A_366 = arith.constant 0 : i32
        %dma_wait3A_367 = tpu.memref_slice %arg14[%dma_wait3A_365, %dma_wait3A_366] : memref<10112x64xf32, #tpu.memory_space<vmem_shared>> -> memref<10112x64xf32, #tpu.memory_space<vmem_shared>>
        tpu.wait_indirect_dma semaphore(%arg22 : memref<!tpu.dma_semaphore, #tpu.memory_space<semaphore_mem>>) src(%arg12 : memref<128x64xf32, #tpu.memory_space<vmem>>) dst(%dma_wait3A_367 : memref<10112x64xf32, #tpu.memory_space<vmem_shared>>)
        %dma_start3A_368 = arith.constant 0 : i32
        %dma_start3A_369 = tpu.memref_slice %arg7[%add3A_298, %dma_start3A_368] : memref<40x128xi32, #tpu.memory_space<vmem>> -> memref<1x128xi32, #tpu.memory_space<vmem>>
        %dma_start3A_370 = tpu.memref_squeeze %dma_start3A_369 : memref<1x128xi32, #tpu.memory_space<vmem>> -> memref<128xi32, #tpu.memory_space<vmem>>
        %dma_start3A_371 = arith.constant 0 : i32
        %dma_start3A_372 = arith.constant 0 : i32
        %dma_start3A_373 = tpu.memref_slice %arg13[%dma_start3A_371, %dma_start3A_372] : memref<10112x64xf32, #tpu.memory_space<vmem_shared>> -> memref<10112x64xf32, #tpu.memory_space<vmem_shared>>
        tpu.enqueue_indirect_dma source(%dma_start3A_373 : memref<10112x64xf32, #tpu.memory_space<vmem_shared>>) target(%arg12 : memref<128x64xf32, #tpu.memory_space<vmem>>) offsets(%dma_start3A_370 : memref<128xi32, #tpu.memory_space<vmem>>) semaphore(%arg18 : memref<!tpu.dma_semaphore, #tpu.memory_space<semaphore_mem>>)
      } else {
      }
      %mul3A_307 = arith.constant 4 : i32
      %mul3A_308 = arith.muli %scan3A_255, %mul3A_307 : i32
      %add3A_309 = arith.constant 2 : i32
      %add3A_310 = arith.addi %mul3A_308, %add3A_309 : i32
      %dma_wait3A_311 = arith.constant 0 : i32
      %dma_wait3A_312 = arith.constant 0 : i32
      %dma_wait3A_313 = tpu.memref_slice %arg7[%dma_wait3A_311, %dma_wait3A_312] : memref<40x128xi32, #tpu.memory_space<vmem>> -> memref<1x128xi32, #tpu.memory_space<vmem>>
      %dma_wait3A_314 = tpu.memref_squeeze %dma_wait3A_313 : memref<1x128xi32, #tpu.memory_space<vmem>> -> memref<128xi32, #tpu.memory_space<vmem>>
      %dma_wait3A_315 = arith.constant 0 : i32
      %dma_wait3A_316 = arith.constant 0 : i32
      %dma_wait3A_317 = tpu.memref_slice %arg13[%dma_wait3A_315, %dma_wait3A_316] : memref<10112x64xf32, #tpu.memory_space<vmem_shared>> -> memref<10112x64xf32, #tpu.memory_space<vmem_shared>>
      tpu.wait_indirect_dma semaphore(%arg17 : memref<!tpu.dma_semaphore, #tpu.memory_space<semaphore_mem>>) src(%dma_wait3A_317 : memref<10112x64xf32, #tpu.memory_space<vmem_shared>>) dst(%arg11 : memref<128x64xf32, #tpu.memory_space<vmem>>)
      %dma_start3A_318 = arith.constant 0 : i32
      %dma_start3A_319 = tpu.memref_slice %arg8[%add3A_310, %dma_start3A_318] : memref<40x128xi32, #tpu.memory_space<vmem>> -> memref<1x128xi32, #tpu.memory_space<vmem>>
      %dma_start3A_320 = tpu.memref_squeeze %dma_start3A_319 : memref<1x128xi32, #tpu.memory_space<vmem>> -> memref<128xi32, #tpu.memory_space<vmem>>
      %dma_start3A_321 = arith.constant 0 : i32
      %dma_start3A_322 = arith.constant 0 : i32
      %dma_start3A_323 = tpu.memref_slice %arg14[%dma_start3A_321, %dma_start3A_322] : memref<10112x64xf32, #tpu.memory_space<vmem_shared>> -> memref<10112x64xf32, #tpu.memory_space<vmem_shared>>
      tpu.enqueue_indirect_dma source(%arg11 : memref<128x64xf32, #tpu.memory_space<vmem>>) target(%dma_start3A_323 : memref<10112x64xf32, #tpu.memory_space<vmem_shared>>) offsets(%dma_start3A_320 : memref<128xi32, #tpu.memory_space<vmem>>) semaphore(%arg21 : memref<!tpu.dma_semaphore, #tpu.memory_space<semaphore_mem>>) {add = true}
      %add3A_324 = arith.constant 2 : i32
      %add3A_325 = arith.addi %add3A_310, %add3A_324 : i32
      %ge3A_326 = arith.constant 4 : i32
      %ge3A_327 = arith.cmpi sge, %add3A_325, %ge3A_326 : i32
      %lt3A_328 = arith.constant 40 : i32
      %lt3A_329 = arith.cmpi slt, %add3A_325, %lt3A_328 : i32
      %and3A_330 = arith.andi %ge3A_327, %lt3A_329 : i1
      %convert_element_type3A_331 = arith.extui %and3A_330 : i1 to i32
      %cond3A_332 = arith.constant 0 : i32
      %cond3A_333 = arith.cmpi ne, %convert_element_type3A_331, %cond3A_332 : i32
      scf.if %cond3A_333 {
        %dma_wait3A_361 = arith.constant 0 : i32
        %dma_wait3A_362 = arith.constant 0 : i32
        %dma_wait3A_363 = tpu.memref_slice %arg8[%dma_wait3A_361, %dma_wait3A_362] : memref<40x128xi32, #tpu.memory_space<vmem>> -> memref<1x128xi32, #tpu.memory_space<vmem>>
        %dma_wait3A_364 = tpu.memref_squeeze %dma_wait3A_363 : memref<1x128xi32, #tpu.memory_space<vmem>> -> memref<128xi32, #tpu.memory_space<vmem>>
        %dma_wait3A_365 = arith.constant 0 : i32
        %dma_wait3A_366 = arith.constant 0 : i32
        %dma_wait3A_367 = tpu.memref_slice %arg14[%dma_wait3A_365, %dma_wait3A_366] : memref<10112x64xf32, #tpu.memory_space<vmem_shared>> -> memref<10112x64xf32, #tpu.memory_space<vmem_shared>>
        tpu.wait_indirect_dma semaphore(%arg19 : memref<!tpu.dma_semaphore, #tpu.memory_space<semaphore_mem>>) src(%arg9 : memref<128x64xf32, #tpu.memory_space<vmem>>) dst(%dma_wait3A_367 : memref<10112x64xf32, #tpu.memory_space<vmem_shared>>)
        %dma_start3A_368 = arith.constant 0 : i32
        %dma_start3A_369 = tpu.memref_slice %arg7[%add3A_325, %dma_start3A_368] : memref<40x128xi32, #tpu.memory_space<vmem>> -> memref<1x128xi32, #tpu.memory_space<vmem>>
        %dma_start3A_370 = tpu.memref_squeeze %dma_start3A_369 : memref<1x128xi32, #tpu.memory_space<vmem>> -> memref<128xi32, #tpu.memory_space<vmem>>
        %dma_start3A_371 = arith.constant 0 : i32
        %dma_start3A_372 = arith.constant 0 : i32
        %dma_start3A_373 = tpu.memref_slice %arg13[%dma_start3A_371, %dma_start3A_372] : memref<10112x64xf32, #tpu.memory_space<vmem_shared>> -> memref<10112x64xf32, #tpu.memory_space<vmem_shared>>
        tpu.enqueue_indirect_dma source(%dma_start3A_373 : memref<10112x64xf32, #tpu.memory_space<vmem_shared>>) target(%arg9 : memref<128x64xf32, #tpu.memory_space<vmem>>) offsets(%dma_start3A_370 : memref<128xi32, #tpu.memory_space<vmem>>) semaphore(%arg15 : memref<!tpu.dma_semaphore, #tpu.memory_space<semaphore_mem>>)
      } else {
      }
      %mul3A_334 = arith.constant 4 : i32
      %mul3A_335 = arith.muli %scan3A_255, %mul3A_334 : i32
      %add3A_336 = arith.constant 3 : i32
      %add3A_337 = arith.addi %mul3A_335, %add3A_336 : i32
      %dma_wait3A_338 = arith.constant 0 : i32
      %dma_wait3A_339 = arith.constant 0 : i32
      %dma_wait3A_340 = tpu.memref_slice %arg7[%dma_wait3A_338, %dma_wait3A_339] : memref<40x128xi32, #tpu.memory_space<vmem>> -> memref<1x128xi32, #tpu.memory_space<vmem>>
      %dma_wait3A_341 = tpu.memref_squeeze %dma_wait3A_340 : memref<1x128xi32, #tpu.memory_space<vmem>> -> memref<128xi32, #tpu.memory_space<vmem>>
      %dma_wait3A_342 = arith.constant 0 : i32
      %dma_wait3A_343 = arith.constant 0 : i32
      %dma_wait3A_344 = tpu.memref_slice %arg13[%dma_wait3A_342, %dma_wait3A_343] : memref<10112x64xf32, #tpu.memory_space<vmem_shared>> -> memref<10112x64xf32, #tpu.memory_space<vmem_shared>>
      tpu.wait_indirect_dma semaphore(%arg18 : memref<!tpu.dma_semaphore, #tpu.memory_space<semaphore_mem>>) src(%dma_wait3A_344 : memref<10112x64xf32, #tpu.memory_space<vmem_shared>>) dst(%arg12 : memref<128x64xf32, #tpu.memory_space<vmem>>)
      %dma_start3A_345 = arith.constant 0 : i32
      %dma_start3A_346 = tpu.memref_slice %arg8[%add3A_337, %dma_start3A_345] : memref<40x128xi32, #tpu.memory_space<vmem>> -> memref<1x128xi32, #tpu.memory_space<vmem>>
      %dma_start3A_347 = tpu.memref_squeeze %dma_start3A_346 : memref<1x128xi32, #tpu.memory_space<vmem>> -> memref<128xi32, #tpu.memory_space<vmem>>
      %dma_start3A_348 = arith.constant 0 : i32
      %dma_start3A_349 = arith.constant 0 : i32
      %dma_start3A_350 = tpu.memref_slice %arg14[%dma_start3A_348, %dma_start3A_349] : memref<10112x64xf32, #tpu.memory_space<vmem_shared>> -> memref<10112x64xf32, #tpu.memory_space<vmem_shared>>
      tpu.enqueue_indirect_dma source(%arg12 : memref<128x64xf32, #tpu.memory_space<vmem>>) target(%dma_start3A_350 : memref<10112x64xf32, #tpu.memory_space<vmem_shared>>) offsets(%dma_start3A_347 : memref<128xi32, #tpu.memory_space<vmem>>) semaphore(%arg22 : memref<!tpu.dma_semaphore, #tpu.memory_space<semaphore_mem>>) {add = true}
      %add3A_351 = arith.constant 2 : i32
      %add3A_352 = arith.addi %add3A_337, %add3A_351 : i32
      %ge3A_353 = arith.constant 4 : i32
      %ge3A_354 = arith.cmpi sge, %add3A_352, %ge3A_353 : i32
      %lt3A_355 = arith.constant 40 : i32
      %lt3A_356 = arith.cmpi slt, %add3A_352, %lt3A_355 : i32
      %and3A_357 = arith.andi %ge3A_354, %lt3A_356 : i1
      %convert_element_type3A_358 = arith.extui %and3A_357 : i1 to i32
      %cond3A_359 = arith.constant 0 : i32
      %cond3A_360 = arith.cmpi ne, %convert_element_type3A_358, %cond3A_359 : i32
      scf.if %cond3A_360 {
        %dma_wait3A_361 = arith.constant 0 : i32
        %dma_wait3A_362 = arith.constant 0 : i32
        %dma_wait3A_363 = tpu.memref_slice %arg8[%dma_wait3A_361, %dma_wait3A_362] : memref<40x128xi32, #tpu.memory_space<vmem>> -> memref<1x128xi32, #tpu.memory_space<vmem>>
        %dma_wait3A_364 = tpu.memref_squeeze %dma_wait3A_363 : memref<1x128xi32, #tpu.memory_space<vmem>> -> memref<128xi32, #tpu.memory_space<vmem>>
        %dma_wait3A_365 = arith.constant 0 : i32
        %dma_wait3A_366 = arith.constant 0 : i32
        %dma_wait3A_367 = tpu.memref_slice %arg14[%dma_wait3A_365, %dma_wait3A_366] : memref<10112x64xf32, #tpu.memory_space<vmem_shared>> -> memref<10112x64xf32, #tpu.memory_space<vmem_shared>>
        tpu.wait_indirect_dma semaphore(%arg20 : memref<!tpu.dma_semaphore, #tpu.memory_space<semaphore_mem>>) src(%arg10 : memref<128x64xf32, #tpu.memory_space<vmem>>) dst(%dma_wait3A_367 : memref<10112x64xf32, #tpu.memory_space<vmem_shared>>)
        %dma_start3A_368 = arith.constant 0 : i32
        %dma_start3A_369 = tpu.memref_slice %arg7[%add3A_352, %dma_start3A_368] : memref<40x128xi32, #tpu.memory_space<vmem>> -> memref<1x128xi32, #tpu.memory_space<vmem>>
        %dma_start3A_370 = tpu.memref_squeeze %dma_start3A_369 : memref<1x128xi32, #tpu.memory_space<vmem>> -> memref<128xi32, #tpu.memory_space<vmem>>
        %dma_start3A_371 = arith.constant 0 : i32
        %dma_start3A_372 = arith.constant 0 : i32
        %dma_start3A_373 = tpu.memref_slice %arg13[%dma_start3A_371, %dma_start3A_372] : memref<10112x64xf32, #tpu.memory_space<vmem_shared>> -> memref<10112x64xf32, #tpu.memory_space<vmem_shared>>
        tpu.enqueue_indirect_dma source(%dma_start3A_373 : memref<10112x64xf32, #tpu.memory_space<vmem_shared>>) target(%arg10 : memref<128x64xf32, #tpu.memory_space<vmem>>) offsets(%dma_start3A_370 : memref<128xi32, #tpu.memory_space<vmem>>) semaphore(%arg16 : memref<!tpu.dma_semaphore, #tpu.memory_space<semaphore_mem>>)
      } else {
      }
    }
    %scan3A_101 = arith.constant 10 : i32
    %dma_wait3A_102 = arith.constant 0 : i32
    %dma_wait3A_103 = arith.constant 0 : i32
    %dma_wait3A_104 = tpu.memref_slice %arg8[%dma_wait3A_102, %dma_wait3A_103] : memref<40x128xi32, #tpu.memory_space<vmem>> -> memref<1x128xi32, #tpu.memory_space<vmem>>
    %dma_wait3A_105 = tpu.memref_squeeze %dma_wait3A_104 : memref<1x128xi32, #tpu.memory_space<vmem>> -> memref<128xi32, #tpu.memory_space<vmem>>
    %dma_wait3A_106 = arith.constant 0 : i32
    %dma_wait3A_107 = arith.constant 0 : i32
    %dma_wait3A_108 = tpu.memref_slice %arg14[%dma_wait3A_106, %dma_wait3A_107] : memref<10112x64xf32, #tpu.memory_space<vmem_shared>> -> memref<10112x64xf32, #tpu.memory_space<vmem_shared>>
    tpu.wait_indirect_dma semaphore(%arg19 : memref<!tpu.dma_semaphore, #tpu.memory_space<semaphore_mem>>) src(%arg9 : memref<128x64xf32, #tpu.memory_space<vmem>>) dst(%dma_wait3A_108 : memref<10112x64xf32, #tpu.memory_space<vmem_shared>>)
    %dma_wait3A_109 = arith.constant 0 : i32
    %dma_wait3A_110 = arith.constant 0 : i32
    %dma_wait3A_111 = tpu.memref_slice %arg8[%dma_wait3A_109, %dma_wait3A_110] : memref<40x128xi32, #tpu.memory_space<vmem>> -> memref<1x128xi32, #tpu.memory_space<vmem>>
    %dma_wait3A_112 = tpu.memref_squeeze %dma_wait3A_111 : memref<1x128xi32, #tpu.memory_space<vmem>> -> memref<128xi32, #tpu.memory_space<vmem>>
    %dma_wait3A_113 = arith.constant 0 : i32
    %dma_wait3A_114 = arith.constant 0 : i32
    %dma_wait3A_115 = tpu.memref_slice %arg14[%dma_wait3A_113, %dma_wait3A_114] : memref<10112x64xf32, #tpu.memory_space<vmem_shared>> -> memref<10112x64xf32, #tpu.memory_space<vmem_shared>>
    tpu.wait_indirect_dma semaphore(%arg20 : memref<!tpu.dma_semaphore, #tpu.memory_space<semaphore_mem>>) src(%arg10 : memref<128x64xf32, #tpu.memory_space<vmem>>) dst(%dma_wait3A_115 : memref<10112x64xf32, #tpu.memory_space<vmem_shared>>)
    %dma_wait3A_116 = arith.constant 0 : i32
    %dma_wait3A_117 = arith.constant 0 : i32
    %dma_wait3A_118 = tpu.memref_slice %arg8[%dma_wait3A_116, %dma_wait3A_117] : memref<40x128xi32, #tpu.memory_space<vmem>> -> memref<1x128xi32, #tpu.memory_space<vmem>>
    %dma_wait3A_119 = tpu.memref_squeeze %dma_wait3A_118 : memref<1x128xi32, #tpu.memory_space<vmem>> -> memref<128xi32, #tpu.memory_space<vmem>>
    %dma_wait3A_120 = arith.constant 0 : i32
    %dma_wait3A_121 = arith.constant 0 : i32
    %dma_wait3A_122 = tpu.memref_slice %arg14[%dma_wait3A_120, %dma_wait3A_121] : memref<10112x64xf32, #tpu.memory_space<vmem_shared>> -> memref<10112x64xf32, #tpu.memory_space<vmem_shared>>
    tpu.wait_indirect_dma semaphore(%arg21 : memref<!tpu.dma_semaphore, #tpu.memory_space<semaphore_mem>>) src(%arg11 : memref<128x64xf32, #tpu.memory_space<vmem>>) dst(%dma_wait3A_122 : memref<10112x64xf32, #tpu.memory_space<vmem_shared>>)
    %dma_wait3A_123 = arith.constant 0 : i32
    %dma_wait3A_124 = arith.constant 0 : i32
    %dma_wait3A_125 = tpu.memref_slice %arg8[%dma_wait3A_123, %dma_wait3A_124] : memref<40x128xi32, #tpu.memory_space<vmem>> -> memref<1x128xi32, #tpu.memory_space<vmem>>
    %dma_wait3A_126 = tpu.memref_squeeze %dma_wait3A_125 : memref<1x128xi32, #tpu.memory_space<vmem>> -> memref<128xi32, #tpu.memory_space<vmem>>
    %dma_wait3A_127 = arith.constant 0 : i32
    %dma_wait3A_128 = arith.constant 0 : i32
    %dma_wait3A_129 = tpu.memref_slice %arg14[%dma_wait3A_127, %dma_wait3A_128] : memref<10112x64xf32, #tpu.memory_space<vmem_shared>> -> memref<10112x64xf32, #tpu.memory_space<vmem_shared>>
    tpu.wait_indirect_dma semaphore(%arg22 : memref<!tpu.dma_semaphore, #tpu.memory_space<semaphore_mem>>) src(%arg12 : memref<128x64xf32, #tpu.memory_space<vmem>>) dst(%dma_wait3A_129 : memref<10112x64xf32, #tpu.memory_space<vmem_shared>>)
    "tpu.region"() ({
      %run_scoped3A = tpu.sem_alloc : memref<!tpu.dma_semaphore, #tpu.memory_space<semaphore_mem>>
      %dma_start3A_255 = arith.constant 80 : i32
      %dma_start3A_256 = arith.constant 0 : i32
      %dma_start3A_257 = tpu.memref_slice %arg3[%arg1, %dma_start3A_255, %dma_start3A_256] : memref<16x160x128xi32, #tpu.memory_space<hbm>> -> memref<1x40x128xi32, #tpu.memory_space<hbm>>
      %dma_start3A_258 = tpu.memref_squeeze %dma_start3A_257 : memref<1x40x128xi32, #tpu.memory_space<hbm>> -> memref<40x128xi32, #tpu.memory_space<hbm>>
      %dma_start3A_259 = arith.constant 80 : i32
      %dma_start3A_260 = arith.constant 0 : i32
      %dma_start3A_261 = tpu.memref_slice %arg3[%arg1, %dma_start3A_259, %dma_start3A_260] : memref<16x160x128xi32, #tpu.memory_space<hbm>> -> memref<1x40x128xi32, #tpu.memory_space<hbm>>
      %dma_start3A_262 = tpu.memref_squeeze %dma_start3A_261 : memref<1x40x128xi32, #tpu.memory_space<hbm>> -> memref<40x128xi32, #tpu.memory_space<hbm>>
      tpu.enqueue_dma source(%dma_start3A_262 : memref<40x128xi32, #tpu.memory_space<hbm>>) target(%arg7 : memref<40x128xi32, #tpu.memory_space<vmem>>) target_semaphore(%run_scoped3A : memref<!tpu.dma_semaphore, #tpu.memory_space<semaphore_mem>>)
      %dma_wait3A_263 = arith.constant 80 : i32
      %dma_wait3A_264 = arith.constant 0 : i32
      %dma_wait3A_265 = tpu.memref_slice %arg3[%arg1, %dma_wait3A_263, %dma_wait3A_264] : memref<16x160x128xi32, #tpu.memory_space<hbm>> -> memref<1x40x128xi32, #tpu.memory_space<hbm>>
      %dma_wait3A_266 = tpu.memref_squeeze %dma_wait3A_265 : memref<1x40x128xi32, #tpu.memory_space<hbm>> -> memref<40x128xi32, #tpu.memory_space<hbm>>
      %dma_wait3A_267 = arith.constant 80 : i32
      %dma_wait3A_268 = arith.constant 0 : i32
      %dma_wait3A_269 = tpu.memref_slice %arg3[%arg1, %dma_wait3A_267, %dma_wait3A_268] : memref<16x160x128xi32, #tpu.memory_space<hbm>> -> memref<1x40x128xi32, #tpu.memory_space<hbm>>
      %dma_wait3A_270 = tpu.memref_squeeze %dma_wait3A_269 : memref<1x40x128xi32, #tpu.memory_space<hbm>> -> memref<40x128xi32, #tpu.memory_space<hbm>>
      tpu.wait_dma2 semaphore(%run_scoped3A : memref<!tpu.dma_semaphore, #tpu.memory_space<semaphore_mem>>) src(%dma_wait3A_270 : memref<40x128xi32, #tpu.memory_space<hbm>>) dst(%arg7 : memref<40x128xi32, #tpu.memory_space<vmem>>)
      tpu.yield
    }) : () -> ()
    "tpu.region"() ({
      %run_scoped3A = tpu.sem_alloc : memref<!tpu.dma_semaphore, #tpu.memory_space<semaphore_mem>>
      %dma_start3A_255 = arith.constant 80 : i32
      %dma_start3A_256 = arith.constant 0 : i32
      %dma_start3A_257 = tpu.memref_slice %arg4[%arg1, %dma_start3A_255, %dma_start3A_256] : memref<16x160x128xi32, #tpu.memory_space<hbm>> -> memref<1x40x128xi32, #tpu.memory_space<hbm>>
      %dma_start3A_258 = tpu.memref_squeeze %dma_start3A_257 : memref<1x40x128xi32, #tpu.memory_space<hbm>> -> memref<40x128xi32, #tpu.memory_space<hbm>>
      %dma_start3A_259 = arith.constant 80 : i32
      %dma_start3A_260 = arith.constant 0 : i32
      %dma_start3A_261 = tpu.memref_slice %arg4[%arg1, %dma_start3A_259, %dma_start3A_260] : memref<16x160x128xi32, #tpu.memory_space<hbm>> -> memref<1x40x128xi32, #tpu.memory_space<hbm>>
      %dma_start3A_262 = tpu.memref_squeeze %dma_start3A_261 : memref<1x40x128xi32, #tpu.memory_space<hbm>> -> memref<40x128xi32, #tpu.memory_space<hbm>>
      tpu.enqueue_dma source(%dma_start3A_262 : memref<40x128xi32, #tpu.memory_space<hbm>>) target(%arg8 : memref<40x128xi32, #tpu.memory_space<vmem>>) target_semaphore(%run_scoped3A : memref<!tpu.dma_semaphore, #tpu.memory_space<semaphore_mem>>)
      %dma_wait3A_263 = arith.constant 80 : i32
      %dma_wait3A_264 = arith.constant 0 : i32
      %dma_wait3A_265 = tpu.memref_slice %arg4[%arg1, %dma_wait3A_263, %dma_wait3A_264] : memref<16x160x128xi32, #tpu.memory_space<hbm>> -> memref<1x40x128xi32, #tpu.memory_space<hbm>>
      %dma_wait3A_266 = tpu.memref_squeeze %dma_wait3A_265 : memref<1x40x128xi32, #tpu.memory_space<hbm>> -> memref<40x128xi32, #tpu.memory_space<hbm>>
      %dma_wait3A_267 = arith.constant 80 : i32
      %dma_wait3A_268 = arith.constant 0 : i32
      %dma_wait3A_269 = tpu.memref_slice %arg4[%arg1, %dma_wait3A_267, %dma_wait3A_268] : memref<16x160x128xi32, #tpu.memory_space<hbm>> -> memref<1x40x128xi32, #tpu.memory_space<hbm>>
      %dma_wait3A_270 = tpu.memref_squeeze %dma_wait3A_269 : memref<1x40x128xi32, #tpu.memory_space<hbm>> -> memref<40x128xi32, #tpu.memory_space<hbm>>
      tpu.wait_dma2 semaphore(%run_scoped3A : memref<!tpu.dma_semaphore, #tpu.memory_space<semaphore_mem>>) src(%dma_wait3A_270 : memref<40x128xi32, #tpu.memory_space<hbm>>) dst(%arg8 : memref<40x128xi32, #tpu.memory_space<vmem>>)
      tpu.yield
    }) : () -> ()
    %dma_start3A_130 = arith.constant 0 : i32
    %dma_start3A_131 = arith.constant 0 : i32
    %dma_start3A_132 = tpu.memref_slice %arg7[%dma_start3A_130, %dma_start3A_131] : memref<40x128xi32, #tpu.memory_space<vmem>> -> memref<1x128xi32, #tpu.memory_space<vmem>>
    %dma_start3A_133 = tpu.memref_squeeze %dma_start3A_132 : memref<1x128xi32, #tpu.memory_space<vmem>> -> memref<128xi32, #tpu.memory_space<vmem>>
    %dma_start3A_134 = arith.constant 0 : i32
    %dma_start3A_135 = arith.constant 0 : i32
    %dma_start3A_136 = tpu.memref_slice %arg13[%dma_start3A_134, %dma_start3A_135] : memref<10112x64xf32, #tpu.memory_space<vmem_shared>> -> memref<10112x64xf32, #tpu.memory_space<vmem_shared>>
    tpu.enqueue_indirect_dma source(%dma_start3A_136 : memref<10112x64xf32, #tpu.memory_space<vmem_shared>>) target(%arg9 : memref<128x64xf32, #tpu.memory_space<vmem>>) offsets(%dma_start3A_133 : memref<128xi32, #tpu.memory_space<vmem>>) semaphore(%arg15 : memref<!tpu.dma_semaphore, #tpu.memory_space<semaphore_mem>>)
    %dma_start3A_137 = arith.constant 1 : i32
    %dma_start3A_138 = arith.constant 0 : i32
    %dma_start3A_139 = tpu.memref_slice %arg7[%dma_start3A_137, %dma_start3A_138] : memref<40x128xi32, #tpu.memory_space<vmem>> -> memref<1x128xi32, #tpu.memory_space<vmem>>
    %dma_start3A_140 = tpu.memref_squeeze %dma_start3A_139 : memref<1x128xi32, #tpu.memory_space<vmem>> -> memref<128xi32, #tpu.memory_space<vmem>>
    %dma_start3A_141 = arith.constant 0 : i32
    %dma_start3A_142 = arith.constant 0 : i32
    %dma_start3A_143 = tpu.memref_slice %arg13[%dma_start3A_141, %dma_start3A_142] : memref<10112x64xf32, #tpu.memory_space<vmem_shared>> -> memref<10112x64xf32, #tpu.memory_space<vmem_shared>>
    tpu.enqueue_indirect_dma source(%dma_start3A_143 : memref<10112x64xf32, #tpu.memory_space<vmem_shared>>) target(%arg10 : memref<128x64xf32, #tpu.memory_space<vmem>>) offsets(%dma_start3A_140 : memref<128xi32, #tpu.memory_space<vmem>>) semaphore(%arg16 : memref<!tpu.dma_semaphore, #tpu.memory_space<semaphore_mem>>)
    %dma_start3A_144 = arith.constant 2 : i32
    %dma_start3A_145 = arith.constant 0 : i32
    %dma_start3A_146 = tpu.memref_slice %arg7[%dma_start3A_144, %dma_start3A_145] : memref<40x128xi32, #tpu.memory_space<vmem>> -> memref<1x128xi32, #tpu.memory_space<vmem>>
    %dma_start3A_147 = tpu.memref_squeeze %dma_start3A_146 : memref<1x128xi32, #tpu.memory_space<vmem>> -> memref<128xi32, #tpu.memory_space<vmem>>
    %dma_start3A_148 = arith.constant 0 : i32
    %dma_start3A_149 = arith.constant 0 : i32
    %dma_start3A_150 = tpu.memref_slice %arg13[%dma_start3A_148, %dma_start3A_149] : memref<10112x64xf32, #tpu.memory_space<vmem_shared>> -> memref<10112x64xf32, #tpu.memory_space<vmem_shared>>
    tpu.enqueue_indirect_dma source(%dma_start3A_150 : memref<10112x64xf32, #tpu.memory_space<vmem_shared>>) target(%arg11 : memref<128x64xf32, #tpu.memory_space<vmem>>) offsets(%dma_start3A_147 : memref<128xi32, #tpu.memory_space<vmem>>) semaphore(%arg17 : memref<!tpu.dma_semaphore, #tpu.memory_space<semaphore_mem>>)
    %dma_start3A_151 = arith.constant 3 : i32
    %dma_start3A_152 = arith.constant 0 : i32
    %dma_start3A_153 = tpu.memref_slice %arg7[%dma_start3A_151, %dma_start3A_152] : memref<40x128xi32, #tpu.memory_space<vmem>> -> memref<1x128xi32, #tpu.memory_space<vmem>>
    %dma_start3A_154 = tpu.memref_squeeze %dma_start3A_153 : memref<1x128xi32, #tpu.memory_space<vmem>> -> memref<128xi32, #tpu.memory_space<vmem>>
    %dma_start3A_155 = arith.constant 0 : i32
    %dma_start3A_156 = arith.constant 0 : i32
    %dma_start3A_157 = tpu.memref_slice %arg13[%dma_start3A_155, %dma_start3A_156] : memref<10112x64xf32, #tpu.memory_space<vmem_shared>> -> memref<10112x64xf32, #tpu.memory_space<vmem_shared>>
    tpu.enqueue_indirect_dma source(%dma_start3A_157 : memref<10112x64xf32, #tpu.memory_space<vmem_shared>>) target(%arg12 : memref<128x64xf32, #tpu.memory_space<vmem>>) offsets(%dma_start3A_154 : memref<128xi32, #tpu.memory_space<vmem>>) semaphore(%arg18 : memref<!tpu.dma_semaphore, #tpu.memory_space<semaphore_mem>>)
    %scan3A_158 = arith.constant 0 : i32
    %scan3A_159 = arith.constant 0 : i32
    %scan3A_160 = arith.constant 10 : i32
    %scan3A_161 = arith.addi %scan3A_159, %scan3A_160 : i32
    %scan3A_162 = arith.constant 1 : i32
    scf.for %scan3A_255 = %scan3A_159 to %scan3A_161 step %scan3A_162  : i32 {
      %mul3A_256 = arith.constant 4 : i32
      %mul3A_257 = arith.muli %scan3A_255, %mul3A_256 : i32
      %add3A = arith.constant 0 : i32
      %add3A_258 = arith.addi %mul3A_257, %add3A : i32
      %dma_wait3A_259 = arith.constant 0 : i32
      %dma_wait3A_260 = arith.constant 0 : i32
      %dma_wait3A_261 = tpu.memref_slice %arg7[%dma_wait3A_259, %dma_wait3A_260] : memref<40x128xi32, #tpu.memory_space<vmem>> -> memref<1x128xi32, #tpu.memory_space<vmem>>
      %dma_wait3A_262 = tpu.memref_squeeze %dma_wait3A_261 : memref<1x128xi32, #tpu.memory_space<vmem>> -> memref<128xi32, #tpu.memory_space<vmem>>
      %dma_wait3A_263 = arith.constant 0 : i32
      %dma_wait3A_264 = arith.constant 0 : i32
      %dma_wait3A_265 = tpu.memref_slice %arg13[%dma_wait3A_263, %dma_wait3A_264] : memref<10112x64xf32, #tpu.memory_space<vmem_shared>> -> memref<10112x64xf32, #tpu.memory_space<vmem_shared>>
      tpu.wait_indirect_dma semaphore(%arg15 : memref<!tpu.dma_semaphore, #tpu.memory_space<semaphore_mem>>) src(%dma_wait3A_265 : memref<10112x64xf32, #tpu.memory_space<vmem_shared>>) dst(%arg9 : memref<128x64xf32, #tpu.memory_space<vmem>>)
      %dma_start3A_266 = arith.constant 0 : i32
      %dma_start3A_267 = tpu.memref_slice %arg8[%add3A_258, %dma_start3A_266] : memref<40x128xi32, #tpu.memory_space<vmem>> -> memref<1x128xi32, #tpu.memory_space<vmem>>
      %dma_start3A_268 = tpu.memref_squeeze %dma_start3A_267 : memref<1x128xi32, #tpu.memory_space<vmem>> -> memref<128xi32, #tpu.memory_space<vmem>>
      %dma_start3A_269 = arith.constant 0 : i32
      %dma_start3A_270 = arith.constant 0 : i32
      %dma_start3A_271 = tpu.memref_slice %arg14[%dma_start3A_269, %dma_start3A_270] : memref<10112x64xf32, #tpu.memory_space<vmem_shared>> -> memref<10112x64xf32, #tpu.memory_space<vmem_shared>>
      tpu.enqueue_indirect_dma source(%arg9 : memref<128x64xf32, #tpu.memory_space<vmem>>) target(%dma_start3A_271 : memref<10112x64xf32, #tpu.memory_space<vmem_shared>>) offsets(%dma_start3A_268 : memref<128xi32, #tpu.memory_space<vmem>>) semaphore(%arg19 : memref<!tpu.dma_semaphore, #tpu.memory_space<semaphore_mem>>) {add = true}
      %add3A_272 = arith.constant 2 : i32
      %add3A_273 = arith.addi %add3A_258, %add3A_272 : i32
      %ge3A = arith.constant 4 : i32
      %ge3A_274 = arith.cmpi sge, %add3A_273, %ge3A : i32
      %lt3A_275 = arith.constant 40 : i32
      %lt3A_276 = arith.cmpi slt, %add3A_273, %lt3A_275 : i32
      %and3A = arith.andi %ge3A_274, %lt3A_276 : i1
      %convert_element_type3A_277 = arith.extui %and3A : i1 to i32
      %cond3A_278 = arith.constant 0 : i32
      %cond3A_279 = arith.cmpi ne, %convert_element_type3A_277, %cond3A_278 : i32
      scf.if %cond3A_279 {
        %dma_wait3A_361 = arith.constant 0 : i32
        %dma_wait3A_362 = arith.constant 0 : i32
        %dma_wait3A_363 = tpu.memref_slice %arg8[%dma_wait3A_361, %dma_wait3A_362] : memref<40x128xi32, #tpu.memory_space<vmem>> -> memref<1x128xi32, #tpu.memory_space<vmem>>
        %dma_wait3A_364 = tpu.memref_squeeze %dma_wait3A_363 : memref<1x128xi32, #tpu.memory_space<vmem>> -> memref<128xi32, #tpu.memory_space<vmem>>
        %dma_wait3A_365 = arith.constant 0 : i32
        %dma_wait3A_366 = arith.constant 0 : i32
        %dma_wait3A_367 = tpu.memref_slice %arg14[%dma_wait3A_365, %dma_wait3A_366] : memref<10112x64xf32, #tpu.memory_space<vmem_shared>> -> memref<10112x64xf32, #tpu.memory_space<vmem_shared>>
        tpu.wait_indirect_dma semaphore(%arg21 : memref<!tpu.dma_semaphore, #tpu.memory_space<semaphore_mem>>) src(%arg11 : memref<128x64xf32, #tpu.memory_space<vmem>>) dst(%dma_wait3A_367 : memref<10112x64xf32, #tpu.memory_space<vmem_shared>>)
        %dma_start3A_368 = arith.constant 0 : i32
        %dma_start3A_369 = tpu.memref_slice %arg7[%add3A_273, %dma_start3A_368] : memref<40x128xi32, #tpu.memory_space<vmem>> -> memref<1x128xi32, #tpu.memory_space<vmem>>
        %dma_start3A_370 = tpu.memref_squeeze %dma_start3A_369 : memref<1x128xi32, #tpu.memory_space<vmem>> -> memref<128xi32, #tpu.memory_space<vmem>>
        %dma_start3A_371 = arith.constant 0 : i32
        %dma_start3A_372 = arith.constant 0 : i32
        %dma_start3A_373 = tpu.memref_slice %arg13[%dma_start3A_371, %dma_start3A_372] : memref<10112x64xf32, #tpu.memory_space<vmem_shared>> -> memref<10112x64xf32, #tpu.memory_space<vmem_shared>>
        tpu.enqueue_indirect_dma source(%dma_start3A_373 : memref<10112x64xf32, #tpu.memory_space<vmem_shared>>) target(%arg11 : memref<128x64xf32, #tpu.memory_space<vmem>>) offsets(%dma_start3A_370 : memref<128xi32, #tpu.memory_space<vmem>>) semaphore(%arg17 : memref<!tpu.dma_semaphore, #tpu.memory_space<semaphore_mem>>)
      } else {
      }
      %mul3A_280 = arith.constant 4 : i32
      %mul3A_281 = arith.muli %scan3A_255, %mul3A_280 : i32
      %add3A_282 = arith.constant 1 : i32
      %add3A_283 = arith.addi %mul3A_281, %add3A_282 : i32
      %dma_wait3A_284 = arith.constant 0 : i32
      %dma_wait3A_285 = arith.constant 0 : i32
      %dma_wait3A_286 = tpu.memref_slice %arg7[%dma_wait3A_284, %dma_wait3A_285] : memref<40x128xi32, #tpu.memory_space<vmem>> -> memref<1x128xi32, #tpu.memory_space<vmem>>
      %dma_wait3A_287 = tpu.memref_squeeze %dma_wait3A_286 : memref<1x128xi32, #tpu.memory_space<vmem>> -> memref<128xi32, #tpu.memory_space<vmem>>
      %dma_wait3A_288 = arith.constant 0 : i32
      %dma_wait3A_289 = arith.constant 0 : i32
      %dma_wait3A_290 = tpu.memref_slice %arg13[%dma_wait3A_288, %dma_wait3A_289] : memref<10112x64xf32, #tpu.memory_space<vmem_shared>> -> memref<10112x64xf32, #tpu.memory_space<vmem_shared>>
      tpu.wait_indirect_dma semaphore(%arg16 : memref<!tpu.dma_semaphore, #tpu.memory_space<semaphore_mem>>) src(%dma_wait3A_290 : memref<10112x64xf32, #tpu.memory_space<vmem_shared>>) dst(%arg10 : memref<128x64xf32, #tpu.memory_space<vmem>>)
      %dma_start3A_291 = arith.constant 0 : i32
      %dma_start3A_292 = tpu.memref_slice %arg8[%add3A_283, %dma_start3A_291] : memref<40x128xi32, #tpu.memory_space<vmem>> -> memref<1x128xi32, #tpu.memory_space<vmem>>
      %dma_start3A_293 = tpu.memref_squeeze %dma_start3A_292 : memref<1x128xi32, #tpu.memory_space<vmem>> -> memref<128xi32, #tpu.memory_space<vmem>>
      %dma_start3A_294 = arith.constant 0 : i32
      %dma_start3A_295 = arith.constant 0 : i32
      %dma_start3A_296 = tpu.memref_slice %arg14[%dma_start3A_294, %dma_start3A_295] : memref<10112x64xf32, #tpu.memory_space<vmem_shared>> -> memref<10112x64xf32, #tpu.memory_space<vmem_shared>>
      tpu.enqueue_indirect_dma source(%arg10 : memref<128x64xf32, #tpu.memory_space<vmem>>) target(%dma_start3A_296 : memref<10112x64xf32, #tpu.memory_space<vmem_shared>>) offsets(%dma_start3A_293 : memref<128xi32, #tpu.memory_space<vmem>>) semaphore(%arg20 : memref<!tpu.dma_semaphore, #tpu.memory_space<semaphore_mem>>) {add = true}
      %add3A_297 = arith.constant 2 : i32
      %add3A_298 = arith.addi %add3A_283, %add3A_297 : i32
      %ge3A_299 = arith.constant 4 : i32
      %ge3A_300 = arith.cmpi sge, %add3A_298, %ge3A_299 : i32
      %lt3A_301 = arith.constant 40 : i32
      %lt3A_302 = arith.cmpi slt, %add3A_298, %lt3A_301 : i32
      %and3A_303 = arith.andi %ge3A_300, %lt3A_302 : i1
      %convert_element_type3A_304 = arith.extui %and3A_303 : i1 to i32
      %cond3A_305 = arith.constant 0 : i32
      %cond3A_306 = arith.cmpi ne, %convert_element_type3A_304, %cond3A_305 : i32
      scf.if %cond3A_306 {
        %dma_wait3A_361 = arith.constant 0 : i32
        %dma_wait3A_362 = arith.constant 0 : i32
        %dma_wait3A_363 = tpu.memref_slice %arg8[%dma_wait3A_361, %dma_wait3A_362] : memref<40x128xi32, #tpu.memory_space<vmem>> -> memref<1x128xi32, #tpu.memory_space<vmem>>
        %dma_wait3A_364 = tpu.memref_squeeze %dma_wait3A_363 : memref<1x128xi32, #tpu.memory_space<vmem>> -> memref<128xi32, #tpu.memory_space<vmem>>
        %dma_wait3A_365 = arith.constant 0 : i32
        %dma_wait3A_366 = arith.constant 0 : i32
        %dma_wait3A_367 = tpu.memref_slice %arg14[%dma_wait3A_365, %dma_wait3A_366] : memref<10112x64xf32, #tpu.memory_space<vmem_shared>> -> memref<10112x64xf32, #tpu.memory_space<vmem_shared>>
        tpu.wait_indirect_dma semaphore(%arg22 : memref<!tpu.dma_semaphore, #tpu.memory_space<semaphore_mem>>) src(%arg12 : memref<128x64xf32, #tpu.memory_space<vmem>>) dst(%dma_wait3A_367 : memref<10112x64xf32, #tpu.memory_space<vmem_shared>>)
        %dma_start3A_368 = arith.constant 0 : i32
        %dma_start3A_369 = tpu.memref_slice %arg7[%add3A_298, %dma_start3A_368] : memref<40x128xi32, #tpu.memory_space<vmem>> -> memref<1x128xi32, #tpu.memory_space<vmem>>
        %dma_start3A_370 = tpu.memref_squeeze %dma_start3A_369 : memref<1x128xi32, #tpu.memory_space<vmem>> -> memref<128xi32, #tpu.memory_space<vmem>>
        %dma_start3A_371 = arith.constant 0 : i32
        %dma_start3A_372 = arith.constant 0 : i32
        %dma_start3A_373 = tpu.memref_slice %arg13[%dma_start3A_371, %dma_start3A_372] : memref<10112x64xf32, #tpu.memory_space<vmem_shared>> -> memref<10112x64xf32, #tpu.memory_space<vmem_shared>>
        tpu.enqueue_indirect_dma source(%dma_start3A_373 : memref<10112x64xf32, #tpu.memory_space<vmem_shared>>) target(%arg12 : memref<128x64xf32, #tpu.memory_space<vmem>>) offsets(%dma_start3A_370 : memref<128xi32, #tpu.memory_space<vmem>>) semaphore(%arg18 : memref<!tpu.dma_semaphore, #tpu.memory_space<semaphore_mem>>)
      } else {
      }
      %mul3A_307 = arith.constant 4 : i32
      %mul3A_308 = arith.muli %scan3A_255, %mul3A_307 : i32
      %add3A_309 = arith.constant 2 : i32
      %add3A_310 = arith.addi %mul3A_308, %add3A_309 : i32
      %dma_wait3A_311 = arith.constant 0 : i32
      %dma_wait3A_312 = arith.constant 0 : i32
      %dma_wait3A_313 = tpu.memref_slice %arg7[%dma_wait3A_311, %dma_wait3A_312] : memref<40x128xi32, #tpu.memory_space<vmem>> -> memref<1x128xi32, #tpu.memory_space<vmem>>
      %dma_wait3A_314 = tpu.memref_squeeze %dma_wait3A_313 : memref<1x128xi32, #tpu.memory_space<vmem>> -> memref<128xi32, #tpu.memory_space<vmem>>
      %dma_wait3A_315 = arith.constant 0 : i32
      %dma_wait3A_316 = arith.constant 0 : i32
      %dma_wait3A_317 = tpu.memref_slice %arg13[%dma_wait3A_315, %dma_wait3A_316] : memref<10112x64xf32, #tpu.memory_space<vmem_shared>> -> memref<10112x64xf32, #tpu.memory_space<vmem_shared>>
      tpu.wait_indirect_dma semaphore(%arg17 : memref<!tpu.dma_semaphore, #tpu.memory_space<semaphore_mem>>) src(%dma_wait3A_317 : memref<10112x64xf32, #tpu.memory_space<vmem_shared>>) dst(%arg11 : memref<128x64xf32, #tpu.memory_space<vmem>>)
      %dma_start3A_318 = arith.constant 0 : i32
      %dma_start3A_319 = tpu.memref_slice %arg8[%add3A_310, %dma_start3A_318] : memref<40x128xi32, #tpu.memory_space<vmem>> -> memref<1x128xi32, #tpu.memory_space<vmem>>
      %dma_start3A_320 = tpu.memref_squeeze %dma_start3A_319 : memref<1x128xi32, #tpu.memory_space<vmem>> -> memref<128xi32, #tpu.memory_space<vmem>>
      %dma_start3A_321 = arith.constant 0 : i32
      %dma_start3A_322 = arith.constant 0 : i32
      %dma_start3A_323 = tpu.memref_slice %arg14[%dma_start3A_321, %dma_start3A_322] : memref<10112x64xf32, #tpu.memory_space<vmem_shared>> -> memref<10112x64xf32, #tpu.memory_space<vmem_shared>>
      tpu.enqueue_indirect_dma source(%arg11 : memref<128x64xf32, #tpu.memory_space<vmem>>) target(%dma_start3A_323 : memref<10112x64xf32, #tpu.memory_space<vmem_shared>>) offsets(%dma_start3A_320 : memref<128xi32, #tpu.memory_space<vmem>>) semaphore(%arg21 : memref<!tpu.dma_semaphore, #tpu.memory_space<semaphore_mem>>) {add = true}
      %add3A_324 = arith.constant 2 : i32
      %add3A_325 = arith.addi %add3A_310, %add3A_324 : i32
      %ge3A_326 = arith.constant 4 : i32
      %ge3A_327 = arith.cmpi sge, %add3A_325, %ge3A_326 : i32
      %lt3A_328 = arith.constant 40 : i32
      %lt3A_329 = arith.cmpi slt, %add3A_325, %lt3A_328 : i32
      %and3A_330 = arith.andi %ge3A_327, %lt3A_329 : i1
      %convert_element_type3A_331 = arith.extui %and3A_330 : i1 to i32
      %cond3A_332 = arith.constant 0 : i32
      %cond3A_333 = arith.cmpi ne, %convert_element_type3A_331, %cond3A_332 : i32
      scf.if %cond3A_333 {
        %dma_wait3A_361 = arith.constant 0 : i32
        %dma_wait3A_362 = arith.constant 0 : i32
        %dma_wait3A_363 = tpu.memref_slice %arg8[%dma_wait3A_361, %dma_wait3A_362] : memref<40x128xi32, #tpu.memory_space<vmem>> -> memref<1x128xi32, #tpu.memory_space<vmem>>
        %dma_wait3A_364 = tpu.memref_squeeze %dma_wait3A_363 : memref<1x128xi32, #tpu.memory_space<vmem>> -> memref<128xi32, #tpu.memory_space<vmem>>
        %dma_wait3A_365 = arith.constant 0 : i32
        %dma_wait3A_366 = arith.constant 0 : i32
        %dma_wait3A_367 = tpu.memref_slice %arg14[%dma_wait3A_365, %dma_wait3A_366] : memref<10112x64xf32, #tpu.memory_space<vmem_shared>> -> memref<10112x64xf32, #tpu.memory_space<vmem_shared>>
        tpu.wait_indirect_dma semaphore(%arg19 : memref<!tpu.dma_semaphore, #tpu.memory_space<semaphore_mem>>) src(%arg9 : memref<128x64xf32, #tpu.memory_space<vmem>>) dst(%dma_wait3A_367 : memref<10112x64xf32, #tpu.memory_space<vmem_shared>>)
        %dma_start3A_368 = arith.constant 0 : i32
        %dma_start3A_369 = tpu.memref_slice %arg7[%add3A_325, %dma_start3A_368] : memref<40x128xi32, #tpu.memory_space<vmem>> -> memref<1x128xi32, #tpu.memory_space<vmem>>
        %dma_start3A_370 = tpu.memref_squeeze %dma_start3A_369 : memref<1x128xi32, #tpu.memory_space<vmem>> -> memref<128xi32, #tpu.memory_space<vmem>>
        %dma_start3A_371 = arith.constant 0 : i32
        %dma_start3A_372 = arith.constant 0 : i32
        %dma_start3A_373 = tpu.memref_slice %arg13[%dma_start3A_371, %dma_start3A_372] : memref<10112x64xf32, #tpu.memory_space<vmem_shared>> -> memref<10112x64xf32, #tpu.memory_space<vmem_shared>>
        tpu.enqueue_indirect_dma source(%dma_start3A_373 : memref<10112x64xf32, #tpu.memory_space<vmem_shared>>) target(%arg9 : memref<128x64xf32, #tpu.memory_space<vmem>>) offsets(%dma_start3A_370 : memref<128xi32, #tpu.memory_space<vmem>>) semaphore(%arg15 : memref<!tpu.dma_semaphore, #tpu.memory_space<semaphore_mem>>)
      } else {
      }
      %mul3A_334 = arith.constant 4 : i32
      %mul3A_335 = arith.muli %scan3A_255, %mul3A_334 : i32
      %add3A_336 = arith.constant 3 : i32
      %add3A_337 = arith.addi %mul3A_335, %add3A_336 : i32
      %dma_wait3A_338 = arith.constant 0 : i32
      %dma_wait3A_339 = arith.constant 0 : i32
      %dma_wait3A_340 = tpu.memref_slice %arg7[%dma_wait3A_338, %dma_wait3A_339] : memref<40x128xi32, #tpu.memory_space<vmem>> -> memref<1x128xi32, #tpu.memory_space<vmem>>
      %dma_wait3A_341 = tpu.memref_squeeze %dma_wait3A_340 : memref<1x128xi32, #tpu.memory_space<vmem>> -> memref<128xi32, #tpu.memory_space<vmem>>
      %dma_wait3A_342 = arith.constant 0 : i32
      %dma_wait3A_343 = arith.constant 0 : i32
      %dma_wait3A_344 = tpu.memref_slice %arg13[%dma_wait3A_342, %dma_wait3A_343] : memref<10112x64xf32, #tpu.memory_space<vmem_shared>> -> memref<10112x64xf32, #tpu.memory_space<vmem_shared>>
      tpu.wait_indirect_dma semaphore(%arg18 : memref<!tpu.dma_semaphore, #tpu.memory_space<semaphore_mem>>) src(%dma_wait3A_344 : memref<10112x64xf32, #tpu.memory_space<vmem_shared>>) dst(%arg12 : memref<128x64xf32, #tpu.memory_space<vmem>>)
      %dma_start3A_345 = arith.constant 0 : i32
      %dma_start3A_346 = tpu.memref_slice %arg8[%add3A_337, %dma_start3A_345] : memref<40x128xi32, #tpu.memory_space<vmem>> -> memref<1x128xi32, #tpu.memory_space<vmem>>
      %dma_start3A_347 = tpu.memref_squeeze %dma_start3A_346 : memref<1x128xi32, #tpu.memory_space<vmem>> -> memref<128xi32, #tpu.memory_space<vmem>>
      %dma_start3A_348 = arith.constant 0 : i32
      %dma_start3A_349 = arith.constant 0 : i32
      %dma_start3A_350 = tpu.memref_slice %arg14[%dma_start3A_348, %dma_start3A_349] : memref<10112x64xf32, #tpu.memory_space<vmem_shared>> -> memref<10112x64xf32, #tpu.memory_space<vmem_shared>>
      tpu.enqueue_indirect_dma source(%arg12 : memref<128x64xf32, #tpu.memory_space<vmem>>) target(%dma_start3A_350 : memref<10112x64xf32, #tpu.memory_space<vmem_shared>>) offsets(%dma_start3A_347 : memref<128xi32, #tpu.memory_space<vmem>>) semaphore(%arg22 : memref<!tpu.dma_semaphore, #tpu.memory_space<semaphore_mem>>) {add = true}
      %add3A_351 = arith.constant 2 : i32
      %add3A_352 = arith.addi %add3A_337, %add3A_351 : i32
      %ge3A_353 = arith.constant 4 : i32
      %ge3A_354 = arith.cmpi sge, %add3A_352, %ge3A_353 : i32
      %lt3A_355 = arith.constant 40 : i32
      %lt3A_356 = arith.cmpi slt, %add3A_352, %lt3A_355 : i32
      %and3A_357 = arith.andi %ge3A_354, %lt3A_356 : i1
      %convert_element_type3A_358 = arith.extui %and3A_357 : i1 to i32
      %cond3A_359 = arith.constant 0 : i32
      %cond3A_360 = arith.cmpi ne, %convert_element_type3A_358, %cond3A_359 : i32
      scf.if %cond3A_360 {
        %dma_wait3A_361 = arith.constant 0 : i32
        %dma_wait3A_362 = arith.constant 0 : i32
        %dma_wait3A_363 = tpu.memref_slice %arg8[%dma_wait3A_361, %dma_wait3A_362] : memref<40x128xi32, #tpu.memory_space<vmem>> -> memref<1x128xi32, #tpu.memory_space<vmem>>
        %dma_wait3A_364 = tpu.memref_squeeze %dma_wait3A_363 : memref<1x128xi32, #tpu.memory_space<vmem>> -> memref<128xi32, #tpu.memory_space<vmem>>
        %dma_wait3A_365 = arith.constant 0 : i32
        %dma_wait3A_366 = arith.constant 0 : i32
        %dma_wait3A_367 = tpu.memref_slice %arg14[%dma_wait3A_365, %dma_wait3A_366] : memref<10112x64xf32, #tpu.memory_space<vmem_shared>> -> memref<10112x64xf32, #tpu.memory_space<vmem_shared>>
        tpu.wait_indirect_dma semaphore(%arg20 : memref<!tpu.dma_semaphore, #tpu.memory_space<semaphore_mem>>) src(%arg10 : memref<128x64xf32, #tpu.memory_space<vmem>>) dst(%dma_wait3A_367 : memref<10112x64xf32, #tpu.memory_space<vmem_shared>>)
        %dma_start3A_368 = arith.constant 0 : i32
        %dma_start3A_369 = tpu.memref_slice %arg7[%add3A_352, %dma_start3A_368] : memref<40x128xi32, #tpu.memory_space<vmem>> -> memref<1x128xi32, #tpu.memory_space<vmem>>
        %dma_start3A_370 = tpu.memref_squeeze %dma_start3A_369 : memref<1x128xi32, #tpu.memory_space<vmem>> -> memref<128xi32, #tpu.memory_space<vmem>>
        %dma_start3A_371 = arith.constant 0 : i32
        %dma_start3A_372 = arith.constant 0 : i32
        %dma_start3A_373 = tpu.memref_slice %arg13[%dma_start3A_371, %dma_start3A_372] : memref<10112x64xf32, #tpu.memory_space<vmem_shared>> -> memref<10112x64xf32, #tpu.memory_space<vmem_shared>>
        tpu.enqueue_indirect_dma source(%dma_start3A_373 : memref<10112x64xf32, #tpu.memory_space<vmem_shared>>) target(%arg10 : memref<128x64xf32, #tpu.memory_space<vmem>>) offsets(%dma_start3A_370 : memref<128xi32, #tpu.memory_space<vmem>>) semaphore(%arg16 : memref<!tpu.dma_semaphore, #tpu.memory_space<semaphore_mem>>)
      } else {
      }
    }
    %scan3A_163 = arith.constant 10 : i32
    %dma_wait3A_164 = arith.constant 0 : i32
    %dma_wait3A_165 = arith.constant 0 : i32
    %dma_wait3A_166 = tpu.memref_slice %arg8[%dma_wait3A_164, %dma_wait3A_165] : memref<40x128xi32, #tpu.memory_space<vmem>> -> memref<1x128xi32, #tpu.memory_space<vmem>>
    %dma_wait3A_167 = tpu.memref_squeeze %dma_wait3A_166 : memref<1x128xi32, #tpu.memory_space<vmem>> -> memref<128xi32, #tpu.memory_space<vmem>>
    %dma_wait3A_168 = arith.constant 0 : i32
    %dma_wait3A_169 = arith.constant 0 : i32
    %dma_wait3A_170 = tpu.memref_slice %arg14[%dma_wait3A_168, %dma_wait3A_169] : memref<10112x64xf32, #tpu.memory_space<vmem_shared>> -> memref<10112x64xf32, #tpu.memory_space<vmem_shared>>
    tpu.wait_indirect_dma semaphore(%arg19 : memref<!tpu.dma_semaphore, #tpu.memory_space<semaphore_mem>>) src(%arg9 : memref<128x64xf32, #tpu.memory_space<vmem>>) dst(%dma_wait3A_170 : memref<10112x64xf32, #tpu.memory_space<vmem_shared>>)
    %dma_wait3A_171 = arith.constant 0 : i32
    %dma_wait3A_172 = arith.constant 0 : i32
    %dma_wait3A_173 = tpu.memref_slice %arg8[%dma_wait3A_171, %dma_wait3A_172] : memref<40x128xi32, #tpu.memory_space<vmem>> -> memref<1x128xi32, #tpu.memory_space<vmem>>
    %dma_wait3A_174 = tpu.memref_squeeze %dma_wait3A_173 : memref<1x128xi32, #tpu.memory_space<vmem>> -> memref<128xi32, #tpu.memory_space<vmem>>
    %dma_wait3A_175 = arith.constant 0 : i32
    %dma_wait3A_176 = arith.constant 0 : i32
    %dma_wait3A_177 = tpu.memref_slice %arg14[%dma_wait3A_175, %dma_wait3A_176] : memref<10112x64xf32, #tpu.memory_space<vmem_shared>> -> memref<10112x64xf32, #tpu.memory_space<vmem_shared>>
    tpu.wait_indirect_dma semaphore(%arg20 : memref<!tpu.dma_semaphore, #tpu.memory_space<semaphore_mem>>) src(%arg10 : memref<128x64xf32, #tpu.memory_space<vmem>>) dst(%dma_wait3A_177 : memref<10112x64xf32, #tpu.memory_space<vmem_shared>>)
    %dma_wait3A_178 = arith.constant 0 : i32
    %dma_wait3A_179 = arith.constant 0 : i32
    %dma_wait3A_180 = tpu.memref_slice %arg8[%dma_wait3A_178, %dma_wait3A_179] : memref<40x128xi32, #tpu.memory_space<vmem>> -> memref<1x128xi32, #tpu.memory_space<vmem>>
    %dma_wait3A_181 = tpu.memref_squeeze %dma_wait3A_180 : memref<1x128xi32, #tpu.memory_space<vmem>> -> memref<128xi32, #tpu.memory_space<vmem>>
    %dma_wait3A_182 = arith.constant 0 : i32
    %dma_wait3A_183 = arith.constant 0 : i32
    %dma_wait3A_184 = tpu.memref_slice %arg14[%dma_wait3A_182, %dma_wait3A_183] : memref<10112x64xf32, #tpu.memory_space<vmem_shared>> -> memref<10112x64xf32, #tpu.memory_space<vmem_shared>>
    tpu.wait_indirect_dma semaphore(%arg21 : memref<!tpu.dma_semaphore, #tpu.memory_space<semaphore_mem>>) src(%arg11 : memref<128x64xf32, #tpu.memory_space<vmem>>) dst(%dma_wait3A_184 : memref<10112x64xf32, #tpu.memory_space<vmem_shared>>)
    %dma_wait3A_185 = arith.constant 0 : i32
    %dma_wait3A_186 = arith.constant 0 : i32
    %dma_wait3A_187 = tpu.memref_slice %arg8[%dma_wait3A_185, %dma_wait3A_186] : memref<40x128xi32, #tpu.memory_space<vmem>> -> memref<1x128xi32, #tpu.memory_space<vmem>>
    %dma_wait3A_188 = tpu.memref_squeeze %dma_wait3A_187 : memref<1x128xi32, #tpu.memory_space<vmem>> -> memref<128xi32, #tpu.memory_space<vmem>>
    %dma_wait3A_189 = arith.constant 0 : i32
    %dma_wait3A_190 = arith.constant 0 : i32
    %dma_wait3A_191 = tpu.memref_slice %arg14[%dma_wait3A_189, %dma_wait3A_190] : memref<10112x64xf32, #tpu.memory_space<vmem_shared>> -> memref<10112x64xf32, #tpu.memory_space<vmem_shared>>
    tpu.wait_indirect_dma semaphore(%arg22 : memref<!tpu.dma_semaphore, #tpu.memory_space<semaphore_mem>>) src(%arg12 : memref<128x64xf32, #tpu.memory_space<vmem>>) dst(%dma_wait3A_191 : memref<10112x64xf32, #tpu.memory_space<vmem_shared>>)
    "tpu.region"() ({
      %run_scoped3A = tpu.sem_alloc : memref<!tpu.dma_semaphore, #tpu.memory_space<semaphore_mem>>
      %dma_start3A_255 = arith.constant 120 : i32
      %dma_start3A_256 = arith.constant 0 : i32
      %dma_start3A_257 = tpu.memref_slice %arg3[%arg1, %dma_start3A_255, %dma_start3A_256] : memref<16x160x128xi32, #tpu.memory_space<hbm>> -> memref<1x40x128xi32, #tpu.memory_space<hbm>>
      %dma_start3A_258 = tpu.memref_squeeze %dma_start3A_257 : memref<1x40x128xi32, #tpu.memory_space<hbm>> -> memref<40x128xi32, #tpu.memory_space<hbm>>
      %dma_start3A_259 = arith.constant 120 : i32
      %dma_start3A_260 = arith.constant 0 : i32
      %dma_start3A_261 = tpu.memref_slice %arg3[%arg1, %dma_start3A_259, %dma_start3A_260] : memref<16x160x128xi32, #tpu.memory_space<hbm>> -> memref<1x40x128xi32, #tpu.memory_space<hbm>>
      %dma_start3A_262 = tpu.memref_squeeze %dma_start3A_261 : memref<1x40x128xi32, #tpu.memory_space<hbm>> -> memref<40x128xi32, #tpu.memory_space<hbm>>
      tpu.enqueue_dma source(%dma_start3A_262 : memref<40x128xi32, #tpu.memory_space<hbm>>) target(%arg7 : memref<40x128xi32, #tpu.memory_space<vmem>>) target_semaphore(%run_scoped3A : memref<!tpu.dma_semaphore, #tpu.memory_space<semaphore_mem>>)
      %dma_wait3A_263 = arith.constant 120 : i32
      %dma_wait3A_264 = arith.constant 0 : i32
      %dma_wait3A_265 = tpu.memref_slice %arg3[%arg1, %dma_wait3A_263, %dma_wait3A_264] : memref<16x160x128xi32, #tpu.memory_space<hbm>> -> memref<1x40x128xi32, #tpu.memory_space<hbm>>
      %dma_wait3A_266 = tpu.memref_squeeze %dma_wait3A_265 : memref<1x40x128xi32, #tpu.memory_space<hbm>> -> memref<40x128xi32, #tpu.memory_space<hbm>>
      %dma_wait3A_267 = arith.constant 120 : i32
      %dma_wait3A_268 = arith.constant 0 : i32
      %dma_wait3A_269 = tpu.memref_slice %arg3[%arg1, %dma_wait3A_267, %dma_wait3A_268] : memref<16x160x128xi32, #tpu.memory_space<hbm>> -> memref<1x40x128xi32, #tpu.memory_space<hbm>>
      %dma_wait3A_270 = tpu.memref_squeeze %dma_wait3A_269 : memref<1x40x128xi32, #tpu.memory_space<hbm>> -> memref<40x128xi32, #tpu.memory_space<hbm>>
      tpu.wait_dma2 semaphore(%run_scoped3A : memref<!tpu.dma_semaphore, #tpu.memory_space<semaphore_mem>>) src(%dma_wait3A_270 : memref<40x128xi32, #tpu.memory_space<hbm>>) dst(%arg7 : memref<40x128xi32, #tpu.memory_space<vmem>>)
      tpu.yield
    }) : () -> ()
    "tpu.region"() ({
      %run_scoped3A = tpu.sem_alloc : memref<!tpu.dma_semaphore, #tpu.memory_space<semaphore_mem>>
      %dma_start3A_255 = arith.constant 120 : i32
      %dma_start3A_256 = arith.constant 0 : i32
      %dma_start3A_257 = tpu.memref_slice %arg4[%arg1, %dma_start3A_255, %dma_start3A_256] : memref<16x160x128xi32, #tpu.memory_space<hbm>> -> memref<1x40x128xi32, #tpu.memory_space<hbm>>
      %dma_start3A_258 = tpu.memref_squeeze %dma_start3A_257 : memref<1x40x128xi32, #tpu.memory_space<hbm>> -> memref<40x128xi32, #tpu.memory_space<hbm>>
      %dma_start3A_259 = arith.constant 120 : i32
      %dma_start3A_260 = arith.constant 0 : i32
      %dma_start3A_261 = tpu.memref_slice %arg4[%arg1, %dma_start3A_259, %dma_start3A_260] : memref<16x160x128xi32, #tpu.memory_space<hbm>> -> memref<1x40x128xi32, #tpu.memory_space<hbm>>
      %dma_start3A_262 = tpu.memref_squeeze %dma_start3A_261 : memref<1x40x128xi32, #tpu.memory_space<hbm>> -> memref<40x128xi32, #tpu.memory_space<hbm>>
      tpu.enqueue_dma source(%dma_start3A_262 : memref<40x128xi32, #tpu.memory_space<hbm>>) target(%arg8 : memref<40x128xi32, #tpu.memory_space<vmem>>) target_semaphore(%run_scoped3A : memref<!tpu.dma_semaphore, #tpu.memory_space<semaphore_mem>>)
      %dma_wait3A_263 = arith.constant 120 : i32
      %dma_wait3A_264 = arith.constant 0 : i32
      %dma_wait3A_265 = tpu.memref_slice %arg4[%arg1, %dma_wait3A_263, %dma_wait3A_264] : memref<16x160x128xi32, #tpu.memory_space<hbm>> -> memref<1x40x128xi32, #tpu.memory_space<hbm>>
      %dma_wait3A_266 = tpu.memref_squeeze %dma_wait3A_265 : memref<1x40x128xi32, #tpu.memory_space<hbm>> -> memref<40x128xi32, #tpu.memory_space<hbm>>
      %dma_wait3A_267 = arith.constant 120 : i32
      %dma_wait3A_268 = arith.constant 0 : i32
      %dma_wait3A_269 = tpu.memref_slice %arg4[%arg1, %dma_wait3A_267, %dma_wait3A_268] : memref<16x160x128xi32, #tpu.memory_space<hbm>> -> memref<1x40x128xi32, #tpu.memory_space<hbm>>
      %dma_wait3A_270 = tpu.memref_squeeze %dma_wait3A_269 : memref<1x40x128xi32, #tpu.memory_space<hbm>> -> memref<40x128xi32, #tpu.memory_space<hbm>>
      tpu.wait_dma2 semaphore(%run_scoped3A : memref<!tpu.dma_semaphore, #tpu.memory_space<semaphore_mem>>) src(%dma_wait3A_270 : memref<40x128xi32, #tpu.memory_space<hbm>>) dst(%arg8 : memref<40x128xi32, #tpu.memory_space<vmem>>)
      tpu.yield
    }) : () -> ()
    %dma_start3A_192 = arith.constant 0 : i32
    %dma_start3A_193 = arith.constant 0 : i32
    %dma_start3A_194 = tpu.memref_slice %arg7[%dma_start3A_192, %dma_start3A_193] : memref<40x128xi32, #tpu.memory_space<vmem>> -> memref<1x128xi32, #tpu.memory_space<vmem>>
    %dma_start3A_195 = tpu.memref_squeeze %dma_start3A_194 : memref<1x128xi32, #tpu.memory_space<vmem>> -> memref<128xi32, #tpu.memory_space<vmem>>
    %dma_start3A_196 = arith.constant 0 : i32
    %dma_start3A_197 = arith.constant 0 : i32
    %dma_start3A_198 = tpu.memref_slice %arg13[%dma_start3A_196, %dma_start3A_197] : memref<10112x64xf32, #tpu.memory_space<vmem_shared>> -> memref<10112x64xf32, #tpu.memory_space<vmem_shared>>
    tpu.enqueue_indirect_dma source(%dma_start3A_198 : memref<10112x64xf32, #tpu.memory_space<vmem_shared>>) target(%arg9 : memref<128x64xf32, #tpu.memory_space<vmem>>) offsets(%dma_start3A_195 : memref<128xi32, #tpu.memory_space<vmem>>) semaphore(%arg15 : memref<!tpu.dma_semaphore, #tpu.memory_space<semaphore_mem>>)
    %dma_start3A_199 = arith.constant 1 : i32
    %dma_start3A_200 = arith.constant 0 : i32
    %dma_start3A_201 = tpu.memref_slice %arg7[%dma_start3A_199, %dma_start3A_200] : memref<40x128xi32, #tpu.memory_space<vmem>> -> memref<1x128xi32, #tpu.memory_space<vmem>>
    %dma_start3A_202 = tpu.memref_squeeze %dma_start3A_201 : memref<1x128xi32, #tpu.memory_space<vmem>> -> memref<128xi32, #tpu.memory_space<vmem>>
    %dma_start3A_203 = arith.constant 0 : i32
    %dma_start3A_204 = arith.constant 0 : i32
    %dma_start3A_205 = tpu.memref_slice %arg13[%dma_start3A_203, %dma_start3A_204] : memref<10112x64xf32, #tpu.memory_space<vmem_shared>> -> memref<10112x64xf32, #tpu.memory_space<vmem_shared>>
    tpu.enqueue_indirect_dma source(%dma_start3A_205 : memref<10112x64xf32, #tpu.memory_space<vmem_shared>>) target(%arg10 : memref<128x64xf32, #tpu.memory_space<vmem>>) offsets(%dma_start3A_202 : memref<128xi32, #tpu.memory_space<vmem>>) semaphore(%arg16 : memref<!tpu.dma_semaphore, #tpu.memory_space<semaphore_mem>>)
    %dma_start3A_206 = arith.constant 2 : i32
    %dma_start3A_207 = arith.constant 0 : i32
    %dma_start3A_208 = tpu.memref_slice %arg7[%dma_start3A_206, %dma_start3A_207] : memref<40x128xi32, #tpu.memory_space<vmem>> -> memref<1x128xi32, #tpu.memory_space<vmem>>
    %dma_start3A_209 = tpu.memref_squeeze %dma_start3A_208 : memref<1x128xi32, #tpu.memory_space<vmem>> -> memref<128xi32, #tpu.memory_space<vmem>>
    %dma_start3A_210 = arith.constant 0 : i32
    %dma_start3A_211 = arith.constant 0 : i32
    %dma_start3A_212 = tpu.memref_slice %arg13[%dma_start3A_210, %dma_start3A_211] : memref<10112x64xf32, #tpu.memory_space<vmem_shared>> -> memref<10112x64xf32, #tpu.memory_space<vmem_shared>>
    tpu.enqueue_indirect_dma source(%dma_start3A_212 : memref<10112x64xf32, #tpu.memory_space<vmem_shared>>) target(%arg11 : memref<128x64xf32, #tpu.memory_space<vmem>>) offsets(%dma_start3A_209 : memref<128xi32, #tpu.memory_space<vmem>>) semaphore(%arg17 : memref<!tpu.dma_semaphore, #tpu.memory_space<semaphore_mem>>)
    %dma_start3A_213 = arith.constant 3 : i32
    %dma_start3A_214 = arith.constant 0 : i32
    %dma_start3A_215 = tpu.memref_slice %arg7[%dma_start3A_213, %dma_start3A_214] : memref<40x128xi32, #tpu.memory_space<vmem>> -> memref<1x128xi32, #tpu.memory_space<vmem>>
    %dma_start3A_216 = tpu.memref_squeeze %dma_start3A_215 : memref<1x128xi32, #tpu.memory_space<vmem>> -> memref<128xi32, #tpu.memory_space<vmem>>
    %dma_start3A_217 = arith.constant 0 : i32
    %dma_start3A_218 = arith.constant 0 : i32
    %dma_start3A_219 = tpu.memref_slice %arg13[%dma_start3A_217, %dma_start3A_218] : memref<10112x64xf32, #tpu.memory_space<vmem_shared>> -> memref<10112x64xf32, #tpu.memory_space<vmem_shared>>
    tpu.enqueue_indirect_dma source(%dma_start3A_219 : memref<10112x64xf32, #tpu.memory_space<vmem_shared>>) target(%arg12 : memref<128x64xf32, #tpu.memory_space<vmem>>) offsets(%dma_start3A_216 : memref<128xi32, #tpu.memory_space<vmem>>) semaphore(%arg18 : memref<!tpu.dma_semaphore, #tpu.memory_space<semaphore_mem>>)
    %scan3A_220 = arith.constant 0 : i32
    %scan3A_221 = arith.constant 0 : i32
    %scan3A_222 = arith.constant 10 : i32
    %scan3A_223 = arith.addi %scan3A_221, %scan3A_222 : i32
    %scan3A_224 = arith.constant 1 : i32
    scf.for %scan3A_255 = %scan3A_221 to %scan3A_223 step %scan3A_224  : i32 {
      %mul3A_256 = arith.constant 4 : i32
      %mul3A_257 = arith.muli %scan3A_255, %mul3A_256 : i32
      %add3A = arith.constant 0 : i32
      %add3A_258 = arith.addi %mul3A_257, %add3A : i32
      %dma_wait3A_259 = arith.constant 0 : i32
      %dma_wait3A_260 = arith.constant 0 : i32
      %dma_wait3A_261 = tpu.memref_slice %arg7[%dma_wait3A_259, %dma_wait3A_260] : memref<40x128xi32, #tpu.memory_space<vmem>> -> memref<1x128xi32, #tpu.memory_space<vmem>>
      %dma_wait3A_262 = tpu.memref_squeeze %dma_wait3A_261 : memref<1x128xi32, #tpu.memory_space<vmem>> -> memref<128xi32, #tpu.memory_space<vmem>>
      %dma_wait3A_263 = arith.constant 0 : i32
      %dma_wait3A_264 = arith.constant 0 : i32
      %dma_wait3A_265 = tpu.memref_slice %arg13[%dma_wait3A_263, %dma_wait3A_264] : memref<10112x64xf32, #tpu.memory_space<vmem_shared>> -> memref<10112x64xf32, #tpu.memory_space<vmem_shared>>
      tpu.wait_indirect_dma semaphore(%arg15 : memref<!tpu.dma_semaphore, #tpu.memory_space<semaphore_mem>>) src(%dma_wait3A_265 : memref<10112x64xf32, #tpu.memory_space<vmem_shared>>) dst(%arg9 : memref<128x64xf32, #tpu.memory_space<vmem>>)
      %dma_start3A_266 = arith.constant 0 : i32
      %dma_start3A_267 = tpu.memref_slice %arg8[%add3A_258, %dma_start3A_266] : memref<40x128xi32, #tpu.memory_space<vmem>> -> memref<1x128xi32, #tpu.memory_space<vmem>>
      %dma_start3A_268 = tpu.memref_squeeze %dma_start3A_267 : memref<1x128xi32, #tpu.memory_space<vmem>> -> memref<128xi32, #tpu.memory_space<vmem>>
      %dma_start3A_269 = arith.constant 0 : i32
      %dma_start3A_270 = arith.constant 0 : i32
      %dma_start3A_271 = tpu.memref_slice %arg14[%dma_start3A_269, %dma_start3A_270] : memref<10112x64xf32, #tpu.memory_space<vmem_shared>> -> memref<10112x64xf32, #tpu.memory_space<vmem_shared>>
      tpu.enqueue_indirect_dma source(%arg9 : memref<128x64xf32, #tpu.memory_space<vmem>>) target(%dma_start3A_271 : memref<10112x64xf32, #tpu.memory_space<vmem_shared>>) offsets(%dma_start3A_268 : memref<128xi32, #tpu.memory_space<vmem>>) semaphore(%arg19 : memref<!tpu.dma_semaphore, #tpu.memory_space<semaphore_mem>>) {add = true}
      %add3A_272 = arith.constant 2 : i32
      %add3A_273 = arith.addi %add3A_258, %add3A_272 : i32
      %ge3A = arith.constant 4 : i32
      %ge3A_274 = arith.cmpi sge, %add3A_273, %ge3A : i32
      %lt3A_275 = arith.constant 40 : i32
      %lt3A_276 = arith.cmpi slt, %add3A_273, %lt3A_275 : i32
      %and3A = arith.andi %ge3A_274, %lt3A_276 : i1
      %convert_element_type3A_277 = arith.extui %and3A : i1 to i32
      %cond3A_278 = arith.constant 0 : i32
      %cond3A_279 = arith.cmpi ne, %convert_element_type3A_277, %cond3A_278 : i32
      scf.if %cond3A_279 {
        %dma_wait3A_361 = arith.constant 0 : i32
        %dma_wait3A_362 = arith.constant 0 : i32
        %dma_wait3A_363 = tpu.memref_slice %arg8[%dma_wait3A_361, %dma_wait3A_362] : memref<40x128xi32, #tpu.memory_space<vmem>> -> memref<1x128xi32, #tpu.memory_space<vmem>>
        %dma_wait3A_364 = tpu.memref_squeeze %dma_wait3A_363 : memref<1x128xi32, #tpu.memory_space<vmem>> -> memref<128xi32, #tpu.memory_space<vmem>>
        %dma_wait3A_365 = arith.constant 0 : i32
        %dma_wait3A_366 = arith.constant 0 : i32
        %dma_wait3A_367 = tpu.memref_slice %arg14[%dma_wait3A_365, %dma_wait3A_366] : memref<10112x64xf32, #tpu.memory_space<vmem_shared>> -> memref<10112x64xf32, #tpu.memory_space<vmem_shared>>
        tpu.wait_indirect_dma semaphore(%arg21 : memref<!tpu.dma_semaphore, #tpu.memory_space<semaphore_mem>>) src(%arg11 : memref<128x64xf32, #tpu.memory_space<vmem>>) dst(%dma_wait3A_367 : memref<10112x64xf32, #tpu.memory_space<vmem_shared>>)
        %dma_start3A_368 = arith.constant 0 : i32
        %dma_start3A_369 = tpu.memref_slice %arg7[%add3A_273, %dma_start3A_368] : memref<40x128xi32, #tpu.memory_space<vmem>> -> memref<1x128xi32, #tpu.memory_space<vmem>>
        %dma_start3A_370 = tpu.memref_squeeze %dma_start3A_369 : memref<1x128xi32, #tpu.memory_space<vmem>> -> memref<128xi32, #tpu.memory_space<vmem>>
        %dma_start3A_371 = arith.constant 0 : i32
        %dma_start3A_372 = arith.constant 0 : i32
        %dma_start3A_373 = tpu.memref_slice %arg13[%dma_start3A_371, %dma_start3A_372] : memref<10112x64xf32, #tpu.memory_space<vmem_shared>> -> memref<10112x64xf32, #tpu.memory_space<vmem_shared>>
        tpu.enqueue_indirect_dma source(%dma_start3A_373 : memref<10112x64xf32, #tpu.memory_space<vmem_shared>>) target(%arg11 : memref<128x64xf32, #tpu.memory_space<vmem>>) offsets(%dma_start3A_370 : memref<128xi32, #tpu.memory_space<vmem>>) semaphore(%arg17 : memref<!tpu.dma_semaphore, #tpu.memory_space<semaphore_mem>>)
      } else {
      }
      %mul3A_280 = arith.constant 4 : i32
      %mul3A_281 = arith.muli %scan3A_255, %mul3A_280 : i32
      %add3A_282 = arith.constant 1 : i32
      %add3A_283 = arith.addi %mul3A_281, %add3A_282 : i32
      %dma_wait3A_284 = arith.constant 0 : i32
      %dma_wait3A_285 = arith.constant 0 : i32
      %dma_wait3A_286 = tpu.memref_slice %arg7[%dma_wait3A_284, %dma_wait3A_285] : memref<40x128xi32, #tpu.memory_space<vmem>> -> memref<1x128xi32, #tpu.memory_space<vmem>>
      %dma_wait3A_287 = tpu.memref_squeeze %dma_wait3A_286 : memref<1x128xi32, #tpu.memory_space<vmem>> -> memref<128xi32, #tpu.memory_space<vmem>>
      %dma_wait3A_288 = arith.constant 0 : i32
      %dma_wait3A_289 = arith.constant 0 : i32
      %dma_wait3A_290 = tpu.memref_slice %arg13[%dma_wait3A_288, %dma_wait3A_289] : memref<10112x64xf32, #tpu.memory_space<vmem_shared>> -> memref<10112x64xf32, #tpu.memory_space<vmem_shared>>
      tpu.wait_indirect_dma semaphore(%arg16 : memref<!tpu.dma_semaphore, #tpu.memory_space<semaphore_mem>>) src(%dma_wait3A_290 : memref<10112x64xf32, #tpu.memory_space<vmem_shared>>) dst(%arg10 : memref<128x64xf32, #tpu.memory_space<vmem>>)
      %dma_start3A_291 = arith.constant 0 : i32
      %dma_start3A_292 = tpu.memref_slice %arg8[%add3A_283, %dma_start3A_291] : memref<40x128xi32, #tpu.memory_space<vmem>> -> memref<1x128xi32, #tpu.memory_space<vmem>>
      %dma_start3A_293 = tpu.memref_squeeze %dma_start3A_292 : memref<1x128xi32, #tpu.memory_space<vmem>> -> memref<128xi32, #tpu.memory_space<vmem>>
      %dma_start3A_294 = arith.constant 0 : i32
      %dma_start3A_295 = arith.constant 0 : i32
      %dma_start3A_296 = tpu.memref_slice %arg14[%dma_start3A_294, %dma_start3A_295] : memref<10112x64xf32, #tpu.memory_space<vmem_shared>> -> memref<10112x64xf32, #tpu.memory_space<vmem_shared>>
      tpu.enqueue_indirect_dma source(%arg10 : memref<128x64xf32, #tpu.memory_space<vmem>>) target(%dma_start3A_296 : memref<10112x64xf32, #tpu.memory_space<vmem_shared>>) offsets(%dma_start3A_293 : memref<128xi32, #tpu.memory_space<vmem>>) semaphore(%arg20 : memref<!tpu.dma_semaphore, #tpu.memory_space<semaphore_mem>>) {add = true}
      %add3A_297 = arith.constant 2 : i32
      %add3A_298 = arith.addi %add3A_283, %add3A_297 : i32
      %ge3A_299 = arith.constant 4 : i32
      %ge3A_300 = arith.cmpi sge, %add3A_298, %ge3A_299 : i32
      %lt3A_301 = arith.constant 40 : i32
      %lt3A_302 = arith.cmpi slt, %add3A_298, %lt3A_301 : i32
      %and3A_303 = arith.andi %ge3A_300, %lt3A_302 : i1
      %convert_element_type3A_304 = arith.extui %and3A_303 : i1 to i32
      %cond3A_305 = arith.constant 0 : i32
      %cond3A_306 = arith.cmpi ne, %convert_element_type3A_304, %cond3A_305 : i32
      scf.if %cond3A_306 {
        %dma_wait3A_361 = arith.constant 0 : i32
        %dma_wait3A_362 = arith.constant 0 : i32
        %dma_wait3A_363 = tpu.memref_slice %arg8[%dma_wait3A_361, %dma_wait3A_362] : memref<40x128xi32, #tpu.memory_space<vmem>> -> memref<1x128xi32, #tpu.memory_space<vmem>>
        %dma_wait3A_364 = tpu.memref_squeeze %dma_wait3A_363 : memref<1x128xi32, #tpu.memory_space<vmem>> -> memref<128xi32, #tpu.memory_space<vmem>>
        %dma_wait3A_365 = arith.constant 0 : i32
        %dma_wait3A_366 = arith.constant 0 : i32
        %dma_wait3A_367 = tpu.memref_slice %arg14[%dma_wait3A_365, %dma_wait3A_366] : memref<10112x64xf32, #tpu.memory_space<vmem_shared>> -> memref<10112x64xf32, #tpu.memory_space<vmem_shared>>
        tpu.wait_indirect_dma semaphore(%arg22 : memref<!tpu.dma_semaphore, #tpu.memory_space<semaphore_mem>>) src(%arg12 : memref<128x64xf32, #tpu.memory_space<vmem>>) dst(%dma_wait3A_367 : memref<10112x64xf32, #tpu.memory_space<vmem_shared>>)
        %dma_start3A_368 = arith.constant 0 : i32
        %dma_start3A_369 = tpu.memref_slice %arg7[%add3A_298, %dma_start3A_368] : memref<40x128xi32, #tpu.memory_space<vmem>> -> memref<1x128xi32, #tpu.memory_space<vmem>>
        %dma_start3A_370 = tpu.memref_squeeze %dma_start3A_369 : memref<1x128xi32, #tpu.memory_space<vmem>> -> memref<128xi32, #tpu.memory_space<vmem>>
        %dma_start3A_371 = arith.constant 0 : i32
        %dma_start3A_372 = arith.constant 0 : i32
        %dma_start3A_373 = tpu.memref_slice %arg13[%dma_start3A_371, %dma_start3A_372] : memref<10112x64xf32, #tpu.memory_space<vmem_shared>> -> memref<10112x64xf32, #tpu.memory_space<vmem_shared>>
        tpu.enqueue_indirect_dma source(%dma_start3A_373 : memref<10112x64xf32, #tpu.memory_space<vmem_shared>>) target(%arg12 : memref<128x64xf32, #tpu.memory_space<vmem>>) offsets(%dma_start3A_370 : memref<128xi32, #tpu.memory_space<vmem>>) semaphore(%arg18 : memref<!tpu.dma_semaphore, #tpu.memory_space<semaphore_mem>>)
      } else {
      }
      %mul3A_307 = arith.constant 4 : i32
      %mul3A_308 = arith.muli %scan3A_255, %mul3A_307 : i32
      %add3A_309 = arith.constant 2 : i32
      %add3A_310 = arith.addi %mul3A_308, %add3A_309 : i32
      %dma_wait3A_311 = arith.constant 0 : i32
      %dma_wait3A_312 = arith.constant 0 : i32
      %dma_wait3A_313 = tpu.memref_slice %arg7[%dma_wait3A_311, %dma_wait3A_312] : memref<40x128xi32, #tpu.memory_space<vmem>> -> memref<1x128xi32, #tpu.memory_space<vmem>>
      %dma_wait3A_314 = tpu.memref_squeeze %dma_wait3A_313 : memref<1x128xi32, #tpu.memory_space<vmem>> -> memref<128xi32, #tpu.memory_space<vmem>>
      %dma_wait3A_315 = arith.constant 0 : i32
      %dma_wait3A_316 = arith.constant 0 : i32
      %dma_wait3A_317 = tpu.memref_slice %arg13[%dma_wait3A_315, %dma_wait3A_316] : memref<10112x64xf32, #tpu.memory_space<vmem_shared>> -> memref<10112x64xf32, #tpu.memory_space<vmem_shared>>
      tpu.wait_indirect_dma semaphore(%arg17 : memref<!tpu.dma_semaphore, #tpu.memory_space<semaphore_mem>>) src(%dma_wait3A_317 : memref<10112x64xf32, #tpu.memory_space<vmem_shared>>) dst(%arg11 : memref<128x64xf32, #tpu.memory_space<vmem>>)
      %dma_start3A_318 = arith.constant 0 : i32
      %dma_start3A_319 = tpu.memref_slice %arg8[%add3A_310, %dma_start3A_318] : memref<40x128xi32, #tpu.memory_space<vmem>> -> memref<1x128xi32, #tpu.memory_space<vmem>>
      %dma_start3A_320 = tpu.memref_squeeze %dma_start3A_319 : memref<1x128xi32, #tpu.memory_space<vmem>> -> memref<128xi32, #tpu.memory_space<vmem>>
      %dma_start3A_321 = arith.constant 0 : i32
      %dma_start3A_322 = arith.constant 0 : i32
      %dma_start3A_323 = tpu.memref_slice %arg14[%dma_start3A_321, %dma_start3A_322] : memref<10112x64xf32, #tpu.memory_space<vmem_shared>> -> memref<10112x64xf32, #tpu.memory_space<vmem_shared>>
      tpu.enqueue_indirect_dma source(%arg11 : memref<128x64xf32, #tpu.memory_space<vmem>>) target(%dma_start3A_323 : memref<10112x64xf32, #tpu.memory_space<vmem_shared>>) offsets(%dma_start3A_320 : memref<128xi32, #tpu.memory_space<vmem>>) semaphore(%arg21 : memref<!tpu.dma_semaphore, #tpu.memory_space<semaphore_mem>>) {add = true}
      %add3A_324 = arith.constant 2 : i32
      %add3A_325 = arith.addi %add3A_310, %add3A_324 : i32
      %ge3A_326 = arith.constant 4 : i32
      %ge3A_327 = arith.cmpi sge, %add3A_325, %ge3A_326 : i32
      %lt3A_328 = arith.constant 40 : i32
      %lt3A_329 = arith.cmpi slt, %add3A_325, %lt3A_328 : i32
      %and3A_330 = arith.andi %ge3A_327, %lt3A_329 : i1
      %convert_element_type3A_331 = arith.extui %and3A_330 : i1 to i32
      %cond3A_332 = arith.constant 0 : i32
      %cond3A_333 = arith.cmpi ne, %convert_element_type3A_331, %cond3A_332 : i32
      scf.if %cond3A_333 {
        %dma_wait3A_361 = arith.constant 0 : i32
        %dma_wait3A_362 = arith.constant 0 : i32
        %dma_wait3A_363 = tpu.memref_slice %arg8[%dma_wait3A_361, %dma_wait3A_362] : memref<40x128xi32, #tpu.memory_space<vmem>> -> memref<1x128xi32, #tpu.memory_space<vmem>>
        %dma_wait3A_364 = tpu.memref_squeeze %dma_wait3A_363 : memref<1x128xi32, #tpu.memory_space<vmem>> -> memref<128xi32, #tpu.memory_space<vmem>>
        %dma_wait3A_365 = arith.constant 0 : i32
        %dma_wait3A_366 = arith.constant 0 : i32
        %dma_wait3A_367 = tpu.memref_slice %arg14[%dma_wait3A_365, %dma_wait3A_366] : memref<10112x64xf32, #tpu.memory_space<vmem_shared>> -> memref<10112x64xf32, #tpu.memory_space<vmem_shared>>
        tpu.wait_indirect_dma semaphore(%arg19 : memref<!tpu.dma_semaphore, #tpu.memory_space<semaphore_mem>>) src(%arg9 : memref<128x64xf32, #tpu.memory_space<vmem>>) dst(%dma_wait3A_367 : memref<10112x64xf32, #tpu.memory_space<vmem_shared>>)
        %dma_start3A_368 = arith.constant 0 : i32
        %dma_start3A_369 = tpu.memref_slice %arg7[%add3A_325, %dma_start3A_368] : memref<40x128xi32, #tpu.memory_space<vmem>> -> memref<1x128xi32, #tpu.memory_space<vmem>>
        %dma_start3A_370 = tpu.memref_squeeze %dma_start3A_369 : memref<1x128xi32, #tpu.memory_space<vmem>> -> memref<128xi32, #tpu.memory_space<vmem>>
        %dma_start3A_371 = arith.constant 0 : i32
        %dma_start3A_372 = arith.constant 0 : i32
        %dma_start3A_373 = tpu.memref_slice %arg13[%dma_start3A_371, %dma_start3A_372] : memref<10112x64xf32, #tpu.memory_space<vmem_shared>> -> memref<10112x64xf32, #tpu.memory_space<vmem_shared>>
        tpu.enqueue_indirect_dma source(%dma_start3A_373 : memref<10112x64xf32, #tpu.memory_space<vmem_shared>>) target(%arg9 : memref<128x64xf32, #tpu.memory_space<vmem>>) offsets(%dma_start3A_370 : memref<128xi32, #tpu.memory_space<vmem>>) semaphore(%arg15 : memref<!tpu.dma_semaphore, #tpu.memory_space<semaphore_mem>>)
      } else {
      }
      %mul3A_334 = arith.constant 4 : i32
      %mul3A_335 = arith.muli %scan3A_255, %mul3A_334 : i32
      %add3A_336 = arith.constant 3 : i32
      %add3A_337 = arith.addi %mul3A_335, %add3A_336 : i32
      %dma_wait3A_338 = arith.constant 0 : i32
      %dma_wait3A_339 = arith.constant 0 : i32
      %dma_wait3A_340 = tpu.memref_slice %arg7[%dma_wait3A_338, %dma_wait3A_339] : memref<40x128xi32, #tpu.memory_space<vmem>> -> memref<1x128xi32, #tpu.memory_space<vmem>>
      %dma_wait3A_341 = tpu.memref_squeeze %dma_wait3A_340 : memref<1x128xi32, #tpu.memory_space<vmem>> -> memref<128xi32, #tpu.memory_space<vmem>>
      %dma_wait3A_342 = arith.constant 0 : i32
      %dma_wait3A_343 = arith.constant 0 : i32
      %dma_wait3A_344 = tpu.memref_slice %arg13[%dma_wait3A_342, %dma_wait3A_343] : memref<10112x64xf32, #tpu.memory_space<vmem_shared>> -> memref<10112x64xf32, #tpu.memory_space<vmem_shared>>
      tpu.wait_indirect_dma semaphore(%arg18 : memref<!tpu.dma_semaphore, #tpu.memory_space<semaphore_mem>>) src(%dma_wait3A_344 : memref<10112x64xf32, #tpu.memory_space<vmem_shared>>) dst(%arg12 : memref<128x64xf32, #tpu.memory_space<vmem>>)
      %dma_start3A_345 = arith.constant 0 : i32
      %dma_start3A_346 = tpu.memref_slice %arg8[%add3A_337, %dma_start3A_345] : memref<40x128xi32, #tpu.memory_space<vmem>> -> memref<1x128xi32, #tpu.memory_space<vmem>>
      %dma_start3A_347 = tpu.memref_squeeze %dma_start3A_346 : memref<1x128xi32, #tpu.memory_space<vmem>> -> memref<128xi32, #tpu.memory_space<vmem>>
      %dma_start3A_348 = arith.constant 0 : i32
      %dma_start3A_349 = arith.constant 0 : i32
      %dma_start3A_350 = tpu.memref_slice %arg14[%dma_start3A_348, %dma_start3A_349] : memref<10112x64xf32, #tpu.memory_space<vmem_shared>> -> memref<10112x64xf32, #tpu.memory_space<vmem_shared>>
      tpu.enqueue_indirect_dma source(%arg12 : memref<128x64xf32, #tpu.memory_space<vmem>>) target(%dma_start3A_350 : memref<10112x64xf32, #tpu.memory_space<vmem_shared>>) offsets(%dma_start3A_347 : memref<128xi32, #tpu.memory_space<vmem>>) semaphore(%arg22 : memref<!tpu.dma_semaphore, #tpu.memory_space<semaphore_mem>>) {add = true}
      %add3A_351 = arith.constant 2 : i32
      %add3A_352 = arith.addi %add3A_337, %add3A_351 : i32
      %ge3A_353 = arith.constant 4 : i32
      %ge3A_354 = arith.cmpi sge, %add3A_352, %ge3A_353 : i32
      %lt3A_355 = arith.constant 40 : i32
      %lt3A_356 = arith.cmpi slt, %add3A_352, %lt3A_355 : i32
      %and3A_357 = arith.andi %ge3A_354, %lt3A_356 : i1
      %convert_element_type3A_358 = arith.extui %and3A_357 : i1 to i32
      %cond3A_359 = arith.constant 0 : i32
      %cond3A_360 = arith.cmpi ne, %convert_element_type3A_358, %cond3A_359 : i32
      scf.if %cond3A_360 {
        %dma_wait3A_361 = arith.constant 0 : i32
        %dma_wait3A_362 = arith.constant 0 : i32
        %dma_wait3A_363 = tpu.memref_slice %arg8[%dma_wait3A_361, %dma_wait3A_362] : memref<40x128xi32, #tpu.memory_space<vmem>> -> memref<1x128xi32, #tpu.memory_space<vmem>>
        %dma_wait3A_364 = tpu.memref_squeeze %dma_wait3A_363 : memref<1x128xi32, #tpu.memory_space<vmem>> -> memref<128xi32, #tpu.memory_space<vmem>>
        %dma_wait3A_365 = arith.constant 0 : i32
        %dma_wait3A_366 = arith.constant 0 : i32
        %dma_wait3A_367 = tpu.memref_slice %arg14[%dma_wait3A_365, %dma_wait3A_366] : memref<10112x64xf32, #tpu.memory_space<vmem_shared>> -> memref<10112x64xf32, #tpu.memory_space<vmem_shared>>
        tpu.wait_indirect_dma semaphore(%arg20 : memref<!tpu.dma_semaphore, #tpu.memory_space<semaphore_mem>>) src(%arg10 : memref<128x64xf32, #tpu.memory_space<vmem>>) dst(%dma_wait3A_367 : memref<10112x64xf32, #tpu.memory_space<vmem_shared>>)
        %dma_start3A_368 = arith.constant 0 : i32
        %dma_start3A_369 = tpu.memref_slice %arg7[%add3A_352, %dma_start3A_368] : memref<40x128xi32, #tpu.memory_space<vmem>> -> memref<1x128xi32, #tpu.memory_space<vmem>>
        %dma_start3A_370 = tpu.memref_squeeze %dma_start3A_369 : memref<1x128xi32, #tpu.memory_space<vmem>> -> memref<128xi32, #tpu.memory_space<vmem>>
        %dma_start3A_371 = arith.constant 0 : i32
        %dma_start3A_372 = arith.constant 0 : i32
        %dma_start3A_373 = tpu.memref_slice %arg13[%dma_start3A_371, %dma_start3A_372] : memref<10112x64xf32, #tpu.memory_space<vmem_shared>> -> memref<10112x64xf32, #tpu.memory_space<vmem_shared>>
        tpu.enqueue_indirect_dma source(%dma_start3A_373 : memref<10112x64xf32, #tpu.memory_space<vmem_shared>>) target(%arg10 : memref<128x64xf32, #tpu.memory_space<vmem>>) offsets(%dma_start3A_370 : memref<128xi32, #tpu.memory_space<vmem>>) semaphore(%arg16 : memref<!tpu.dma_semaphore, #tpu.memory_space<semaphore_mem>>)
      } else {
      }
    }
    %scan3A_225 = arith.constant 10 : i32
    %dma_wait3A_226 = arith.constant 0 : i32
    %dma_wait3A_227 = arith.constant 0 : i32
    %dma_wait3A_228 = tpu.memref_slice %arg8[%dma_wait3A_226, %dma_wait3A_227] : memref<40x128xi32, #tpu.memory_space<vmem>> -> memref<1x128xi32, #tpu.memory_space<vmem>>
    %dma_wait3A_229 = tpu.memref_squeeze %dma_wait3A_228 : memref<1x128xi32, #tpu.memory_space<vmem>> -> memref<128xi32, #tpu.memory_space<vmem>>
    %dma_wait3A_230 = arith.constant 0 : i32
    %dma_wait3A_231 = arith.constant 0 : i32
    %dma_wait3A_232 = tpu.memref_slice %arg14[%dma_wait3A_230, %dma_wait3A_231] : memref<10112x64xf32, #tpu.memory_space<vmem_shared>> -> memref<10112x64xf32, #tpu.memory_space<vmem_shared>>
    tpu.wait_indirect_dma semaphore(%arg19 : memref<!tpu.dma_semaphore, #tpu.memory_space<semaphore_mem>>) src(%arg9 : memref<128x64xf32, #tpu.memory_space<vmem>>) dst(%dma_wait3A_232 : memref<10112x64xf32, #tpu.memory_space<vmem_shared>>)
    %dma_wait3A_233 = arith.constant 0 : i32
    %dma_wait3A_234 = arith.constant 0 : i32
    %dma_wait3A_235 = tpu.memref_slice %arg8[%dma_wait3A_233, %dma_wait3A_234] : memref<40x128xi32, #tpu.memory_space<vmem>> -> memref<1x128xi32, #tpu.memory_space<vmem>>
    %dma_wait3A_236 = tpu.memref_squeeze %dma_wait3A_235 : memref<1x128xi32, #tpu.memory_space<vmem>> -> memref<128xi32, #tpu.memory_space<vmem>>
    %dma_wait3A_237 = arith.constant 0 : i32
    %dma_wait3A_238 = arith.constant 0 : i32
    %dma_wait3A_239 = tpu.memref_slice %arg14[%dma_wait3A_237, %dma_wait3A_238] : memref<10112x64xf32, #tpu.memory_space<vmem_shared>> -> memref<10112x64xf32, #tpu.memory_space<vmem_shared>>
    tpu.wait_indirect_dma semaphore(%arg20 : memref<!tpu.dma_semaphore, #tpu.memory_space<semaphore_mem>>) src(%arg10 : memref<128x64xf32, #tpu.memory_space<vmem>>) dst(%dma_wait3A_239 : memref<10112x64xf32, #tpu.memory_space<vmem_shared>>)
    %dma_wait3A_240 = arith.constant 0 : i32
    %dma_wait3A_241 = arith.constant 0 : i32
    %dma_wait3A_242 = tpu.memref_slice %arg8[%dma_wait3A_240, %dma_wait3A_241] : memref<40x128xi32, #tpu.memory_space<vmem>> -> memref<1x128xi32, #tpu.memory_space<vmem>>
    %dma_wait3A_243 = tpu.memref_squeeze %dma_wait3A_242 : memref<1x128xi32, #tpu.memory_space<vmem>> -> memref<128xi32, #tpu.memory_space<vmem>>
    %dma_wait3A_244 = arith.constant 0 : i32
    %dma_wait3A_245 = arith.constant 0 : i32
    %dma_wait3A_246 = tpu.memref_slice %arg14[%dma_wait3A_244, %dma_wait3A_245] : memref<10112x64xf32, #tpu.memory_space<vmem_shared>> -> memref<10112x64xf32, #tpu.memory_space<vmem_shared>>
    tpu.wait_indirect_dma semaphore(%arg21 : memref<!tpu.dma_semaphore, #tpu.memory_space<semaphore_mem>>) src(%arg11 : memref<128x64xf32, #tpu.memory_space<vmem>>) dst(%dma_wait3A_246 : memref<10112x64xf32, #tpu.memory_space<vmem_shared>>)
    %dma_wait3A_247 = arith.constant 0 : i32
    %dma_wait3A_248 = arith.constant 0 : i32
    %dma_wait3A_249 = tpu.memref_slice %arg8[%dma_wait3A_247, %dma_wait3A_248] : memref<40x128xi32, #tpu.memory_space<vmem>> -> memref<1x128xi32, #tpu.memory_space<vmem>>
    %dma_wait3A_250 = tpu.memref_squeeze %dma_wait3A_249 : memref<1x128xi32, #tpu.memory_space<vmem>> -> memref<128xi32, #tpu.memory_space<vmem>>
    %dma_wait3A_251 = arith.constant 0 : i32
    %dma_wait3A_252 = arith.constant 0 : i32
    %dma_wait3A_253 = tpu.memref_slice %arg14[%dma_wait3A_251, %dma_wait3A_252] : memref<10112x64xf32, #tpu.memory_space<vmem_shared>> -> memref<10112x64xf32, #tpu.memory_space<vmem_shared>>
    tpu.wait_indirect_dma semaphore(%arg22 : memref<!tpu.dma_semaphore, #tpu.memory_space<semaphore_mem>>) src(%arg12 : memref<128x64xf32, #tpu.memory_space<vmem>>) dst(%dma_wait3A_253 : memref<10112x64xf32, #tpu.memory_space<vmem_shared>>)
    %barrier3A_254 = arith.constant 0 : index
    tpu.barrier barrier_id(%barrier3A_254)
    "tpu.region"() ({
      %run_scoped3A = tpu.sem_alloc : memref<!tpu.dma_semaphore, #tpu.memory_space<semaphore_mem>>
      %dma_start3A_255 = arith.constant 0 : i32
      %dma_start3A_256 = tpu.memref_slice %arg6[%arg0, %mul3A_0, %dma_start3A_255] : memref<2x10112x64xf32, #tpu.memory_space<hbm>> -> memref<1x632x64xf32, #tpu.memory_space<hbm>>
      %dma_start3A_257 = tpu.memref_squeeze %dma_start3A_256 : memref<1x632x64xf32, #tpu.memory_space<hbm>> -> memref<632x64xf32, #tpu.memory_space<hbm>>
      %dma_start3A_258 = arith.constant 0 : i32
      %dma_start3A_259 = tpu.memref_slice %arg14[%mul3A_0, %dma_start3A_258] : memref<10112x64xf32, #tpu.memory_space<vmem_shared>> -> memref<632x64xf32, #tpu.memory_space<vmem_shared>>
      tpu.enqueue_dma source(%dma_start3A_259 : memref<632x64xf32, #tpu.memory_space<vmem_shared>>) target(%dma_start3A_257 : memref<632x64xf32, #tpu.memory_space<hbm>>) target_semaphore(%run_scoped3A : memref<!tpu.dma_semaphore, #tpu.memory_space<semaphore_mem>>)
      %dma_wait3A_260 = arith.constant 0 : i32
      %dma_wait3A_261 = tpu.memref_slice %arg6[%arg0, %mul3A_0, %dma_wait3A_260] : memref<2x10112x64xf32, #tpu.memory_space<hbm>> -> memref<1x632x64xf32, #tpu.memory_space<hbm>>
      %dma_wait3A_262 = tpu.memref_squeeze %dma_wait3A_261 : memref<1x632x64xf32, #tpu.memory_space<hbm>> -> memref<632x64xf32, #tpu.memory_space<hbm>>
      %dma_wait3A_263 = arith.constant 0 : i32
      %dma_wait3A_264 = tpu.memref_slice %arg14[%mul3A_0, %dma_wait3A_263] : memref<10112x64xf32, #tpu.memory_space<vmem_shared>> -> memref<632x64xf32, #tpu.memory_space<vmem_shared>>
      tpu.wait_dma2 semaphore(%run_scoped3A : memref<!tpu.dma_semaphore, #tpu.memory_space<semaphore_mem>>) src(%dma_wait3A_264 : memref<632x64xf32, #tpu.memory_space<vmem_shared>>) dst(%dma_wait3A_262 : memref<632x64xf32, #tpu.memory_space<hbm>>)
      tpu.yield
    }) : () -> ()
    return
  }
}

module attributes {stable_mosaic.version = 14 : i64} {
  func.func @body(%arg0: i32, %arg1: memref<5000x128xf32, #tpu.memory_space<vmem>>, %arg2: memref<2x5000x64xf32, #tpu.memory_space<vmem>>, %arg3: memref<128x128xf32, #tpu.memory_space<vmem>>, %arg4: memref<1x128xf32, #tpu.memory_space<vmem>>, %arg5: memref<128x128xf32, #tpu.memory_space<vmem>>, %arg6: memref<1x128xf32, #tpu.memory_space<vmem>>, %arg7: memref<1x128xf32, #tpu.memory_space<vmem>>, %arg8: memref<1x128xf32, #tpu.memory_space<vmem>>, %arg9: memref<5000x128xf32, #tpu.memory_space<vmem>>) attributes {dimension_semantics = [#tpu.dimension_semantics<arbitrary>], iteration_bounds = array<i64: 2>, scalar_prefetch = 0 : i64, scratch_operands = 0 : i64, tpu.core_type = #tpu.core_type<tc>, window_params = [{transform_indices = @transform_0, window_bounds = array<i64: 5000, 128>}, {transform_indices = @transform_1, window_bounds = array<i64: 2, 5000, 64>}, {pipeline_mode = #tpu.pipeline_mode<synchronous>, transform_indices = @transform_2, window_bounds = array<i64: 128, 128>}, {pipeline_mode = #tpu.pipeline_mode<synchronous>, transform_indices = @transform_3, window_bounds = array<i64: 1, 128>}, {pipeline_mode = #tpu.pipeline_mode<synchronous>, transform_indices = @transform_4, window_bounds = array<i64: 128, 128>}, {pipeline_mode = #tpu.pipeline_mode<synchronous>, transform_indices = @transform_5, window_bounds = array<i64: 1, 128>}, {pipeline_mode = #tpu.pipeline_mode<synchronous>, transform_indices = @transform_6, window_bounds = array<i64: 1, 128>}, {pipeline_mode = #tpu.pipeline_mode<synchronous>, transform_indices = @transform_7, window_bounds = array<i64: 1, 128>}, {transform_indices = @transform_8, window_bounds = array<i64: 5000, 128>}]} {
    %get3A = arith.constant 0 : index
    %get3A_0 = arith.constant 0 : index
    %get3A_1 = vector.load %arg1[%get3A, %get3A_0] : memref<5000x128xf32, #tpu.memory_space<vmem>>, vector<5000x128xf32>
    %get3A_2 = arith.constant 0 : index
    %get3A_3 = arith.constant 0 : index
    %get3A_4 = arith.constant 0 : index
    %get3A_5 = vector.load %arg2[%get3A_2, %get3A_3, %get3A_4] : memref<2x5000x64xf32, #tpu.memory_space<vmem>>, vector<1x5000x64xf32>
    %get3A_6 = vector.shape_cast %get3A_5 : vector<1x5000x64xf32> to vector<5000x64xf32>
    %get3A_7 = arith.constant 1 : index
    %get3A_8 = arith.constant 0 : index
    %get3A_9 = arith.constant 0 : index
    %get3A_10 = vector.load %arg2[%get3A_7, %get3A_8, %get3A_9] : memref<2x5000x64xf32, #tpu.memory_space<vmem>>, vector<1x5000x64xf32>
    %get3A_11 = vector.shape_cast %get3A_10 : vector<1x5000x64xf32> to vector<5000x64xf32>
    %concatenate3A = tpu.concatenate %get3A_6, %get3A_11 in 1 : vector<5000x64xf32>, vector<5000x64xf32> -> vector<5000x128xf32>
    %add3A = arith.addf %get3A_1, %concatenate3A : vector<5000x128xf32>
    %get3A_12 = arith.constant 0 : index
    %get3A_13 = arith.constant 0 : index
    %get3A_14 = vector.load %arg3[%get3A_12, %get3A_13] : memref<128x128xf32, #tpu.memory_space<vmem>>, vector<128x128xf32>
    %dot_general3A = arith.constant dense<0.000000e+00> : vector<5000x128xf32>
    %dot_general3A_15 = tpu.matmul %add3A, %get3A_14, %dot_general3A {dimension_numbers = #tpu.dot_dimension_numbers<[1], [0], [0], [1], [0, 0, 1, 1], [], []>, transpose_lhs_hint = false} : vector<5000x128xf32>, vector<128x128xf32>, vector<5000x128xf32> -> vector<5000x128xf32>
    %get3A_16 = arith.constant 0 : index
    %get3A_17 = arith.constant 0 : index
    %get3A_18 = vector.load %arg4[%get3A_16, %get3A_17] : memref<1x128xf32, #tpu.memory_space<vmem>>, vector<1x128xf32>
    %add3A_19 = vector.broadcast %get3A_18 : vector<1x128xf32> to vector<5000x128xf32>
    %add3A_20 = arith.addf %dot_general3A_15, %add3A_19 : vector<5000x128xf32>
    %max3A = arith.constant 0.000000e+00 : f32
    %max3A_21 = vector.broadcast %max3A : f32 to vector<5000x128xf32>
    %max3A_22 = arith.maximumf %add3A_20, %max3A_21 : vector<5000x128xf32>
    %get3A_23 = arith.constant 0 : index
    %get3A_24 = arith.constant 0 : index
    %get3A_25 = vector.load %arg5[%get3A_23, %get3A_24] : memref<128x128xf32, #tpu.memory_space<vmem>>, vector<128x128xf32>
    %dot_general3A_26 = arith.constant dense<0.000000e+00> : vector<5000x128xf32>
    %dot_general3A_27 = tpu.matmul %max3A_22, %get3A_25, %dot_general3A_26 {dimension_numbers = #tpu.dot_dimension_numbers<[1], [0], [0], [1], [0, 0, 1, 1], [], []>, transpose_lhs_hint = false} : vector<5000x128xf32>, vector<128x128xf32>, vector<5000x128xf32> -> vector<5000x128xf32>
    %get3A_28 = arith.constant 0 : index
    %get3A_29 = arith.constant 0 : index
    %get3A_30 = vector.load %arg6[%get3A_28, %get3A_29] : memref<1x128xf32, #tpu.memory_space<vmem>>, vector<1x128xf32>
    %add3A_31 = vector.broadcast %get3A_30 : vector<1x128xf32> to vector<5000x128xf32>
    %add3A_32 = arith.addf %dot_general3A_27, %add3A_31 : vector<5000x128xf32>
    %get3A_33 = arith.constant 0 : index
    %get3A_34 = arith.constant 0 : index
    %get3A_35 = vector.load %arg7[%get3A_33, %get3A_34] : memref<1x128xf32, #tpu.memory_space<vmem>>, vector<1x128xf32>
    %mul3A = vector.broadcast %get3A_35 : vector<1x128xf32> to vector<5000x128xf32>
    %mul3A_36 = arith.mulf %add3A_32, %mul3A : vector<5000x128xf32>
    %get3A_37 = arith.constant 0 : index
    %get3A_38 = arith.constant 0 : index
    %get3A_39 = vector.load %arg8[%get3A_37, %get3A_38] : memref<1x128xf32, #tpu.memory_space<vmem>>, vector<1x128xf32>
    %add3A_40 = vector.broadcast %get3A_39 : vector<1x128xf32> to vector<5000x128xf32>
    %add3A_41 = arith.addf %mul3A_36, %add3A_40 : vector<5000x128xf32>
    %add3A_42 = arith.addf %get3A_1, %add3A_41 : vector<5000x128xf32>
    %max3A_43 = arith.constant 0.000000e+00 : f32
    %max3A_44 = vector.broadcast %max3A_43 : f32 to vector<5000x128xf32>
    %max3A_45 = arith.maximumf %add3A_42, %max3A_44 : vector<5000x128xf32>
    %swap3A = arith.constant 0 : index
    %swap3A_46 = arith.constant 0 : index
    %swap3A_47 = vector.load %arg9[%swap3A, %swap3A_46] : memref<5000x128xf32, #tpu.memory_space<vmem>>, vector<5000x128xf32>
    tpu.vector_store %arg9[%swap3A, %swap3A_46], %max3A_45 {strides = array<i32>} : memref<5000x128xf32, #tpu.memory_space<vmem>>, vector<5000x128xf32>,
    return
  }
  func.func @transform_0(%arg0: i32) -> (i32, i32) {
    %c0_i32 = arith.constant 0 : i32
    %c0_i32_0 = arith.constant 0 : i32
    return %arg0, %c0_i32 : i32, i32
  }
  func.func @transform_1(%arg0: i32) -> (i32, i32, i32) {
    %c0_i32 = arith.constant 0 : i32
    %c0_i32_0 = arith.constant 0 : i32
    %c0_i32_1 = arith.constant 0 : i32
    return %c0_i32, %arg0, %c0_i32_0 : i32, i32, i32
  }
  func.func @transform_2(%arg0: i32) -> (i32, i32) {
    %c0_i32 = arith.constant 0 : i32
    %c0_i32_0 = arith.constant 0 : i32
    %c0_i32_1 = arith.constant 0 : i32
    return %c0_i32, %c0_i32_0 : i32, i32
  }
  func.func @transform_3(%arg0: i32) -> (i32, i32) {
    %c0_i32 = arith.constant 0 : i32
    %c0_i32_0 = arith.constant 0 : i32
    %c0_i32_1 = arith.constant 0 : i32
    return %c0_i32, %c0_i32_0 : i32, i32
  }
  func.func @transform_4(%arg0: i32) -> (i32, i32) {
    %c0_i32 = arith.constant 0 : i32
    %c0_i32_0 = arith.constant 0 : i32
    %c0_i32_1 = arith.constant 0 : i32
    return %c0_i32, %c0_i32_0 : i32, i32
  }
  func.func @transform_5(%arg0: i32) -> (i32, i32) {
    %c0_i32 = arith.constant 0 : i32
    %c0_i32_0 = arith.constant 0 : i32
    %c0_i32_1 = arith.constant 0 : i32
    return %c0_i32, %c0_i32_0 : i32, i32
  }
  func.func @transform_6(%arg0: i32) -> (i32, i32) {
    %c0_i32 = arith.constant 0 : i32
    %c0_i32_0 = arith.constant 0 : i32
    %c0_i32_1 = arith.constant 0 : i32
    return %c0_i32, %c0_i32_0 : i32, i32
  }
  func.func @transform_7(%arg0: i32) -> (i32, i32) {
    %c0_i32 = arith.constant 0 : i32
    %c0_i32_0 = arith.constant 0 : i32
    %c0_i32_1 = arith.constant 0 : i32
    return %c0_i32, %c0_i32_0 : i32, i32
  }
  func.func @transform_8(%arg0: i32) -> (i32, i32) {
    %c0_i32 = arith.constant 0 : i32
    %c0_i32_0 = arith.constant 0 : i32
    return %arg0, %c0_i32 : i32, i32
  }
}

module attributes {stable_mosaic.version = 14 : i64} {
  func.func @body(%arg0: i32, %arg1: memref<5000x128xf32, #tpu.memory_space<vmem>>, %arg2: memref<2x5000x64xf32, #tpu.memory_space<vmem>>, %arg3: memref<128x128xf32, #tpu.memory_space<vmem>>, %arg4: memref<1x128xf32, #tpu.memory_space<vmem>>, %arg5: memref<128x128xf32, #tpu.memory_space<vmem>>, %arg6: memref<1x128xf32, #tpu.memory_space<vmem>>, %arg7: memref<1x128xf32, #tpu.memory_space<vmem>>, %arg8: memref<1x128xf32, #tpu.memory_space<vmem>>, %arg9: memref<1x1x5000xi32, #tpu.memory_space<vmem>>, %arg10: memref<64x128xf32, #tpu.memory_space<vmem>>, %arg11: memref<64x128xf32, #tpu.memory_space<vmem>>) attributes {dimension_semantics = [#tpu.dimension_semantics<arbitrary>], iteration_bounds = array<i64: 2>, scalar_prefetch = 0 : i64, scratch_operands = 1 : i64, tpu.core_type = #tpu.core_type<tc>, window_params = [{transform_indices = @transform_0, window_bounds = array<i64: 5000, 128>}, {transform_indices = @transform_1, window_bounds = array<i64: 2, 5000, 64>}, {pipeline_mode = #tpu.pipeline_mode<synchronous>, transform_indices = @transform_2, window_bounds = array<i64: 128, 128>}, {pipeline_mode = #tpu.pipeline_mode<synchronous>, transform_indices = @transform_3, window_bounds = array<i64: 1, 128>}, {pipeline_mode = #tpu.pipeline_mode<synchronous>, transform_indices = @transform_4, window_bounds = array<i64: 128, 128>}, {pipeline_mode = #tpu.pipeline_mode<synchronous>, transform_indices = @transform_5, window_bounds = array<i64: 1, 128>}, {pipeline_mode = #tpu.pipeline_mode<synchronous>, transform_indices = @transform_6, window_bounds = array<i64: 1, 128>}, {pipeline_mode = #tpu.pipeline_mode<synchronous>, transform_indices = @transform_7, window_bounds = array<i64: 1, 128>}, {transform_indices = @transform_8, window_bounds = array<i64: 1, 1, 5000>}, {pipeline_mode = #tpu.pipeline_mode<synchronous>, transform_indices = @transform_9, window_bounds = array<i64: 64, 128>}]} {
    %get3A = arith.constant 0 : index
    %get3A_0 = arith.constant 0 : index
    %get3A_1 = vector.load %arg1[%get3A, %get3A_0] : memref<5000x128xf32, #tpu.memory_space<vmem>>, vector<5000x128xf32>
    %get3A_2 = arith.constant 0 : index
    %get3A_3 = arith.constant 0 : index
    %get3A_4 = arith.constant 0 : index
    %get3A_5 = vector.load %arg2[%get3A_2, %get3A_3, %get3A_4] : memref<2x5000x64xf32, #tpu.memory_space<vmem>>, vector<1x5000x64xf32>
    %get3A_6 = vector.shape_cast %get3A_5 : vector<1x5000x64xf32> to vector<5000x64xf32>
    %get3A_7 = arith.constant 1 : index
    %get3A_8 = arith.constant 0 : index
    %get3A_9 = arith.constant 0 : index
    %get3A_10 = vector.load %arg2[%get3A_7, %get3A_8, %get3A_9] : memref<2x5000x64xf32, #tpu.memory_space<vmem>>, vector<1x5000x64xf32>
    %get3A_11 = vector.shape_cast %get3A_10 : vector<1x5000x64xf32> to vector<5000x64xf32>
    %concatenate3A = tpu.concatenate %get3A_6, %get3A_11 in 1 : vector<5000x64xf32>, vector<5000x64xf32> -> vector<5000x128xf32>
    %add3A = arith.addf %get3A_1, %concatenate3A : vector<5000x128xf32>
    %get3A_12 = arith.constant 0 : index
    %get3A_13 = arith.constant 0 : index
    %get3A_14 = vector.load %arg3[%get3A_12, %get3A_13] : memref<128x128xf32, #tpu.memory_space<vmem>>, vector<128x128xf32>
    %dot_general3A = arith.constant dense<0.000000e+00> : vector<5000x128xf32>
    %dot_general3A_15 = tpu.matmul %add3A, %get3A_14, %dot_general3A {dimension_numbers = #tpu.dot_dimension_numbers<[1], [0], [0], [1], [0, 0, 1, 1], [], []>, transpose_lhs_hint = false} : vector<5000x128xf32>, vector<128x128xf32>, vector<5000x128xf32> -> vector<5000x128xf32>
    %get3A_16 = arith.constant 0 : index
    %get3A_17 = arith.constant 0 : index
    %get3A_18 = vector.load %arg4[%get3A_16, %get3A_17] : memref<1x128xf32, #tpu.memory_space<vmem>>, vector<1x128xf32>
    %add3A_19 = vector.broadcast %get3A_18 : vector<1x128xf32> to vector<5000x128xf32>
    %add3A_20 = arith.addf %dot_general3A_15, %add3A_19 : vector<5000x128xf32>
    %max3A = arith.constant 0.000000e+00 : f32
    %max3A_21 = vector.broadcast %max3A : f32 to vector<5000x128xf32>
    %max3A_22 = arith.maximumf %add3A_20, %max3A_21 : vector<5000x128xf32>
    %get3A_23 = arith.constant 0 : index
    %get3A_24 = arith.constant 0 : index
    %get3A_25 = vector.load %arg5[%get3A_23, %get3A_24] : memref<128x128xf32, #tpu.memory_space<vmem>>, vector<128x128xf32>
    %dot_general3A_26 = arith.constant dense<0.000000e+00> : vector<5000x128xf32>
    %dot_general3A_27 = tpu.matmul %max3A_22, %get3A_25, %dot_general3A_26 {dimension_numbers = #tpu.dot_dimension_numbers<[1], [0], [0], [1], [0, 0, 1, 1], [], []>, transpose_lhs_hint = false} : vector<5000x128xf32>, vector<128x128xf32>, vector<5000x128xf32> -> vector<5000x128xf32>
    %get3A_28 = arith.constant 0 : index
    %get3A_29 = arith.constant 0 : index
    %get3A_30 = vector.load %arg6[%get3A_28, %get3A_29] : memref<1x128xf32, #tpu.memory_space<vmem>>, vector<1x128xf32>
    %add3A_31 = vector.broadcast %get3A_30 : vector<1x128xf32> to vector<5000x128xf32>
    %add3A_32 = arith.addf %dot_general3A_27, %add3A_31 : vector<5000x128xf32>
    %get3A_33 = arith.constant 0 : index
    %get3A_34 = arith.constant 0 : index
    %get3A_35 = vector.load %arg7[%get3A_33, %get3A_34] : memref<1x128xf32, #tpu.memory_space<vmem>>, vector<1x128xf32>
    %mul3A = vector.broadcast %get3A_35 : vector<1x128xf32> to vector<5000x128xf32>
    %mul3A_36 = arith.mulf %add3A_32, %mul3A : vector<5000x128xf32>
    %get3A_37 = arith.constant 0 : index
    %get3A_38 = arith.constant 0 : index
    %get3A_39 = vector.load %arg8[%get3A_37, %get3A_38] : memref<1x128xf32, #tpu.memory_space<vmem>>, vector<1x128xf32>
    %add3A_40 = vector.broadcast %get3A_39 : vector<1x128xf32> to vector<5000x128xf32>
    %add3A_41 = arith.addf %mul3A_36, %add3A_40 : vector<5000x128xf32>
    %add3A_42 = arith.addf %get3A_1, %add3A_41 : vector<5000x128xf32>
    %max3A_43 = arith.constant 0.000000e+00 : f32
    %max3A_44 = vector.broadcast %max3A_43 : f32 to vector<5000x128xf32>
    %max3A_45 = arith.maximumf %add3A_42, %max3A_44 : vector<5000x128xf32>
    %get3A_46 = arith.constant 0 : index
    %get3A_47 = arith.constant 0 : index
    %get3A_48 = arith.constant 0 : index
    %get3A_49 = vector.load %arg9[%get3A_46, %get3A_47, %get3A_48] : memref<1x1x5000xi32, #tpu.memory_space<vmem>>, vector<1x1x5000xi32>
    %get3A_50 = vector.shape_cast %get3A_49 : vector<1x1x5000xi32> to vector<5000xi32>
    %iota3A = tpu.iota {dimensions = array<i32: 0>} : vector<64x5000xi32>
    %broadcast_in_dim3A = vector.shape_cast %get3A_50 : vector<5000xi32> to vector<1x5000xi32>
    %eq3A = vector.broadcast %broadcast_in_dim3A : vector<1x5000xi32> to vector<64x5000xi32>
    %eq3A_51 = arith.cmpi eq, %iota3A, %eq3A : vector<64x5000xi32>
    %convert_element_type3A = arith.extui %eq3A_51 : vector<64x5000xi1> to vector<64x5000xi32>
    %convert_element_type3A_52 = arith.sitofp %convert_element_type3A : vector<64x5000xi32> to vector<64x5000xf32>
    %dot_general3A_53 = arith.constant dense<0.000000e+00> : vector<64x128xf32>
    %dot_general3A_54 = tpu.matmul %convert_element_type3A_52, %max3A_45, %dot_general3A_53 {dimension_numbers = #tpu.dot_dimension_numbers<[1], [0], [0], [1], [0, 0, 1, 1], [], []>, transpose_lhs_hint = false} : vector<64x5000xf32>, vector<5000x128xf32>, vector<64x128xf32> -> vector<64x128xf32>
    %eq3A_55 = arith.constant 0 : i32
    %eq3A_56 = arith.cmpi eq, %arg0, %eq3A_55 : i32
    %convert_element_type3A_57 = arith.extui %eq3A_56 : i1 to i32
    %cond3A = arith.constant 0 : i32
    %cond3A_58 = arith.cmpi ne, %convert_element_type3A_57, %cond3A : i32
    scf.if %cond3A_58 {
      %swap3A = arith.constant 0 : index
      %swap3A_68 = arith.constant 0 : index
      %swap3A_69 = vector.load %arg11[%swap3A, %swap3A_68] : memref<64x128xf32, #tpu.memory_space<vmem>>, vector<64x128xf32>
      tpu.vector_store %arg11[%swap3A, %swap3A_68], %dot_general3A_54 {strides = array<i32>} : memref<64x128xf32, #tpu.memory_space<vmem>>, vector<64x128xf32>,
    } else {
    }
    %gt3A = arith.constant 0 : i32
    %gt3A_59 = arith.cmpi sgt, %arg0, %gt3A : i32
    %convert_element_type3A_60 = arith.extui %gt3A_59 : i1 to i32
    %cond3A_61 = arith.constant 0 : i32
    %cond3A_62 = arith.cmpi ne, %convert_element_type3A_60, %cond3A_61 : i32
    scf.if %cond3A_62 {
      %get3A_68 = arith.constant 0 : index
      %get3A_69 = arith.constant 0 : index
      %get3A_70 = vector.load %arg11[%get3A_68, %get3A_69] : memref<64x128xf32, #tpu.memory_space<vmem>>, vector<64x128xf32>
      %add3A_71 = arith.addf %get3A_70, %dot_general3A_54 : vector<64x128xf32>
      %swap3A = arith.constant 0 : index
      %swap3A_72 = arith.constant 0 : index
      %swap3A_73 = vector.load %arg11[%swap3A, %swap3A_72] : memref<64x128xf32, #tpu.memory_space<vmem>>, vector<64x128xf32>
      tpu.vector_store %arg11[%swap3A, %swap3A_72], %add3A_71 {strides = array<i32>} : memref<64x128xf32, #tpu.memory_space<vmem>>, vector<64x128xf32>,
    } else {
    }
    %eq3A_63 = arith.constant 1 : i32
    %eq3A_64 = arith.cmpi eq, %arg0, %eq3A_63 : i32
    %convert_element_type3A_65 = arith.extui %eq3A_64 : i1 to i32
    %cond3A_66 = arith.constant 0 : i32
    %cond3A_67 = arith.cmpi ne, %convert_element_type3A_65, %cond3A_66 : i32
    scf.if %cond3A_67 {
      %get3A_68 = arith.constant 0 : index
      %get3A_69 = arith.constant 0 : index
      %get3A_70 = vector.load %arg11[%get3A_68, %get3A_69] : memref<64x128xf32, #tpu.memory_space<vmem>>, vector<64x128xf32>
      %reduce_max3A = arith.constant dense<0xFF800000> : vector<64xf32>
      %reduce_max3A_71 = vector.multi_reduction <maximumf>, %get3A_70, %reduce_max3A [1] : vector<64x128xf32> to vector<64xf32>
      %broadcast_in_dim3A_72 = vector.shape_cast %reduce_max3A_71 : vector<64xf32> to vector<64x1xf32>
      %sub3A = vector.broadcast %broadcast_in_dim3A_72 : vector<64x1xf32> to vector<64x128xf32>
      %sub3A_73 = arith.subf %get3A_70, %sub3A : vector<64x128xf32>
      %exp3A = math.exp %sub3A_73 : vector<64x128xf32>
      %reduce_sum3A = arith.constant dense<0.000000e+00> : vector<64xf32>
      %reduce_sum3A_74 = vector.multi_reduction <add>, %exp3A, %reduce_sum3A [1] : vector<64x128xf32> to vector<64xf32>
      %broadcast_in_dim3A_75 = vector.shape_cast %reduce_sum3A_74 : vector<64xf32> to vector<64x1xf32>
      %log3A = math.log %broadcast_in_dim3A_75 : vector<64x1xf32>
      %add3A_76 = arith.addf %log3A, %broadcast_in_dim3A_72 : vector<64x1xf32>
      %sub3A_77 = vector.broadcast %add3A_76 : vector<64x1xf32> to vector<64x128xf32>
      %sub3A_78 = arith.subf %get3A_70, %sub3A_77 : vector<64x128xf32>
      %swap3A = arith.constant 0 : index
      %swap3A_79 = arith.constant 0 : index
      %swap3A_80 = vector.load %arg10[%swap3A, %swap3A_79] : memref<64x128xf32, #tpu.memory_space<vmem>>, vector<64x128xf32>
      tpu.vector_store %arg10[%swap3A, %swap3A_79], %sub3A_78 {strides = array<i32>} : memref<64x128xf32, #tpu.memory_space<vmem>>, vector<64x128xf32>,
    } else {
    }
    return
  }
  func.func @transform_0(%arg0: i32) -> (i32, i32) {
    %c0_i32 = arith.constant 0 : i32
    %c0_i32_0 = arith.constant 0 : i32
    return %arg0, %c0_i32 : i32, i32
  }
  func.func @transform_1(%arg0: i32) -> (i32, i32, i32) {
    %c0_i32 = arith.constant 0 : i32
    %c0_i32_0 = arith.constant 0 : i32
    %c0_i32_1 = arith.constant 0 : i32
    return %c0_i32, %arg0, %c0_i32_0 : i32, i32, i32
  }
  func.func @transform_2(%arg0: i32) -> (i32, i32) {
    %c0_i32 = arith.constant 0 : i32
    %c0_i32_0 = arith.constant 0 : i32
    %c0_i32_1 = arith.constant 0 : i32
    return %c0_i32, %c0_i32_0 : i32, i32
  }
  func.func @transform_3(%arg0: i32) -> (i32, i32) {
    %c0_i32 = arith.constant 0 : i32
    %c0_i32_0 = arith.constant 0 : i32
    %c0_i32_1 = arith.constant 0 : i32
    return %c0_i32, %c0_i32_0 : i32, i32
  }
  func.func @transform_4(%arg0: i32) -> (i32, i32) {
    %c0_i32 = arith.constant 0 : i32
    %c0_i32_0 = arith.constant 0 : i32
    %c0_i32_1 = arith.constant 0 : i32
    return %c0_i32, %c0_i32_0 : i32, i32
  }
  func.func @transform_5(%arg0: i32) -> (i32, i32) {
    %c0_i32 = arith.constant 0 : i32
    %c0_i32_0 = arith.constant 0 : i32
    %c0_i32_1 = arith.constant 0 : i32
    return %c0_i32, %c0_i32_0 : i32, i32
  }
  func.func @transform_6(%arg0: i32) -> (i32, i32) {
    %c0_i32 = arith.constant 0 : i32
    %c0_i32_0 = arith.constant 0 : i32
    %c0_i32_1 = arith.constant 0 : i32
    return %c0_i32, %c0_i32_0 : i32, i32
  }
  func.func @transform_7(%arg0: i32) -> (i32, i32) {
    %c0_i32 = arith.constant 0 : i32
    %c0_i32_0 = arith.constant 0 : i32
    %c0_i32_1 = arith.constant 0 : i32
    return %c0_i32, %c0_i32_0 : i32, i32
  }
  func.func @transform_8(%arg0: i32) -> (i32, i32, i32) {
    %c0_i32 = arith.constant 0 : i32
    %c0_i32_0 = arith.constant 0 : i32
    %c0_i32_1 = arith.constant 0 : i32
    return %arg0, %c0_i32, %c0_i32_0 : i32, i32, i32
  }
  func.func @transform_9(%arg0: i32) -> (i32, i32) {
    %c0_i32 = arith.constant 0 : i32
    %c0_i32_0 = arith.constant 0 : i32
    %c0_i32_1 = arith.constant 0 : i32
    return %c0_i32, %c0_i32_0 : i32, i32
  }
}

</mosaic_0001>

<sc_bundles>
// kernel: kernel.6.cloned.1.call-start
scs
__scs_entry_jumppad:
0x0: {  	(pc) =	sbr.rel $0x88, $3  }
0x1: {  	(tag) =	ssettag $0x0;
	lr =	simm.s32 $0x1  }
0x2: {  	[smem:$0x3F92] =	sst lr;
	_ =	strace $0xD0000000  }
0x3: {  	_ = 	snop  }
0x4: {  	_ = 	snop  }
0x5: {  	_ = 	snop  }
0x6: {  	_ = 	snop  }
0x7: {  	_ = 	snop  }
__scs_overlays_trampoline_lowered:
0x8: {  	[smem:$0x3FA1] =	sst s0  }
0x9: {  	[smem:$0x3FA2] =	sst s1  }
0xa: {  	[smem:$0x3FA3] =	sst s2  }
0xb: {  	[smem:$0x3FA4] =	sst s3  }
0xc: {  	[smem:$0x3FA5] =	sst s4  }
0xd: {  	[smem:$0x3FA6] =	sst s5  }
0xe: {  	[smem:$0x3FA7] =	sst s6  }
0xf: {  	[smem:$0x3FA8] =	sst s7  }
0x10: {  	[smem:$0x3FA9] =	sst s8  }
0x11: {  	[smem:$0x3FAA] =	sst s9;
	s0 =	simm.s32 @!p0 $0x0  }
0x12: {  	s1 =	sld [smem:$0x3F90];
	s0 =	simm.s32 @p0 $0x1  }
0x13: {  	[smem:$0x3FAB] =	sst s0;
	s0 =	simm.s32 @!p1 $0x0  }
0x14: {  	s2 =	sld [smem:$0x3F8F];
	s0 =	simm.s32 @p1 $0x1  }
0x15: {  	[smem:$0x3FAC] =	sst s0;
	s0 =	simm.s32 @!p2 $0x0  }
0x16: {  	s3 =	sld [smem:$0x3FDB];
	s0 =	simm.s32 @p2 $0x1  }
0x17: {  	s4 =	simm.s32 $0x1BF5;
	[smem:$0x3FAE] =	sst s0  }
0x18: {  	s0 =	sld [smem:$0x3F91];
	_ =	swait.ge [sflag:s4], $0x0  }
0x19: {  	s7 =	sld [smem:$0x3F92]  }
0x1a: {  	s8 =	sadd.s32 $0xFFFFE003, lr  }
0x1b: {  	s9 =	sadd.s32 $0xFFFFFEF7, lr;
	s5 =	simm.s32 $0xFFFFFFFF;
	p2 =	slt.u32 s8, $0xFFFFF086  }
0x1c: {  	p1 =	slt.u32 s9, $0xF7A;
	s5 =	simm.s32 @!p2 $0x0  }
0x1d: {  	s5 =	simm.s32 @p1 $0x1;
	p0 =	seq.s32 s7, s2  }
0x1e: {  	s7 =	smul.u32 @!p0 $0xF7A, s2;
	p2 =	seq.s32 @!p0 s5, $0x0  }
0x1f: {  	s9 =	smul.u32 $0xF7A, s1;
	s8 =	simm.s32 @!p0 $0x1BF5;
	p2 =	por !p2, p0  }
0x20: {  	[sflag:s8] =	ssyncset.s32 @!p0 $0xFFFFF086;
	s6 =	sadd.s32 @!p0 s3, s7;
	s7 =	simm.s32 @!p0 $0x108  }
0x21: {  	s3 =	sadd.s32 s3, s9;
	s6 =	sadd.s32 @!p0 $0x88, s6;
	s7 =	simm.s32 @p2 $0x1082  }
0x22: {  	[simem:s7], [sflag:s8] =	dma.local @!p0 [hbm:s6], $0xF7A  }
0x23: {  	s9 =	sor.u32 $0xD0000000, s2;
	s6 =	simm.s32 $0x108;
	_ =	swait.ge @!p0 [sflag:s8], $0x0  }
0x24: {  	s3 =	sadd.s32 $0x88, s3;
	s6 =	simm.s32 @!p1 $0x1082;
	[sflag:s4] =	ssyncset.s32 $0xFFFFF086  }
0x25: {  	[simem:s6], [sflag:s4] =	dma.local [hbm:s3], $0xF7A  }
0x26: {  	[smem:$0x3F92] =	sst s1;
	(tag) =	ssettag s2;
	_ =	strace s9  }
0x27: {  	s1 =	sld [smem:$0x3FA2]  }
0x28: {  	s2 =	sld [smem:$0x3FA3]  }
0x29: {  	s4 =	sld [smem:$0x3FA5]  }
0x2a: {  	p0 =	seq.s32 s5, $0x0;
	s5 =	sld [smem:$0x3FA6]  }
0x2b: {  	s6 =	sld [smem:$0x3FA7]  }
0x2c: {  	s7 =	sld [smem:$0x3FA8]  }
0x2d: {  	s3 =	simm.s32 $0x108;
	s8 =	sld [smem:$0x3FA9]  }
0x2e: {  	s3 =	simm.s32 @!p0 $0x1082;
	s9 =	sld [smem:$0x3FAA]  }
0x2f: {  	lr =	sadd.s32 s0, s3;
	s0 =	sld [smem:$0x3FA1]  }
0x30: {  	s3 =	sld [smem:$0x3FA4]  }
0x31: {  	[smem:$0x3FAD] =	sst s10  }
0x32: {  	s10 =	sld [smem:$0x3FAB];
	_ =	sdelay $0x3  }
0x33: {  	p0 =	seq.s32 s10, $0x1;
	s10 =	sld [smem:$0x3FAD];
	_ =	sdelay $0x3  }
0x34: {  	[smem:$0x3FAD] =	sst s10  }
0x35: {  	s10 =	sld [smem:$0x3FAC];
	_ =	sdelay $0x3  }
0x36: {  	p1 =	seq.s32 s10, $0x1;
	s10 =	sld [smem:$0x3FAD];
	_ =	sdelay $0x3  }
0x37: {  	[smem:$0x3FAD] =	sst s10  }
0x38: {  	s10 =	sld [smem:$0x3FAE]  }
0x39: {  	_ = 	snop;
	(pc) =	sbr.ind lr, $3  }
0x3a: {  	_ = 	snop  }
0x3b: {  	_ = 	snop  }
0x3c: {  	p2 =	seq.s32 s10, $0x1;
	s10 =	sld [smem:$0x3FAD]  }
0x3d: {  	_ =	shalt  }
0x3e: {  	_ =	shalt  }
0x3f: {  	_ =	shalt  }
0x40: {  	_ =	shalt  }
0x41: {  	_ =	shalt  }
0x42: {  	_ =	shalt  }
0x43: {  	_ =	shalt  }
0x44: {  	_ =	shalt  }
0x45: {  	_ =	shalt  }
0x46: {  	_ =	shalt  }
0x47: {  	_ =	shalt  }
0x48: {  	_ =	shalt  }
0x49: {  	_ =	shalt  }
0x4a: {  	_ =	shalt  }
0x4b: {  	_ =	shalt  }
0x4c: {  	_ =	shalt  }
0x4d: {  	_ =	shalt  }
0x4e: {  	_ =	shalt  }
0x4f: {  	_ =	shalt  }
0x50: {  	_ =	shalt  }
0x51: {  	_ =	shalt  }
0x52: {  	_ =	shalt  }
0x53: {  	_ =	shalt  }
0x54: {  	_ =	shalt  }
0x55: {  	_ =	shalt  }
0x56: {  	_ =	shalt  }
0x57: {  	_ =	shalt  }
0x58: {  	_ =	shalt  }
0x59: {  	_ =	shalt  }
0x5a: {  	_ =	shalt  }
0x5b: {  	_ =	shalt  }
0x5c: {  	_ =	shalt  }
0x5d: {  	_ =	shalt  }
0x5e: {  	_ =	shalt  }
0x5f: {  	_ =	shalt  }
0x60: {  	_ =	shalt  }
0x61: {  	_ =	shalt  }
0x62: {  	_ =	shalt  }
0x63: {  	_ =	shalt  }
0x64: {  	_ =	shalt  }
0x65: {  	_ =	shalt  }
0x66: {  	_ =	shalt  }
0x67: {  	_ =	shalt  }
0x68: {  	_ =	shalt  }
0x69: {  	_ =	shalt  }
0x6a: {  	_ =	shalt  }
0x6b: {  	_ =	shalt  }
0x6c: {  	_ =	shalt  }
0x6d: {  	_ =	shalt  }
0x6e: {  	_ =	shalt  }
0x6f: {  	_ =	shalt  }
0x70: {  	_ =	shalt  }
0x71: {  	_ =	shalt  }
0x72: {  	_ =	shalt  }
0x73: {  	_ =	shalt  }
0x74: {  	_ =	shalt  }
0x75: {  	_ =	shalt  }
0x76: {  	_ =	shalt  }
0x77: {  	_ =	shalt  }
0x78: {  	_ =	shalt  }
0x79: {  	_ =	shalt  }
0x7a: {  	_ =	shalt  }
0x7b: {  	_ =	shalt  }
0x7c: {  	_ =	shalt  }
0x7d: {  	_ =	shalt  }
0x7e: {  	_ =	shalt  }
0x7f: {  	_ =	shalt  }
0x80: {  	_ =	shalt  }
0x81: {  	_ =	shalt  }
0x82: {  	_ =	shalt  }
0x83: {  	_ =	shalt  }
0x84: {  	_ =	shalt  }
0x85: {  	_ =	shalt  }
0x86: {  	_ =	shalt  }
0x87: {  	_ =	shalt  }
.Lfunc_end0:
.L_simem_size_0:
called_computation_lowered:
.L_overlay_start_0:
0x88: {  	s2 =	sld [smem:$0x3FD9]  }
0x89: {  	s3 =	sld [smem:$0x3FFE];
	_ =	sdelay $0x1  }
0x8a: {  	s1 =	srdreg.scid  }
0x8b: {  	s0 =	sand.u32 $0x1, s1  }
0x8c: {  	s17 =	sshll.u32 s0, $0xA;
	s2 =	sadd.s32 s3, s2  }
0x8d: {  	s2 =	sadd.s32 s2, s17  }
0x8e: {  	[smem:$0x3FB9] =	sst s2  }
0x8f: {  	_ = 	snop  }
0x90: {  	s2 =	sld [smem:$0x3FC9];
	(tm) =	ssettm $0x1  }
0x91: {  	s18 =	sld [smem:$0x3FFB];
	_ =	sdelay $0x3  }
0x92: {  	_ =	strace s18  }
0x93: {  	s3 =	sld [smem:$0x3FFC];
	_ =	sdelay $0x3  }
0x94: {  	_ =	strace s3  }
0x95: {  	s3 =	sld [smem:$0x3FFD];
	_ =	sdelay $0x3  }
0x96: {  	_ =	strace s3  }
0x97: {  	_ =	strace $0x8FFFFFFF  }
0x98: {  	s19 =	sld [smem:$0x3FDB];
	_ =	sdelay $0x1  }
0x99: {  	s4 =	simm.s32 $_scs_section_size  }
0x9a: {  	s5 =	simm.s32 $_size__tile_overlayer_lowered;
	s6 =	simm.s32 $_tile_overlayer_lowered  }
0x9b: {  	s22 =	simm.s32 $0x1BFF;
	s21 =	sshll.u32 s6, $0x1;
	s3 =	sadd.s32 s4, s19  }
0x9c: {  	s7 =	simm.s32 $0x0;
	s20 =	sshll.u32 s5, $0x1;
	s5 =	sadd.s32 s21, s3  }
0x9d: {  	[timem:s7], [sflag:s22] =	dma.local [hbm:s5], s20  }
0x9e: {  	_ =	swait.ge [sflag:s22], s20  }
0x9f: {  	s4 =	ssub.s32 $0x0, s20;
	[sflag:s22] =	ssyncset.done $0x0  }
0xa0: {  	[sflag:s22] =	ssyncadd.s32 s4;
	_ =	sdelay $0x1  }
0xa1: {  	s23 =	simm.s32 $0x1B8B  }
0xa2: {  	_ =	swait.ge [sflag:s23], $0x1  }
0xa3: {  	[sflag:s23] =	ssyncset.done $0x0  }
0xa4: {  	s25 =	simm.s32 $0x1B8E;
	s24 =	sld [smem:$0x3FFE];
	[sflag:s23] =	ssyncadd.s32 $0xFFFFFFFF  }
0xa5: {  	s26 =	simm.s32 $execute0_lowered;
	[smem:$0x3FD2] =	sst s25  }
0xa6: {  	s5 =	sshll.u32 s26, $0x1;
	_ =	strace $0x80000046;
	[dreg:$0x1] =	wrdreg $0xFFFFFFFF  }
0xa7: {  	s28 =	simm.s32 $_size_execute0_lowered;
	s3 =	sadd.s32 s3, s5;
	[dreg:$0x0] =	wrdreg $0x0  }
0xa8: {  	s5 =	sshll.u32 s28, $0x1;
	[dreg:$0x2] =	wrdreg s3  }
0xa9: {  	[dreg:$0x3] =	wrdreg s5  }
0xaa: {  	[dreg:$0x4] =	wrdreg $0xC0  }
0xab: {  	_ =	task [dreg:s7], $0x5FFFF  }
0xac: {  	[dreg:$0x1] =	wrdreg $0xFFFFFFFF  }
0xad: {  	[dreg:$0x0] =	wrdreg $0x60  }
0xae: {  	[dreg:$0x2] =	wrdreg s2  }
0xaf: {  	[dreg:$0x3] =	wrdreg s24  }
0xb0: {  	[dreg:$0x4] =	wrdreg $0xA8000  }
0xb1: {  	[dreg:$0x5] =	wrdreg $0x146000  }
0xb2: {  	[dreg:$0x6] =	wrdreg $0x9  }
0xb3: {  	_ =	task.clear_ibuf [dreg:s7], $0x7FFFF;
	_ =	strace $0x90000046  }
0xb4: {  	s29 =	simm.s32 $0x9;
	_ =	strace $0x80000048  }
0xb5: {  	_ =	swait.ge [sflag:s29], $0x1  }
0xb6: {  	[sflag:s29] =	ssyncadd.s32 $0xFFFFFFFF  }
0xb7: {  	_ =	strace $0x90000048  }
0xb8: {  	_ =	sfence  }
0xb9: {  	s30 =	sld [smem:$0x0];
	_ =	sdelay $0x2  }
0xba: {  	s31 =	sshll.u32 s1, $0xD;
	s1 =	sshrl.u32 s1, $0x2  }
0xbb: {  	s3 =	sand.u32 $0x4000, s31;
	s1 =	sadd.s32 s1, s30  }
0xbc: {  	s0 =	sor.u32 s3, s0;
	s1 =	sshll.u32 s1, $0x11  }
0xbd: {  	s0 =	sor.u32 s1, s0  }
0xbe: {  	s0 =	sadd.s32 $0x8F2B, s0  }
0xbf: {  	[sflag:s0] =	ssyncadd.remote.s32 $0x1  }
0xc0: {  	_ =	sfence.sel $0xFFFF  }
0xc1: {  	[dreg:$0x0] =	wrdreg $0xFFFFFFFF;
	(pc) =	sbr.abs _section_cstart, $3  }
0xc2: {  	[dreg:$0x1] =	wrdreg $0xFFFFFFFF  }
0xc3: {  	_ =	task.clear_ibuf [dreg:s7], $0x2FFFF;
	_ =	strace $0x9FFFFFFF  }
0xc4: {  	(tm) =	ssettm $0x7FFFFFFF  }
0xc5: {  	_ =	shalt  }
tec
execute0_lowered:
.L_overlay_start_1:
0x0: {  	(tag) =	ssettag $0x1  }
0x1: {  	s0 =	rddreg [dreg:$0x0]  }
0x2: {  	s1 =	rddreg [dreg:$0x1]  }
0x3: {  	s2 =	rddreg [dreg:$0x2]  }
0x4: {  	s3 =	rddreg [dreg:$0x3];
	s6 =	simm.s32 $0x0;
	s4 =	stileid.u32  }
0x5: {  	s5 =	srdreg.scid;
	s28 =	simm.s32 $0x6800;
	s26 =	smul.u32 $0x9E00, s4  }
0x6: {  	s30 =	simm.s32 $0x8800;
	s31 =	simm.s32 $0x1;
	s11 =	smul.u32 $0x13C00, s4  }
0x7: {  	[smem:$0x7FF] =	sst s6;
	s5 =	sand.u32 $0x1, s5;
	s13 =	smul.u32 $0x27800, s4  }
0x8: {  	s8 =	sadd.s32 $0xCC00, s1;
	s9 =	sadd.s32 $0x2C00, s1;
	s16 =	smul.u32 $0x5000, s4  }
0x9: {  	p0 =	seq.s32 s4, $0xF;
	_ =	strace $0x80000047;
	s7 =	smul.u32 $0x9E000, s5  }
0xa: {  	s12 =	ssub.s32 $0x2, s5;
	s14 =	sshll.u32 s5, $0x6;
	s5 =	sshll.u32 s5, $0x3  }
0xb: {  	s10 =	sshrl.u32 s26, $0x3;
	s29 =	sshrl.u32 s12, $0x1;
	s11 =	sor.u32 s14, s11  }
0xc: {  	s15 =	sshrl.u32 s13, $0x2;
	s17 =	sshrl.u32 s16, $0x3;
	s6 =	sadd.s32 s26, s3  }
0xd: {  	s13 =	simm.s32 $0x7;
	s14 =	simm.s32 $0x8;
	s16 =	simm.s32 $0x0  }
0xe: {  	s10 =	sadd.s32 s10, s1;
	s7 =	sadd.s32 s26, s7;
	s11 =	sshrl.u32 s11, $0x3  }
0xf: {  	[dreg:$0x7] =	wrdreg s6;
	s19 =	sadd.s32 $0x280, s17;
	s20 =	sadd.s32 s8, s17  }
0x10: {  	s21 =	sadd.s32 s9, s17;
	s23 =	sadd.s32 $0x500, s17;
	s7 =	sshrl.u32 s7, $0x3  }
0x11: {  	s11 =	sadd.s32 s0, s11;
	s0 =	sadd.s32 s5, s0;
	[dreg:$0x9] =	wrdreg s20  }
0x12: {  	s5 =	sadd.s32 $0x94200, s2;
	s18 =	sadd.s32 $0x16C00, s10;
	[dreg:$0xa] =	wrdreg s21  }
0x13: {  	s22 =	sadd.s32 s8, s19;
	s6 =	sadd.s32 s9, s19;
	[dreg:$0x5] =	wrdreg s11  }
0x14: {  	s24 =	sadd.s32 s8, s23;
	s21 =	simm.s32 $0x9;
	[dreg:$0x8] =	wrdreg s18  }
0x15: {  	s10 =	simm.s32 $0x1580;
	s1 =	sadd.s32 s7, s1;
	[dreg:$0xb] =	wrdreg s22  }
0x16: {  	s7 =	ssub.s32 s12, s29;
	s12 =	sadd.s32 s15, s2;
	[dreg:$0xc] =	wrdreg s6  }
0x17: {  	s0 =	sadd.s32 $0x25080, s0;
	[dreg:$0xd] =	wrdreg s24;
	s6 =	sadd.s32 s9, s23  }
0x18: {  	s22 =	simm.s32 $0x1400;
	s23 =	simm.s32 $0x80;
	s24 =	simm.s32 $0x2800  }
0x19: {  	s11 =	simm.s32 $0x6;
	s15 =	simm.s32 $0x2780;
	[dreg:$0x6] =	wrdreg s0  }
0x1a: {  	s0 =	sadd.s32 $0x780, s17;
	[dreg:$0xe] =	wrdreg s6;
	s26 =	sadd.s32 $0x2A800, s1  }
0x1b: {  	s29 =	smax.u32 s7, $0x1;
	s6 =	simm.s32 $0x3;
	s7 =	simm.s32 $0x1500  }
0x1c: {  	s1 =	simm.s32 $0x4;
	s25 =	sadd.s32 s8, s0;
	[dreg:$0x11] =	wrdreg s26  }
.Ltmp0:
0x1d: {  	s0 =	sadd.s32 s9, s0;
	[dreg:$0x12] =	wrdreg s29;
	(pc) =	sbr.rel .LBB2_1-.Ltmp0, $4  }
0x1e: {  	s8 =	simm.s32 $0x5;
	s9 =	simm.s32 $0x200;
	[dreg:$0xf] =	wrdreg s25  }
0x1f: {  	[dreg:$0x10] =	wrdreg s0;
	s0 =	sshrl.u32 @p0 s5, $0x3;
	s25 =	simm.s32 $0x4800  }
0x20: {  	s5 =	simm.s32 $0x1480;
	[dreg:$0x13] =	wrdreg s0;
	s0 =	sshrl.u32 @!p0 s12, $0x3  }
0x21: {  	s12 =	simm.s32 $0x280;
	[dreg:$0x14] =	wrdreg s0;
	s0 =	simm.s32 $0x2  }
.LBB2_13:
0x22: {  	_ =	swait.ge [sflag:s1], $0x2000  }
0x23: {  	[sflag:s1] =	ssyncset.done $0x0  }
0x24: {  	[sflag:s1] =	ssyncadd.s32 $0xFFFFE000  }
0x25: {  	[spmem:s3] =	stream.indirect.scatter.add.f32 [tilespmem:s30], [sflag:$0x8], $0x40, s15, s23, $0xb8;
	[tilespmem:$0x1E400] =	vst v63  }
0x26: {  	_ =	swait.ge [sflag:s8], $0x2000  }
0x27: {  	[sflag:s8] =	ssyncset.done $0x0  }
0x28: {  	[sflag:s8] =	ssyncadd.s32 $0xFFFFE000  }
0x29: {  	_ =	swait.ge [sflag:s11], $0x2000  }
0x2a: {  	[sflag:s11] =	ssyncset.done $0x0  }
0x2b: {  	[sflag:s11] =	ssyncadd.s32 $0xFFFFE000  }
0x2c: {  	_ =	swait.ge [sflag:s13], $0x2000  }
0x2d: {  	[sflag:s13] =	ssyncset.done $0x0  }
0x2e: {  	[sflag:s13] =	ssyncadd.s32 $0xFFFFE000  }
0x2f: {  	_ =	swait.ge [sflag:s14], $0x2000  }
0x30: {  	[sflag:s14] =	ssyncset.done $0x0  }
0x31: {  	[sflag:s14] =	ssyncadd.s32 $0xFFFFE000  }
0x32: {  	[bflag:$0x0] =	sbarrier.arrive $0xFFFF  }
0x33: {  	s4 =	rddreg [dreg:$0x11]  }
0x34: {  	[hbm:s4], [sflag:s17] =	dma.local [spmem:s18], $0x13C0  }
0x35: {  	_ =	swait.ge [sflag:s21], $0x13C0  }
0x36: {  	s16 =	sadd.s32 $0x1, s16;
	s29 =	rddreg [dreg:$0x12]  }
0x37: {  	p1 =	sne.s32 s16, s29  }
.Ltmp1:
0x38: {  	_ = 	snop;
	(pc) =	sbr.rel @!p1 .LBB2_14-.Ltmp1, $3  }
0x39: {  	_ =	sdelay $0x1  }
0x3a: {  	[sflag:s21] =	ssyncset.done $0x0  }
0x3b: {  	[sflag:s21] =	ssyncadd.s32 $0xFFFFEC40  }
.LBB2_1:
0x3c: {  	s17 =	simm.s32 @p0 $0x1;
	s18 =	simm.s32 @p0 $0x8;
	s4 =	rddreg [dreg:$0x6]  }
0x3d: {  	s19 =	simm.s32 @p0 $0x10;
	s20 =	simm.s32 @p0 $0x1FC9;
	s26 =	rddreg [dreg:$0x13]  }
0x3e: {  	[spmem:s26@s18], [sflag:s20] =	dma.strided @p0 [hbm:s4@s19], $0x1040, s17, $0x8   }
0x3f: {  	s17 =	simm.s32 @p0 $0x9  }
0x40: {  	s4 =	stileid.u32;
	_ =	swait.ge @p0 [sflag:s17], $0x1040  }
0x41: {  	s19 =	simm.s32 @!p0 $0x8;
	s20 =	simm.s32 @!p0 $0x10;
	s26 =	rddreg [dreg:$0x5]  }
0x42: {  	s18 =	sshll.u32 @!p0 s4, $0x6;
	[sflag:s17] =	ssyncset.done @p0 $0x0;
	s29 =	rddreg [dreg:$0x14]  }
0x43: {  	[sflag:s17] =	ssyncadd.s32 @p0 $0xFFFFEFC0;
	s17 =	sor.u32 @!p0 $0x1C09, s18;
	s18 =	simm.s32 @!p0 $0x1  }
0x44: {  	[spmem:s29@s19], [sflag:s17] =	dma.strided @!p0 [hbm:s26@s20], $0x13C0, s18, $0x8   }
0x45: {  	s17 =	simm.s32 @!p0 $0x9  }
0x46: {  	_ =	swait.ge @!p0 [sflag:s17], $0x13C0  }
0x47: {  	s18 =	rddreg [dreg:$0x7]  }
0x48: {  	s4 =	sshll.u32 s4, $0x6;
	[sflag:s17] =	ssyncset.done @!p0 $0x0;
	s19 =	rddreg [dreg:$0x8]  }
0x49: {  	[sflag:s17] =	ssyncadd.s32 @!p0 $0xFFFFEC40;
	s17 =	sor.u32 $0x1C09, s4;
	s18 =	sshrl.u32 s18, $0x3  }
0x4a: {  	[spmem:s18], [sflag:s17] =	dma.local [hbm:s19], $0x13C0  }
0x4b: {  	_ =	swait.ge [sflag:s21], $0x13C0  }
0x4c: {  	[sflag:s21] =	ssyncset.done $0x0  }
0x4d: {  	[sflag:s21] =	ssyncadd.s32 $0xFFFFEC40  }
0x4e: {  	[bflag:$0x0] =	sbarrier.arrive $0xFFFF  }
0x4f: {  	s4 =	simm.s32 $0x0;
	s20 =	rddreg [dreg:$0x9]  }
0x50: {  	[tilespmem:s4], [sflag:$0x9] =	stream.linear.gather [hbm4b:s20+s4], $0x1400, $0x38;
	[tilespmem:$0x1E400] =	vst v63  }
0x51: {  	_ =	swait.ge [sflag:s21], $0x1400  }
0x52: {  	[sflag:s21] =	ssyncset.done $0x0  }
0x53: {  	s20 =	rddreg [dreg:$0xa];
	[sflag:s21] =	ssyncadd.s32 $0xFFFFEC00  }
0x54: {  	[tilespmem:s22], [sflag:$0x9] =	stream.linear.gather [hbm4b:s20+s4], $0x1400, $0x38;
	[tilespmem:$0x1E400] =	vst v63  }
0x55: {  	_ =	swait.ge [sflag:s21], $0x1400  }
0x56: {  	[sflag:s21] =	ssyncset.done $0x0  }
0x57: {  	[sflag:s21] =	ssyncadd.s32 $0xFFFFEC00  }
0x58: {  	[tilespmem:s24], [sflag:$0x1] =	stream.indirect.gather [spmem:s2], $0x40, s4, s23, $0xb8;
	[tilespmem:$0x1E400] =	vst v63  }
0x59: {  	_ = 	snop  }
0x5a: {  	[tilespmem:s25], [sflag:$0x2] =	stream.indirect.gather [spmem:s2], $0x40, s23, s23, $0xb8;
	[tilespmem:$0x1E400] =	vst v63  }
0x5b: {  	s26 =	simm.s32 $0x100  }
0x5c: {  	[tilespmem:s28], [sflag:$0x3] =	stream.indirect.gather [spmem:s2], $0x40, s26, s23, $0xb8;
	[tilespmem:$0x1E400] =	vst v63  }
0x5d: {  	s29 =	simm.s32 $0x180  }
0x5e: {  	[tilespmem:s30], [sflag:$0x4] =	stream.indirect.gather [spmem:s2], $0x40, s29, s23, $0xb8;
	[tilespmem:$0x1E400] =	vst v63  }
0x5f: {  	_ =	swait.ge [sflag:s31], $0x2000  }
0x60: {  	[sflag:s31] =	ssyncset.done $0x0  }
0x61: {  	[sflag:s31] =	ssyncadd.s32 $0xFFFFE000  }
0x62: {  	[spmem:s3] =	stream.indirect.scatter.add.f32 [tilespmem:s24], [sflag:$0x5], $0x40, s22, s23, $0xb8;
	[tilespmem:$0x1E400] =	vst v63  }
0x63: {  	_ =	swait.ge [sflag:s0], $0x2000  }
0x64: {  	[sflag:s0] =	ssyncset.done $0x0  }
0x65: {  	[sflag:s0] =	ssyncadd.s32 $0xFFFFE000  }
0x66: {  	[spmem:s3] =	stream.indirect.scatter.add.f32 [tilespmem:s25], [sflag:$0x6], $0x40, s5, s23, $0xb8;
	[tilespmem:$0x1E400] =	vst v63  }
0x67: {  	_ =	swait.ge [sflag:s6], $0x2000  }
0x68: {  	[sflag:s6] =	ssyncset.done $0x0  }
0x69: {  	[sflag:s6] =	ssyncadd.s32 $0xFFFFE000  }
0x6a: {  	[spmem:s3] =	stream.indirect.scatter.add.f32 [tilespmem:s28], [sflag:$0x7], $0x40, s7, s23, $0xb8;
	[tilespmem:$0x1E400] =	vst v63  }
0x6b: {  	_ =	swait.ge [sflag:s8], $0x2000  }
0x6c: {  	[sflag:s8] =	ssyncset.done $0x0  }
0x6d: {  	[sflag:s8] =	ssyncadd.s32 $0xFFFFE000  }
0x6e: {  	[tilespmem:s24], [sflag:$0x1] =	stream.indirect.gather [spmem:s2], $0x40, s9, s23, $0xb8;
	[tilespmem:$0x1E400] =	vst v63  }
0x6f: {  	_ =	swait.ge [sflag:s1], $0x2000  }
0x70: {  	[sflag:s1] =	ssyncset.done $0x0  }
0x71: {  	[sflag:s1] =	ssyncadd.s32 $0xFFFFE000  }
0x72: {  	[spmem:s3] =	stream.indirect.scatter.add.f32 [tilespmem:s30], [sflag:$0x8], $0x40, s10, s23, $0xb8;
	[tilespmem:$0x1E400] =	vst v63  }
0x73: {  	_ =	swait.ge [sflag:s11], $0x2000  }
0x74: {  	[sflag:s11] =	ssyncset.done $0x0  }
0x75: {  	s19 =	simm.s32 $0x0;
	[sflag:s11] =	ssyncadd.s32 $0xFFFFE000  }
0x76: {  	[tilespmem:s25], [sflag:$0x2] =	stream.indirect.gather [spmem:s2], $0x40, s12, s23, $0xb8;
	[tilespmem:$0x1E400] =	vst v63  }
.LBB2_2:
0x77: {  	_ =	swait.ge [sflag:s31], $0x2000  }
0x78: {  	s20 =	sshra.s32 s19, $0x2;
	[sflag:s31] =	ssyncset.done $0x0  }
0x79: {  	s4 =	sadd.s32 $0x1600, s20;
	[sflag:s31] =	ssyncadd.s32 $0xFFFFE000  }
0x7a: {  	[spmem:s3] =	stream.indirect.scatter.add.f32 [tilespmem:s24], [sflag:$0x5], $0x40, s4, s23, $0xb8;
	[tilespmem:$0x1E400] =	vst v63  }
0x7b: {  	_ =	swait.ge [sflag:s13], $0x2000  }
0x7c: {  	[sflag:s13] =	ssyncset.done $0x0  }
0x7d: {  	s4 =	sadd.s32 $0x300, s20;
	[sflag:s13] =	ssyncadd.s32 $0xFFFFE000  }
0x7e: {  	[tilespmem:s28], [sflag:$0x3] =	stream.indirect.gather [spmem:s2], $0x40, s4, s23, $0xb8;
	[tilespmem:$0x1E400] =	vst v63  }
0x7f: {  	_ =	swait.ge [sflag:s0], $0x2000  }
0x80: {  	[sflag:s0] =	ssyncset.done $0x0  }
0x81: {  	s4 =	sadd.s32 $0x1680, s20;
	[sflag:s0] =	ssyncadd.s32 $0xFFFFE000  }
0x82: {  	[spmem:s3] =	stream.indirect.scatter.add.f32 [tilespmem:s25], [sflag:$0x6], $0x40, s4, s23, $0xb8;
	[tilespmem:$0x1E400] =	vst v63  }
0x83: {  	_ =	swait.ge [sflag:s14], $0x2000  }
0x84: {  	[sflag:s14] =	ssyncset.done $0x0  }
0x85: {  	p1 =	seq.s32 s19, $0x4000;
	s4 =	sadd.s32 $0x380, s20;
	[sflag:s14] =	ssyncadd.s32 $0xFFFFE000  }
0x86: {  	[tilespmem:s30], [sflag:$0x4] =	stream.indirect.gather [spmem:s2], $0x40, s4, s23, $0xb8;
	[tilespmem:$0x1E400] =	vst v63  }
.Ltmp2:
0x87: {  	_ = 	snop;
	(pc) =	sbr.rel @p1 .LBB2_4-.Ltmp2, $4  }
0x88: {  	_ =	swait.ge [sflag:s6], $0x2000  }
0x89: {  	[sflag:s6] =	ssyncset.done $0x0  }
0x8a: {  	s4 =	sadd.s32 $0x1700, s20;
	[sflag:s6] =	ssyncadd.s32 $0xFFFFE000  }
0x8b: {  	[spmem:s3] =	stream.indirect.scatter.add.f32 [tilespmem:s28], [sflag:$0x7], $0x40, s4, s23, $0xb8;
	[tilespmem:$0x1E400] =	vst v63  }
0x8c: {  	_ =	swait.ge [sflag:s8], $0x2000  }
0x8d: {  	[sflag:s8] =	ssyncset.done $0x0  }
0x8e: {  	s4 =	sadd.s32 $0x400, s20;
	[sflag:s8] =	ssyncadd.s32 $0xFFFFE000  }
0x8f: {  	[tilespmem:s24], [sflag:$0x1] =	stream.indirect.gather [spmem:s2], $0x40, s4, s23, $0xb8;
	[tilespmem:$0x1E400] =	vst v63  }
0x90: {  	_ =	swait.ge [sflag:s1], $0x2000  }
0x91: {  	[sflag:s1] =	ssyncset.done $0x0  }
0x92: {  	s4 =	sadd.s32 $0x1780, s20;
	[sflag:s1] =	ssyncadd.s32 $0xFFFFE000  }
0x93: {  	[spmem:s3] =	stream.indirect.scatter.add.f32 [tilespmem:s30], [sflag:$0x8], $0x40, s4, s23, $0xb8;
	[tilespmem:$0x1E400] =	vst v63  }
.Ltmp3:
0x94: {  	_ = 	snop;
	(pc) =	sbr.rel .LBB2_2-.Ltmp3, $4  }
0x95: {  	_ =	swait.ge [sflag:s11], $0x2000  }
0x96: {  	[sflag:s11] =	ssyncset.done $0x0  }
0x97: {  	s19 =	sadd.s32 $0x800, s19;
	s20 =	sadd.s32 $0x480, s20;
	[sflag:s11] =	ssyncadd.s32 $0xFFFFE000  }
0x98: {  	[tilespmem:s25], [sflag:$0x2] =	stream.indirect.gather [spmem:s2], $0x40, s20, s23, $0xb8;
	[tilespmem:$0x1E400] =	vst v63  }
.LBB2_4:
0x99: {  	_ =	swait.ge [sflag:s1], $0x2000  }
0x9a: {  	[sflag:s1] =	ssyncset.done $0x0  }
0x9b: {  	[sflag:s1] =	ssyncadd.s32 $0xFFFFE000  }
0x9c: {  	[spmem:s3] =	stream.indirect.scatter.add.f32 [tilespmem:s30], [sflag:$0x8], $0x40, s15, s23, $0xb8;
	[tilespmem:$0x1E400] =	vst v63  }
0x9d: {  	_ =	swait.ge [sflag:s8], $0x2000  }
0x9e: {  	[sflag:s8] =	ssyncset.done $0x0  }
0x9f: {  	[sflag:s8] =	ssyncadd.s32 $0xFFFFE000  }
0xa0: {  	_ =	swait.ge [sflag:s11], $0x2000  }
0xa1: {  	[sflag:s11] =	ssyncset.done $0x0  }
0xa2: {  	[sflag:s11] =	ssyncadd.s32 $0xFFFFE000  }
0xa3: {  	_ =	swait.ge [sflag:s13], $0x2000  }
0xa4: {  	[sflag:s13] =	ssyncset.done $0x0  }
0xa5: {  	[sflag:s13] =	ssyncadd.s32 $0xFFFFE000  }
0xa6: {  	_ =	swait.ge [sflag:s14], $0x2000  }
0xa7: {  	[sflag:s14] =	ssyncset.done $0x0  }
0xa8: {  	s19 =	simm.s32 $0x0;
	s4 =	rddreg [dreg:$0xb];
	[sflag:s14] =	ssyncadd.s32 $0xFFFFE000  }
0xa9: {  	[tilespmem:s19], [sflag:$0x9] =	stream.linear.gather [hbm4b:s4+s19], $0x1400, $0x38;
	[tilespmem:$0x1E400] =	vst v63  }
0xaa: {  	_ =	swait.ge [sflag:s21], $0x1400  }
0xab: {  	[sflag:s21] =	ssyncset.done $0x0  }
0xac: {  	s20 =	rddreg [dreg:$0xc];
	[sflag:s21] =	ssyncadd.s32 $0xFFFFEC00  }
0xad: {  	[tilespmem:s22], [sflag:$0x9] =	stream.linear.gather [hbm4b:s20+s19], $0x1400, $0x38;
	[tilespmem:$0x1E400] =	vst v63  }
0xae: {  	_ =	swait.ge [sflag:s21], $0x1400  }
0xaf: {  	[sflag:s21] =	ssyncset.done $0x0  }
0xb0: {  	[sflag:s21] =	ssyncadd.s32 $0xFFFFEC00  }
0xb1: {  	[tilespmem:s24], [sflag:$0x1] =	stream.indirect.gather [spmem:s2], $0x40, s19, s23, $0xb8;
	[tilespmem:$0x1E400] =	vst v63  }
0xb2: {  	_ = 	snop  }
0xb3: {  	[tilespmem:s25], [sflag:$0x2] =	stream.indirect.gather [spmem:s2], $0x40, s23, s23, $0xb8;
	[tilespmem:$0x1E400] =	vst v63  }
0xb4: {  	_ = 	snop  }
0xb5: {  	[tilespmem:s28], [sflag:$0x3] =	stream.indirect.gather [spmem:s2], $0x40, s26, s23, $0xb8;
	[tilespmem:$0x1E400] =	vst v63  }
0xb6: {  	_ = 	snop  }
0xb7: {  	[tilespmem:s30], [sflag:$0x4] =	stream.indirect.gather [spmem:s2], $0x40, s29, s23, $0xb8;
	[tilespmem:$0x1E400] =	vst v63  }
0xb8: {  	_ =	swait.ge [sflag:s31], $0x2000  }
0xb9: {  	[sflag:s31] =	ssyncset.done $0x0  }
0xba: {  	[sflag:s31] =	ssyncadd.s32 $0xFFFFE000  }
0xbb: {  	[spmem:s3] =	stream.indirect.scatter.add.f32 [tilespmem:s24], [sflag:$0x5], $0x40, s22, s23, $0xb8;
	[tilespmem:$0x1E400] =	vst v63  }
0xbc: {  	_ =	swait.ge [sflag:s0], $0x2000  }
0xbd: {  	[sflag:s0] =	ssyncset.done $0x0  }
0xbe: {  	[sflag:s0] =	ssyncadd.s32 $0xFFFFE000  }
0xbf: {  	[spmem:s3] =	stream.indirect.scatter.add.f32 [tilespmem:s25], [sflag:$0x6], $0x40, s5, s23, $0xb8;
	[tilespmem:$0x1E400] =	vst v63  }
0xc0: {  	_ =	swait.ge [sflag:s6], $0x2000  }
0xc1: {  	[sflag:s6] =	ssyncset.done $0x0  }
0xc2: {  	[sflag:s6] =	ssyncadd.s32 $0xFFFFE000  }
0xc3: {  	[spmem:s3] =	stream.indirect.scatter.add.f32 [tilespmem:s28], [sflag:$0x7], $0x40, s7, s23, $0xb8;
	[tilespmem:$0x1E400] =	vst v63  }
0xc4: {  	_ =	swait.ge [sflag:s8], $0x2000  }
0xc5: {  	[sflag:s8] =	ssyncset.done $0x0  }
0xc6: {  	[sflag:s8] =	ssyncadd.s32 $0xFFFFE000  }
0xc7: {  	[tilespmem:s24], [sflag:$0x1] =	stream.indirect.gather [spmem:s2], $0x40, s9, s23, $0xb8;
	[tilespmem:$0x1E400] =	vst v63  }
0xc8: {  	_ =	swait.ge [sflag:s1], $0x2000  }
0xc9: {  	[sflag:s1] =	ssyncset.done $0x0  }
0xca: {  	[sflag:s1] =	ssyncadd.s32 $0xFFFFE000  }
0xcb: {  	[spmem:s3] =	stream.indirect.scatter.add.f32 [tilespmem:s30], [sflag:$0x8], $0x40, s10, s23, $0xb8;
	[tilespmem:$0x1E400] =	vst v63  }
0xcc: {  	_ =	swait.ge [sflag:s11], $0x2000  }
0xcd: {  	[sflag:s11] =	ssyncset.done $0x0  }
0xce: {  	[sflag:s11] =	ssyncadd.s32 $0xFFFFE000  }
0xcf: {  	[tilespmem:s25], [sflag:$0x2] =	stream.indirect.gather [spmem:s2], $0x40, s12, s23, $0xb8;
	[tilespmem:$0x1E400] =	vst v63  }
.LBB2_5:
0xd0: {  	_ =	swait.ge [sflag:s31], $0x2000  }
0xd1: {  	s20 =	sshra.s32 s19, $0x2;
	[sflag:s31] =	ssyncset.done $0x0  }
0xd2: {  	s4 =	sadd.s32 $0x1600, s20;
	[sflag:s31] =	ssyncadd.s32 $0xFFFFE000  }
0xd3: {  	[spmem:s3] =	stream.indirect.scatter.add.f32 [tilespmem:s24], [sflag:$0x5], $0x40, s4, s23, $0xb8;
	[tilespmem:$0x1E400] =	vst v63  }
0xd4: {  	_ =	swait.ge [sflag:s13], $0x2000  }
0xd5: {  	[sflag:s13] =	ssyncset.done $0x0  }
0xd6: {  	s4 =	sadd.s32 $0x300, s20;
	[sflag:s13] =	ssyncadd.s32 $0xFFFFE000  }
0xd7: {  	[tilespmem:s28], [sflag:$0x3] =	stream.indirect.gather [spmem:s2], $0x40, s4, s23, $0xb8;
	[tilespmem:$0x1E400] =	vst v63  }
0xd8: {  	_ =	swait.ge [sflag:s0], $0x2000  }
0xd9: {  	[sflag:s0] =	ssyncset.done $0x0  }
0xda: {  	s4 =	sadd.s32 $0x1680, s20;
	[sflag:s0] =	ssyncadd.s32 $0xFFFFE000  }
0xdb: {  	[spmem:s3] =	stream.indirect.scatter.add.f32 [tilespmem:s25], [sflag:$0x6], $0x40, s4, s23, $0xb8;
	[tilespmem:$0x1E400] =	vst v63  }
0xdc: {  	_ =	swait.ge [sflag:s14], $0x2000  }
0xdd: {  	[sflag:s14] =	ssyncset.done $0x0  }
0xde: {  	p1 =	seq.s32 s19, $0x4000;
	s4 =	sadd.s32 $0x380, s20;
	[sflag:s14] =	ssyncadd.s32 $0xFFFFE000  }
0xdf: {  	[tilespmem:s30], [sflag:$0x4] =	stream.indirect.gather [spmem:s2], $0x40, s4, s23, $0xb8;
	[tilespmem:$0x1E400] =	vst v63  }
.Ltmp4:
0xe0: {  	_ = 	snop;
	(pc) =	sbr.rel @p1 .LBB2_7-.Ltmp4, $4  }
0xe1: {  	_ =	swait.ge [sflag:s6], $0x2000  }
0xe2: {  	[sflag:s6] =	ssyncset.done $0x0  }
0xe3: {  	s4 =	sadd.s32 $0x1700, s20;
	[sflag:s6] =	ssyncadd.s32 $0xFFFFE000  }
0xe4: {  	[spmem:s3] =	stream.indirect.scatter.add.f32 [tilespmem:s28], [sflag:$0x7], $0x40, s4, s23, $0xb8;
	[tilespmem:$0x1E400] =	vst v63  }
0xe5: {  	_ =	swait.ge [sflag:s8], $0x2000  }
0xe6: {  	[sflag:s8] =	ssyncset.done $0x0  }
0xe7: {  	s4 =	sadd.s32 $0x400, s20;
	[sflag:s8] =	ssyncadd.s32 $0xFFFFE000  }
0xe8: {  	[tilespmem:s24], [sflag:$0x1] =	stream.indirect.gather [spmem:s2], $0x40, s4, s23, $0xb8;
	[tilespmem:$0x1E400] =	vst v63  }
0xe9: {  	_ =	swait.ge [sflag:s1], $0x2000  }
0xea: {  	[sflag:s1] =	ssyncset.done $0x0  }
0xeb: {  	s4 =	sadd.s32 $0x1780, s20;
	[sflag:s1] =	ssyncadd.s32 $0xFFFFE000  }
0xec: {  	[spmem:s3] =	stream.indirect.scatter.add.f32 [tilespmem:s30], [sflag:$0x8], $0x40, s4, s23, $0xb8;
	[tilespmem:$0x1E400] =	vst v63  }
.Ltmp5:
0xed: {  	_ = 	snop;
	(pc) =	sbr.rel .LBB2_5-.Ltmp5, $4  }
0xee: {  	_ =	swait.ge [sflag:s11], $0x2000  }
0xef: {  	[sflag:s11] =	ssyncset.done $0x0  }
0xf0: {  	s19 =	sadd.s32 $0x800, s19;
	s20 =	sadd.s32 $0x480, s20;
	[sflag:s11] =	ssyncadd.s32 $0xFFFFE000  }
0xf1: {  	[tilespmem:s25], [sflag:$0x2] =	stream.indirect.gather [spmem:s2], $0x40, s20, s23, $0xb8;
	[tilespmem:$0x1E400] =	vst v63  }
.LBB2_7:
0xf2: {  	_ =	swait.ge [sflag:s1], $0x2000  }
0xf3: {  	[sflag:s1] =	ssyncset.done $0x0  }
0xf4: {  	[sflag:s1] =	ssyncadd.s32 $0xFFFFE000  }
0xf5: {  	[spmem:s3] =	stream.indirect.scatter.add.f32 [tilespmem:s30], [sflag:$0x8], $0x40, s15, s23, $0xb8;
	[tilespmem:$0x1E400] =	vst v63  }
0xf6: {  	_ =	swait.ge [sflag:s8], $0x2000  }
0xf7: {  	[sflag:s8] =	ssyncset.done $0x0  }
0xf8: {  	[sflag:s8] =	ssyncadd.s32 $0xFFFFE000  }
0xf9: {  	_ =	swait.ge [sflag:s11], $0x2000  }
0xfa: {  	[sflag:s11] =	ssyncset.done $0x0  }
0xfb: {  	[sflag:s11] =	ssyncadd.s32 $0xFFFFE000  }
0xfc: {  	_ =	swait.ge [sflag:s13], $0x2000  }
0xfd: {  	[sflag:s13] =	ssyncset.done $0x0  }
0xfe: {  	[sflag:s13] =	ssyncadd.s32 $0xFFFFE000  }
0xff: {  	_ =	swait.ge [sflag:s14], $0x2000  }
0x100: {  	[sflag:s14] =	ssyncset.done $0x0  }
0x101: {  	s19 =	simm.s32 $0x0;
	s4 =	rddreg [dreg:$0xd];
	[sflag:s14] =	ssyncadd.s32 $0xFFFFE000  }
0x102: {  	[tilespmem:s19], [sflag:$0x9] =	stream.linear.gather [hbm4b:s4+s19], $0x1400, $0x38;
	[tilespmem:$0x1E400] =	vst v63  }
0x103: {  	_ =	swait.ge [sflag:s21], $0x1400  }
0x104: {  	[sflag:s21] =	ssyncset.done $0x0  }
0x105: {  	s20 =	rddreg [dreg:$0xe];
	[sflag:s21] =	ssyncadd.s32 $0xFFFFEC00  }
0x106: {  	[tilespmem:s22], [sflag:$0x9] =	stream.linear.gather [hbm4b:s20+s19], $0x1400, $0x38;
	[tilespmem:$0x1E400] =	vst v63  }
0x107: {  	_ =	swait.ge [sflag:s21], $0x1400  }
0x108: {  	[sflag:s21] =	ssyncset.done $0x0  }
0x109: {  	[sflag:s21] =	ssyncadd.s32 $0xFFFFEC00  }
0x10a: {  	[tilespmem:s24], [sflag:$0x1] =	stream.indirect.gather [spmem:s2], $0x40, s19, s23, $0xb8;
	[tilespmem:$0x1E400] =	vst v63  }
0x10b: {  	_ = 	snop  }
0x10c: {  	[tilespmem:s25], [sflag:$0x2] =	stream.indirect.gather [spmem:s2], $0x40, s23, s23, $0xb8;
	[tilespmem:$0x1E400] =	vst v63  }
0x10d: {  	_ = 	snop  }
0x10e: {  	[tilespmem:s28], [sflag:$0x3] =	stream.indirect.gather [spmem:s2], $0x40, s26, s23, $0xb8;
	[tilespmem:$0x1E400] =	vst v63  }
0x10f: {  	_ = 	snop  }
0x110: {  	[tilespmem:s30], [sflag:$0x4] =	stream.indirect.gather [spmem:s2], $0x40, s29, s23, $0xb8;
	[tilespmem:$0x1E400] =	vst v63  }
0x111: {  	_ =	swait.ge [sflag:s31], $0x2000  }
0x112: {  	[sflag:s31] =	ssyncset.done $0x0  }
0x113: {  	[sflag:s31] =	ssyncadd.s32 $0xFFFFE000  }
0x114: {  	[spmem:s3] =	stream.indirect.scatter.add.f32 [tilespmem:s24], [sflag:$0x5], $0x40, s22, s23, $0xb8;
	[tilespmem:$0x1E400] =	vst v63  }
0x115: {  	_ =	swait.ge [sflag:s0], $0x2000  }
0x116: {  	[sflag:s0] =	ssyncset.done $0x0  }
0x117: {  	[sflag:s0] =	ssyncadd.s32 $0xFFFFE000  }
0x118: {  	[spmem:s3] =	stream.indirect.scatter.add.f32 [tilespmem:s25], [sflag:$0x6], $0x40, s5, s23, $0xb8;
	[tilespmem:$0x1E400] =	vst v63  }
0x119: {  	_ =	swait.ge [sflag:s6], $0x2000  }
0x11a: {  	[sflag:s6] =	ssyncset.done $0x0  }
0x11b: {  	[sflag:s6] =	ssyncadd.s32 $0xFFFFE000  }
0x11c: {  	[spmem:s3] =	stream.indirect.scatter.add.f32 [tilespmem:s28], [sflag:$0x7], $0x40, s7, s23, $0xb8;
	[tilespmem:$0x1E400] =	vst v63  }
0x11d: {  	_ =	swait.ge [sflag:s8], $0x2000  }
0x11e: {  	[sflag:s8] =	ssyncset.done $0x0  }
0x11f: {  	[sflag:s8] =	ssyncadd.s32 $0xFFFFE000  }
0x120: {  	[tilespmem:s24], [sflag:$0x1] =	stream.indirect.gather [spmem:s2], $0x40, s9, s23, $0xb8;
	[tilespmem:$0x1E400] =	vst v63  }
0x121: {  	_ =	swait.ge [sflag:s1], $0x2000  }
0x122: {  	[sflag:s1] =	ssyncset.done $0x0  }
0x123: {  	[sflag:s1] =	ssyncadd.s32 $0xFFFFE000  }
0x124: {  	[spmem:s3] =	stream.indirect.scatter.add.f32 [tilespmem:s30], [sflag:$0x8], $0x40, s10, s23, $0xb8;
	[tilespmem:$0x1E400] =	vst v63  }
0x125: {  	_ =	swait.ge [sflag:s11], $0x2000  }
0x126: {  	[sflag:s11] =	ssyncset.done $0x0  }
0x127: {  	[sflag:s11] =	ssyncadd.s32 $0xFFFFE000  }
0x128: {  	[tilespmem:s25], [sflag:$0x2] =	stream.indirect.gather [spmem:s2], $0x40, s12, s23, $0xb8;
	[tilespmem:$0x1E400] =	vst v63  }
.LBB2_8:
0x129: {  	_ =	swait.ge [sflag:s31], $0x2000  }
0x12a: {  	s20 =	sshra.s32 s19, $0x2;
	[sflag:s31] =	ssyncset.done $0x0  }
0x12b: {  	s4 =	sadd.s32 $0x1600, s20;
	[sflag:s31] =	ssyncadd.s32 $0xFFFFE000  }
0x12c: {  	[spmem:s3] =	stream.indirect.scatter.add.f32 [tilespmem:s24], [sflag:$0x5], $0x40, s4, s23, $0xb8;
	[tilespmem:$0x1E400] =	vst v63  }
0x12d: {  	_ =	swait.ge [sflag:s13], $0x2000  }
0x12e: {  	[sflag:s13] =	ssyncset.done $0x0  }
0x12f: {  	s4 =	sadd.s32 $0x300, s20;
	[sflag:s13] =	ssyncadd.s32 $0xFFFFE000  }
0x130: {  	[tilespmem:s28], [sflag:$0x3] =	stream.indirect.gather [spmem:s2], $0x40, s4, s23, $0xb8;
	[tilespmem:$0x1E400] =	vst v63  }
0x131: {  	_ =	swait.ge [sflag:s0], $0x2000  }
0x132: {  	[sflag:s0] =	ssyncset.done $0x0  }
0x133: {  	s4 =	sadd.s32 $0x1680, s20;
	[sflag:s0] =	ssyncadd.s32 $0xFFFFE000  }
0x134: {  	[spmem:s3] =	stream.indirect.scatter.add.f32 [tilespmem:s25], [sflag:$0x6], $0x40, s4, s23, $0xb8;
	[tilespmem:$0x1E400] =	vst v63  }
0x135: {  	_ =	swait.ge [sflag:s14], $0x2000  }
0x136: {  	[sflag:s14] =	ssyncset.done $0x0  }
0x137: {  	p1 =	seq.s32 s19, $0x4000;
	s4 =	sadd.s32 $0x380, s20;
	[sflag:s14] =	ssyncadd.s32 $0xFFFFE000  }
0x138: {  	[tilespmem:s30], [sflag:$0x4] =	stream.indirect.gather [spmem:s2], $0x40, s4, s23, $0xb8;
	[tilespmem:$0x1E400] =	vst v63  }
.Ltmp6:
0x139: {  	_ = 	snop;
	(pc) =	sbr.rel @p1 .LBB2_10-.Ltmp6, $4  }
0x13a: {  	_ =	swait.ge [sflag:s6], $0x2000  }
0x13b: {  	[sflag:s6] =	ssyncset.done $0x0  }
0x13c: {  	s4 =	sadd.s32 $0x1700, s20;
	[sflag:s6] =	ssyncadd.s32 $0xFFFFE000  }
0x13d: {  	[spmem:s3] =	stream.indirect.scatter.add.f32 [tilespmem:s28], [sflag:$0x7], $0x40, s4, s23, $0xb8;
	[tilespmem:$0x1E400] =	vst v63  }
0x13e: {  	_ =	swait.ge [sflag:s8], $0x2000  }
0x13f: {  	[sflag:s8] =	ssyncset.done $0x0  }
0x140: {  	s4 =	sadd.s32 $0x400, s20;
	[sflag:s8] =	ssyncadd.s32 $0xFFFFE000  }
0x141: {  	[tilespmem:s24], [sflag:$0x1] =	stream.indirect.gather [spmem:s2], $0x40, s4, s23, $0xb8;
	[tilespmem:$0x1E400] =	vst v63  }
0x142: {  	_ =	swait.ge [sflag:s1], $0x2000  }
0x143: {  	[sflag:s1] =	ssyncset.done $0x0  }
0x144: {  	s4 =	sadd.s32 $0x1780, s20;
	[sflag:s1] =	ssyncadd.s32 $0xFFFFE000  }
0x145: {  	[spmem:s3] =	stream.indirect.scatter.add.f32 [tilespmem:s30], [sflag:$0x8], $0x40, s4, s23, $0xb8;
	[tilespmem:$0x1E400] =	vst v63  }
.Ltmp7:
0x146: {  	_ = 	snop;
	(pc) =	sbr.rel .LBB2_8-.Ltmp7, $4  }
0x147: {  	_ =	swait.ge [sflag:s11], $0x2000  }
0x148: {  	[sflag:s11] =	ssyncset.done $0x0  }
0x149: {  	s19 =	sadd.s32 $0x800, s19;
	s20 =	sadd.s32 $0x480, s20;
	[sflag:s11] =	ssyncadd.s32 $0xFFFFE000  }
0x14a: {  	[tilespmem:s25], [sflag:$0x2] =	stream.indirect.gather [spmem:s2], $0x40, s20, s23, $0xb8;
	[tilespmem:$0x1E400] =	vst v63  }
.LBB2_10:
0x14b: {  	_ =	swait.ge [sflag:s1], $0x2000  }
0x14c: {  	[sflag:s1] =	ssyncset.done $0x0  }
0x14d: {  	[sflag:s1] =	ssyncadd.s32 $0xFFFFE000  }
0x14e: {  	[spmem:s3] =	stream.indirect.scatter.add.f32 [tilespmem:s30], [sflag:$0x8], $0x40, s15, s23, $0xb8;
	[tilespmem:$0x1E400] =	vst v63  }
0x14f: {  	_ =	swait.ge [sflag:s8], $0x2000  }
0x150: {  	[sflag:s8] =	ssyncset.done $0x0  }
0x151: {  	[sflag:s8] =	ssyncadd.s32 $0xFFFFE000  }
0x152: {  	_ =	swait.ge [sflag:s11], $0x2000  }
0x153: {  	[sflag:s11] =	ssyncset.done $0x0  }
0x154: {  	[sflag:s11] =	ssyncadd.s32 $0xFFFFE000  }
0x155: {  	_ =	swait.ge [sflag:s13], $0x2000  }
0x156: {  	[sflag:s13] =	ssyncset.done $0x0  }
0x157: {  	[sflag:s13] =	ssyncadd.s32 $0xFFFFE000  }
0x158: {  	_ =	swait.ge [sflag:s14], $0x2000  }
0x159: {  	[sflag:s14] =	ssyncset.done $0x0  }
0x15a: {  	s19 =	simm.s32 $0x0;
	s4 =	rddreg [dreg:$0xf];
	[sflag:s14] =	ssyncadd.s32 $0xFFFFE000  }
0x15b: {  	[tilespmem:s19], [sflag:$0x9] =	stream.linear.gather [hbm4b:s4+s19], $0x1400, $0x38;
	[tilespmem:$0x1E400] =	vst v63  }
0x15c: {  	_ =	swait.ge [sflag:s21], $0x1400  }
0x15d: {  	[sflag:s21] =	ssyncset.done $0x0  }
0x15e: {  	s20 =	rddreg [dreg:$0x10];
	[sflag:s21] =	ssyncadd.s32 $0xFFFFEC00  }
0x15f: {  	[tilespmem:s22], [sflag:$0x9] =	stream.linear.gather [hbm4b:s20+s19], $0x1400, $0x38;
	[tilespmem:$0x1E400] =	vst v63  }
0x160: {  	_ =	swait.ge [sflag:s21], $0x1400  }
0x161: {  	[sflag:s21] =	ssyncset.done $0x0  }
0x162: {  	[sflag:s21] =	ssyncadd.s32 $0xFFFFEC00  }
0x163: {  	[tilespmem:s24], [sflag:$0x1] =	stream.indirect.gather [spmem:s2], $0x40, s19, s23, $0xb8;
	[tilespmem:$0x1E400] =	vst v63  }
0x164: {  	_ = 	snop  }
0x165: {  	[tilespmem:s25], [sflag:$0x2] =	stream.indirect.gather [spmem:s2], $0x40, s23, s23, $0xb8;
	[tilespmem:$0x1E400] =	vst v63  }
0x166: {  	_ = 	snop  }
0x167: {  	[tilespmem:s28], [sflag:$0x3] =	stream.indirect.gather [spmem:s2], $0x40, s26, s23, $0xb8;
	[tilespmem:$0x1E400] =	vst v63  }
0x168: {  	_ = 	snop  }
0x169: {  	[tilespmem:s30], [sflag:$0x4] =	stream.indirect.gather [spmem:s2], $0x40, s29, s23, $0xb8;
	[tilespmem:$0x1E400] =	vst v63  }
0x16a: {  	_ =	swait.ge [sflag:s31], $0x2000  }
0x16b: {  	[sflag:s31] =	ssyncset.done $0x0  }
0x16c: {  	[sflag:s31] =	ssyncadd.s32 $0xFFFFE000  }
0x16d: {  	[spmem:s3] =	stream.indirect.scatter.add.f32 [tilespmem:s24], [sflag:$0x5], $0x40, s22, s23, $0xb8;
	[tilespmem:$0x1E400] =	vst v63  }
0x16e: {  	_ =	swait.ge [sflag:s0], $0x2000  }
0x16f: {  	[sflag:s0] =	ssyncset.done $0x0  }
0x170: {  	[sflag:s0] =	ssyncadd.s32 $0xFFFFE000  }
0x171: {  	[spmem:s3] =	stream.indirect.scatter.add.f32 [tilespmem:s25], [sflag:$0x6], $0x40, s5, s23, $0xb8;
	[tilespmem:$0x1E400] =	vst v63  }
0x172: {  	_ =	swait.ge [sflag:s6], $0x2000  }
0x173: {  	[sflag:s6] =	ssyncset.done $0x0  }
0x174: {  	[sflag:s6] =	ssyncadd.s32 $0xFFFFE000  }
0x175: {  	[spmem:s3] =	stream.indirect.scatter.add.f32 [tilespmem:s28], [sflag:$0x7], $0x40, s7, s23, $0xb8;
	[tilespmem:$0x1E400] =	vst v63  }
0x176: {  	_ =	swait.ge [sflag:s8], $0x2000  }
0x177: {  	[sflag:s8] =	ssyncset.done $0x0  }
0x178: {  	[sflag:s8] =	ssyncadd.s32 $0xFFFFE000  }
0x179: {  	[tilespmem:s24], [sflag:$0x1] =	stream.indirect.gather [spmem:s2], $0x40, s9, s23, $0xb8;
	[tilespmem:$0x1E400] =	vst v63  }
0x17a: {  	_ =	swait.ge [sflag:s1], $0x2000  }
0x17b: {  	[sflag:s1] =	ssyncset.done $0x0  }
0x17c: {  	[sflag:s1] =	ssyncadd.s32 $0xFFFFE000  }
0x17d: {  	[spmem:s3] =	stream.indirect.scatter.add.f32 [tilespmem:s30], [sflag:$0x8], $0x40, s10, s23, $0xb8;
	[tilespmem:$0x1E400] =	vst v63  }
0x17e: {  	_ =	swait.ge [sflag:s11], $0x2000  }
0x17f: {  	[sflag:s11] =	ssyncset.done $0x0  }
0x180: {  	[sflag:s11] =	ssyncadd.s32 $0xFFFFE000  }
0x181: {  	[tilespmem:s25], [sflag:$0x2] =	stream.indirect.gather [spmem:s2], $0x40, s12, s23, $0xb8;
	[tilespmem:$0x1E400] =	vst v63  }
.LBB2_11:
0x182: {  	_ =	swait.ge [sflag:s31], $0x2000  }
0x183: {  	s20 =	sshra.s32 s19, $0x2;
	[sflag:s31] =	ssyncset.done $0x0  }
0x184: {  	s4 =	sadd.s32 $0x1600, s20;
	[sflag:s31] =	ssyncadd.s32 $0xFFFFE000  }
0x185: {  	[spmem:s3] =	stream.indirect.scatter.add.f32 [tilespmem:s24], [sflag:$0x5], $0x40, s4, s23, $0xb8;
	[tilespmem:$0x1E400] =	vst v63  }
0x186: {  	_ =	swait.ge [sflag:s13], $0x2000  }
0x187: {  	[sflag:s13] =	ssyncset.done $0x0  }
0x188: {  	s26 =	sadd.s32 $0x300, s20;
	[sflag:s13] =	ssyncadd.s32 $0xFFFFE000  }
0x189: {  	[tilespmem:s28], [sflag:$0x3] =	stream.indirect.gather [spmem:s2], $0x40, s26, s23, $0xb8;
	[tilespmem:$0x1E400] =	vst v63  }
0x18a: {  	_ =	swait.ge [sflag:s0], $0x2000  }
0x18b: {  	[sflag:s0] =	ssyncset.done $0x0  }
0x18c: {  	s29 =	sadd.s32 $0x1680, s20;
	[sflag:s0] =	ssyncadd.s32 $0xFFFFE000  }
0x18d: {  	[spmem:s3] =	stream.indirect.scatter.add.f32 [tilespmem:s25], [sflag:$0x6], $0x40, s29, s23, $0xb8;
	[tilespmem:$0x1E400] =	vst v63  }
0x18e: {  	_ =	swait.ge [sflag:s14], $0x2000  }
0x18f: {  	[sflag:s14] =	ssyncset.done $0x0  }
0x190: {  	p1 =	seq.s32 s19, $0x4000;
	s26 =	sadd.s32 $0x380, s20;
	[sflag:s14] =	ssyncadd.s32 $0xFFFFE000  }
0x191: {  	[tilespmem:s30], [sflag:$0x4] =	stream.indirect.gather [spmem:s2], $0x40, s26, s23, $0xb8;
	[tilespmem:$0x1E400] =	vst v63  }
.Ltmp8:
0x192: {  	_ = 	snop;
	(pc) =	sbr.rel @p1 .LBB2_13-.Ltmp8, $4  }
0x193: {  	_ =	swait.ge [sflag:s6], $0x2000  }
0x194: {  	[sflag:s6] =	ssyncset.done $0x0  }
0x195: {  	s29 =	sadd.s32 $0x1700, s20;
	[sflag:s6] =	ssyncadd.s32 $0xFFFFE000  }
0x196: {  	[spmem:s3] =	stream.indirect.scatter.add.f32 [tilespmem:s28], [sflag:$0x7], $0x40, s29, s23, $0xb8;
	[tilespmem:$0x1E400] =	vst v63  }
0x197: {  	_ =	swait.ge [sflag:s8], $0x2000  }
0x198: {  	[sflag:s8] =	ssyncset.done $0x0  }
0x199: {  	s4 =	sadd.s32 $0x400, s20;
	[sflag:s8] =	ssyncadd.s32 $0xFFFFE000  }
0x19a: {  	[tilespmem:s24], [sflag:$0x1] =	stream.indirect.gather [spmem:s2], $0x40, s4, s23, $0xb8;
	[tilespmem:$0x1E400] =	vst v63  }
0x19b: {  	_ =	swait.ge [sflag:s1], $0x2000  }
0x19c: {  	[sflag:s1] =	ssyncset.done $0x0  }
0x19d: {  	s26 =	sadd.s32 $0x1780, s20;
	[sflag:s1] =	ssyncadd.s32 $0xFFFFE000  }
0x19e: {  	[spmem:s3] =	stream.indirect.scatter.add.f32 [tilespmem:s30], [sflag:$0x8], $0x40, s26, s23, $0xb8;
	[tilespmem:$0x1E400] =	vst v63  }
.Ltmp9:
0x19f: {  	_ = 	snop;
	(pc) =	sbr.rel .LBB2_11-.Ltmp9, $4  }
0x1a0: {  	_ =	swait.ge [sflag:s11], $0x2000  }
0x1a1: {  	[sflag:s11] =	ssyncset.done $0x0  }
0x1a2: {  	s29 =	sadd.s32 $0x480, s20;
	s19 =	sadd.s32 $0x800, s19;
	[sflag:s11] =	ssyncadd.s32 $0xFFFFE000  }
0x1a3: {  	[tilespmem:s25], [sflag:$0x2] =	stream.indirect.gather [spmem:s2], $0x40, s29, s23, $0xb8;
	[tilespmem:$0x1E400] =	vst v63  }
.LBB2_14:
0x1a4: {  	_ =	sfence.sel $0x180000  }
0x1a5: {  	[bflag:$0x0] =	sbarrier.arrive $0xFFFF  }
0x1a6: {  	_ =	strace $0x90000047  }
0x1a7: {  	s0 =	stileid.u32;
	[bflag:$0x2] =	sbarrier.arrive $0xFFFF  }
0x1a8: {  	p0 =	sne.s32 s0, $0x0;
	s0 =	rddreg [dreg:$0x4]  }
0x1a9: {  	s0 =	sadd.s32 @!p0 $0x100000, s0  }
0x1aa: {  	[sflag:s0] =	ssyncadd.tile.s32 @!p0 $0x1;
	_ =	shalt  }
.Lfunc_end2:
_tile_overlayer_lowered:
.L_overlay_start_2:
0x1ab: {  	(tag) =	ssettag $0x2  }
0x1ac: {  	s0 =	rddreg [dreg:$0x0];
	s2 =	stileid.u32  }
0x1ad: {  	s1 =	rddreg [dreg:$0x1];
	p0 =	sne.s32 s2, $0x0  }
0x1ae: {  	s3 =	rddreg [dreg:$0x2];
	[bflag:$0x3] =	sbarrier.arrive $0xFFFF;
	s2 =	simm.s32 @!p0 $0x1C09  }
0x1af: {  	[timem:s3], [sflag:s2] =	dma.local @!p0 [hbm:s0], s1  }
0x1b0: {  	s0 =	simm.s32 @!p0 $0x9  }
0x1b1: {  	_ =	swait.ge @!p0 [sflag:s0], s1  }
0x1b2: {  	s1 =	ssub.s32 @!p0 $0x0, s1;
	[sflag:s0] =	ssyncset.done @!p0 $0x0  }
0x1b3: {  	[sflag:s0] =	ssyncadd.s32 @!p0 s1  }
0x1b4: {  	[bflag:$0x3] =	sbarrier.arrive $0xFFFF  }
0x1b5: {  	_ =	shalt  }

// kernel: kernel.9.cloned.1.call-start
scs
__scs_entry_jumppad:
0x0: {  	(pc) =	sbr.rel $0x88, $3  }
0x1: {  	(tag) =	ssettag $0x0;
	lr =	simm.s32 $0x1  }
0x2: {  	[smem:$0x3F92] =	sst lr;
	_ =	strace $0xD0000000  }
0x3: {  	_ = 	snop  }
0x4: {  	_ = 	snop  }
0x5: {  	_ = 	snop  }
0x6: {  	_ = 	snop  }
0x7: {  	_ = 	snop  }
__scs_overlays_trampoline_lowered:
0x8: {  	[smem:$0x3FA1] =	sst s0  }
0x9: {  	[smem:$0x3FA2] =	sst s1  }
0xa: {  	[smem:$0x3FA3] =	sst s2  }
0xb: {  	[smem:$0x3FA4] =	sst s3  }
0xc: {  	[smem:$0x3FA5] =	sst s4  }
0xd: {  	[smem:$0x3FA6] =	sst s5  }
0xe: {  	[smem:$0x3FA7] =	sst s6  }
0xf: {  	[smem:$0x3FA8] =	sst s7  }
0x10: {  	[smem:$0x3FA9] =	sst s8  }
0x11: {  	[smem:$0x3FAA] =	sst s9;
	s0 =	simm.s32 @!p0 $0x0  }
0x12: {  	s1 =	sld [smem:$0x3F90];
	s0 =	simm.s32 @p0 $0x1  }
0x13: {  	[smem:$0x3FAB] =	sst s0;
	s0 =	simm.s32 @!p1 $0x0  }
0x14: {  	s2 =	sld [smem:$0x3F8F];
	s0 =	simm.s32 @p1 $0x1  }
0x15: {  	[smem:$0x3FAC] =	sst s0;
	s0 =	simm.s32 @!p2 $0x0  }
0x16: {  	s3 =	sld [smem:$0x3FDB];
	s0 =	simm.s32 @p2 $0x1  }
0x17: {  	s4 =	simm.s32 $0x1BF5;
	[smem:$0x3FAE] =	sst s0  }
0x18: {  	s0 =	sld [smem:$0x3F91];
	_ =	swait.ge [sflag:s4], $0x0  }
0x19: {  	s7 =	sld [smem:$0x3F92]  }
0x1a: {  	s8 =	sadd.s32 $0xFFFFE003, lr  }
0x1b: {  	s9 =	sadd.s32 $0xFFFFFEF7, lr;
	s5 =	simm.s32 $0xFFFFFFFF;
	p2 =	slt.u32 s8, $0xFFFFF086  }
0x1c: {  	p1 =	slt.u32 s9, $0xF7A;
	s5 =	simm.s32 @!p2 $0x0  }
0x1d: {  	s5 =	simm.s32 @p1 $0x1;
	p0 =	seq.s32 s7, s2  }
0x1e: {  	s7 =	smul.u32 @!p0 $0xF7A, s2;
	p2 =	seq.s32 @!p0 s5, $0x0  }
0x1f: {  	s9 =	smul.u32 $0xF7A, s1;
	s8 =	simm.s32 @!p0 $0x1BF5;
	p2 =	por !p2, p0  }
0x20: {  	[sflag:s8] =	ssyncset.s32 @!p0 $0xFFFFF086;
	s6 =	sadd.s32 @!p0 s3, s7;
	s7 =	simm.s32 @!p0 $0x108  }
0x21: {  	s3 =	sadd.s32 s3, s9;
	s6 =	sadd.s32 @!p0 $0x88, s6;
	s7 =	simm.s32 @p2 $0x1082  }
0x22: {  	[simem:s7], [sflag:s8] =	dma.local @!p0 [hbm:s6], $0xF7A  }
0x23: {  	s9 =	sor.u32 $0xD0000000, s2;
	s6 =	simm.s32 $0x108;
	_ =	swait.ge @!p0 [sflag:s8], $0x0  }
0x24: {  	s3 =	sadd.s32 $0x88, s3;
	s6 =	simm.s32 @!p1 $0x1082;
	[sflag:s4] =	ssyncset.s32 $0xFFFFF086  }
0x25: {  	[simem:s6], [sflag:s4] =	dma.local [hbm:s3], $0xF7A  }
0x26: {  	[smem:$0x3F92] =	sst s1;
	(tag) =	ssettag s2;
	_ =	strace s9  }
0x27: {  	s1 =	sld [smem:$0x3FA2]  }
0x28: {  	s2 =	sld [smem:$0x3FA3]  }
0x29: {  	s4 =	sld [smem:$0x3FA5]  }
0x2a: {  	p0 =	seq.s32 s5, $0x0;
	s5 =	sld [smem:$0x3FA6]  }
0x2b: {  	s6 =	sld [smem:$0x3FA7]  }
0x2c: {  	s7 =	sld [smem:$0x3FA8]  }
0x2d: {  	s3 =	simm.s32 $0x108;
	s8 =	sld [smem:$0x3FA9]  }
0x2e: {  	s3 =	simm.s32 @!p0 $0x1082;
	s9 =	sld [smem:$0x3FAA]  }
0x2f: {  	lr =	sadd.s32 s0, s3;
	s0 =	sld [smem:$0x3FA1]  }
0x30: {  	s3 =	sld [smem:$0x3FA4]  }
0x31: {  	[smem:$0x3FAD] =	sst s10  }
0x32: {  	s10 =	sld [smem:$0x3FAB];
	_ =	sdelay $0x3  }
0x33: {  	p0 =	seq.s32 s10, $0x1;
	s10 =	sld [smem:$0x3FAD];
	_ =	sdelay $0x3  }
0x34: {  	[smem:$0x3FAD] =	sst s10  }
0x35: {  	s10 =	sld [smem:$0x3FAC];
	_ =	sdelay $0x3  }
0x36: {  	p1 =	seq.s32 s10, $0x1;
	s10 =	sld [smem:$0x3FAD];
	_ =	sdelay $0x3  }
0x37: {  	[smem:$0x3FAD] =	sst s10  }
0x38: {  	s10 =	sld [smem:$0x3FAE]  }
0x39: {  	_ = 	snop;
	(pc) =	sbr.ind lr, $3  }
0x3a: {  	_ = 	snop  }
0x3b: {  	_ = 	snop  }
0x3c: {  	p2 =	seq.s32 s10, $0x1;
	s10 =	sld [smem:$0x3FAD]  }
0x3d: {  	_ =	shalt  }
0x3e: {  	_ =	shalt  }
0x3f: {  	_ =	shalt  }
0x40: {  	_ =	shalt  }
0x41: {  	_ =	shalt  }
0x42: {  	_ =	shalt  }
0x43: {  	_ =	shalt  }
0x44: {  	_ =	shalt  }
0x45: {  	_ =	shalt  }
0x46: {  	_ =	shalt  }
0x47: {  	_ =	shalt  }
0x48: {  	_ =	shalt  }
0x49: {  	_ =	shalt  }
0x4a: {  	_ =	shalt  }
0x4b: {  	_ =	shalt  }
0x4c: {  	_ =	shalt  }
0x4d: {  	_ =	shalt  }
0x4e: {  	_ =	shalt  }
0x4f: {  	_ =	shalt  }
0x50: {  	_ =	shalt  }
0x51: {  	_ =	shalt  }
0x52: {  	_ =	shalt  }
0x53: {  	_ =	shalt  }
0x54: {  	_ =	shalt  }
0x55: {  	_ =	shalt  }
0x56: {  	_ =	shalt  }
0x57: {  	_ =	shalt  }
0x58: {  	_ =	shalt  }
0x59: {  	_ =	shalt  }
0x5a: {  	_ =	shalt  }
0x5b: {  	_ =	shalt  }
0x5c: {  	_ =	shalt  }
0x5d: {  	_ =	shalt  }
0x5e: {  	_ =	shalt  }
0x5f: {  	_ =	shalt  }
0x60: {  	_ =	shalt  }
0x61: {  	_ =	shalt  }
0x62: {  	_ =	shalt  }
0x63: {  	_ =	shalt  }
0x64: {  	_ =	shalt  }
0x65: {  	_ =	shalt  }
0x66: {  	_ =	shalt  }
0x67: {  	_ =	shalt  }
0x68: {  	_ =	shalt  }
0x69: {  	_ =	shalt  }
0x6a: {  	_ =	shalt  }
0x6b: {  	_ =	shalt  }
0x6c: {  	_ =	shalt  }
0x6d: {  	_ =	shalt  }
0x6e: {  	_ =	shalt  }
0x6f: {  	_ =	shalt  }
0x70: {  	_ =	shalt  }
0x71: {  	_ =	shalt  }
0x72: {  	_ =	shalt  }
0x73: {  	_ =	shalt  }
0x74: {  	_ =	shalt  }
0x75: {  	_ =	shalt  }
0x76: {  	_ =	shalt  }
0x77: {  	_ =	shalt  }
0x78: {  	_ =	shalt  }
0x79: {  	_ =	shalt  }
0x7a: {  	_ =	shalt  }
0x7b: {  	_ =	shalt  }
0x7c: {  	_ =	shalt  }
0x7d: {  	_ =	shalt  }
0x7e: {  	_ =	shalt  }
0x7f: {  	_ =	shalt  }
0x80: {  	_ =	shalt  }
0x81: {  	_ =	shalt  }
0x82: {  	_ =	shalt  }
0x83: {  	_ =	shalt  }
0x84: {  	_ =	shalt  }
0x85: {  	_ =	shalt  }
0x86: {  	_ =	shalt  }
0x87: {  	_ =	shalt  }
.Lfunc_end0:
.L_simem_size_0:
called_computation.1_lowered:
.L_overlay_start_0:
0x88: {  	s2 =	sld [smem:$0x3FD9]  }
0x89: {  	s3 =	sld [smem:$0x3FFE];
	_ =	sdelay $0x1  }
0x8a: {  	s1 =	srdreg.scid  }
0x8b: {  	s0 =	sand.u32 $0x1, s1  }
0x8c: {  	s16 =	sshll.u32 s0, $0xA;
	s2 =	sadd.s32 s3, s2  }
0x8d: {  	s2 =	sadd.s32 s2, s16  }
0x8e: {  	[smem:$0x3FB9] =	sst s2  }
0x8f: {  	_ = 	snop  }
0x90: {  	(tm) =	ssettm $0x1  }
0x91: {  	s17 =	sld [smem:$0x3FFB];
	_ =	sdelay $0x3  }
0x92: {  	_ =	strace s17  }
0x93: {  	s2 =	sld [smem:$0x3FFC];
	_ =	sdelay $0x3  }
0x94: {  	_ =	strace s2  }
0x95: {  	s2 =	sld [smem:$0x3FFD];
	_ =	sdelay $0x3  }
0x96: {  	_ =	strace s2  }
0x97: {  	_ =	strace $0x8FFFFFFF  }
0x98: {  	s18 =	sld [smem:$0x3FDB];
	_ =	sdelay $0x1  }
0x99: {  	s19 =	simm.s32 $_scs_section_size  }
0x9a: {  	s4 =	simm.s32 $_size__tile_overlayer_lowered;
	s5 =	simm.s32 $_tile_overlayer_lowered  }
0x9b: {  	s22 =	simm.s32 $0x1BFF;
	s21 =	sshll.u32 s5, $0x1;
	s2 =	sadd.s32 s19, s18  }
0x9c: {  	s6 =	simm.s32 $0x0;
	s20 =	sshll.u32 s4, $0x1;
	s4 =	sadd.s32 s21, s2  }
0x9d: {  	[timem:s6], [sflag:s22] =	dma.local [hbm:s4], s20  }
0x9e: {  	_ =	swait.ge [sflag:s22], s20  }
0x9f: {  	s3 =	ssub.s32 $0x0, s20;
	[sflag:s22] =	ssyncset.done $0x0  }
0xa0: {  	[sflag:s22] =	ssyncadd.s32 s3;
	_ =	sdelay $0x1  }
0xa1: {  	s23 =	simm.s32 $0x1B8B  }
0xa2: {  	_ =	swait.ge [sflag:s23], $0x1  }
0xa3: {  	[sflag:s23] =	ssyncset.done $0x0  }
0xa4: {  	s25 =	simm.s32 $0x1B8E;
	s24 =	sld [smem:$0x3FFE];
	[sflag:s23] =	ssyncadd.s32 $0xFFFFFFFF  }
0xa5: {  	s26 =	simm.s32 $execute0_lowered;
	[smem:$0x3FD2] =	sst s25  }
0xa6: {  	s4 =	sshll.u32 s26, $0x1;
	_ =	strace $0x80000049;
	[dreg:$0x1] =	wrdreg $0xFFFFFFFF  }
0xa7: {  	s28 =	simm.s32 $_size_execute0_lowered;
	s2 =	sadd.s32 s2, s4;
	[dreg:$0x0] =	wrdreg $0x0  }
0xa8: {  	s4 =	sshll.u32 s28, $0x1;
	[dreg:$0x2] =	wrdreg s2  }
0xa9: {  	[dreg:$0x3] =	wrdreg s4  }
0xaa: {  	[dreg:$0x4] =	wrdreg $0xC0  }
0xab: {  	_ =	task [dreg:s6], $0x5FFFF  }
0xac: {  	[dreg:$0x1] =	wrdreg $0xFFFFFFFF  }
0xad: {  	[dreg:$0x0] =	wrdreg $0x60  }
0xae: {  	[dreg:$0x2] =	wrdreg s24  }
0xaf: {  	[dreg:$0x3] =	wrdreg $0xA8000  }
0xb0: {  	[dreg:$0x4] =	wrdreg $0x146000  }
0xb1: {  	[dreg:$0x5] =	wrdreg $0x9  }
0xb2: {  	_ =	task.clear_ibuf [dreg:s6], $0x6FFFF;
	_ =	strace $0x90000049  }
0xb3: {  	s29 =	simm.s32 $0x9;
	_ =	strace $0x8000004B  }
0xb4: {  	_ =	swait.ge [sflag:s29], $0x1  }
0xb5: {  	[sflag:s29] =	ssyncadd.s32 $0xFFFFFFFF  }
0xb6: {  	_ =	strace $0x9000004B  }
0xb7: {  	_ =	sfence  }
0xb8: {  	s30 =	sld [smem:$0x0];
	_ =	sdelay $0x2  }
0xb9: {  	s31 =	sshll.u32 s1, $0xD;
	s1 =	sshrl.u32 s1, $0x2  }
0xba: {  	s3 =	sand.u32 $0x4000, s31;
	s1 =	sadd.s32 s1, s30  }
0xbb: {  	s0 =	sor.u32 s3, s0;
	s1 =	sshll.u32 s1, $0x11  }
0xbc: {  	s0 =	sor.u32 s1, s0  }
0xbd: {  	s0 =	sadd.s32 $0x8F2B, s0  }
0xbe: {  	[sflag:s0] =	ssyncadd.remote.s32 $0x1  }
0xbf: {  	_ =	sfence.sel $0xFFFF  }
0xc0: {  	[dreg:$0x0] =	wrdreg $0xFFFFFFFF;
	(pc) =	sbr.abs _section_cstart, $3  }
0xc1: {  	[dreg:$0x1] =	wrdreg $0xFFFFFFFF  }
0xc2: {  	_ =	task.clear_ibuf [dreg:s6], $0x2FFFF;
	_ =	strace $0x9FFFFFFF  }
0xc3: {  	(tm) =	ssettm $0x7FFFFFFF  }
tec
execute0_lowered:
.L_overlay_start_1:
0x0: {  	(tag) =	ssettag $0x1  }
0x1: {  	s0 =	rddreg [dreg:$0x0]  }
0x2: {  	s2 =	rddreg [dreg:$0x1]  }
0x3: {  	s3 =	rddreg [dreg:$0x2]  }
0x4: {  	s5 =	simm.s32 $0x0;
	s4 =	stileid.u32;
	s1 =	srdreg.scid  }
0x5: {  	s28 =	simm.s32 $0x6800;
	s30 =	simm.s32 $0x8800;
	s29 =	smul.u32 $0x9E00, s4  }
0x6: {  	s31 =	simm.s32 $0x1;
	[smem:$0x7FF] =	sst s5;
	s11 =	smul.u32 $0x13C00, s4  }
0x7: {  	s1 =	sand.u32 $0x1, s1;
	s6 =	sadd.s32 $0x2A800, s0;
	s13 =	smul.u32 $0x27800, s4  }
0x8: {  	s8 =	sadd.s32 $0xCC00, s0;
	s9 =	sadd.s32 $0x2C00, s0;
	s17 =	smul.u32 $0x5000, s4  }
0x9: {  	p0 =	seq.s32 s4, $0xF;
	_ =	strace $0x8000004A;
	s7 =	smul.u32 $0x9E000, s1  }
0xa: {  	s12 =	ssub.s32 $0x2, s1;
	s14 =	sshll.u32 s1, $0x6;
	s1 =	sshll.u32 s1, $0x3  }
0xb: {  	s10 =	sshrl.u32 s29, $0x3;
	s15 =	sshrl.u32 s12, $0x1;
	s11 =	sor.u32 s14, s11  }
0xc: {  	s16 =	sshrl.u32 s13, $0x2;
	s1 =	sadd.s32 s1, s6;
	s18 =	sshrl.u32 s17, $0x3  }
0xd: {  	s5 =	sadd.s32 s29, s3;
	s13 =	simm.s32 $0x7;
	s14 =	simm.s32 $0x8  }
0xe: {  	s10 =	sadd.s32 s10, s0;
	s7 =	sadd.s32 s29, s7;
	s11 =	sshrl.u32 s11, $0x3  }
0xf: {  	s1 =	sadd.s32 $0x25080, s1;
	[dreg:$0x6] =	wrdreg s5;
	s20 =	sadd.s32 $0x280, s18  }
0x10: {  	s21 =	sadd.s32 s8, s18;
	s22 =	sadd.s32 s9, s18;
	s24 =	sadd.s32 $0x500, s18  }
0x11: {  	s7 =	sshrl.u32 s7, $0x3;
	s11 =	sadd.s32 s6, s11;
	[dreg:$0x5] =	wrdreg s1  }
0x12: {  	s6 =	sadd.s32 $0x94200, s2;
	s19 =	sadd.s32 $0x16C00, s10;
	[dreg:$0x8] =	wrdreg s21  }
0x13: {  	[dreg:$0x9] =	wrdreg s22;
	s23 =	sadd.s32 s8, s20;
	s5 =	sadd.s32 s9, s20  }
0x14: {  	s1 =	sadd.s32 $0x780, s18;
	s25 =	sadd.s32 s8, s24;
	[dreg:$0x4] =	wrdreg s11  }
0x15: {  	s21 =	simm.s32 $0x9;
	s22 =	simm.s32 $0x1400;
	[dreg:$0x7] =	wrdreg s19  }
0x16: {  	s10 =	simm.s32 $0x1580;
	s0 =	sadd.s32 s7, s0;
	[dreg:$0xa] =	wrdreg s23  }
0x17: {  	s7 =	ssub.s32 s12, s15;
	s12 =	sadd.s32 s16, s2;
	[dreg:$0xb] =	wrdreg s5  }
0x18: {  	[dreg:$0xc] =	wrdreg s25;
	s5 =	sadd.s32 s9, s24;
	s26 =	sadd.s32 s8, s1  }
0x19: {  	s1 =	sadd.s32 s9, s1;
	s23 =	simm.s32 $0x80;
	s24 =	simm.s32 $0x2800  }
0x1a: {  	s25 =	simm.s32 $0x4800;
	s8 =	simm.s32 $0x5;
	[dreg:$0xd] =	wrdreg s5  }
0x1b: {  	s9 =	simm.s32 $0x4;
	s11 =	simm.s32 $0x6;
	[dreg:$0xe] =	wrdreg s26  }
0x1c: {  	s15 =	simm.s32 $0x2780;
	s16 =	simm.s32 $0x0;
	[dreg:$0xf] =	wrdreg s1  }
.Ltmp0:
0x1d: {  	s0 =	sadd.s32 $0x51A00, s0;
	s29 =	smax.u32 s7, $0x1;
	(pc) =	sbr.rel .LBB2_1-.Ltmp0, $4  }
0x1e: {  	s5 =	simm.s32 $0x1480;
	s7 =	simm.s32 $0x1500;
	[dreg:$0x10] =	wrdreg s0  }
0x1f: {  	s1 =	simm.s32 $0x200;
	[dreg:$0x11] =	wrdreg s29;
	s0 =	sshrl.u32 @p0 s6, $0x3  }
0x20: {  	s6 =	simm.s32 $0x3;
	[dreg:$0x12] =	wrdreg s0;
	s0 =	sshrl.u32 @!p0 s12, $0x3  }
0x21: {  	s12 =	simm.s32 $0x280;
	[dreg:$0x13] =	wrdreg s0;
	s0 =	simm.s32 $0x2  }
.LBB2_13:
0x22: {  	_ =	swait.ge [sflag:s9], $0x2000  }
0x23: {  	[sflag:s9] =	ssyncset.done $0x0  }
0x24: {  	[sflag:s9] =	ssyncadd.s32 $0xFFFFE000  }
0x25: {  	[spmem:s3] =	stream.indirect.scatter.add.f32 [tilespmem:s30], [sflag:$0x8], $0x40, s15, s23, $0xb8;
	[tilespmem:$0x1E400] =	vst v63  }
0x26: {  	_ =	swait.ge [sflag:s8], $0x2000  }
0x27: {  	[sflag:s8] =	ssyncset.done $0x0  }
0x28: {  	[sflag:s8] =	ssyncadd.s32 $0xFFFFE000  }
0x29: {  	_ =	swait.ge [sflag:s11], $0x2000  }
0x2a: {  	[sflag:s11] =	ssyncset.done $0x0  }
0x2b: {  	[sflag:s11] =	ssyncadd.s32 $0xFFFFE000  }
0x2c: {  	_ =	swait.ge [sflag:s13], $0x2000  }
0x2d: {  	[sflag:s13] =	ssyncset.done $0x0  }
0x2e: {  	[sflag:s13] =	ssyncadd.s32 $0xFFFFE000  }
0x2f: {  	_ =	swait.ge [sflag:s14], $0x2000  }
0x30: {  	[sflag:s14] =	ssyncset.done $0x0  }
0x31: {  	[sflag:s14] =	ssyncadd.s32 $0xFFFFE000  }
0x32: {  	[bflag:$0x0] =	sbarrier.arrive $0xFFFF  }
0x33: {  	s4 =	rddreg [dreg:$0x10]  }
0x34: {  	[hbm:s4], [sflag:s17] =	dma.local [spmem:s18], $0x13C0  }
0x35: {  	_ =	swait.ge [sflag:s21], $0x13C0  }
0x36: {  	s16 =	sadd.s32 $0x1, s16;
	s29 =	rddreg [dreg:$0x11]  }
0x37: {  	p1 =	sne.s32 s16, s29  }
.Ltmp1:
0x38: {  	_ = 	snop;
	(pc) =	sbr.rel @!p1 .LBB2_14-.Ltmp1, $3  }
0x39: {  	_ =	sdelay $0x1  }
0x3a: {  	[sflag:s21] =	ssyncset.done $0x0  }
0x3b: {  	[sflag:s21] =	ssyncadd.s32 $0xFFFFEC40  }
.LBB2_1:
0x3c: {  	s17 =	simm.s32 @p0 $0x1;
	s18 =	simm.s32 @p0 $0x8;
	s4 =	rddreg [dreg:$0x5]  }
0x3d: {  	s19 =	simm.s32 @p0 $0x10;
	s20 =	simm.s32 @p0 $0x1FC9;
	s26 =	rddreg [dreg:$0x12]  }
0x3e: {  	[spmem:s26@s18], [sflag:s20] =	dma.strided @p0 [hbm:s4@s19], $0x1040, s17, $0x8   }
0x3f: {  	s17 =	simm.s32 @p0 $0x9  }
0x40: {  	s4 =	stileid.u32;
	_ =	swait.ge @p0 [sflag:s17], $0x1040  }
0x41: {  	s19 =	simm.s32 @!p0 $0x8;
	s20 =	simm.s32 @!p0 $0x10;
	s26 =	rddreg [dreg:$0x4]  }
0x42: {  	s18 =	sshll.u32 @!p0 s4, $0x6;
	[sflag:s17] =	ssyncset.done @p0 $0x0;
	s29 =	rddreg [dreg:$0x13]  }
0x43: {  	[sflag:s17] =	ssyncadd.s32 @p0 $0xFFFFEFC0;
	s17 =	sor.u32 @!p0 $0x1C09, s18;
	s18 =	simm.s32 @!p0 $0x1  }
0x44: {  	[spmem:s29@s19], [sflag:s17] =	dma.strided @!p0 [hbm:s26@s20], $0x13C0, s18, $0x8   }
0x45: {  	s17 =	simm.s32 @!p0 $0x9  }
0x46: {  	_ =	swait.ge @!p0 [sflag:s17], $0x13C0  }
0x47: {  	s18 =	rddreg [dreg:$0x6]  }
0x48: {  	s4 =	sshll.u32 s4, $0x6;
	[sflag:s17] =	ssyncset.done @!p0 $0x0;
	s19 =	rddreg [dreg:$0x7]  }
0x49: {  	[sflag:s17] =	ssyncadd.s32 @!p0 $0xFFFFEC40;
	s17 =	sor.u32 $0x1C09, s4;
	s18 =	sshrl.u32 s18, $0x3  }
0x4a: {  	[spmem:s18], [sflag:s17] =	dma.local [hbm:s19], $0x13C0  }
0x4b: {  	_ =	swait.ge [sflag:s21], $0x13C0  }
0x4c: {  	[sflag:s21] =	ssyncset.done $0x0  }
0x4d: {  	[sflag:s21] =	ssyncadd.s32 $0xFFFFEC40  }
0x4e: {  	[bflag:$0x0] =	sbarrier.arrive $0xFFFF  }
0x4f: {  	s4 =	simm.s32 $0x0;
	s20 =	rddreg [dreg:$0x8]  }
0x50: {  	[tilespmem:s4], [sflag:$0x9] =	stream.linear.gather [hbm4b:s20+s4], $0x1400, $0x38;
	[tilespmem:$0x1E400] =	vst v63  }
0x51: {  	_ =	swait.ge [sflag:s21], $0x1400  }
0x52: {  	[sflag:s21] =	ssyncset.done $0x0  }
0x53: {  	s20 =	rddreg [dreg:$0x9];
	[sflag:s21] =	ssyncadd.s32 $0xFFFFEC00  }
0x54: {  	[tilespmem:s22], [sflag:$0x9] =	stream.linear.gather [hbm4b:s20+s4], $0x1400, $0x38;
	[tilespmem:$0x1E400] =	vst v63  }
0x55: {  	_ =	swait.ge [sflag:s21], $0x1400  }
0x56: {  	[sflag:s21] =	ssyncset.done $0x0  }
0x57: {  	[sflag:s21] =	ssyncadd.s32 $0xFFFFEC00  }
0x58: {  	[tilespmem:s24], [sflag:$0x1] =	stream.indirect.gather [spmem:s2], $0x40, s4, s23, $0xb8;
	[tilespmem:$0x1E400] =	vst v63  }
0x59: {  	_ = 	snop  }
0x5a: {  	[tilespmem:s25], [sflag:$0x2] =	stream.indirect.gather [spmem:s2], $0x40, s23, s23, $0xb8;
	[tilespmem:$0x1E400] =	vst v63  }
0x5b: {  	s26 =	simm.s32 $0x100  }
0x5c: {  	[tilespmem:s28], [sflag:$0x3] =	stream.indirect.gather [spmem:s2], $0x40, s26, s23, $0xb8;
	[tilespmem:$0x1E400] =	vst v63  }
0x5d: {  	s29 =	simm.s32 $0x180  }
0x5e: {  	[tilespmem:s30], [sflag:$0x4] =	stream.indirect.gather [spmem:s2], $0x40, s29, s23, $0xb8;
	[tilespmem:$0x1E400] =	vst v63  }
0x5f: {  	_ =	swait.ge [sflag:s31], $0x2000  }
0x60: {  	[sflag:s31] =	ssyncset.done $0x0  }
0x61: {  	[sflag:s31] =	ssyncadd.s32 $0xFFFFE000  }
0x62: {  	[spmem:s3] =	stream.indirect.scatter.add.f32 [tilespmem:s24], [sflag:$0x5], $0x40, s22, s23, $0xb8;
	[tilespmem:$0x1E400] =	vst v63  }
0x63: {  	_ =	swait.ge [sflag:s0], $0x2000  }
0x64: {  	[sflag:s0] =	ssyncset.done $0x0  }
0x65: {  	[sflag:s0] =	ssyncadd.s32 $0xFFFFE000  }
0x66: {  	[spmem:s3] =	stream.indirect.scatter.add.f32 [tilespmem:s25], [sflag:$0x6], $0x40, s5, s23, $0xb8;
	[tilespmem:$0x1E400] =	vst v63  }
0x67: {  	_ =	swait.ge [sflag:s6], $0x2000  }
0x68: {  	[sflag:s6] =	ssyncset.done $0x0  }
0x69: {  	[sflag:s6] =	ssyncadd.s32 $0xFFFFE000  }
0x6a: {  	[spmem:s3] =	stream.indirect.scatter.add.f32 [tilespmem:s28], [sflag:$0x7], $0x40, s7, s23, $0xb8;
	[tilespmem:$0x1E400] =	vst v63  }
0x6b: {  	_ =	swait.ge [sflag:s8], $0x2000  }
0x6c: {  	[sflag:s8] =	ssyncset.done $0x0  }
0x6d: {  	[sflag:s8] =	ssyncadd.s32 $0xFFFFE000  }
0x6e: {  	[tilespmem:s24], [sflag:$0x1] =	stream.indirect.gather [spmem:s2], $0x40, s1, s23, $0xb8;
	[tilespmem:$0x1E400] =	vst v63  }
0x6f: {  	_ =	swait.ge [sflag:s9], $0x2000  }
0x70: {  	[sflag:s9] =	ssyncset.done $0x0  }
0x71: {  	[sflag:s9] =	ssyncadd.s32 $0xFFFFE000  }
0x72: {  	[spmem:s3] =	stream.indirect.scatter.add.f32 [tilespmem:s30], [sflag:$0x8], $0x40, s10, s23, $0xb8;
	[tilespmem:$0x1E400] =	vst v63  }
0x73: {  	_ =	swait.ge [sflag:s11], $0x2000  }
0x74: {  	[sflag:s11] =	ssyncset.done $0x0  }
0x75: {  	s19 =	simm.s32 $0x0;
	[sflag:s11] =	ssyncadd.s32 $0xFFFFE000  }
0x76: {  	[tilespmem:s25], [sflag:$0x2] =	stream.indirect.gather [spmem:s2], $0x40, s12, s23, $0xb8;
	[tilespmem:$0x1E400] =	vst v63  }
.LBB2_2:
0x77: {  	_ =	swait.ge [sflag:s31], $0x2000  }
0x78: {  	s20 =	sshra.s32 s19, $0x2;
	[sflag:s31] =	ssyncset.done $0x0  }
0x79: {  	s4 =	sadd.s32 $0x1600, s20;
	[sflag:s31] =	ssyncadd.s32 $0xFFFFE000  }
0x7a: {  	[spmem:s3] =	stream.indirect.scatter.add.f32 [tilespmem:s24], [sflag:$0x5], $0x40, s4, s23, $0xb8;
	[tilespmem:$0x1E400] =	vst v63  }
0x7b: {  	_ =	swait.ge [sflag:s13], $0x2000  }
0x7c: {  	[sflag:s13] =	ssyncset.done $0x0  }
0x7d: {  	s4 =	sadd.s32 $0x300, s20;
	[sflag:s13] =	ssyncadd.s32 $0xFFFFE000  }
0x7e: {  	[tilespmem:s28], [sflag:$0x3] =	stream.indirect.gather [spmem:s2], $0x40, s4, s23, $0xb8;
	[tilespmem:$0x1E400] =	vst v63  }
0x7f: {  	_ =	swait.ge [sflag:s0], $0x2000  }
0x80: {  	[sflag:s0] =	ssyncset.done $0x0  }
0x81: {  	s4 =	sadd.s32 $0x1680, s20;
	[sflag:s0] =	ssyncadd.s32 $0xFFFFE000  }
0x82: {  	[spmem:s3] =	stream.indirect.scatter.add.f32 [tilespmem:s25], [sflag:$0x6], $0x40, s4, s23, $0xb8;
	[tilespmem:$0x1E400] =	vst v63  }
0x83: {  	_ =	swait.ge [sflag:s14], $0x2000  }
0x84: {  	[sflag:s14] =	ssyncset.done $0x0  }
0x85: {  	p1 =	seq.s32 s19, $0x4000;
	s4 =	sadd.s32 $0x380, s20;
	[sflag:s14] =	ssyncadd.s32 $0xFFFFE000  }
0x86: {  	[tilespmem:s30], [sflag:$0x4] =	stream.indirect.gather [spmem:s2], $0x40, s4, s23, $0xb8;
	[tilespmem:$0x1E400] =	vst v63  }
.Ltmp2:
0x87: {  	_ = 	snop;
	(pc) =	sbr.rel @p1 .LBB2_4-.Ltmp2, $4  }
0x88: {  	_ =	swait.ge [sflag:s6], $0x2000  }
0x89: {  	[sflag:s6] =	ssyncset.done $0x0  }
0x8a: {  	s4 =	sadd.s32 $0x1700, s20;
	[sflag:s6] =	ssyncadd.s32 $0xFFFFE000  }
0x8b: {  	[spmem:s3] =	stream.indirect.scatter.add.f32 [tilespmem:s28], [sflag:$0x7], $0x40, s4, s23, $0xb8;
	[tilespmem:$0x1E400] =	vst v63  }
0x8c: {  	_ =	swait.ge [sflag:s8], $0x2000  }
0x8d: {  	[sflag:s8] =	ssyncset.done $0x0  }
0x8e: {  	s4 =	sadd.s32 $0x400, s20;
	[sflag:s8] =	ssyncadd.s32 $0xFFFFE000  }
0x8f: {  	[tilespmem:s24], [sflag:$0x1] =	stream.indirect.gather [spmem:s2], $0x40, s4, s23, $0xb8;
	[tilespmem:$0x1E400] =	vst v63  }
0x90: {  	_ =	swait.ge [sflag:s9], $0x2000  }
0x91: {  	[sflag:s9] =	ssyncset.done $0x0  }
0x92: {  	s4 =	sadd.s32 $0x1780, s20;
	[sflag:s9] =	ssyncadd.s32 $0xFFFFE000  }
0x93: {  	[spmem:s3] =	stream.indirect.scatter.add.f32 [tilespmem:s30], [sflag:$0x8], $0x40, s4, s23, $0xb8;
	[tilespmem:$0x1E400] =	vst v63  }
.Ltmp3:
0x94: {  	_ = 	snop;
	(pc) =	sbr.rel .LBB2_2-.Ltmp3, $4  }
0x95: {  	_ =	swait.ge [sflag:s11], $0x2000  }
0x96: {  	[sflag:s11] =	ssyncset.done $0x0  }
0x97: {  	s19 =	sadd.s32 $0x800, s19;
	s20 =	sadd.s32 $0x480, s20;
	[sflag:s11] =	ssyncadd.s32 $0xFFFFE000  }
0x98: {  	[tilespmem:s25], [sflag:$0x2] =	stream.indirect.gather [spmem:s2], $0x40, s20, s23, $0xb8;
	[tilespmem:$0x1E400] =	vst v63  }
.LBB2_4:
0x99: {  	_ =	swait.ge [sflag:s9], $0x2000  }
0x9a: {  	[sflag:s9] =	ssyncset.done $0x0  }
0x9b: {  	[sflag:s9] =	ssyncadd.s32 $0xFFFFE000  }
0x9c: {  	[spmem:s3] =	stream.indirect.scatter.add.f32 [tilespmem:s30], [sflag:$0x8], $0x40, s15, s23, $0xb8;
	[tilespmem:$0x1E400] =	vst v63  }
0x9d: {  	_ =	swait.ge [sflag:s8], $0x2000  }
0x9e: {  	[sflag:s8] =	ssyncset.done $0x0  }
0x9f: {  	[sflag:s8] =	ssyncadd.s32 $0xFFFFE000  }
0xa0: {  	_ =	swait.ge [sflag:s11], $0x2000  }
0xa1: {  	[sflag:s11] =	ssyncset.done $0x0  }
0xa2: {  	[sflag:s11] =	ssyncadd.s32 $0xFFFFE000  }
0xa3: {  	_ =	swait.ge [sflag:s13], $0x2000  }
0xa4: {  	[sflag:s13] =	ssyncset.done $0x0  }
0xa5: {  	[sflag:s13] =	ssyncadd.s32 $0xFFFFE000  }
0xa6: {  	_ =	swait.ge [sflag:s14], $0x2000  }
0xa7: {  	[sflag:s14] =	ssyncset.done $0x0  }
0xa8: {  	s19 =	simm.s32 $0x0;
	s4 =	rddreg [dreg:$0xa];
	[sflag:s14] =	ssyncadd.s32 $0xFFFFE000  }
0xa9: {  	[tilespmem:s19], [sflag:$0x9] =	stream.linear.gather [hbm4b:s4+s19], $0x1400, $0x38;
	[tilespmem:$0x1E400] =	vst v63  }
0xaa: {  	_ =	swait.ge [sflag:s21], $0x1400  }
0xab: {  	[sflag:s21] =	ssyncset.done $0x0  }
0xac: {  	s20 =	rddreg [dreg:$0xb];
	[sflag:s21] =	ssyncadd.s32 $0xFFFFEC00  }
0xad: {  	[tilespmem:s22], [sflag:$0x9] =	stream.linear.gather [hbm4b:s20+s19], $0x1400, $0x38;
	[tilespmem:$0x1E400] =	vst v63  }
0xae: {  	_ =	swait.ge [sflag:s21], $0x1400  }
0xaf: {  	[sflag:s21] =	ssyncset.done $0x0  }
0xb0: {  	[sflag:s21] =	ssyncadd.s32 $0xFFFFEC00  }
0xb1: {  	[tilespmem:s24], [sflag:$0x1] =	stream.indirect.gather [spmem:s2], $0x40, s19, s23, $0xb8;
	[tilespmem:$0x1E400] =	vst v63  }
0xb2: {  	_ = 	snop  }
0xb3: {  	[tilespmem:s25], [sflag:$0x2] =	stream.indirect.gather [spmem:s2], $0x40, s23, s23, $0xb8;
	[tilespmem:$0x1E400] =	vst v63  }
0xb4: {  	_ = 	snop  }
0xb5: {  	[tilespmem:s28], [sflag:$0x3] =	stream.indirect.gather [spmem:s2], $0x40, s26, s23, $0xb8;
	[tilespmem:$0x1E400] =	vst v63  }
0xb6: {  	_ = 	snop  }
0xb7: {  	[tilespmem:s30], [sflag:$0x4] =	stream.indirect.gather [spmem:s2], $0x40, s29, s23, $0xb8;
	[tilespmem:$0x1E400] =	vst v63  }
0xb8: {  	_ =	swait.ge [sflag:s31], $0x2000  }
0xb9: {  	[sflag:s31] =	ssyncset.done $0x0  }
0xba: {  	[sflag:s31] =	ssyncadd.s32 $0xFFFFE000  }
0xbb: {  	[spmem:s3] =	stream.indirect.scatter.add.f32 [tilespmem:s24], [sflag:$0x5], $0x40, s22, s23, $0xb8;
	[tilespmem:$0x1E400] =	vst v63  }
0xbc: {  	_ =	swait.ge [sflag:s0], $0x2000  }
0xbd: {  	[sflag:s0] =	ssyncset.done $0x0  }
0xbe: {  	[sflag:s0] =	ssyncadd.s32 $0xFFFFE000  }
0xbf: {  	[spmem:s3] =	stream.indirect.scatter.add.f32 [tilespmem:s25], [sflag:$0x6], $0x40, s5, s23, $0xb8;
	[tilespmem:$0x1E400] =	vst v63  }
0xc0: {  	_ =	swait.ge [sflag:s6], $0x2000  }
0xc1: {  	[sflag:s6] =	ssyncset.done $0x0  }
0xc2: {  	[sflag:s6] =	ssyncadd.s32 $0xFFFFE000  }
0xc3: {  	[spmem:s3] =	stream.indirect.scatter.add.f32 [tilespmem:s28], [sflag:$0x7], $0x40, s7, s23, $0xb8;
	[tilespmem:$0x1E400] =	vst v63  }
0xc4: {  	_ =	swait.ge [sflag:s8], $0x2000  }
0xc5: {  	[sflag:s8] =	ssyncset.done $0x0  }
0xc6: {  	[sflag:s8] =	ssyncadd.s32 $0xFFFFE000  }
0xc7: {  	[tilespmem:s24], [sflag:$0x1] =	stream.indirect.gather [spmem:s2], $0x40, s1, s23, $0xb8;
	[tilespmem:$0x1E400] =	vst v63  }
0xc8: {  	_ =	swait.ge [sflag:s9], $0x2000  }
0xc9: {  	[sflag:s9] =	ssyncset.done $0x0  }
0xca: {  	[sflag:s9] =	ssyncadd.s32 $0xFFFFE000  }
0xcb: {  	[spmem:s3] =	stream.indirect.scatter.add.f32 [tilespmem:s30], [sflag:$0x8], $0x40, s10, s23, $0xb8;
	[tilespmem:$0x1E400] =	vst v63  }
0xcc: {  	_ =	swait.ge [sflag:s11], $0x2000  }
0xcd: {  	[sflag:s11] =	ssyncset.done $0x0  }
0xce: {  	[sflag:s11] =	ssyncadd.s32 $0xFFFFE000  }
0xcf: {  	[tilespmem:s25], [sflag:$0x2] =	stream.indirect.gather [spmem:s2], $0x40, s12, s23, $0xb8;
	[tilespmem:$0x1E400] =	vst v63  }
.LBB2_5:
0xd0: {  	_ =	swait.ge [sflag:s31], $0x2000  }
0xd1: {  	s20 =	sshra.s32 s19, $0x2;
	[sflag:s31] =	ssyncset.done $0x0  }
0xd2: {  	s4 =	sadd.s32 $0x1600, s20;
	[sflag:s31] =	ssyncadd.s32 $0xFFFFE000  }
0xd3: {  	[spmem:s3] =	stream.indirect.scatter.add.f32 [tilespmem:s24], [sflag:$0x5], $0x40, s4, s23, $0xb8;
	[tilespmem:$0x1E400] =	vst v63  }
0xd4: {  	_ =	swait.ge [sflag:s13], $0x2000  }
0xd5: {  	[sflag:s13] =	ssyncset.done $0x0  }
0xd6: {  	s4 =	sadd.s32 $0x300, s20;
	[sflag:s13] =	ssyncadd.s32 $0xFFFFE000  }
0xd7: {  	[tilespmem:s28], [sflag:$0x3] =	stream.indirect.gather [spmem:s2], $0x40, s4, s23, $0xb8;
	[tilespmem:$0x1E400] =	vst v63  }
0xd8: {  	_ =	swait.ge [sflag:s0], $0x2000  }
0xd9: {  	[sflag:s0] =	ssyncset.done $0x0  }
0xda: {  	s4 =	sadd.s32 $0x1680, s20;
	[sflag:s0] =	ssyncadd.s32 $0xFFFFE000  }
0xdb: {  	[spmem:s3] =	stream.indirect.scatter.add.f32 [tilespmem:s25], [sflag:$0x6], $0x40, s4, s23, $0xb8;
	[tilespmem:$0x1E400] =	vst v63  }
0xdc: {  	_ =	swait.ge [sflag:s14], $0x2000  }
0xdd: {  	[sflag:s14] =	ssyncset.done $0x0  }
0xde: {  	p1 =	seq.s32 s19, $0x4000;
	s4 =	sadd.s32 $0x380, s20;
	[sflag:s14] =	ssyncadd.s32 $0xFFFFE000  }
0xdf: {  	[tilespmem:s30], [sflag:$0x4] =	stream.indirect.gather [spmem:s2], $0x40, s4, s23, $0xb8;
	[tilespmem:$0x1E400] =	vst v63  }
.Ltmp4:
0xe0: {  	_ = 	snop;
	(pc) =	sbr.rel @p1 .LBB2_7-.Ltmp4, $4  }
0xe1: {  	_ =	swait.ge [sflag:s6], $0x2000  }
0xe2: {  	[sflag:s6] =	ssyncset.done $0x0  }
0xe3: {  	s4 =	sadd.s32 $0x1700, s20;
	[sflag:s6] =	ssyncadd.s32 $0xFFFFE000  }
0xe4: {  	[spmem:s3] =	stream.indirect.scatter.add.f32 [tilespmem:s28], [sflag:$0x7], $0x40, s4, s23, $0xb8;
	[tilespmem:$0x1E400] =	vst v63  }
0xe5: {  	_ =	swait.ge [sflag:s8], $0x2000  }
0xe6: {  	[sflag:s8] =	ssyncset.done $0x0  }
0xe7: {  	s4 =	sadd.s32 $0x400, s20;
	[sflag:s8] =	ssyncadd.s32 $0xFFFFE000  }
0xe8: {  	[tilespmem:s24], [sflag:$0x1] =	stream.indirect.gather [spmem:s2], $0x40, s4, s23, $0xb8;
	[tilespmem:$0x1E400] =	vst v63  }
0xe9: {  	_ =	swait.ge [sflag:s9], $0x2000  }
0xea: {  	[sflag:s9] =	ssyncset.done $0x0  }
0xeb: {  	s4 =	sadd.s32 $0x1780, s20;
	[sflag:s9] =	ssyncadd.s32 $0xFFFFE000  }
0xec: {  	[spmem:s3] =	stream.indirect.scatter.add.f32 [tilespmem:s30], [sflag:$0x8], $0x40, s4, s23, $0xb8;
	[tilespmem:$0x1E400] =	vst v63  }
.Ltmp5:
0xed: {  	_ = 	snop;
	(pc) =	sbr.rel .LBB2_5-.Ltmp5, $4  }
0xee: {  	_ =	swait.ge [sflag:s11], $0x2000  }
0xef: {  	[sflag:s11] =	ssyncset.done $0x0  }
0xf0: {  	s19 =	sadd.s32 $0x800, s19;
	s20 =	sadd.s32 $0x480, s20;
	[sflag:s11] =	ssyncadd.s32 $0xFFFFE000  }
0xf1: {  	[tilespmem:s25], [sflag:$0x2] =	stream.indirect.gather [spmem:s2], $0x40, s20, s23, $0xb8;
	[tilespmem:$0x1E400] =	vst v63  }
.LBB2_7:
0xf2: {  	_ =	swait.ge [sflag:s9], $0x2000  }
0xf3: {  	[sflag:s9] =	ssyncset.done $0x0  }
0xf4: {  	[sflag:s9] =	ssyncadd.s32 $0xFFFFE000  }
0xf5: {  	[spmem:s3] =	stream.indirect.scatter.add.f32 [tilespmem:s30], [sflag:$0x8], $0x40, s15, s23, $0xb8;
	[tilespmem:$0x1E400] =	vst v63  }
0xf6: {  	_ =	swait.ge [sflag:s8], $0x2000  }
0xf7: {  	[sflag:s8] =	ssyncset.done $0x0  }
0xf8: {  	[sflag:s8] =	ssyncadd.s32 $0xFFFFE000  }
0xf9: {  	_ =	swait.ge [sflag:s11], $0x2000  }
0xfa: {  	[sflag:s11] =	ssyncset.done $0x0  }
0xfb: {  	[sflag:s11] =	ssyncadd.s32 $0xFFFFE000  }
0xfc: {  	_ =	swait.ge [sflag:s13], $0x2000  }
0xfd: {  	[sflag:s13] =	ssyncset.done $0x0  }
0xfe: {  	[sflag:s13] =	ssyncadd.s32 $0xFFFFE000  }
0xff: {  	_ =	swait.ge [sflag:s14], $0x2000  }
0x100: {  	[sflag:s14] =	ssyncset.done $0x0  }
0x101: {  	s19 =	simm.s32 $0x0;
	s4 =	rddreg [dreg:$0xc];
	[sflag:s14] =	ssyncadd.s32 $0xFFFFE000  }
0x102: {  	[tilespmem:s19], [sflag:$0x9] =	stream.linear.gather [hbm4b:s4+s19], $0x1400, $0x38;
	[tilespmem:$0x1E400] =	vst v63  }
0x103: {  	_ =	swait.ge [sflag:s21], $0x1400  }
0x104: {  	[sflag:s21] =	ssyncset.done $0x0  }
0x105: {  	s20 =	rddreg [dreg:$0xd];
	[sflag:s21] =	ssyncadd.s32 $0xFFFFEC00  }
0x106: {  	[tilespmem:s22], [sflag:$0x9] =	stream.linear.gather [hbm4b:s20+s19], $0x1400, $0x38;
	[tilespmem:$0x1E400] =	vst v63  }
0x107: {  	_ =	swait.ge [sflag:s21], $0x1400  }
0x108: {  	[sflag:s21] =	ssyncset.done $0x0  }
0x109: {  	[sflag:s21] =	ssyncadd.s32 $0xFFFFEC00  }
0x10a: {  	[tilespmem:s24], [sflag:$0x1] =	stream.indirect.gather [spmem:s2], $0x40, s19, s23, $0xb8;
	[tilespmem:$0x1E400] =	vst v63  }
0x10b: {  	_ = 	snop  }
0x10c: {  	[tilespmem:s25], [sflag:$0x2] =	stream.indirect.gather [spmem:s2], $0x40, s23, s23, $0xb8;
	[tilespmem:$0x1E400] =	vst v63  }
0x10d: {  	_ = 	snop  }
0x10e: {  	[tilespmem:s28], [sflag:$0x3] =	stream.indirect.gather [spmem:s2], $0x40, s26, s23, $0xb8;
	[tilespmem:$0x1E400] =	vst v63  }
0x10f: {  	_ = 	snop  }
0x110: {  	[tilespmem:s30], [sflag:$0x4] =	stream.indirect.gather [spmem:s2], $0x40, s29, s23, $0xb8;
	[tilespmem:$0x1E400] =	vst v63  }
0x111: {  	_ =	swait.ge [sflag:s31], $0x2000  }
0x112: {  	[sflag:s31] =	ssyncset.done $0x0  }
0x113: {  	[sflag:s31] =	ssyncadd.s32 $0xFFFFE000  }
0x114: {  	[spmem:s3] =	stream.indirect.scatter.add.f32 [tilespmem:s24], [sflag:$0x5], $0x40, s22, s23, $0xb8;
	[tilespmem:$0x1E400] =	vst v63  }
0x115: {  	_ =	swait.ge [sflag:s0], $0x2000  }
0x116: {  	[sflag:s0] =	ssyncset.done $0x0  }
0x117: {  	[sflag:s0] =	ssyncadd.s32 $0xFFFFE000  }
0x118: {  	[spmem:s3] =	stream.indirect.scatter.add.f32 [tilespmem:s25], [sflag:$0x6], $0x40, s5, s23, $0xb8;
	[tilespmem:$0x1E400] =	vst v63  }
0x119: {  	_ =	swait.ge [sflag:s6], $0x2000  }
0x11a: {  	[sflag:s6] =	ssyncset.done $0x0  }
0x11b: {  	[sflag:s6] =	ssyncadd.s32 $0xFFFFE000  }
0x11c: {  	[spmem:s3] =	stream.indirect.scatter.add.f32 [tilespmem:s28], [sflag:$0x7], $0x40, s7, s23, $0xb8;
	[tilespmem:$0x1E400] =	vst v63  }
0x11d: {  	_ =	swait.ge [sflag:s8], $0x2000  }
0x11e: {  	[sflag:s8] =	ssyncset.done $0x0  }
0x11f: {  	[sflag:s8] =	ssyncadd.s32 $0xFFFFE000  }
0x120: {  	[tilespmem:s24], [sflag:$0x1] =	stream.indirect.gather [spmem:s2], $0x40, s1, s23, $0xb8;
	[tilespmem:$0x1E400] =	vst v63  }
0x121: {  	_ =	swait.ge [sflag:s9], $0x2000  }
0x122: {  	[sflag:s9] =	ssyncset.done $0x0  }
0x123: {  	[sflag:s9] =	ssyncadd.s32 $0xFFFFE000  }
0x124: {  	[spmem:s3] =	stream.indirect.scatter.add.f32 [tilespmem:s30], [sflag:$0x8], $0x40, s10, s23, $0xb8;
	[tilespmem:$0x1E400] =	vst v63  }
0x125: {  	_ =	swait.ge [sflag:s11], $0x2000  }
0x126: {  	[sflag:s11] =	ssyncset.done $0x0  }
0x127: {  	[sflag:s11] =	ssyncadd.s32 $0xFFFFE000  }
0x128: {  	[tilespmem:s25], [sflag:$0x2] =	stream.indirect.gather [spmem:s2], $0x40, s12, s23, $0xb8;
	[tilespmem:$0x1E400] =	vst v63  }
.LBB2_8:
0x129: {  	_ =	swait.ge [sflag:s31], $0x2000  }
0x12a: {  	s20 =	sshra.s32 s19, $0x2;
	[sflag:s31] =	ssyncset.done $0x0  }
0x12b: {  	s4 =	sadd.s32 $0x1600, s20;
	[sflag:s31] =	ssyncadd.s32 $0xFFFFE000  }
0x12c: {  	[spmem:s3] =	stream.indirect.scatter.add.f32 [tilespmem:s24], [sflag:$0x5], $0x40, s4, s23, $0xb8;
	[tilespmem:$0x1E400] =	vst v63  }
0x12d: {  	_ =	swait.ge [sflag:s13], $0x2000  }
0x12e: {  	[sflag:s13] =	ssyncset.done $0x0  }
0x12f: {  	s4 =	sadd.s32 $0x300, s20;
	[sflag:s13] =	ssyncadd.s32 $0xFFFFE000  }
0x130: {  	[tilespmem:s28], [sflag:$0x3] =	stream.indirect.gather [spmem:s2], $0x40, s4, s23, $0xb8;
	[tilespmem:$0x1E400] =	vst v63  }
0x131: {  	_ =	swait.ge [sflag:s0], $0x2000  }
0x132: {  	[sflag:s0] =	ssyncset.done $0x0  }
0x133: {  	s4 =	sadd.s32 $0x1680, s20;
	[sflag:s0] =	ssyncadd.s32 $0xFFFFE000  }
0x134: {  	[spmem:s3] =	stream.indirect.scatter.add.f32 [tilespmem:s25], [sflag:$0x6], $0x40, s4, s23, $0xb8;
	[tilespmem:$0x1E400] =	vst v63  }
0x135: {  	_ =	swait.ge [sflag:s14], $0x2000  }
0x136: {  	[sflag:s14] =	ssyncset.done $0x0  }
0x137: {  	p1 =	seq.s32 s19, $0x4000;
	s4 =	sadd.s32 $0x380, s20;
	[sflag:s14] =	ssyncadd.s32 $0xFFFFE000  }
0x138: {  	[tilespmem:s30], [sflag:$0x4] =	stream.indirect.gather [spmem:s2], $0x40, s4, s23, $0xb8;
	[tilespmem:$0x1E400] =	vst v63  }
.Ltmp6:
0x139: {  	_ = 	snop;
	(pc) =	sbr.rel @p1 .LBB2_10-.Ltmp6, $4  }
0x13a: {  	_ =	swait.ge [sflag:s6], $0x2000  }
0x13b: {  	[sflag:s6] =	ssyncset.done $0x0  }
0x13c: {  	s4 =	sadd.s32 $0x1700, s20;
	[sflag:s6] =	ssyncadd.s32 $0xFFFFE000  }
0x13d: {  	[spmem:s3] =	stream.indirect.scatter.add.f32 [tilespmem:s28], [sflag:$0x7], $0x40, s4, s23, $0xb8;
	[tilespmem:$0x1E400] =	vst v63  }
0x13e: {  	_ =	swait.ge [sflag:s8], $0x2000  }
0x13f: {  	[sflag:s8] =	ssyncset.done $0x0  }
0x140: {  	s4 =	sadd.s32 $0x400, s20;
	[sflag:s8] =	ssyncadd.s32 $0xFFFFE000  }
0x141: {  	[tilespmem:s24], [sflag:$0x1] =	stream.indirect.gather [spmem:s2], $0x40, s4, s23, $0xb8;
	[tilespmem:$0x1E400] =	vst v63  }
0x142: {  	_ =	swait.ge [sflag:s9], $0x2000  }
0x143: {  	[sflag:s9] =	ssyncset.done $0x0  }
0x144: {  	s4 =	sadd.s32 $0x1780, s20;
	[sflag:s9] =	ssyncadd.s32 $0xFFFFE000  }
0x145: {  	[spmem:s3] =	stream.indirect.scatter.add.f32 [tilespmem:s30], [sflag:$0x8], $0x40, s4, s23, $0xb8;
	[tilespmem:$0x1E400] =	vst v63  }
.Ltmp7:
0x146: {  	_ = 	snop;
	(pc) =	sbr.rel .LBB2_8-.Ltmp7, $4  }
0x147: {  	_ =	swait.ge [sflag:s11], $0x2000  }
0x148: {  	[sflag:s11] =	ssyncset.done $0x0  }
0x149: {  	s19 =	sadd.s32 $0x800, s19;
	s20 =	sadd.s32 $0x480, s20;
	[sflag:s11] =	ssyncadd.s32 $0xFFFFE000  }
0x14a: {  	[tilespmem:s25], [sflag:$0x2] =	stream.indirect.gather [spmem:s2], $0x40, s20, s23, $0xb8;
	[tilespmem:$0x1E400] =	vst v63  }
.LBB2_10:
0x14b: {  	_ =	swait.ge [sflag:s9], $0x2000  }
0x14c: {  	[sflag:s9] =	ssyncset.done $0x0  }
0x14d: {  	[sflag:s9] =	ssyncadd.s32 $0xFFFFE000  }
0x14e: {  	[spmem:s3] =	stream.indirect.scatter.add.f32 [tilespmem:s30], [sflag:$0x8], $0x40, s15, s23, $0xb8;
	[tilespmem:$0x1E400] =	vst v63  }
0x14f: {  	_ =	swait.ge [sflag:s8], $0x2000  }
0x150: {  	[sflag:s8] =	ssyncset.done $0x0  }
0x151: {  	[sflag:s8] =	ssyncadd.s32 $0xFFFFE000  }
0x152: {  	_ =	swait.ge [sflag:s11], $0x2000  }
0x153: {  	[sflag:s11] =	ssyncset.done $0x0  }
0x154: {  	[sflag:s11] =	ssyncadd.s32 $0xFFFFE000  }
0x155: {  	_ =	swait.ge [sflag:s13], $0x2000  }
0x156: {  	[sflag:s13] =	ssyncset.done $0x0  }
0x157: {  	[sflag:s13] =	ssyncadd.s32 $0xFFFFE000  }
0x158: {  	_ =	swait.ge [sflag:s14], $0x2000  }
0x159: {  	[sflag:s14] =	ssyncset.done $0x0  }
0x15a: {  	s19 =	simm.s32 $0x0;
	s4 =	rddreg [dreg:$0xe];
	[sflag:s14] =	ssyncadd.s32 $0xFFFFE000  }
0x15b: {  	[tilespmem:s19], [sflag:$0x9] =	stream.linear.gather [hbm4b:s4+s19], $0x1400, $0x38;
	[tilespmem:$0x1E400] =	vst v63  }
0x15c: {  	_ =	swait.ge [sflag:s21], $0x1400  }
0x15d: {  	[sflag:s21] =	ssyncset.done $0x0  }
0x15e: {  	s20 =	rddreg [dreg:$0xf];
	[sflag:s21] =	ssyncadd.s32 $0xFFFFEC00  }
0x15f: {  	[tilespmem:s22], [sflag:$0x9] =	stream.linear.gather [hbm4b:s20+s19], $0x1400, $0x38;
	[tilespmem:$0x1E400] =	vst v63  }
0x160: {  	_ =	swait.ge [sflag:s21], $0x1400  }
0x161: {  	[sflag:s21] =	ssyncset.done $0x0  }
0x162: {  	[sflag:s21] =	ssyncadd.s32 $0xFFFFEC00  }
0x163: {  	[tilespmem:s24], [sflag:$0x1] =	stream.indirect.gather [spmem:s2], $0x40, s19, s23, $0xb8;
	[tilespmem:$0x1E400] =	vst v63  }
0x164: {  	_ = 	snop  }
0x165: {  	[tilespmem:s25], [sflag:$0x2] =	stream.indirect.gather [spmem:s2], $0x40, s23, s23, $0xb8;
	[tilespmem:$0x1E400] =	vst v63  }
0x166: {  	_ = 	snop  }
0x167: {  	[tilespmem:s28], [sflag:$0x3] =	stream.indirect.gather [spmem:s2], $0x40, s26, s23, $0xb8;
	[tilespmem:$0x1E400] =	vst v63  }
0x168: {  	_ = 	snop  }
0x169: {  	[tilespmem:s30], [sflag:$0x4] =	stream.indirect.gather [spmem:s2], $0x40, s29, s23, $0xb8;
	[tilespmem:$0x1E400] =	vst v63  }
0x16a: {  	_ =	swait.ge [sflag:s31], $0x2000  }
0x16b: {  	[sflag:s31] =	ssyncset.done $0x0  }
0x16c: {  	[sflag:s31] =	ssyncadd.s32 $0xFFFFE000  }
0x16d: {  	[spmem:s3] =	stream.indirect.scatter.add.f32 [tilespmem:s24], [sflag:$0x5], $0x40, s22, s23, $0xb8;
	[tilespmem:$0x1E400] =	vst v63  }
0x16e: {  	_ =	swait.ge [sflag:s0], $0x2000  }
0x16f: {  	[sflag:s0] =	ssyncset.done $0x0  }
0x170: {  	[sflag:s0] =	ssyncadd.s32 $0xFFFFE000  }
0x171: {  	[spmem:s3] =	stream.indirect.scatter.add.f32 [tilespmem:s25], [sflag:$0x6], $0x40, s5, s23, $0xb8;
	[tilespmem:$0x1E400] =	vst v63  }
0x172: {  	_ =	swait.ge [sflag:s6], $0x2000  }
0x173: {  	[sflag:s6] =	ssyncset.done $0x0  }
0x174: {  	[sflag:s6] =	ssyncadd.s32 $0xFFFFE000  }
0x175: {  	[spmem:s3] =	stream.indirect.scatter.add.f32 [tilespmem:s28], [sflag:$0x7], $0x40, s7, s23, $0xb8;
	[tilespmem:$0x1E400] =	vst v63  }
0x176: {  	_ =	swait.ge [sflag:s8], $0x2000  }
0x177: {  	[sflag:s8] =	ssyncset.done $0x0  }
0x178: {  	[sflag:s8] =	ssyncadd.s32 $0xFFFFE000  }
0x179: {  	[tilespmem:s24], [sflag:$0x1] =	stream.indirect.gather [spmem:s2], $0x40, s1, s23, $0xb8;
	[tilespmem:$0x1E400] =	vst v63  }
0x17a: {  	_ =	swait.ge [sflag:s9], $0x2000  }
0x17b: {  	[sflag:s9] =	ssyncset.done $0x0  }
0x17c: {  	[sflag:s9] =	ssyncadd.s32 $0xFFFFE000  }
0x17d: {  	[spmem:s3] =	stream.indirect.scatter.add.f32 [tilespmem:s30], [sflag:$0x8], $0x40, s10, s23, $0xb8;
	[tilespmem:$0x1E400] =	vst v63  }
0x17e: {  	_ =	swait.ge [sflag:s11], $0x2000  }
0x17f: {  	[sflag:s11] =	ssyncset.done $0x0  }
0x180: {  	[sflag:s11] =	ssyncadd.s32 $0xFFFFE000  }
0x181: {  	[tilespmem:s25], [sflag:$0x2] =	stream.indirect.gather [spmem:s2], $0x40, s12, s23, $0xb8;
	[tilespmem:$0x1E400] =	vst v63  }
.LBB2_11:
0x182: {  	_ =	swait.ge [sflag:s31], $0x2000  }
0x183: {  	s20 =	sshra.s32 s19, $0x2;
	[sflag:s31] =	ssyncset.done $0x0  }
0x184: {  	s4 =	sadd.s32 $0x1600, s20;
	[sflag:s31] =	ssyncadd.s32 $0xFFFFE000  }
0x185: {  	[spmem:s3] =	stream.indirect.scatter.add.f32 [tilespmem:s24], [sflag:$0x5], $0x40, s4, s23, $0xb8;
	[tilespmem:$0x1E400] =	vst v63  }
0x186: {  	_ =	swait.ge [sflag:s13], $0x2000  }
0x187: {  	[sflag:s13] =	ssyncset.done $0x0  }
0x188: {  	s26 =	sadd.s32 $0x300, s20;
	[sflag:s13] =	ssyncadd.s32 $0xFFFFE000  }
0x189: {  	[tilespmem:s28], [sflag:$0x3] =	stream.indirect.gather [spmem:s2], $0x40, s26, s23, $0xb8;
	[tilespmem:$0x1E400] =	vst v63  }
0x18a: {  	_ =	swait.ge [sflag:s0], $0x2000  }
0x18b: {  	[sflag:s0] =	ssyncset.done $0x0  }
0x18c: {  	s29 =	sadd.s32 $0x1680, s20;
	[sflag:s0] =	ssyncadd.s32 $0xFFFFE000  }
0x18d: {  	[spmem:s3] =	stream.indirect.scatter.add.f32 [tilespmem:s25], [sflag:$0x6], $0x40, s29, s23, $0xb8;
	[tilespmem:$0x1E400] =	vst v63  }
0x18e: {  	_ =	swait.ge [sflag:s14], $0x2000  }
0x18f: {  	[sflag:s14] =	ssyncset.done $0x0  }
0x190: {  	p1 =	seq.s32 s19, $0x4000;
	s26 =	sadd.s32 $0x380, s20;
	[sflag:s14] =	ssyncadd.s32 $0xFFFFE000  }
0x191: {  	[tilespmem:s30], [sflag:$0x4] =	stream.indirect.gather [spmem:s2], $0x40, s26, s23, $0xb8;
	[tilespmem:$0x1E400] =	vst v63  }
.Ltmp8:
0x192: {  	_ = 	snop;
	(pc) =	sbr.rel @p1 .LBB2_13-.Ltmp8, $4  }
0x193: {  	_ =	swait.ge [sflag:s6], $0x2000  }
0x194: {  	[sflag:s6] =	ssyncset.done $0x0  }
0x195: {  	s29 =	sadd.s32 $0x1700, s20;
	[sflag:s6] =	ssyncadd.s32 $0xFFFFE000  }
0x196: {  	[spmem:s3] =	stream.indirect.scatter.add.f32 [tilespmem:s28], [sflag:$0x7], $0x40, s29, s23, $0xb8;
	[tilespmem:$0x1E400] =	vst v63  }
0x197: {  	_ =	swait.ge [sflag:s8], $0x2000  }
0x198: {  	[sflag:s8] =	ssyncset.done $0x0  }
0x199: {  	s4 =	sadd.s32 $0x400, s20;
	[sflag:s8] =	ssyncadd.s32 $0xFFFFE000  }
0x19a: {  	[tilespmem:s24], [sflag:$0x1] =	stream.indirect.gather [spmem:s2], $0x40, s4, s23, $0xb8;
	[tilespmem:$0x1E400] =	vst v63  }
0x19b: {  	_ =	swait.ge [sflag:s9], $0x2000  }
0x19c: {  	[sflag:s9] =	ssyncset.done $0x0  }
0x19d: {  	s26 =	sadd.s32 $0x1780, s20;
	[sflag:s9] =	ssyncadd.s32 $0xFFFFE000  }
0x19e: {  	[spmem:s3] =	stream.indirect.scatter.add.f32 [tilespmem:s30], [sflag:$0x8], $0x40, s26, s23, $0xb8;
	[tilespmem:$0x1E400] =	vst v63  }
.Ltmp9:
0x19f: {  	_ = 	snop;
	(pc) =	sbr.rel .LBB2_11-.Ltmp9, $4  }
0x1a0: {  	_ =	swait.ge [sflag:s11], $0x2000  }
0x1a1: {  	[sflag:s11] =	ssyncset.done $0x0  }
0x1a2: {  	s29 =	sadd.s32 $0x480, s20;
	s19 =	sadd.s32 $0x800, s19;
	[sflag:s11] =	ssyncadd.s32 $0xFFFFE000  }
0x1a3: {  	[tilespmem:s25], [sflag:$0x2] =	stream.indirect.gather [spmem:s2], $0x40, s29, s23, $0xb8;
	[tilespmem:$0x1E400] =	vst v63  }
.LBB2_14:
0x1a4: {  	_ =	sfence.sel $0x180000  }
0x1a5: {  	[bflag:$0x0] =	sbarrier.arrive $0xFFFF  }
0x1a6: {  	_ =	strace $0x9000004A  }
0x1a7: {  	s0 =	stileid.u32;
	[bflag:$0x2] =	sbarrier.arrive $0xFFFF  }
0x1a8: {  	p0 =	sne.s32 s0, $0x0;
	s0 =	rddreg [dreg:$0x3]  }
0x1a9: {  	s0 =	sadd.s32 @!p0 $0x100000, s0  }
0x1aa: {  	[sflag:s0] =	ssyncadd.tile.s32 @!p0 $0x1;
	_ =	shalt  }
.Lfunc_end2:
_tile_overlayer_lowered:
.L_overlay_start_2:
0x1ab: {  	(tag) =	ssettag $0x2  }
0x1ac: {  	s0 =	rddreg [dreg:$0x0];
	s2 =	stileid.u32  }
0x1ad: {  	s1 =	rddreg [dreg:$0x1];
	p0 =	sne.s32 s2, $0x0  }
0x1ae: {  	s3 =	rddreg [dreg:$0x2];
	[bflag:$0x3] =	sbarrier.arrive $0xFFFF;
	s2 =	simm.s32 @!p0 $0x1C09  }
0x1af: {  	[timem:s3], [sflag:s2] =	dma.local @!p0 [hbm:s0], s1  }
0x1b0: {  	s0 =	simm.s32 @!p0 $0x9  }
0x1b1: {  	_ =	swait.ge @!p0 [sflag:s0], s1  }
0x1b2: {  	s1 =	ssub.s32 @!p0 $0x0, s1;
	[sflag:s0] =	ssyncset.done @!p0 $0x0  }
0x1b3: {  	[sflag:s0] =	ssyncadd.s32 @!p0 s1  }
0x1b4: {  	[bflag:$0x3] =	sbarrier.arrive $0xFFFF  }
0x1b5: {  	_ =	shalt  }

</sc_bundles>
